<compile_context>
chip_gen: v7x
topology: tpu7x:2x2x1
jax: 0.10.2.dev20260603
libtpu: 0.0.44.dev20260713+nightly
codegen_flags: <defaults>
</compile_context>

<pallas_src>
import functools

import jax
import jax.numpy as jnp
from jax import lax
from jax.experimental import pallas as pl
from jax.experimental.pallas import tpu as pltpu
from jax.experimental.pallas import tpu_sc as plsc

DIM = 128
QDIM = 32
E = 160000
N_NODES = 10000
N_TILES = 16
EP = E // N_TILES
B = 80
NCH = EP // B
ZR = 125


def _sc_kernel_body(dst_hbm, src_hbm, vec_hbm, pv1_hbm, pv2_hbm, ev_hbm,
                    out_hbm,
                    idx0, idx1, vb0, vb1, p10, p11, p20, p21, ev0b, ev1b,
                    zbuf, agg,
                    s_idx0, s_idx1, s_vec0, s_vec1, s_p10, s_p11,
                    s_p20, s_p21, s_ev0, s_ev1):
    c = lax.axis_index("c")
    s = lax.axis_index("s")
    base = s * EP
    rows_per_tile = N_NODES // N_TILES

    idxb = (idx0, idx1)
    vb = (vb0, vb1)
    p1b = (p10, p11)
    p2b = (p20, p21)
    evb = (ev0b, ev1b)
    sem_idx = (s_idx0, s_idx1)
    sem_vec = (s_vec0, s_vec1)
    sem_p1 = (s_p10, s_p11)
    sem_p2 = (s_p20, s_p21)
    sem_ev = (s_ev0, s_ev1)

    def zfill(r, carry):
        zero = jnp.zeros((16,), jnp.float32)
        for k in range(3):
            for h in range(QDIM // 16):
                zbuf[r, k, pl.ds(h * 16, 16)] = zero
        return carry

    lax.fori_loop(0, ZR, zfill, 0)

    for p in range(2):
        d0 = c * (2 * QDIM) + p * QDIM

        for j in range(rows_per_tile // ZR):
            pltpu.sync_copy(
                zbuf, agg.at[pl.ds(s * rows_per_tile + j * ZR, ZR)])
        plsc.subcore_barrier()

        def p2_descs(cidx, bi):
            e0 = base + cidx * B
            return (
                (dst_hbm.at[pl.ds(e0, B)], idxb[bi], sem_idx[bi]),
                (vec_hbm.at[pl.ds(e0, B), :, pl.ds(d0, QDIM)], vb[bi],
                 sem_vec[bi]),
                (pv1_hbm.at[pl.ds(e0, B), pl.ds(d0, QDIM)], p1b[bi],
                 sem_p1[bi]),
                (pv2_hbm.at[pl.ds(e0, B), pl.ds(d0, QDIM)], p2b[bi],
                 sem_p2[bi]),
                (ev_hbm.at[pl.ds(e0, B)], evb[bi], sem_ev[bi]),
            )

        def p2_start(cidx, bi):
            for src, dstb, sem in p2_descs(cidx, bi):
                pltpu.async_copy(src, dstb, sem)

        def p2_wait(cidx, bi):
            for src, dstb, sem in p2_descs(cidx, bi):
                pltpu.make_async_copy(src, dstb, sem).wait()

        def p2_process(bi):
            vbuf, p1buf, p2buf, evbuf = vb[bi], p1b[bi], p2b[bi], evb[bi]

            def edge_body(j, ecarry):
                evrow = evbuf[j, :]
                e0v = evrow[0]
                e1v = evrow[1]
                e2v = evrow[2]
                for h in range(QDIM // 16):
                    sl = pl.ds(h * 16, 16)
                    q1 = p1buf[j, sl]
                    q2 = p2buf[j, sl]
                    for k, evk in ((0, e0v), (1, e1v), (2, e2v)):
                        vbuf[j, k, sl] = vbuf[j, k, sl] * q1 + q2 * evk
                return ecarry

            lax.fori_loop(0, B, edge_body, 0, unroll=2)
            pltpu.sync_copy(vbuf, agg.at[idxb[bi]], add=True)

        p2_start(0, 0)

        def pair(i2, carry):
            c0 = 2 * i2
            p2_start(c0 + 1, 1)
            p2_wait(c0, 0)
            p2_process(0)
            p2_start(c0 + 2, 0)
            p2_wait(c0 + 1, 1)
            p2_process(1)
            return carry

        lax.fori_loop(0, (NCH - 1) // 2, pair, 0)
        p2_wait(NCH - 1, 0)
        p2_process(0)
        plsc.subcore_barrier()

        def p3_idx_start(cidx, bi):
            e0 = base + cidx * B
            pltpu.async_copy(src_hbm.at[pl.ds(e0, B)], idxb[bi], sem_idx[bi])

        def p3_idx_wait(cidx, bi):
            e0 = base + cidx * B
            pltpu.make_async_copy(
                src_hbm.at[pl.ds(e0, B)], idxb[bi], sem_idx[bi]).wait()

        def p3_out_desc(cidx, bi):
            e0 = base + cidx * B
            return pltpu.make_async_copy(
                vb[bi], out_hbm.at[pl.ds(e0, B), :, pl.ds(d0, QDIM)],
                sem_vec[bi])

        def p3_process(cidx, bi, wait_prev):
            if wait_prev:
                p3_out_desc(cidx - 2, bi).wait()
            pltpu.sync_copy(agg.at[idxb[bi]], vb[bi])
            p3_out_desc(cidx, bi).start()

        p3_idx_start(0, 0)
        p3_idx_start(1, 1)
        p3_idx_wait(0, 0)
        pltpu.sync_copy(agg.at[idxb[0]], vb[0])
        p3_out_desc(0, 0).start()
        p3_idx_start(2, 0)
        p3_idx_wait(1, 1)
        pltpu.sync_copy(agg.at[idxb[1]], vb[1])
        p3_out_desc(1, 1).start()

        def pair3(i2, carry):
            c0 = 2 * i2 + 2
            p3_idx_start(c0 + 1, 1)
            p3_idx_wait(c0, 0)
            p3_process(c0, 0, True)
            p3_idx_start(c0 + 2, 0)
            p3_idx_wait(c0 + 1, 1)
            p3_process(c0 + 1, 1, True)
            return carry

        lax.fori_loop(0, (NCH - 3) // 2, pair3, 0)
        p3_idx_wait(NCH - 1, 0)
        p3_process(NCH - 1, 0, True)
        p3_out_desc(NCH - 2, 1).wait()
        p3_out_desc(NCH - 1, 0).wait()
        plsc.subcore_barrier()


@jax.jit
def _mpnn_sc(dst, src, vec, pv1, pv2, ev16):
    mesh = plsc.VectorSubcoreMesh(core_axis_name="c", subcore_axis_name="s")
    run = functools.partial(
        pl.kernel,
        mesh=mesh,
        compiler_params=pltpu.CompilerParams(use_tc_tiling_on_sc=False),
        out_type=jax.ShapeDtypeStruct((E, 3, DIM), jnp.float32),
        scratch_types=[
            pltpu.VMEM((B,), jnp.int32),
            pltpu.VMEM((B,), jnp.int32),
            pltpu.VMEM((B, 3, QDIM), jnp.float32),
            pltpu.VMEM((B, 3, QDIM), jnp.float32),
            pltpu.VMEM((B, QDIM), jnp.float32),
            pltpu.VMEM((B, QDIM), jnp.float32),
            pltpu.VMEM((B, QDIM), jnp.float32),
            pltpu.VMEM((B, QDIM), jnp.float32),
            pltpu.VMEM((B, 16), jnp.float32),
            pltpu.VMEM((B, 16), jnp.float32),
            pltpu.VMEM((ZR, 3, QDIM), jnp.float32),
            pltpu.VMEM_SHARED((N_NODES, 3, QDIM), jnp.float32),
            pltpu.SemaphoreType.DMA,
            pltpu.SemaphoreType.DMA,
            pltpu.SemaphoreType.DMA,
            pltpu.SemaphoreType.DMA,
            pltpu.SemaphoreType.DMA,
            pltpu.SemaphoreType.DMA,
            pltpu.SemaphoreType.DMA,
            pltpu.SemaphoreType.DMA,
            pltpu.SemaphoreType.DMA,
            pltpu.SemaphoreType.DMA,
        ],
    )(_sc_kernel_body)
    return run(dst, src, vec, pv1, pv2, ev16)


def kernel(edge_index, vec, pos_vec1_list, pos_vec2_list, edge_vec):
    dst = edge_index[:, 1]
    src = edge_index[:, 0]
    pv1 = pos_vec1_list.reshape(E, DIM)
    pv2 = pos_vec2_list.reshape(E, DIM)
    ev16 = jnp.pad(edge_vec.reshape(E, 3), ((0, 0), (0, 13)))
    out = _mpnn_sc(dst, src, vec, pv1, pv2, ev16)
    return out.reshape(1, E, 3, DIM)

# --- scband reference (transcript-rebuilt; emitter-appended) ---
"""Pipeline reference for scband-mpnn-25761213841966 (READ-ONLY COPY).

The authoritative reference and input builder live on the scoring server;
editing this copy changes nothing except your own understanding.
"""

import jax, jax.numpy as jnp
import numpy as np

DIM_IN = 128
N_V = 1
N_NODES = 10000
E = 160000


def setup_inputs(seed: int = 0) -> dict:
    key = jax.random.key(seed)
    k1, k2, k3, k4, k5 = jax.random.split(key, 5)
    edge_index = jax.random.randint(k1, (E, 2), 0, N_NODES, dtype=jnp.int32)
    vec = jax.random.normal(k2, (E, 3, DIM_IN), dtype=jnp.float32)
    pos_vec1_list = jax.random.normal(k3, (N_V, E, DIM_IN), dtype=jnp.float32)
    pos_vec2_list = jax.random.normal(k4, (N_V, E, DIM_IN), dtype=jnp.float32)
    edge_vec = jax.random.normal(k5, (E, 1, 3), dtype=jnp.float32)
    return {
        'edge_index': edge_index,
        'vec': vec,
        'pos_vec1_list': pos_vec1_list,
        'pos_vec2_list': pos_vec2_list,
        'edge_vec': edge_vec,
    }


def _message(vec, pos_vec1, pos_vec2, edge_vec):
    # torch: vec * pos_vec1.unsqueeze(1) + pos_vec2.unsqueeze(1) * edge_vec.unsqueeze(3).squeeze(1)
    ev = jnp.squeeze(edge_vec[:, :, :, None], axis=1)  # [E,1,3] -> [E,1,3,1] -> [E,3,1]
    return vec * pos_vec1[:, None, :] + pos_vec2[:, None, :] * ev  # [E,3,dim_in]


def reference(edge_index, vec, pos_vec1_list, pos_vec2_list, edge_vec):
    # propagate(edge_index, vec, pos_vec1_list, pos_vec2_list, edge_vec, last_layer=False)
    ei = jnp.squeeze(edge_index).T  # [E,2] -> [2,E]
    nnode = vec.shape[0]
    aggs = []
    for idx in range(N_V):
        pv1 = jnp.squeeze(pos_vec1_list[idx])  # [E, dim_in]
        pv2 = jnp.squeeze(pos_vec2_list[idx])  # [E, dim_in]
        msg = _message(vec, pv1, pv2, edge_vec)
        msg = msg.reshape(-1, 3 * DIM_IN)  # [E, 3*dim_in]
        # aggregate: scatter-add over dst index, dim_size = nnode (= vec.shape[0])
        agg = jax.ops.segment_sum(msg, ei[1], num_segments=nnode)
        # last_layer=False -> __collect__ lifts back to edges via source index (j=0)
        agg = jnp.take(agg, ei[0], axis=0)
        aggs.append(agg.reshape(-1, 3, DIM_IN))
    return jnp.stack(aggs)  # [n_v, E, 3, dim_in]

if __name__ == "__main__":
    import jax
    _d = setup_inputs()
    print(jax.jit(kernel)(*tuple(_d.values())))

</pallas_src>

<mosaic_0001>
#map = affine_map<(d0, d1) -> (0)>
#map1 = affine_map<(d0, d1) -> (0, 0, 0)>
#map2 = affine_map<(d0, d1) -> (0, 0)>
module attributes {stable_mosaic.version = 14 : i64} {
  func.func @_sc_kernel_body(%arg0: i32, %arg1: i32, %arg2: memref<160000xi32, #tpu.memory_space<hbm>>, %arg3: memref<160000xi32, #tpu.memory_space<hbm>>, %arg4: memref<160000x3x128xf32, #tpu.memory_space<hbm>>, %arg5: memref<160000x128xf32, #tpu.memory_space<hbm>>, %arg6: memref<160000x128xf32, #tpu.memory_space<hbm>>, %arg7: memref<160000x16xf32, #tpu.memory_space<hbm>>, %arg8: memref<160000x3x128xf32, #tpu.memory_space<hbm>>, %arg9: memref<80xi32, #tpu.memory_space<vmem>>, %arg10: memref<80xi32, #tpu.memory_space<vmem>>, %arg11: memref<80x3x32xf32, #tpu.memory_space<vmem>>, %arg12: memref<80x3x32xf32, #tpu.memory_space<vmem>>, %arg13: memref<80x32xf32, #tpu.memory_space<vmem>>, %arg14: memref<80x32xf32, #tpu.memory_space<vmem>>, %arg15: memref<80x32xf32, #tpu.memory_space<vmem>>, %arg16: memref<80x32xf32, #tpu.memory_space<vmem>>, %arg17: memref<80x16xf32, #tpu.memory_space<vmem>>, %arg18: memref<80x16xf32, #tpu.memory_space<vmem>>, %arg19: memref<125x3x32xf32, #tpu.memory_space<vmem>>, %arg20: memref<10000x3x32xf32, #tpu.memory_space<vmem_shared>>, %arg21: memref<!tpu.dma_semaphore, #tpu.memory_space<semaphore_mem>>, %arg22: memref<!tpu.dma_semaphore, #tpu.memory_space<semaphore_mem>>, %arg23: memref<!tpu.dma_semaphore, #tpu.memory_space<semaphore_mem>>, %arg24: memref<!tpu.dma_semaphore, #tpu.memory_space<semaphore_mem>>, %arg25: memref<!tpu.dma_semaphore, #tpu.memory_space<semaphore_mem>>, %arg26: memref<!tpu.dma_semaphore, #tpu.memory_space<semaphore_mem>>, %arg27: memref<!tpu.dma_semaphore, #tpu.memory_space<semaphore_mem>>, %arg28: memref<!tpu.dma_semaphore, #tpu.memory_space<semaphore_mem>>, %arg29: memref<!tpu.dma_semaphore, #tpu.memory_space<semaphore_mem>>, %arg30: memref<!tpu.dma_semaphore, #tpu.memory_space<semaphore_mem>>) attributes {dimension_semantics = [#tpu.dimension_semantics<core_parallel>, #tpu.dimension_semantics<subcore_parallel>], iteration_bounds = array<i64: 2, 16>, scalar_prefetch = 0 : i64, scratch_operands = 22 : i64, tpu.core_type = #tpu.core_type<sc_vector_subcore>, window_params = [{transform_indices = #map}, {transform_indices = #map}, {transform_indices = #map1}, {transform_indices = #map2}, {transform_indices = #map2}, {transform_indices = #map2}, {transform_indices = #map1}]} {
    %mul3A = arith.constant 10000 : i32
    %mul3A_0 = arith.muli %arg1, %mul3A : i32
    %scan3A = arith.constant 0 : i32
    %scan3A_1 = arith.constant 0 : i32
    %scan3A_2 = arith.constant 125 : i32
    %scan3A_3 = arith.addi %scan3A_1, %scan3A_2 : i32
    %scan3A_4 = arith.constant 1 : i32
    scf.for %scan3A_276 = %scan3A_1 to %scan3A_3 step %scan3A_4  : i32 {
      %broadcast_in_dim3A = arith.constant 0.000000e+00 : f32
      %broadcast_in_dim3A_277 = vector.broadcast %broadcast_in_dim3A : f32 to vector<16xf32>
      %swap3A = arith.constant 0 : i32
      %swap3A_278 = arith.index_cast %scan3A_276 : i32 to index
      %swap3A_279 = arith.index_cast %swap3A : i32 to index
      %swap3A_280 = arith.constant 0 : index
      %swap3A_281 = tpu.vector_load %arg19[%swap3A_278, %swap3A_279, %swap3A_280] {strides = array<i32>} : memref<125x3x32xf32, #tpu.memory_space<vmem>>, vector<1x1x16xf32>,
      %swap3A_282 = vector.shape_cast %swap3A_281 : vector<1x1x16xf32> to vector<16xf32>
      %swap3A_283 = vector.shape_cast %broadcast_in_dim3A_277 : vector<16xf32> to vector<1x1x16xf32>
      tpu.vector_store %arg19[%swap3A_278, %swap3A_279, %swap3A_280], %swap3A_283 {strides = array<i32>} : memref<125x3x32xf32, #tpu.memory_space<vmem>>, vector<1x1x16xf32>,
      %swap3A_284 = arith.constant 0 : i32
      %swap3A_285 = arith.index_cast %scan3A_276 : i32 to index
      %swap3A_286 = arith.index_cast %swap3A_284 : i32 to index
      %swap3A_287 = arith.constant 16 : index
      %swap3A_288 = tpu.vector_load %arg19[%swap3A_285, %swap3A_286, %swap3A_287] {strides = array<i32>} : memref<125x3x32xf32, #tpu.memory_space<vmem>>, vector<1x1x16xf32>,
      %swap3A_289 = vector.shape_cast %swap3A_288 : vector<1x1x16xf32> to vector<16xf32>
      %swap3A_290 = vector.shape_cast %broadcast_in_dim3A_277 : vector<16xf32> to vector<1x1x16xf32>
      tpu.vector_store %arg19[%swap3A_285, %swap3A_286, %swap3A_287], %swap3A_290 {strides = array<i32>} : memref<125x3x32xf32, #tpu.memory_space<vmem>>, vector<1x1x16xf32>,
      %swap3A_291 = arith.constant 1 : i32
      %swap3A_292 = arith.index_cast %scan3A_276 : i32 to index
      %swap3A_293 = arith.index_cast %swap3A_291 : i32 to index
      %swap3A_294 = arith.constant 0 : index
      %swap3A_295 = tpu.vector_load %arg19[%swap3A_292, %swap3A_293, %swap3A_294] {strides = array<i32>} : memref<125x3x32xf32, #tpu.memory_space<vmem>>, vector<1x1x16xf32>,
      %swap3A_296 = vector.shape_cast %swap3A_295 : vector<1x1x16xf32> to vector<16xf32>
      %swap3A_297 = vector.shape_cast %broadcast_in_dim3A_277 : vector<16xf32> to vector<1x1x16xf32>
      tpu.vector_store %arg19[%swap3A_292, %swap3A_293, %swap3A_294], %swap3A_297 {strides = array<i32>} : memref<125x3x32xf32, #tpu.memory_space<vmem>>, vector<1x1x16xf32>,
      %swap3A_298 = arith.constant 1 : i32
      %swap3A_299 = arith.index_cast %scan3A_276 : i32 to index
      %swap3A_300 = arith.index_cast %swap3A_298 : i32 to index
      %swap3A_301 = arith.constant 16 : index
      %swap3A_302 = tpu.vector_load %arg19[%swap3A_299, %swap3A_300, %swap3A_301] {strides = array<i32>} : memref<125x3x32xf32, #tpu.memory_space<vmem>>, vector<1x1x16xf32>,
      %swap3A_303 = vector.shape_cast %swap3A_302 : vector<1x1x16xf32> to vector<16xf32>
      %swap3A_304 = vector.shape_cast %broadcast_in_dim3A_277 : vector<16xf32> to vector<1x1x16xf32>
      tpu.vector_store %arg19[%swap3A_299, %swap3A_300, %swap3A_301], %swap3A_304 {strides = array<i32>} : memref<125x3x32xf32, #tpu.memory_space<vmem>>, vector<1x1x16xf32>,
      %swap3A_305 = arith.constant 2 : i32
      %swap3A_306 = arith.index_cast %scan3A_276 : i32 to index
      %swap3A_307 = arith.index_cast %swap3A_305 : i32 to index
      %swap3A_308 = arith.constant 0 : index
      %swap3A_309 = tpu.vector_load %arg19[%swap3A_306, %swap3A_307, %swap3A_308] {strides = array<i32>} : memref<125x3x32xf32, #tpu.memory_space<vmem>>, vector<1x1x16xf32>,
      %swap3A_310 = vector.shape_cast %swap3A_309 : vector<1x1x16xf32> to vector<16xf32>
      %swap3A_311 = vector.shape_cast %broadcast_in_dim3A_277 : vector<16xf32> to vector<1x1x16xf32>
      tpu.vector_store %arg19[%swap3A_306, %swap3A_307, %swap3A_308], %swap3A_311 {strides = array<i32>} : memref<125x3x32xf32, #tpu.memory_space<vmem>>, vector<1x1x16xf32>,
      %swap3A_312 = arith.constant 2 : i32
      %swap3A_313 = arith.index_cast %scan3A_276 : i32 to index
      %swap3A_314 = arith.index_cast %swap3A_312 : i32 to index
      %swap3A_315 = arith.constant 16 : index
      %swap3A_316 = tpu.vector_load %arg19[%swap3A_313, %swap3A_314, %swap3A_315] {strides = array<i32>} : memref<125x3x32xf32, #tpu.memory_space<vmem>>, vector<1x1x16xf32>,
      %swap3A_317 = vector.shape_cast %swap3A_316 : vector<1x1x16xf32> to vector<16xf32>
      %swap3A_318 = vector.shape_cast %broadcast_in_dim3A_277 : vector<16xf32> to vector<1x1x16xf32>
      tpu.vector_store %arg19[%swap3A_313, %swap3A_314, %swap3A_315], %swap3A_318 {strides = array<i32>} : memref<125x3x32xf32, #tpu.memory_space<vmem>>, vector<1x1x16xf32>,
    }
    %scan3A_5 = arith.constant 125 : i32
    %mul3A_6 = arith.constant 64 : i32
    %mul3A_7 = arith.muli %arg0, %mul3A_6 : i32
    %add3A = arith.constant 0 : i32
    %add3A_8 = arith.addi %mul3A_7, %add3A : i32
    %mul3A_9 = arith.constant 625 : i32
    %mul3A_10 = arith.muli %arg1, %mul3A_9 : i32
    %add3A_11 = arith.constant 0 : i32
    %add3A_12 = arith.addi %mul3A_10, %add3A_11 : i32
    "tpu.region"() ({
      %run_scoped3A = tpu.sem_alloc : memref<!tpu.dma_semaphore, #tpu.memory_space<semaphore_mem>>
      %dma_start3A_276 = arith.constant 0 : i32
      %dma_start3A_277 = arith.constant 0 : i32
      %dma_start3A_278 = tpu.memref_slice %arg20[%add3A_12, %dma_start3A_276, %dma_start3A_277] : memref<10000x3x32xf32, #tpu.memory_space<vmem_shared>> -> memref<125x3x32xf32, #tpu.memory_space<vmem_shared>>
      %dma_start3A_279 = arith.constant 0 : i32
      %dma_start3A_280 = arith.constant 0 : i32
      %dma_start3A_281 = tpu.memref_slice %arg20[%add3A_12, %dma_start3A_279, %dma_start3A_280] : memref<10000x3x32xf32, #tpu.memory_space<vmem_shared>> -> memref<125x3x32xf32, #tpu.memory_space<vmem_shared>>
      tpu.enqueue_dma source(%arg19 : memref<125x3x32xf32, #tpu.memory_space<vmem>>) target(%dma_start3A_281 : memref<125x3x32xf32, #tpu.memory_space<vmem_shared>>) target_semaphore(%run_scoped3A : memref<!tpu.dma_semaphore, #tpu.memory_space<semaphore_mem>>)
      %dma_wait3A_282 = arith.constant 0 : i32
      %dma_wait3A_283 = arith.constant 0 : i32
      %dma_wait3A_284 = tpu.memref_slice %arg20[%add3A_12, %dma_wait3A_282, %dma_wait3A_283] : memref<10000x3x32xf32, #tpu.memory_space<vmem_shared>> -> memref<125x3x32xf32, #tpu.memory_space<vmem_shared>>
      %dma_wait3A_285 = arith.constant 0 : i32
      %dma_wait3A_286 = arith.constant 0 : i32
      %dma_wait3A_287 = tpu.memref_slice %arg20[%add3A_12, %dma_wait3A_285, %dma_wait3A_286] : memref<10000x3x32xf32, #tpu.memory_space<vmem_shared>> -> memref<125x3x32xf32, #tpu.memory_space<vmem_shared>>
      tpu.wait_dma2 semaphore(%run_scoped3A : memref<!tpu.dma_semaphore, #tpu.memory_space<semaphore_mem>>) src(%arg19 : memref<125x3x32xf32, #tpu.memory_space<vmem>>) dst(%dma_wait3A_287 : memref<125x3x32xf32, #tpu.memory_space<vmem_shared>>)
      tpu.yield
    }) : () -> ()
    %mul3A_13 = arith.constant 625 : i32
    %mul3A_14 = arith.muli %arg1, %mul3A_13 : i32
    %add3A_15 = arith.constant 125 : i32
    %add3A_16 = arith.addi %mul3A_14, %add3A_15 : i32
    "tpu.region"() ({
      %run_scoped3A = tpu.sem_alloc : memref<!tpu.dma_semaphore, #tpu.memory_space<semaphore_mem>>
      %dma_start3A_276 = arith.constant 0 : i32
      %dma_start3A_277 = arith.constant 0 : i32
      %dma_start3A_278 = tpu.memref_slice %arg20[%add3A_16, %dma_start3A_276, %dma_start3A_277] : memref<10000x3x32xf32, #tpu.memory_space<vmem_shared>> -> memref<125x3x32xf32, #tpu.memory_space<vmem_shared>>
      %dma_start3A_279 = arith.constant 0 : i32
      %dma_start3A_280 = arith.constant 0 : i32
      %dma_start3A_281 = tpu.memref_slice %arg20[%add3A_16, %dma_start3A_279, %dma_start3A_280] : memref<10000x3x32xf32, #tpu.memory_space<vmem_shared>> -> memref<125x3x32xf32, #tpu.memory_space<vmem_shared>>
      tpu.enqueue_dma source(%arg19 : memref<125x3x32xf32, #tpu.memory_space<vmem>>) target(%dma_start3A_281 : memref<125x3x32xf32, #tpu.memory_space<vmem_shared>>) target_semaphore(%run_scoped3A : memref<!tpu.dma_semaphore, #tpu.memory_space<semaphore_mem>>)
      %dma_wait3A_282 = arith.constant 0 : i32
      %dma_wait3A_283 = arith.constant 0 : i32
      %dma_wait3A_284 = tpu.memref_slice %arg20[%add3A_16, %dma_wait3A_282, %dma_wait3A_283] : memref<10000x3x32xf32, #tpu.memory_space<vmem_shared>> -> memref<125x3x32xf32, #tpu.memory_space<vmem_shared>>
      %dma_wait3A_285 = arith.constant 0 : i32
      %dma_wait3A_286 = arith.constant 0 : i32
      %dma_wait3A_287 = tpu.memref_slice %arg20[%add3A_16, %dma_wait3A_285, %dma_wait3A_286] : memref<10000x3x32xf32, #tpu.memory_space<vmem_shared>> -> memref<125x3x32xf32, #tpu.memory_space<vmem_shared>>
      tpu.wait_dma2 semaphore(%run_scoped3A : memref<!tpu.dma_semaphore, #tpu.memory_space<semaphore_mem>>) src(%arg19 : memref<125x3x32xf32, #tpu.memory_space<vmem>>) dst(%dma_wait3A_287 : memref<125x3x32xf32, #tpu.memory_space<vmem_shared>>)
      tpu.yield
    }) : () -> ()
    %mul3A_17 = arith.constant 625 : i32
    %mul3A_18 = arith.muli %arg1, %mul3A_17 : i32
    %add3A_19 = arith.constant 250 : i32
    %add3A_20 = arith.addi %mul3A_18, %add3A_19 : i32
    "tpu.region"() ({
      %run_scoped3A = tpu.sem_alloc : memref<!tpu.dma_semaphore, #tpu.memory_space<semaphore_mem>>
      %dma_start3A_276 = arith.constant 0 : i32
      %dma_start3A_277 = arith.constant 0 : i32
      %dma_start3A_278 = tpu.memref_slice %arg20[%add3A_20, %dma_start3A_276, %dma_start3A_277] : memref<10000x3x32xf32, #tpu.memory_space<vmem_shared>> -> memref<125x3x32xf32, #tpu.memory_space<vmem_shared>>
      %dma_start3A_279 = arith.constant 0 : i32
      %dma_start3A_280 = arith.constant 0 : i32
      %dma_start3A_281 = tpu.memref_slice %arg20[%add3A_20, %dma_start3A_279, %dma_start3A_280] : memref<10000x3x32xf32, #tpu.memory_space<vmem_shared>> -> memref<125x3x32xf32, #tpu.memory_space<vmem_shared>>
      tpu.enqueue_dma source(%arg19 : memref<125x3x32xf32, #tpu.memory_space<vmem>>) target(%dma_start3A_281 : memref<125x3x32xf32, #tpu.memory_space<vmem_shared>>) target_semaphore(%run_scoped3A : memref<!tpu.dma_semaphore, #tpu.memory_space<semaphore_mem>>)
      %dma_wait3A_282 = arith.constant 0 : i32
      %dma_wait3A_283 = arith.constant 0 : i32
      %dma_wait3A_284 = tpu.memref_slice %arg20[%add3A_20, %dma_wait3A_282, %dma_wait3A_283] : memref<10000x3x32xf32, #tpu.memory_space<vmem_shared>> -> memref<125x3x32xf32, #tpu.memory_space<vmem_shared>>
      %dma_wait3A_285 = arith.constant 0 : i32
      %dma_wait3A_286 = arith.constant 0 : i32
      %dma_wait3A_287 = tpu.memref_slice %arg20[%add3A_20, %dma_wait3A_285, %dma_wait3A_286] : memref<10000x3x32xf32, #tpu.memory_space<vmem_shared>> -> memref<125x3x32xf32, #tpu.memory_space<vmem_shared>>
      tpu.wait_dma2 semaphore(%run_scoped3A : memref<!tpu.dma_semaphore, #tpu.memory_space<semaphore_mem>>) src(%arg19 : memref<125x3x32xf32, #tpu.memory_space<vmem>>) dst(%dma_wait3A_287 : memref<125x3x32xf32, #tpu.memory_space<vmem_shared>>)
      tpu.yield
    }) : () -> ()
    %mul3A_21 = arith.constant 625 : i32
    %mul3A_22 = arith.muli %arg1, %mul3A_21 : i32
    %add3A_23 = arith.constant 375 : i32
    %add3A_24 = arith.addi %mul3A_22, %add3A_23 : i32
    "tpu.region"() ({
      %run_scoped3A = tpu.sem_alloc : memref<!tpu.dma_semaphore, #tpu.memory_space<semaphore_mem>>
      %dma_start3A_276 = arith.constant 0 : i32
      %dma_start3A_277 = arith.constant 0 : i32
      %dma_start3A_278 = tpu.memref_slice %arg20[%add3A_24, %dma_start3A_276, %dma_start3A_277] : memref<10000x3x32xf32, #tpu.memory_space<vmem_shared>> -> memref<125x3x32xf32, #tpu.memory_space<vmem_shared>>
      %dma_start3A_279 = arith.constant 0 : i32
      %dma_start3A_280 = arith.constant 0 : i32
      %dma_start3A_281 = tpu.memref_slice %arg20[%add3A_24, %dma_start3A_279, %dma_start3A_280] : memref<10000x3x32xf32, #tpu.memory_space<vmem_shared>> -> memref<125x3x32xf32, #tpu.memory_space<vmem_shared>>
      tpu.enqueue_dma source(%arg19 : memref<125x3x32xf32, #tpu.memory_space<vmem>>) target(%dma_start3A_281 : memref<125x3x32xf32, #tpu.memory_space<vmem_shared>>) target_semaphore(%run_scoped3A : memref<!tpu.dma_semaphore, #tpu.memory_space<semaphore_mem>>)
      %dma_wait3A_282 = arith.constant 0 : i32
      %dma_wait3A_283 = arith.constant 0 : i32
      %dma_wait3A_284 = tpu.memref_slice %arg20[%add3A_24, %dma_wait3A_282, %dma_wait3A_283] : memref<10000x3x32xf32, #tpu.memory_space<vmem_shared>> -> memref<125x3x32xf32, #tpu.memory_space<vmem_shared>>
      %dma_wait3A_285 = arith.constant 0 : i32
      %dma_wait3A_286 = arith.constant 0 : i32
      %dma_wait3A_287 = tpu.memref_slice %arg20[%add3A_24, %dma_wait3A_285, %dma_wait3A_286] : memref<10000x3x32xf32, #tpu.memory_space<vmem_shared>> -> memref<125x3x32xf32, #tpu.memory_space<vmem_shared>>
      tpu.wait_dma2 semaphore(%run_scoped3A : memref<!tpu.dma_semaphore, #tpu.memory_space<semaphore_mem>>) src(%arg19 : memref<125x3x32xf32, #tpu.memory_space<vmem>>) dst(%dma_wait3A_287 : memref<125x3x32xf32, #tpu.memory_space<vmem_shared>>)
      tpu.yield
    }) : () -> ()
    %mul3A_25 = arith.constant 625 : i32
    %mul3A_26 = arith.muli %arg1, %mul3A_25 : i32
    %add3A_27 = arith.constant 500 : i32
    %add3A_28 = arith.addi %mul3A_26, %add3A_27 : i32
    "tpu.region"() ({
      %run_scoped3A = tpu.sem_alloc : memref<!tpu.dma_semaphore, #tpu.memory_space<semaphore_mem>>
      %dma_start3A_276 = arith.constant 0 : i32
      %dma_start3A_277 = arith.constant 0 : i32
      %dma_start3A_278 = tpu.memref_slice %arg20[%add3A_28, %dma_start3A_276, %dma_start3A_277] : memref<10000x3x32xf32, #tpu.memory_space<vmem_shared>> -> memref<125x3x32xf32, #tpu.memory_space<vmem_shared>>
      %dma_start3A_279 = arith.constant 0 : i32
      %dma_start3A_280 = arith.constant 0 : i32
      %dma_start3A_281 = tpu.memref_slice %arg20[%add3A_28, %dma_start3A_279, %dma_start3A_280] : memref<10000x3x32xf32, #tpu.memory_space<vmem_shared>> -> memref<125x3x32xf32, #tpu.memory_space<vmem_shared>>
      tpu.enqueue_dma source(%arg19 : memref<125x3x32xf32, #tpu.memory_space<vmem>>) target(%dma_start3A_281 : memref<125x3x32xf32, #tpu.memory_space<vmem_shared>>) target_semaphore(%run_scoped3A : memref<!tpu.dma_semaphore, #tpu.memory_space<semaphore_mem>>)
      %dma_wait3A_282 = arith.constant 0 : i32
      %dma_wait3A_283 = arith.constant 0 : i32
      %dma_wait3A_284 = tpu.memref_slice %arg20[%add3A_28, %dma_wait3A_282, %dma_wait3A_283] : memref<10000x3x32xf32, #tpu.memory_space<vmem_shared>> -> memref<125x3x32xf32, #tpu.memory_space<vmem_shared>>
      %dma_wait3A_285 = arith.constant 0 : i32
      %dma_wait3A_286 = arith.constant 0 : i32
      %dma_wait3A_287 = tpu.memref_slice %arg20[%add3A_28, %dma_wait3A_285, %dma_wait3A_286] : memref<10000x3x32xf32, #tpu.memory_space<vmem_shared>> -> memref<125x3x32xf32, #tpu.memory_space<vmem_shared>>
      tpu.wait_dma2 semaphore(%run_scoped3A : memref<!tpu.dma_semaphore, #tpu.memory_space<semaphore_mem>>) src(%arg19 : memref<125x3x32xf32, #tpu.memory_space<vmem>>) dst(%dma_wait3A_287 : memref<125x3x32xf32, #tpu.memory_space<vmem_shared>>)
      tpu.yield
    }) : () -> ()
    %barrier3A = arith.constant 0 : index
    tpu.barrier barrier_id(%barrier3A)
    %add3A_29 = arith.constant 0 : i32
    %add3A_30 = arith.addi %mul3A_0, %add3A_29 : i32
    %dma_start3A = tpu.memref_slice %arg2[%add3A_30] : memref<160000xi32, #tpu.memory_space<hbm>> -> memref<80xi32, #tpu.memory_space<hbm>>
    %dma_start3A_31 = tpu.memref_slice %arg2[%add3A_30] : memref<160000xi32, #tpu.memory_space<hbm>> -> memref<80xi32, #tpu.memory_space<hbm>>
    tpu.enqueue_dma source(%dma_start3A_31 : memref<80xi32, #tpu.memory_space<hbm>>) target(%arg9 : memref<80xi32, #tpu.memory_space<vmem>>) target_semaphore(%arg21 : memref<!tpu.dma_semaphore, #tpu.memory_space<semaphore_mem>>)
    %dma_start3A_32 = arith.constant 0 : i32
    %dma_start3A_33 = tpu.memref_slice %arg4[%add3A_30, %dma_start3A_32, %add3A_8] : memref<160000x3x128xf32, #tpu.memory_space<hbm>> -> memref<80x3x32xf32, #tpu.memory_space<hbm>>
    %dma_start3A_34 = arith.constant 0 : i32
    %dma_start3A_35 = tpu.memref_slice %arg4[%add3A_30, %dma_start3A_34, %add3A_8] : memref<160000x3x128xf32, #tpu.memory_space<hbm>> -> memref<80x3x32xf32, #tpu.memory_space<hbm>>
    tpu.enqueue_dma source(%dma_start3A_35 : memref<80x3x32xf32, #tpu.memory_space<hbm>>) target(%arg11 : memref<80x3x32xf32, #tpu.memory_space<vmem>>) target_semaphore(%arg23 : memref<!tpu.dma_semaphore, #tpu.memory_space<semaphore_mem>>)
    %dma_start3A_36 = tpu.memref_slice %arg5[%add3A_30, %add3A_8] : memref<160000x128xf32, #tpu.memory_space<hbm>> -> memref<80x32xf32, #tpu.memory_space<hbm>>
    %dma_start3A_37 = tpu.memref_slice %arg5[%add3A_30, %add3A_8] : memref<160000x128xf32, #tpu.memory_space<hbm>> -> memref<80x32xf32, #tpu.memory_space<hbm>>
    tpu.enqueue_dma source(%dma_start3A_37 : memref<80x32xf32, #tpu.memory_space<hbm>>) target(%arg13 : memref<80x32xf32, #tpu.memory_space<vmem>>) target_semaphore(%arg25 : memref<!tpu.dma_semaphore, #tpu.memory_space<semaphore_mem>>)
    %dma_start3A_38 = tpu.memref_slice %arg6[%add3A_30, %add3A_8] : memref<160000x128xf32, #tpu.memory_space<hbm>> -> memref<80x32xf32, #tpu.memory_space<hbm>>
    %dma_start3A_39 = tpu.memref_slice %arg6[%add3A_30, %add3A_8] : memref<160000x128xf32, #tpu.memory_space<hbm>> -> memref<80x32xf32, #tpu.memory_space<hbm>>
    tpu.enqueue_dma source(%dma_start3A_39 : memref<80x32xf32, #tpu.memory_space<hbm>>) target(%arg15 : memref<80x32xf32, #tpu.memory_space<vmem>>) target_semaphore(%arg27 : memref<!tpu.dma_semaphore, #tpu.memory_space<semaphore_mem>>)
    %dma_start3A_40 = arith.constant 0 : i32
    %dma_start3A_41 = tpu.memref_slice %arg7[%add3A_30, %dma_start3A_40] : memref<160000x16xf32, #tpu.memory_space<hbm>> -> memref<80x16xf32, #tpu.memory_space<hbm>>
    %dma_start3A_42 = arith.constant 0 : i32
    %dma_start3A_43 = tpu.memref_slice %arg7[%add3A_30, %dma_start3A_42] : memref<160000x16xf32, #tpu.memory_space<hbm>> -> memref<80x16xf32, #tpu.memory_space<hbm>>
    tpu.enqueue_dma source(%dma_start3A_43 : memref<80x16xf32, #tpu.memory_space<hbm>>) target(%arg17 : memref<80x16xf32, #tpu.memory_space<vmem>>) target_semaphore(%arg29 : memref<!tpu.dma_semaphore, #tpu.memory_space<semaphore_mem>>)
    %scan3A_44 = arith.constant 0 : i32
    %scan3A_45 = arith.constant 0 : i32
    %scan3A_46 = arith.constant 62 : i32
    %scan3A_47 = arith.addi %scan3A_45, %scan3A_46 : i32
    %scan3A_48 = arith.constant 1 : i32
    scf.for %scan3A_276 = %scan3A_45 to %scan3A_47 step %scan3A_48  : i32 {
      %mul3A_277 = arith.constant 2 : i32
      %mul3A_278 = arith.muli %mul3A_277, %scan3A_276 : i32
      %add3A_279 = arith.constant 1 : i32
      %add3A_280 = arith.addi %mul3A_278, %add3A_279 : i32
      %mul3A_281 = arith.constant 80 : i32
      %mul3A_282 = arith.muli %add3A_280, %mul3A_281 : i32
      %add3A_283 = arith.addi %mul3A_0, %mul3A_282 : i32
      %dma_start3A_284 = tpu.memref_slice %arg2[%add3A_283] : memref<160000xi32, #tpu.memory_space<hbm>> -> memref<80xi32, #tpu.memory_space<hbm>>
      %dma_start3A_285 = tpu.memref_slice %arg2[%add3A_283] : memref<160000xi32, #tpu.memory_space<hbm>> -> memref<80xi32, #tpu.memory_space<hbm>>
      tpu.enqueue_dma source(%dma_start3A_285 : memref<80xi32, #tpu.memory_space<hbm>>) target(%arg10 : memref<80xi32, #tpu.memory_space<vmem>>) target_semaphore(%arg22 : memref<!tpu.dma_semaphore, #tpu.memory_space<semaphore_mem>>)
      %dma_start3A_286 = arith.constant 0 : i32
      %dma_start3A_287 = tpu.memref_slice %arg4[%add3A_283, %dma_start3A_286, %add3A_8] : memref<160000x3x128xf32, #tpu.memory_space<hbm>> -> memref<80x3x32xf32, #tpu.memory_space<hbm>>
      %dma_start3A_288 = arith.constant 0 : i32
      %dma_start3A_289 = tpu.memref_slice %arg4[%add3A_283, %dma_start3A_288, %add3A_8] : memref<160000x3x128xf32, #tpu.memory_space<hbm>> -> memref<80x3x32xf32, #tpu.memory_space<hbm>>
      tpu.enqueue_dma source(%dma_start3A_289 : memref<80x3x32xf32, #tpu.memory_space<hbm>>) target(%arg12 : memref<80x3x32xf32, #tpu.memory_space<vmem>>) target_semaphore(%arg24 : memref<!tpu.dma_semaphore, #tpu.memory_space<semaphore_mem>>)
      %dma_start3A_290 = tpu.memref_slice %arg5[%add3A_283, %add3A_8] : memref<160000x128xf32, #tpu.memory_space<hbm>> -> memref<80x32xf32, #tpu.memory_space<hbm>>
      %dma_start3A_291 = tpu.memref_slice %arg5[%add3A_283, %add3A_8] : memref<160000x128xf32, #tpu.memory_space<hbm>> -> memref<80x32xf32, #tpu.memory_space<hbm>>
      tpu.enqueue_dma source(%dma_start3A_291 : memref<80x32xf32, #tpu.memory_space<hbm>>) target(%arg14 : memref<80x32xf32, #tpu.memory_space<vmem>>) target_semaphore(%arg26 : memref<!tpu.dma_semaphore, #tpu.memory_space<semaphore_mem>>)
      %dma_start3A_292 = tpu.memref_slice %arg6[%add3A_283, %add3A_8] : memref<160000x128xf32, #tpu.memory_space<hbm>> -> memref<80x32xf32, #tpu.memory_space<hbm>>
      %dma_start3A_293 = tpu.memref_slice %arg6[%add3A_283, %add3A_8] : memref<160000x128xf32, #tpu.memory_space<hbm>> -> memref<80x32xf32, #tpu.memory_space<hbm>>
      tpu.enqueue_dma source(%dma_start3A_293 : memref<80x32xf32, #tpu.memory_space<hbm>>) target(%arg16 : memref<80x32xf32, #tpu.memory_space<vmem>>) target_semaphore(%arg28 : memref<!tpu.dma_semaphore, #tpu.memory_space<semaphore_mem>>)
      %dma_start3A_294 = arith.constant 0 : i32
      %dma_start3A_295 = tpu.memref_slice %arg7[%add3A_283, %dma_start3A_294] : memref<160000x16xf32, #tpu.memory_space<hbm>> -> memref<80x16xf32, #tpu.memory_space<hbm>>
      %dma_start3A_296 = arith.constant 0 : i32
      %dma_start3A_297 = tpu.memref_slice %arg7[%add3A_283, %dma_start3A_296] : memref<160000x16xf32, #tpu.memory_space<hbm>> -> memref<80x16xf32, #tpu.memory_space<hbm>>
      tpu.enqueue_dma source(%dma_start3A_297 : memref<80x16xf32, #tpu.memory_space<hbm>>) target(%arg18 : memref<80x16xf32, #tpu.memory_space<vmem>>) target_semaphore(%arg30 : memref<!tpu.dma_semaphore, #tpu.memory_space<semaphore_mem>>)
      %mul3A_298 = arith.constant 80 : i32
      %mul3A_299 = arith.muli %mul3A_278, %mul3A_298 : i32
      %add3A_300 = arith.addi %mul3A_0, %mul3A_299 : i32
      %dma_wait3A_301 = tpu.memref_slice %arg2[%add3A_300] : memref<160000xi32, #tpu.memory_space<hbm>> -> memref<80xi32, #tpu.memory_space<hbm>>
      %dma_wait3A_302 = tpu.memref_slice %arg2[%add3A_300] : memref<160000xi32, #tpu.memory_space<hbm>> -> memref<80xi32, #tpu.memory_space<hbm>>
      tpu.wait_dma2 semaphore(%arg21 : memref<!tpu.dma_semaphore, #tpu.memory_space<semaphore_mem>>) src(%dma_wait3A_302 : memref<80xi32, #tpu.memory_space<hbm>>) dst(%arg9 : memref<80xi32, #tpu.memory_space<vmem>>)
      %dma_wait3A_303 = arith.constant 0 : i32
      %dma_wait3A_304 = tpu.memref_slice %arg4[%add3A_300, %dma_wait3A_303, %add3A_8] : memref<160000x3x128xf32, #tpu.memory_space<hbm>> -> memref<80x3x32xf32, #tpu.memory_space<hbm>>
      %dma_wait3A_305 = arith.constant 0 : i32
      %dma_wait3A_306 = tpu.memref_slice %arg4[%add3A_300, %dma_wait3A_305, %add3A_8] : memref<160000x3x128xf32, #tpu.memory_space<hbm>> -> memref<80x3x32xf32, #tpu.memory_space<hbm>>
      tpu.wait_dma2 semaphore(%arg23 : memref<!tpu.dma_semaphore, #tpu.memory_space<semaphore_mem>>) src(%dma_wait3A_306 : memref<80x3x32xf32, #tpu.memory_space<hbm>>) dst(%arg11 : memref<80x3x32xf32, #tpu.memory_space<vmem>>)
      %dma_wait3A_307 = tpu.memref_slice %arg5[%add3A_300, %add3A_8] : memref<160000x128xf32, #tpu.memory_space<hbm>> -> memref<80x32xf32, #tpu.memory_space<hbm>>
      %dma_wait3A_308 = tpu.memref_slice %arg5[%add3A_300, %add3A_8] : memref<160000x128xf32, #tpu.memory_space<hbm>> -> memref<80x32xf32, #tpu.memory_space<hbm>>
      tpu.wait_dma2 semaphore(%arg25 : memref<!tpu.dma_semaphore, #tpu.memory_space<semaphore_mem>>) src(%dma_wait3A_308 : memref<80x32xf32, #tpu.memory_space<hbm>>) dst(%arg13 : memref<80x32xf32, #tpu.memory_space<vmem>>)
      %dma_wait3A_309 = tpu.memref_slice %arg6[%add3A_300, %add3A_8] : memref<160000x128xf32, #tpu.memory_space<hbm>> -> memref<80x32xf32, #tpu.memory_space<hbm>>
      %dma_wait3A_310 = tpu.memref_slice %arg6[%add3A_300, %add3A_8] : memref<160000x128xf32, #tpu.memory_space<hbm>> -> memref<80x32xf32, #tpu.memory_space<hbm>>
      tpu.wait_dma2 semaphore(%arg27 : memref<!tpu.dma_semaphore, #tpu.memory_space<semaphore_mem>>) src(%dma_wait3A_310 : memref<80x32xf32, #tpu.memory_space<hbm>>) dst(%arg15 : memref<80x32xf32, #tpu.memory_space<vmem>>)
      %dma_wait3A_311 = arith.constant 0 : i32
      %dma_wait3A_312 = tpu.memref_slice %arg7[%add3A_300, %dma_wait3A_311] : memref<160000x16xf32, #tpu.memory_space<hbm>> -> memref<80x16xf32, #tpu.memory_space<hbm>>
      %dma_wait3A_313 = arith.constant 0 : i32
      %dma_wait3A_314 = tpu.memref_slice %arg7[%add3A_300, %dma_wait3A_313] : memref<160000x16xf32, #tpu.memory_space<hbm>> -> memref<80x16xf32, #tpu.memory_space<hbm>>
      tpu.wait_dma2 semaphore(%arg29 : memref<!tpu.dma_semaphore, #tpu.memory_space<semaphore_mem>>) src(%dma_wait3A_314 : memref<80x16xf32, #tpu.memory_space<hbm>>) dst(%arg17 : memref<80x16xf32, #tpu.memory_space<vmem>>)
      %scan3A_315 = arith.constant 0 : i32
      %scan3A_316 = arith.constant 0 : i32
      %scan3A_317 = arith.constant 80 : i32
      %scan3A_318 = arith.addi %scan3A_316, %scan3A_317 : i32
      %scan3A_319 = arith.constant 2 : i32
      scf.for %scan3A_365 = %scan3A_316 to %scan3A_318 step %scan3A_319  : i32 {
        %get3A = arith.index_cast %scan3A_365 : i32 to index
        %get3A_366 = arith.constant 0 : index
        %get3A_367 = tpu.vector_load %arg17[%get3A, %get3A_366] {strides = array<i32>} : memref<80x16xf32, #tpu.memory_space<vmem>>, vector<1x16xf32>,
        %get3A_368 = vector.shape_cast %get3A_367 : vector<1x16xf32> to vector<16xf32>
        %slice3A = vector.extract_strided_slice %get3A_368 {offsets = [0], sizes = [1], strides = [1]} : vector<16xf32> to vector<1xf32>
        %squeeze3A = vector.extract %slice3A[0] : f32 from vector<1xf32>
        %slice3A_369 = vector.extract_strided_slice %get3A_368 {offsets = [1], sizes = [1], strides = [1]} : vector<16xf32> to vector<1xf32>
        %squeeze3A_370 = vector.extract %slice3A_369[0] : f32 from vector<1xf32>
        %slice3A_371 = vector.extract_strided_slice %get3A_368 {offsets = [2], sizes = [1], strides = [1]} : vector<16xf32> to vector<1xf32>
        %squeeze3A_372 = vector.extract %slice3A_371[0] : f32 from vector<1xf32>
        %get3A_373 = arith.index_cast %scan3A_365 : i32 to index
        %get3A_374 = arith.constant 0 : index
        %get3A_375 = tpu.vector_load %arg13[%get3A_373, %get3A_374] {strides = array<i32>} : memref<80x32xf32, #tpu.memory_space<vmem>>, vector<1x16xf32>,
        %get3A_376 = vector.shape_cast %get3A_375 : vector<1x16xf32> to vector<16xf32>
        %get3A_377 = arith.index_cast %scan3A_365 : i32 to index
        %get3A_378 = arith.constant 0 : index
        %get3A_379 = tpu.vector_load %arg15[%get3A_377, %get3A_378] {strides = array<i32>} : memref<80x32xf32, #tpu.memory_space<vmem>>, vector<1x16xf32>,
        %get3A_380 = vector.shape_cast %get3A_379 : vector<1x16xf32> to vector<16xf32>
        %get3A_381 = arith.constant 0 : i32
        %get3A_382 = arith.index_cast %scan3A_365 : i32 to index
        %get3A_383 = arith.index_cast %get3A_381 : i32 to index
        %get3A_384 = arith.constant 0 : index
        %get3A_385 = tpu.vector_load %arg11[%get3A_382, %get3A_383, %get3A_384] {strides = array<i32>} : memref<80x3x32xf32, #tpu.memory_space<vmem>>, vector<1x1x16xf32>,
        %get3A_386 = vector.shape_cast %get3A_385 : vector<1x1x16xf32> to vector<16xf32>
        %mul3A_387 = arith.mulf %get3A_386, %get3A_376 : vector<16xf32>
        %mul3A_388 = vector.broadcast %squeeze3A : f32 to vector<16xf32>
        %mul3A_389 = arith.mulf %get3A_380, %mul3A_388 : vector<16xf32>
        %add3A_390 = arith.addf %mul3A_387, %mul3A_389 : vector<16xf32>
        %swap3A = arith.constant 0 : i32
        %swap3A_391 = arith.index_cast %scan3A_365 : i32 to index
        %swap3A_392 = arith.index_cast %swap3A : i32 to index
        %swap3A_393 = arith.constant 0 : index
        %swap3A_394 = tpu.vector_load %arg11[%swap3A_391, %swap3A_392, %swap3A_393] {strides = array<i32>} : memref<80x3x32xf32, #tpu.memory_space<vmem>>, vector<1x1x16xf32>,
        %swap3A_395 = vector.shape_cast %swap3A_394 : vector<1x1x16xf32> to vector<16xf32>
        %swap3A_396 = vector.shape_cast %add3A_390 : vector<16xf32> to vector<1x1x16xf32>
        tpu.vector_store %arg11[%swap3A_391, %swap3A_392, %swap3A_393], %swap3A_396 {strides = array<i32>} : memref<80x3x32xf32, #tpu.memory_space<vmem>>, vector<1x1x16xf32>,
        %get3A_397 = arith.constant 1 : i32
        %get3A_398 = arith.index_cast %scan3A_365 : i32 to index
        %get3A_399 = arith.index_cast %get3A_397 : i32 to index
        %get3A_400 = arith.constant 0 : index
        %get3A_401 = tpu.vector_load %arg11[%get3A_398, %get3A_399, %get3A_400] {strides = array<i32>} : memref<80x3x32xf32, #tpu.memory_space<vmem>>, vector<1x1x16xf32>,
        %get3A_402 = vector.shape_cast %get3A_401 : vector<1x1x16xf32> to vector<16xf32>
        %mul3A_403 = arith.mulf %get3A_402, %get3A_376 : vector<16xf32>
        %mul3A_404 = vector.broadcast %squeeze3A_370 : f32 to vector<16xf32>
        %mul3A_405 = arith.mulf %get3A_380, %mul3A_404 : vector<16xf32>
        %add3A_406 = arith.addf %mul3A_403, %mul3A_405 : vector<16xf32>
        %swap3A_407 = arith.constant 1 : i32
        %swap3A_408 = arith.index_cast %scan3A_365 : i32 to index
        %swap3A_409 = arith.index_cast %swap3A_407 : i32 to index
        %swap3A_410 = arith.constant 0 : index
        %swap3A_411 = tpu.vector_load %arg11[%swap3A_408, %swap3A_409, %swap3A_410] {strides = array<i32>} : memref<80x3x32xf32, #tpu.memory_space<vmem>>, vector<1x1x16xf32>,
        %swap3A_412 = vector.shape_cast %swap3A_411 : vector<1x1x16xf32> to vector<16xf32>
        %swap3A_413 = vector.shape_cast %add3A_406 : vector<16xf32> to vector<1x1x16xf32>
        tpu.vector_store %arg11[%swap3A_408, %swap3A_409, %swap3A_410], %swap3A_413 {strides = array<i32>} : memref<80x3x32xf32, #tpu.memory_space<vmem>>, vector<1x1x16xf32>,
        %get3A_414 = arith.constant 2 : i32
        %get3A_415 = arith.index_cast %scan3A_365 : i32 to index
        %get3A_416 = arith.index_cast %get3A_414 : i32 to index
        %get3A_417 = arith.constant 0 : index
        %get3A_418 = tpu.vector_load %arg11[%get3A_415, %get3A_416, %get3A_417] {strides = array<i32>} : memref<80x3x32xf32, #tpu.memory_space<vmem>>, vector<1x1x16xf32>,
        %get3A_419 = vector.shape_cast %get3A_418 : vector<1x1x16xf32> to vector<16xf32>
        %mul3A_420 = arith.mulf %get3A_419, %get3A_376 : vector<16xf32>
        %mul3A_421 = vector.broadcast %squeeze3A_372 : f32 to vector<16xf32>
        %mul3A_422 = arith.mulf %get3A_380, %mul3A_421 : vector<16xf32>
        %add3A_423 = arith.addf %mul3A_420, %mul3A_422 : vector<16xf32>
        %swap3A_424 = arith.constant 2 : i32
        %swap3A_425 = arith.index_cast %scan3A_365 : i32 to index
        %swap3A_426 = arith.index_cast %swap3A_424 : i32 to index
        %swap3A_427 = arith.constant 0 : index
        %swap3A_428 = tpu.vector_load %arg11[%swap3A_425, %swap3A_426, %swap3A_427] {strides = array<i32>} : memref<80x3x32xf32, #tpu.memory_space<vmem>>, vector<1x1x16xf32>,
        %swap3A_429 = vector.shape_cast %swap3A_428 : vector<1x1x16xf32> to vector<16xf32>
        %swap3A_430 = vector.shape_cast %add3A_423 : vector<16xf32> to vector<1x1x16xf32>
        tpu.vector_store %arg11[%swap3A_425, %swap3A_426, %swap3A_427], %swap3A_430 {strides = array<i32>} : memref<80x3x32xf32, #tpu.memory_space<vmem>>, vector<1x1x16xf32>,
        %get3A_431 = arith.index_cast %scan3A_365 : i32 to index
        %get3A_432 = arith.constant 16 : index
        %get3A_433 = tpu.vector_load %arg13[%get3A_431, %get3A_432] {strides = array<i32>} : memref<80x32xf32, #tpu.memory_space<vmem>>, vector<1x16xf32>,
        %get3A_434 = vector.shape_cast %get3A_433 : vector<1x16xf32> to vector<16xf32>
        %get3A_435 = arith.index_cast %scan3A_365 : i32 to index
        %get3A_436 = arith.constant 16 : index
        %get3A_437 = tpu.vector_load %arg15[%get3A_435, %get3A_436] {strides = array<i32>} : memref<80x32xf32, #tpu.memory_space<vmem>>, vector<1x16xf32>,
        %get3A_438 = vector.shape_cast %get3A_437 : vector<1x16xf32> to vector<16xf32>
        %get3A_439 = arith.constant 0 : i32
        %get3A_440 = arith.index_cast %scan3A_365 : i32 to index
        %get3A_441 = arith.index_cast %get3A_439 : i32 to index
        %get3A_442 = arith.constant 16 : index
        %get3A_443 = tpu.vector_load %arg11[%get3A_440, %get3A_441, %get3A_442] {strides = array<i32>} : memref<80x3x32xf32, #tpu.memory_space<vmem>>, vector<1x1x16xf32>,
        %get3A_444 = vector.shape_cast %get3A_443 : vector<1x1x16xf32> to vector<16xf32>
        %mul3A_445 = arith.mulf %get3A_444, %get3A_434 : vector<16xf32>
        %mul3A_446 = vector.broadcast %squeeze3A : f32 to vector<16xf32>
        %mul3A_447 = arith.mulf %get3A_438, %mul3A_446 : vector<16xf32>
        %add3A_448 = arith.addf %mul3A_445, %mul3A_447 : vector<16xf32>
        %swap3A_449 = arith.constant 0 : i32
        %swap3A_450 = arith.index_cast %scan3A_365 : i32 to index
        %swap3A_451 = arith.index_cast %swap3A_449 : i32 to index
        %swap3A_452 = arith.constant 16 : index
        %swap3A_453 = tpu.vector_load %arg11[%swap3A_450, %swap3A_451, %swap3A_452] {strides = array<i32>} : memref<80x3x32xf32, #tpu.memory_space<vmem>>, vector<1x1x16xf32>,
        %swap3A_454 = vector.shape_cast %swap3A_453 : vector<1x1x16xf32> to vector<16xf32>
        %swap3A_455 = vector.shape_cast %add3A_448 : vector<16xf32> to vector<1x1x16xf32>
        tpu.vector_store %arg11[%swap3A_450, %swap3A_451, %swap3A_452], %swap3A_455 {strides = array<i32>} : memref<80x3x32xf32, #tpu.memory_space<vmem>>, vector<1x1x16xf32>,
        %get3A_456 = arith.constant 1 : i32
        %get3A_457 = arith.index_cast %scan3A_365 : i32 to index
        %get3A_458 = arith.index_cast %get3A_456 : i32 to index
        %get3A_459 = arith.constant 16 : index
        %get3A_460 = tpu.vector_load %arg11[%get3A_457, %get3A_458, %get3A_459] {strides = array<i32>} : memref<80x3x32xf32, #tpu.memory_space<vmem>>, vector<1x1x16xf32>,
        %get3A_461 = vector.shape_cast %get3A_460 : vector<1x1x16xf32> to vector<16xf32>
        %mul3A_462 = arith.mulf %get3A_461, %get3A_434 : vector<16xf32>
        %mul3A_463 = vector.broadcast %squeeze3A_370 : f32 to vector<16xf32>
        %mul3A_464 = arith.mulf %get3A_438, %mul3A_463 : vector<16xf32>
        %add3A_465 = arith.addf %mul3A_462, %mul3A_464 : vector<16xf32>
        %swap3A_466 = arith.constant 1 : i32
        %swap3A_467 = arith.index_cast %scan3A_365 : i32 to index
        %swap3A_468 = arith.index_cast %swap3A_466 : i32 to index
        %swap3A_469 = arith.constant 16 : index
        %swap3A_470 = tpu.vector_load %arg11[%swap3A_467, %swap3A_468, %swap3A_469] {strides = array<i32>} : memref<80x3x32xf32, #tpu.memory_space<vmem>>, vector<1x1x16xf32>,
        %swap3A_471 = vector.shape_cast %swap3A_470 : vector<1x1x16xf32> to vector<16xf32>
        %swap3A_472 = vector.shape_cast %add3A_465 : vector<16xf32> to vector<1x1x16xf32>
        tpu.vector_store %arg11[%swap3A_467, %swap3A_468, %swap3A_469], %swap3A_472 {strides = array<i32>} : memref<80x3x32xf32, #tpu.memory_space<vmem>>, vector<1x1x16xf32>,
        %get3A_473 = arith.constant 2 : i32
        %get3A_474 = arith.index_cast %scan3A_365 : i32 to index
        %get3A_475 = arith.index_cast %get3A_473 : i32 to index
        %get3A_476 = arith.constant 16 : index
        %get3A_477 = tpu.vector_load %arg11[%get3A_474, %get3A_475, %get3A_476] {strides = array<i32>} : memref<80x3x32xf32, #tpu.memory_space<vmem>>, vector<1x1x16xf32>,
        %get3A_478 = vector.shape_cast %get3A_477 : vector<1x1x16xf32> to vector<16xf32>
        %mul3A_479 = arith.mulf %get3A_478, %get3A_434 : vector<16xf32>
        %mul3A_480 = vector.broadcast %squeeze3A_372 : f32 to vector<16xf32>
        %mul3A_481 = arith.mulf %get3A_438, %mul3A_480 : vector<16xf32>
        %add3A_482 = arith.addf %mul3A_479, %mul3A_481 : vector<16xf32>
        %swap3A_483 = arith.constant 2 : i32
        %swap3A_484 = arith.index_cast %scan3A_365 : i32 to index
        %swap3A_485 = arith.index_cast %swap3A_483 : i32 to index
        %swap3A_486 = arith.constant 16 : index
        %swap3A_487 = tpu.vector_load %arg11[%swap3A_484, %swap3A_485, %swap3A_486] {strides = array<i32>} : memref<80x3x32xf32, #tpu.memory_space<vmem>>, vector<1x1x16xf32>,
        %swap3A_488 = vector.shape_cast %swap3A_487 : vector<1x1x16xf32> to vector<16xf32>
        %swap3A_489 = vector.shape_cast %add3A_482 : vector<16xf32> to vector<1x1x16xf32>
        tpu.vector_store %arg11[%swap3A_484, %swap3A_485, %swap3A_486], %swap3A_489 {strides = array<i32>} : memref<80x3x32xf32, #tpu.memory_space<vmem>>, vector<1x1x16xf32>,
        %scan3A_490 = arith.constant 1 : i32
        %scan3A_491 = arith.addi %scan3A_365, %scan3A_490 : i32
        %get3A_492 = arith.index_cast %scan3A_491 : i32 to index
        %get3A_493 = arith.constant 0 : index
        %get3A_494 = tpu.vector_load %arg17[%get3A_492, %get3A_493] {strides = array<i32>} : memref<80x16xf32, #tpu.memory_space<vmem>>, vector<1x16xf32>,
        %get3A_495 = vector.shape_cast %get3A_494 : vector<1x16xf32> to vector<16xf32>
        %slice3A_496 = vector.extract_strided_slice %get3A_495 {offsets = [0], sizes = [1], strides = [1]} : vector<16xf32> to vector<1xf32>
        %squeeze3A_497 = vector.extract %slice3A_496[0] : f32 from vector<1xf32>
        %slice3A_498 = vector.extract_strided_slice %get3A_495 {offsets = [1], sizes = [1], strides = [1]} : vector<16xf32> to vector<1xf32>
        %squeeze3A_499 = vector.extract %slice3A_498[0] : f32 from vector<1xf32>
        %slice3A_500 = vector.extract_strided_slice %get3A_495 {offsets = [2], sizes = [1], strides = [1]} : vector<16xf32> to vector<1xf32>
        %squeeze3A_501 = vector.extract %slice3A_500[0] : f32 from vector<1xf32>
        %get3A_502 = arith.index_cast %scan3A_491 : i32 to index
        %get3A_503 = arith.constant 0 : index
        %get3A_504 = tpu.vector_load %arg13[%get3A_502, %get3A_503] {strides = array<i32>} : memref<80x32xf32, #tpu.memory_space<vmem>>, vector<1x16xf32>,
        %get3A_505 = vector.shape_cast %get3A_504 : vector<1x16xf32> to vector<16xf32>
        %get3A_506 = arith.index_cast %scan3A_491 : i32 to index
        %get3A_507 = arith.constant 0 : index
        %get3A_508 = tpu.vector_load %arg15[%get3A_506, %get3A_507] {strides = array<i32>} : memref<80x32xf32, #tpu.memory_space<vmem>>, vector<1x16xf32>,
        %get3A_509 = vector.shape_cast %get3A_508 : vector<1x16xf32> to vector<16xf32>
        %get3A_510 = arith.constant 0 : i32
        %get3A_511 = arith.index_cast %scan3A_491 : i32 to index
        %get3A_512 = arith.index_cast %get3A_510 : i32 to index
        %get3A_513 = arith.constant 0 : index
        %get3A_514 = tpu.vector_load %arg11[%get3A_511, %get3A_512, %get3A_513] {strides = array<i32>} : memref<80x3x32xf32, #tpu.memory_space<vmem>>, vector<1x1x16xf32>,
        %get3A_515 = vector.shape_cast %get3A_514 : vector<1x1x16xf32> to vector<16xf32>
        %mul3A_516 = arith.mulf %get3A_515, %get3A_505 : vector<16xf32>
        %mul3A_517 = vector.broadcast %squeeze3A_497 : f32 to vector<16xf32>
        %mul3A_518 = arith.mulf %get3A_509, %mul3A_517 : vector<16xf32>
        %add3A_519 = arith.addf %mul3A_516, %mul3A_518 : vector<16xf32>
        %swap3A_520 = arith.constant 0 : i32
        %swap3A_521 = arith.index_cast %scan3A_491 : i32 to index
        %swap3A_522 = arith.index_cast %swap3A_520 : i32 to index
        %swap3A_523 = arith.constant 0 : index
        %swap3A_524 = tpu.vector_load %arg11[%swap3A_521, %swap3A_522, %swap3A_523] {strides = array<i32>} : memref<80x3x32xf32, #tpu.memory_space<vmem>>, vector<1x1x16xf32>,
        %swap3A_525 = vector.shape_cast %swap3A_524 : vector<1x1x16xf32> to vector<16xf32>
        %swap3A_526 = vector.shape_cast %add3A_519 : vector<16xf32> to vector<1x1x16xf32>
        tpu.vector_store %arg11[%swap3A_521, %swap3A_522, %swap3A_523], %swap3A_526 {strides = array<i32>} : memref<80x3x32xf32, #tpu.memory_space<vmem>>, vector<1x1x16xf32>,
        %get3A_527 = arith.constant 1 : i32
        %get3A_528 = arith.index_cast %scan3A_491 : i32 to index
        %get3A_529 = arith.index_cast %get3A_527 : i32 to index
        %get3A_530 = arith.constant 0 : index
        %get3A_531 = tpu.vector_load %arg11[%get3A_528, %get3A_529, %get3A_530] {strides = array<i32>} : memref<80x3x32xf32, #tpu.memory_space<vmem>>, vector<1x1x16xf32>,
        %get3A_532 = vector.shape_cast %get3A_531 : vector<1x1x16xf32> to vector<16xf32>
        %mul3A_533 = arith.mulf %get3A_532, %get3A_505 : vector<16xf32>
        %mul3A_534 = vector.broadcast %squeeze3A_499 : f32 to vector<16xf32>
        %mul3A_535 = arith.mulf %get3A_509, %mul3A_534 : vector<16xf32>
        %add3A_536 = arith.addf %mul3A_533, %mul3A_535 : vector<16xf32>
        %swap3A_537 = arith.constant 1 : i32
        %swap3A_538 = arith.index_cast %scan3A_491 : i32 to index
        %swap3A_539 = arith.index_cast %swap3A_537 : i32 to index
        %swap3A_540 = arith.constant 0 : index
        %swap3A_541 = tpu.vector_load %arg11[%swap3A_538, %swap3A_539, %swap3A_540] {strides = array<i32>} : memref<80x3x32xf32, #tpu.memory_space<vmem>>, vector<1x1x16xf32>,
        %swap3A_542 = vector.shape_cast %swap3A_541 : vector<1x1x16xf32> to vector<16xf32>
        %swap3A_543 = vector.shape_cast %add3A_536 : vector<16xf32> to vector<1x1x16xf32>
        tpu.vector_store %arg11[%swap3A_538, %swap3A_539, %swap3A_540], %swap3A_543 {strides = array<i32>} : memref<80x3x32xf32, #tpu.memory_space<vmem>>, vector<1x1x16xf32>,
        %get3A_544 = arith.constant 2 : i32
        %get3A_545 = arith.index_cast %scan3A_491 : i32 to index
        %get3A_546 = arith.index_cast %get3A_544 : i32 to index
        %get3A_547 = arith.constant 0 : index
        %get3A_548 = tpu.vector_load %arg11[%get3A_545, %get3A_546, %get3A_547] {strides = array<i32>} : memref<80x3x32xf32, #tpu.memory_space<vmem>>, vector<1x1x16xf32>,
        %get3A_549 = vector.shape_cast %get3A_548 : vector<1x1x16xf32> to vector<16xf32>
        %mul3A_550 = arith.mulf %get3A_549, %get3A_505 : vector<16xf32>
        %mul3A_551 = vector.broadcast %squeeze3A_501 : f32 to vector<16xf32>
        %mul3A_552 = arith.mulf %get3A_509, %mul3A_551 : vector<16xf32>
        %add3A_553 = arith.addf %mul3A_550, %mul3A_552 : vector<16xf32>
        %swap3A_554 = arith.constant 2 : i32
        %swap3A_555 = arith.index_cast %scan3A_491 : i32 to index
        %swap3A_556 = arith.index_cast %swap3A_554 : i32 to index
        %swap3A_557 = arith.constant 0 : index
        %swap3A_558 = tpu.vector_load %arg11[%swap3A_555, %swap3A_556, %swap3A_557] {strides = array<i32>} : memref<80x3x32xf32, #tpu.memory_space<vmem>>, vector<1x1x16xf32>,
        %swap3A_559 = vector.shape_cast %swap3A_558 : vector<1x1x16xf32> to vector<16xf32>
        %swap3A_560 = vector.shape_cast %add3A_553 : vector<16xf32> to vector<1x1x16xf32>
        tpu.vector_store %arg11[%swap3A_555, %swap3A_556, %swap3A_557], %swap3A_560 {strides = array<i32>} : memref<80x3x32xf32, #tpu.memory_space<vmem>>, vector<1x1x16xf32>,
        %get3A_561 = arith.index_cast %scan3A_491 : i32 to index
        %get3A_562 = arith.constant 16 : index
        %get3A_563 = tpu.vector_load %arg13[%get3A_561, %get3A_562] {strides = array<i32>} : memref<80x32xf32, #tpu.memory_space<vmem>>, vector<1x16xf32>,
        %get3A_564 = vector.shape_cast %get3A_563 : vector<1x16xf32> to vector<16xf32>
        %get3A_565 = arith.index_cast %scan3A_491 : i32 to index
        %get3A_566 = arith.constant 16 : index
        %get3A_567 = tpu.vector_load %arg15[%get3A_565, %get3A_566] {strides = array<i32>} : memref<80x32xf32, #tpu.memory_space<vmem>>, vector<1x16xf32>,
        %get3A_568 = vector.shape_cast %get3A_567 : vector<1x16xf32> to vector<16xf32>
        %get3A_569 = arith.constant 0 : i32
        %get3A_570 = arith.index_cast %scan3A_491 : i32 to index
        %get3A_571 = arith.index_cast %get3A_569 : i32 to index
        %get3A_572 = arith.constant 16 : index
        %get3A_573 = tpu.vector_load %arg11[%get3A_570, %get3A_571, %get3A_572] {strides = array<i32>} : memref<80x3x32xf32, #tpu.memory_space<vmem>>, vector<1x1x16xf32>,
        %get3A_574 = vector.shape_cast %get3A_573 : vector<1x1x16xf32> to vector<16xf32>
        %mul3A_575 = arith.mulf %get3A_574, %get3A_564 : vector<16xf32>
        %mul3A_576 = vector.broadcast %squeeze3A_497 : f32 to vector<16xf32>
        %mul3A_577 = arith.mulf %get3A_568, %mul3A_576 : vector<16xf32>
        %add3A_578 = arith.addf %mul3A_575, %mul3A_577 : vector<16xf32>
        %swap3A_579 = arith.constant 0 : i32
        %swap3A_580 = arith.index_cast %scan3A_491 : i32 to index
        %swap3A_581 = arith.index_cast %swap3A_579 : i32 to index
        %swap3A_582 = arith.constant 16 : index
        %swap3A_583 = tpu.vector_load %arg11[%swap3A_580, %swap3A_581, %swap3A_582] {strides = array<i32>} : memref<80x3x32xf32, #tpu.memory_space<vmem>>, vector<1x1x16xf32>,
        %swap3A_584 = vector.shape_cast %swap3A_583 : vector<1x1x16xf32> to vector<16xf32>
        %swap3A_585 = vector.shape_cast %add3A_578 : vector<16xf32> to vector<1x1x16xf32>
        tpu.vector_store %arg11[%swap3A_580, %swap3A_581, %swap3A_582], %swap3A_585 {strides = array<i32>} : memref<80x3x32xf32, #tpu.memory_space<vmem>>, vector<1x1x16xf32>,
        %get3A_586 = arith.constant 1 : i32
        %get3A_587 = arith.index_cast %scan3A_491 : i32 to index
        %get3A_588 = arith.index_cast %get3A_586 : i32 to index
        %get3A_589 = arith.constant 16 : index
        %get3A_590 = tpu.vector_load %arg11[%get3A_587, %get3A_588, %get3A_589] {strides = array<i32>} : memref<80x3x32xf32, #tpu.memory_space<vmem>>, vector<1x1x16xf32>,
        %get3A_591 = vector.shape_cast %get3A_590 : vector<1x1x16xf32> to vector<16xf32>
        %mul3A_592 = arith.mulf %get3A_591, %get3A_564 : vector<16xf32>
        %mul3A_593 = vector.broadcast %squeeze3A_499 : f32 to vector<16xf32>
        %mul3A_594 = arith.mulf %get3A_568, %mul3A_593 : vector<16xf32>
        %add3A_595 = arith.addf %mul3A_592, %mul3A_594 : vector<16xf32>
        %swap3A_596 = arith.constant 1 : i32
        %swap3A_597 = arith.index_cast %scan3A_491 : i32 to index
        %swap3A_598 = arith.index_cast %swap3A_596 : i32 to index
        %swap3A_599 = arith.constant 16 : index
        %swap3A_600 = tpu.vector_load %arg11[%swap3A_597, %swap3A_598, %swap3A_599] {strides = array<i32>} : memref<80x3x32xf32, #tpu.memory_space<vmem>>, vector<1x1x16xf32>,
        %swap3A_601 = vector.shape_cast %swap3A_600 : vector<1x1x16xf32> to vector<16xf32>
        %swap3A_602 = vector.shape_cast %add3A_595 : vector<16xf32> to vector<1x1x16xf32>
        tpu.vector_store %arg11[%swap3A_597, %swap3A_598, %swap3A_599], %swap3A_602 {strides = array<i32>} : memref<80x3x32xf32, #tpu.memory_space<vmem>>, vector<1x1x16xf32>,
        %get3A_603 = arith.constant 2 : i32
        %get3A_604 = arith.index_cast %scan3A_491 : i32 to index
        %get3A_605 = arith.index_cast %get3A_603 : i32 to index
        %get3A_606 = arith.constant 16 : index
        %get3A_607 = tpu.vector_load %arg11[%get3A_604, %get3A_605, %get3A_606] {strides = array<i32>} : memref<80x3x32xf32, #tpu.memory_space<vmem>>, vector<1x1x16xf32>,
        %get3A_608 = vector.shape_cast %get3A_607 : vector<1x1x16xf32> to vector<16xf32>
        %mul3A_609 = arith.mulf %get3A_608, %get3A_564 : vector<16xf32>
        %mul3A_610 = vector.broadcast %squeeze3A_501 : f32 to vector<16xf32>
        %mul3A_611 = arith.mulf %get3A_568, %mul3A_610 : vector<16xf32>
        %add3A_612 = arith.addf %mul3A_609, %mul3A_611 : vector<16xf32>
        %swap3A_613 = arith.constant 2 : i32
        %swap3A_614 = arith.index_cast %scan3A_491 : i32 to index
        %swap3A_615 = arith.index_cast %swap3A_613 : i32 to index
        %swap3A_616 = arith.constant 16 : index
        %swap3A_617 = tpu.vector_load %arg11[%swap3A_614, %swap3A_615, %swap3A_616] {strides = array<i32>} : memref<80x3x32xf32, #tpu.memory_space<vmem>>, vector<1x1x16xf32>,
        %swap3A_618 = vector.shape_cast %swap3A_617 : vector<1x1x16xf32> to vector<16xf32>
        %swap3A_619 = vector.shape_cast %add3A_612 : vector<16xf32> to vector<1x1x16xf32>
        tpu.vector_store %arg11[%swap3A_614, %swap3A_615, %swap3A_616], %swap3A_619 {strides = array<i32>} : memref<80x3x32xf32, #tpu.memory_space<vmem>>, vector<1x1x16xf32>,
      }
      %scan3A_320 = arith.constant 80 : i32
      "tpu.region"() ({
        %run_scoped3A = tpu.sem_alloc : memref<!tpu.dma_semaphore, #tpu.memory_space<semaphore_mem>>
        %dma_start3A_365 = arith.constant 0 : i32
        %dma_start3A_366 = arith.constant 0 : i32
        %dma_start3A_367 = arith.constant 0 : i32
        %dma_start3A_368 = tpu.memref_slice %arg20[%dma_start3A_365, %dma_start3A_366, %dma_start3A_367] : memref<10000x3x32xf32, #tpu.memory_space<vmem_shared>> -> memref<10000x3x32xf32, #tpu.memory_space<vmem_shared>>
        tpu.enqueue_indirect_dma source(%arg11 : memref<80x3x32xf32, #tpu.memory_space<vmem>>) target(%dma_start3A_368 : memref<10000x3x32xf32, #tpu.memory_space<vmem_shared>>) offsets(%arg9 : memref<80xi32, #tpu.memory_space<vmem>>) semaphore(%run_scoped3A : memref<!tpu.dma_semaphore, #tpu.memory_space<semaphore_mem>>) {add = true}
        %dma_wait3A_369 = arith.constant 0 : i32
        %dma_wait3A_370 = arith.constant 0 : i32
        %dma_wait3A_371 = arith.constant 0 : i32
        %dma_wait3A_372 = tpu.memref_slice %arg20[%dma_wait3A_369, %dma_wait3A_370, %dma_wait3A_371] : memref<10000x3x32xf32, #tpu.memory_space<vmem_shared>> -> memref<10000x3x32xf32, #tpu.memory_space<vmem_shared>>
        tpu.wait_indirect_dma semaphore(%run_scoped3A : memref<!tpu.dma_semaphore, #tpu.memory_space<semaphore_mem>>) src(%arg11 : memref<80x3x32xf32, #tpu.memory_space<vmem>>) dst(%dma_wait3A_372 : memref<10000x3x32xf32, #tpu.memory_space<vmem_shared>>)
        tpu.yield
      }) : () -> ()
      %add3A_321 = arith.constant 2 : i32
      %add3A_322 = arith.addi %mul3A_278, %add3A_321 : i32
      %mul3A_323 = arith.constant 80 : i32
      %mul3A_324 = arith.muli %add3A_322, %mul3A_323 : i32
      %add3A_325 = arith.addi %mul3A_0, %mul3A_324 : i32
      %dma_start3A_326 = tpu.memref_slice %arg2[%add3A_325] : memref<160000xi32, #tpu.memory_space<hbm>> -> memref<80xi32, #tpu.memory_space<hbm>>
      %dma_start3A_327 = tpu.memref_slice %arg2[%add3A_325] : memref<160000xi32, #tpu.memory_space<hbm>> -> memref<80xi32, #tpu.memory_space<hbm>>
      tpu.enqueue_dma source(%dma_start3A_327 : memref<80xi32, #tpu.memory_space<hbm>>) target(%arg9 : memref<80xi32, #tpu.memory_space<vmem>>) target_semaphore(%arg21 : memref<!tpu.dma_semaphore, #tpu.memory_space<semaphore_mem>>)
      %dma_start3A_328 = arith.constant 0 : i32
      %dma_start3A_329 = tpu.memref_slice %arg4[%add3A_325, %dma_start3A_328, %add3A_8] : memref<160000x3x128xf32, #tpu.memory_space<hbm>> -> memref<80x3x32xf32, #tpu.memory_space<hbm>>
      %dma_start3A_330 = arith.constant 0 : i32
      %dma_start3A_331 = tpu.memref_slice %arg4[%add3A_325, %dma_start3A_330, %add3A_8] : memref<160000x3x128xf32, #tpu.memory_space<hbm>> -> memref<80x3x32xf32, #tpu.memory_space<hbm>>
      tpu.enqueue_dma source(%dma_start3A_331 : memref<80x3x32xf32, #tpu.memory_space<hbm>>) target(%arg11 : memref<80x3x32xf32, #tpu.memory_space<vmem>>) target_semaphore(%arg23 : memref<!tpu.dma_semaphore, #tpu.memory_space<semaphore_mem>>)
      %dma_start3A_332 = tpu.memref_slice %arg5[%add3A_325, %add3A_8] : memref<160000x128xf32, #tpu.memory_space<hbm>> -> memref<80x32xf32, #tpu.memory_space<hbm>>
      %dma_start3A_333 = tpu.memref_slice %arg5[%add3A_325, %add3A_8] : memref<160000x128xf32, #tpu.memory_space<hbm>> -> memref<80x32xf32, #tpu.memory_space<hbm>>
      tpu.enqueue_dma source(%dma_start3A_333 : memref<80x32xf32, #tpu.memory_space<hbm>>) target(%arg13 : memref<80x32xf32, #tpu.memory_space<vmem>>) target_semaphore(%arg25 : memref<!tpu.dma_semaphore, #tpu.memory_space<semaphore_mem>>)
      %dma_start3A_334 = tpu.memref_slice %arg6[%add3A_325, %add3A_8] : memref<160000x128xf32, #tpu.memory_space<hbm>> -> memref<80x32xf32, #tpu.memory_space<hbm>>
      %dma_start3A_335 = tpu.memref_slice %arg6[%add3A_325, %add3A_8] : memref<160000x128xf32, #tpu.memory_space<hbm>> -> memref<80x32xf32, #tpu.memory_space<hbm>>
      tpu.enqueue_dma source(%dma_start3A_335 : memref<80x32xf32, #tpu.memory_space<hbm>>) target(%arg15 : memref<80x32xf32, #tpu.memory_space<vmem>>) target_semaphore(%arg27 : memref<!tpu.dma_semaphore, #tpu.memory_space<semaphore_mem>>)
      %dma_start3A_336 = arith.constant 0 : i32
      %dma_start3A_337 = tpu.memref_slice %arg7[%add3A_325, %dma_start3A_336] : memref<160000x16xf32, #tpu.memory_space<hbm>> -> memref<80x16xf32, #tpu.memory_space<hbm>>
      %dma_start3A_338 = arith.constant 0 : i32
      %dma_start3A_339 = tpu.memref_slice %arg7[%add3A_325, %dma_start3A_338] : memref<160000x16xf32, #tpu.memory_space<hbm>> -> memref<80x16xf32, #tpu.memory_space<hbm>>
      tpu.enqueue_dma source(%dma_start3A_339 : memref<80x16xf32, #tpu.memory_space<hbm>>) target(%arg17 : memref<80x16xf32, #tpu.memory_space<vmem>>) target_semaphore(%arg29 : memref<!tpu.dma_semaphore, #tpu.memory_space<semaphore_mem>>)
      %add3A_340 = arith.constant 1 : i32
      %add3A_341 = arith.addi %mul3A_278, %add3A_340 : i32
      %mul3A_342 = arith.constant 80 : i32
      %mul3A_343 = arith.muli %add3A_341, %mul3A_342 : i32
      %add3A_344 = arith.addi %mul3A_0, %mul3A_343 : i32
      %dma_wait3A_345 = tpu.memref_slice %arg2[%add3A_344] : memref<160000xi32, #tpu.memory_space<hbm>> -> memref<80xi32, #tpu.memory_space<hbm>>
      %dma_wait3A_346 = tpu.memref_slice %arg2[%add3A_344] : memref<160000xi32, #tpu.memory_space<hbm>> -> memref<80xi32, #tpu.memory_space<hbm>>
      tpu.wait_dma2 semaphore(%arg22 : memref<!tpu.dma_semaphore, #tpu.memory_space<semaphore_mem>>) src(%dma_wait3A_346 : memref<80xi32, #tpu.memory_space<hbm>>) dst(%arg10 : memref<80xi32, #tpu.memory_space<vmem>>)
      %dma_wait3A_347 = arith.constant 0 : i32
      %dma_wait3A_348 = tpu.memref_slice %arg4[%add3A_344, %dma_wait3A_347, %add3A_8] : memref<160000x3x128xf32, #tpu.memory_space<hbm>> -> memref<80x3x32xf32, #tpu.memory_space<hbm>>
      %dma_wait3A_349 = arith.constant 0 : i32
      %dma_wait3A_350 = tpu.memref_slice %arg4[%add3A_344, %dma_wait3A_349, %add3A_8] : memref<160000x3x128xf32, #tpu.memory_space<hbm>> -> memref<80x3x32xf32, #tpu.memory_space<hbm>>
      tpu.wait_dma2 semaphore(%arg24 : memref<!tpu.dma_semaphore, #tpu.memory_space<semaphore_mem>>) src(%dma_wait3A_350 : memref<80x3x32xf32, #tpu.memory_space<hbm>>) dst(%arg12 : memref<80x3x32xf32, #tpu.memory_space<vmem>>)
      %dma_wait3A_351 = tpu.memref_slice %arg5[%add3A_344, %add3A_8] : memref<160000x128xf32, #tpu.memory_space<hbm>> -> memref<80x32xf32, #tpu.memory_space<hbm>>
      %dma_wait3A_352 = tpu.memref_slice %arg5[%add3A_344, %add3A_8] : memref<160000x128xf32, #tpu.memory_space<hbm>> -> memref<80x32xf32, #tpu.memory_space<hbm>>
      tpu.wait_dma2 semaphore(%arg26 : memref<!tpu.dma_semaphore, #tpu.memory_space<semaphore_mem>>) src(%dma_wait3A_352 : memref<80x32xf32, #tpu.memory_space<hbm>>) dst(%arg14 : memref<80x32xf32, #tpu.memory_space<vmem>>)
      %dma_wait3A_353 = tpu.memref_slice %arg6[%add3A_344, %add3A_8] : memref<160000x128xf32, #tpu.memory_space<hbm>> -> memref<80x32xf32, #tpu.memory_space<hbm>>
      %dma_wait3A_354 = tpu.memref_slice %arg6[%add3A_344, %add3A_8] : memref<160000x128xf32, #tpu.memory_space<hbm>> -> memref<80x32xf32, #tpu.memory_space<hbm>>
      tpu.wait_dma2 semaphore(%arg28 : memref<!tpu.dma_semaphore, #tpu.memory_space<semaphore_mem>>) src(%dma_wait3A_354 : memref<80x32xf32, #tpu.memory_space<hbm>>) dst(%arg16 : memref<80x32xf32, #tpu.memory_space<vmem>>)
      %dma_wait3A_355 = arith.constant 0 : i32
      %dma_wait3A_356 = tpu.memref_slice %arg7[%add3A_344, %dma_wait3A_355] : memref<160000x16xf32, #tpu.memory_space<hbm>> -> memref<80x16xf32, #tpu.memory_space<hbm>>
      %dma_wait3A_357 = arith.constant 0 : i32
      %dma_wait3A_358 = tpu.memref_slice %arg7[%add3A_344, %dma_wait3A_357] : memref<160000x16xf32, #tpu.memory_space<hbm>> -> memref<80x16xf32, #tpu.memory_space<hbm>>
      tpu.wait_dma2 semaphore(%arg30 : memref<!tpu.dma_semaphore, #tpu.memory_space<semaphore_mem>>) src(%dma_wait3A_358 : memref<80x16xf32, #tpu.memory_space<hbm>>) dst(%arg18 : memref<80x16xf32, #tpu.memory_space<vmem>>)
      %scan3A_359 = arith.constant 0 : i32
      %scan3A_360 = arith.constant 0 : i32
      %scan3A_361 = arith.constant 80 : i32
      %scan3A_362 = arith.addi %scan3A_360, %scan3A_361 : i32
      %scan3A_363 = arith.constant 2 : i32
      scf.for %scan3A_365 = %scan3A_360 to %scan3A_362 step %scan3A_363  : i32 {
        %get3A = arith.index_cast %scan3A_365 : i32 to index
        %get3A_366 = arith.constant 0 : index
        %get3A_367 = tpu.vector_load %arg18[%get3A, %get3A_366] {strides = array<i32>} : memref<80x16xf32, #tpu.memory_space<vmem>>, vector<1x16xf32>,
        %get3A_368 = vector.shape_cast %get3A_367 : vector<1x16xf32> to vector<16xf32>
        %slice3A = vector.extract_strided_slice %get3A_368 {offsets = [0], sizes = [1], strides = [1]} : vector<16xf32> to vector<1xf32>
        %squeeze3A = vector.extract %slice3A[0] : f32 from vector<1xf32>
        %slice3A_369 = vector.extract_strided_slice %get3A_368 {offsets = [1], sizes = [1], strides = [1]} : vector<16xf32> to vector<1xf32>
        %squeeze3A_370 = vector.extract %slice3A_369[0] : f32 from vector<1xf32>
        %slice3A_371 = vector.extract_strided_slice %get3A_368 {offsets = [2], sizes = [1], strides = [1]} : vector<16xf32> to vector<1xf32>
        %squeeze3A_372 = vector.extract %slice3A_371[0] : f32 from vector<1xf32>
        %get3A_373 = arith.index_cast %scan3A_365 : i32 to index
        %get3A_374 = arith.constant 0 : index
        %get3A_375 = tpu.vector_load %arg14[%get3A_373, %get3A_374] {strides = array<i32>} : memref<80x32xf32, #tpu.memory_space<vmem>>, vector<1x16xf32>,
        %get3A_376 = vector.shape_cast %get3A_375 : vector<1x16xf32> to vector<16xf32>
        %get3A_377 = arith.index_cast %scan3A_365 : i32 to index
        %get3A_378 = arith.constant 0 : index
        %get3A_379 = tpu.vector_load %arg16[%get3A_377, %get3A_378] {strides = array<i32>} : memref<80x32xf32, #tpu.memory_space<vmem>>, vector<1x16xf32>,
        %get3A_380 = vector.shape_cast %get3A_379 : vector<1x16xf32> to vector<16xf32>
        %get3A_381 = arith.constant 0 : i32
        %get3A_382 = arith.index_cast %scan3A_365 : i32 to index
        %get3A_383 = arith.index_cast %get3A_381 : i32 to index
        %get3A_384 = arith.constant 0 : index
        %get3A_385 = tpu.vector_load %arg12[%get3A_382, %get3A_383, %get3A_384] {strides = array<i32>} : memref<80x3x32xf32, #tpu.memory_space<vmem>>, vector<1x1x16xf32>,
        %get3A_386 = vector.shape_cast %get3A_385 : vector<1x1x16xf32> to vector<16xf32>
        %mul3A_387 = arith.mulf %get3A_386, %get3A_376 : vector<16xf32>
        %mul3A_388 = vector.broadcast %squeeze3A : f32 to vector<16xf32>
        %mul3A_389 = arith.mulf %get3A_380, %mul3A_388 : vector<16xf32>
        %add3A_390 = arith.addf %mul3A_387, %mul3A_389 : vector<16xf32>
        %swap3A = arith.constant 0 : i32
        %swap3A_391 = arith.index_cast %scan3A_365 : i32 to index
        %swap3A_392 = arith.index_cast %swap3A : i32 to index
        %swap3A_393 = arith.constant 0 : index
        %swap3A_394 = tpu.vector_load %arg12[%swap3A_391, %swap3A_392, %swap3A_393] {strides = array<i32>} : memref<80x3x32xf32, #tpu.memory_space<vmem>>, vector<1x1x16xf32>,
        %swap3A_395 = vector.shape_cast %swap3A_394 : vector<1x1x16xf32> to vector<16xf32>
        %swap3A_396 = vector.shape_cast %add3A_390 : vector<16xf32> to vector<1x1x16xf32>
        tpu.vector_store %arg12[%swap3A_391, %swap3A_392, %swap3A_393], %swap3A_396 {strides = array<i32>} : memref<80x3x32xf32, #tpu.memory_space<vmem>>, vector<1x1x16xf32>,
        %get3A_397 = arith.constant 1 : i32
        %get3A_398 = arith.index_cast %scan3A_365 : i32 to index
        %get3A_399 = arith.index_cast %get3A_397 : i32 to index
        %get3A_400 = arith.constant 0 : index
        %get3A_401 = tpu.vector_load %arg12[%get3A_398, %get3A_399, %get3A_400] {strides = array<i32>} : memref<80x3x32xf32, #tpu.memory_space<vmem>>, vector<1x1x16xf32>,
        %get3A_402 = vector.shape_cast %get3A_401 : vector<1x1x16xf32> to vector<16xf32>
        %mul3A_403 = arith.mulf %get3A_402, %get3A_376 : vector<16xf32>
        %mul3A_404 = vector.broadcast %squeeze3A_370 : f32 to vector<16xf32>
        %mul3A_405 = arith.mulf %get3A_380, %mul3A_404 : vector<16xf32>
        %add3A_406 = arith.addf %mul3A_403, %mul3A_405 : vector<16xf32>
        %swap3A_407 = arith.constant 1 : i32
        %swap3A_408 = arith.index_cast %scan3A_365 : i32 to index
        %swap3A_409 = arith.index_cast %swap3A_407 : i32 to index
        %swap3A_410 = arith.constant 0 : index
        %swap3A_411 = tpu.vector_load %arg12[%swap3A_408, %swap3A_409, %swap3A_410] {strides = array<i32>} : memref<80x3x32xf32, #tpu.memory_space<vmem>>, vector<1x1x16xf32>,
        %swap3A_412 = vector.shape_cast %swap3A_411 : vector<1x1x16xf32> to vector<16xf32>
        %swap3A_413 = vector.shape_cast %add3A_406 : vector<16xf32> to vector<1x1x16xf32>
        tpu.vector_store %arg12[%swap3A_408, %swap3A_409, %swap3A_410], %swap3A_413 {strides = array<i32>} : memref<80x3x32xf32, #tpu.memory_space<vmem>>, vector<1x1x16xf32>,
        %get3A_414 = arith.constant 2 : i32
        %get3A_415 = arith.index_cast %scan3A_365 : i32 to index
        %get3A_416 = arith.index_cast %get3A_414 : i32 to index
        %get3A_417 = arith.constant 0 : index
        %get3A_418 = tpu.vector_load %arg12[%get3A_415, %get3A_416, %get3A_417] {strides = array<i32>} : memref<80x3x32xf32, #tpu.memory_space<vmem>>, vector<1x1x16xf32>,
        %get3A_419 = vector.shape_cast %get3A_418 : vector<1x1x16xf32> to vector<16xf32>
        %mul3A_420 = arith.mulf %get3A_419, %get3A_376 : vector<16xf32>
        %mul3A_421 = vector.broadcast %squeeze3A_372 : f32 to vector<16xf32>
        %mul3A_422 = arith.mulf %get3A_380, %mul3A_421 : vector<16xf32>
        %add3A_423 = arith.addf %mul3A_420, %mul3A_422 : vector<16xf32>
        %swap3A_424 = arith.constant 2 : i32
        %swap3A_425 = arith.index_cast %scan3A_365 : i32 to index
        %swap3A_426 = arith.index_cast %swap3A_424 : i32 to index
        %swap3A_427 = arith.constant 0 : index
        %swap3A_428 = tpu.vector_load %arg12[%swap3A_425, %swap3A_426, %swap3A_427] {strides = array<i32>} : memref<80x3x32xf32, #tpu.memory_space<vmem>>, vector<1x1x16xf32>,
        %swap3A_429 = vector.shape_cast %swap3A_428 : vector<1x1x16xf32> to vector<16xf32>
        %swap3A_430 = vector.shape_cast %add3A_423 : vector<16xf32> to vector<1x1x16xf32>
        tpu.vector_store %arg12[%swap3A_425, %swap3A_426, %swap3A_427], %swap3A_430 {strides = array<i32>} : memref<80x3x32xf32, #tpu.memory_space<vmem>>, vector<1x1x16xf32>,
        %get3A_431 = arith.index_cast %scan3A_365 : i32 to index
        %get3A_432 = arith.constant 16 : index
        %get3A_433 = tpu.vector_load %arg14[%get3A_431, %get3A_432] {strides = array<i32>} : memref<80x32xf32, #tpu.memory_space<vmem>>, vector<1x16xf32>,
        %get3A_434 = vector.shape_cast %get3A_433 : vector<1x16xf32> to vector<16xf32>
        %get3A_435 = arith.index_cast %scan3A_365 : i32 to index
        %get3A_436 = arith.constant 16 : index
        %get3A_437 = tpu.vector_load %arg16[%get3A_435, %get3A_436] {strides = array<i32>} : memref<80x32xf32, #tpu.memory_space<vmem>>, vector<1x16xf32>,
        %get3A_438 = vector.shape_cast %get3A_437 : vector<1x16xf32> to vector<16xf32>
        %get3A_439 = arith.constant 0 : i32
        %get3A_440 = arith.index_cast %scan3A_365 : i32 to index
        %get3A_441 = arith.index_cast %get3A_439 : i32 to index
        %get3A_442 = arith.constant 16 : index
        %get3A_443 = tpu.vector_load %arg12[%get3A_440, %get3A_441, %get3A_442] {strides = array<i32>} : memref<80x3x32xf32, #tpu.memory_space<vmem>>, vector<1x1x16xf32>,
        %get3A_444 = vector.shape_cast %get3A_443 : vector<1x1x16xf32> to vector<16xf32>
        %mul3A_445 = arith.mulf %get3A_444, %get3A_434 : vector<16xf32>
        %mul3A_446 = vector.broadcast %squeeze3A : f32 to vector<16xf32>
        %mul3A_447 = arith.mulf %get3A_438, %mul3A_446 : vector<16xf32>
        %add3A_448 = arith.addf %mul3A_445, %mul3A_447 : vector<16xf32>
        %swap3A_449 = arith.constant 0 : i32
        %swap3A_450 = arith.index_cast %scan3A_365 : i32 to index
        %swap3A_451 = arith.index_cast %swap3A_449 : i32 to index
        %swap3A_452 = arith.constant 16 : index
        %swap3A_453 = tpu.vector_load %arg12[%swap3A_450, %swap3A_451, %swap3A_452] {strides = array<i32>} : memref<80x3x32xf32, #tpu.memory_space<vmem>>, vector<1x1x16xf32>,
        %swap3A_454 = vector.shape_cast %swap3A_453 : vector<1x1x16xf32> to vector<16xf32>
        %swap3A_455 = vector.shape_cast %add3A_448 : vector<16xf32> to vector<1x1x16xf32>
        tpu.vector_store %arg12[%swap3A_450, %swap3A_451, %swap3A_452], %swap3A_455 {strides = array<i32>} : memref<80x3x32xf32, #tpu.memory_space<vmem>>, vector<1x1x16xf32>,
        %get3A_456 = arith.constant 1 : i32
        %get3A_457 = arith.index_cast %scan3A_365 : i32 to index
        %get3A_458 = arith.index_cast %get3A_456 : i32 to index
        %get3A_459 = arith.constant 16 : index
        %get3A_460 = tpu.vector_load %arg12[%get3A_457, %get3A_458, %get3A_459] {strides = array<i32>} : memref<80x3x32xf32, #tpu.memory_space<vmem>>, vector<1x1x16xf32>,
        %get3A_461 = vector.shape_cast %get3A_460 : vector<1x1x16xf32> to vector<16xf32>
        %mul3A_462 = arith.mulf %get3A_461, %get3A_434 : vector<16xf32>
        %mul3A_463 = vector.broadcast %squeeze3A_370 : f32 to vector<16xf32>
        %mul3A_464 = arith.mulf %get3A_438, %mul3A_463 : vector<16xf32>
        %add3A_465 = arith.addf %mul3A_462, %mul3A_464 : vector<16xf32>
        %swap3A_466 = arith.constant 1 : i32
        %swap3A_467 = arith.index_cast %scan3A_365 : i32 to index
        %swap3A_468 = arith.index_cast %swap3A_466 : i32 to index
        %swap3A_469 = arith.constant 16 : index
        %swap3A_470 = tpu.vector_load %arg12[%swap3A_467, %swap3A_468, %swap3A_469] {strides = array<i32>} : memref<80x3x32xf32, #tpu.memory_space<vmem>>, vector<1x1x16xf32>,
        %swap3A_471 = vector.shape_cast %swap3A_470 : vector<1x1x16xf32> to vector<16xf32>
        %swap3A_472 = vector.shape_cast %add3A_465 : vector<16xf32> to vector<1x1x16xf32>
        tpu.vector_store %arg12[%swap3A_467, %swap3A_468, %swap3A_469], %swap3A_472 {strides = array<i32>} : memref<80x3x32xf32, #tpu.memory_space<vmem>>, vector<1x1x16xf32>,
        %get3A_473 = arith.constant 2 : i32
        %get3A_474 = arith.index_cast %scan3A_365 : i32 to index
        %get3A_475 = arith.index_cast %get3A_473 : i32 to index
        %get3A_476 = arith.constant 16 : index
        %get3A_477 = tpu.vector_load %arg12[%get3A_474, %get3A_475, %get3A_476] {strides = array<i32>} : memref<80x3x32xf32, #tpu.memory_space<vmem>>, vector<1x1x16xf32>,
        %get3A_478 = vector.shape_cast %get3A_477 : vector<1x1x16xf32> to vector<16xf32>
        %mul3A_479 = arith.mulf %get3A_478, %get3A_434 : vector<16xf32>
        %mul3A_480 = vector.broadcast %squeeze3A_372 : f32 to vector<16xf32>
        %mul3A_481 = arith.mulf %get3A_438, %mul3A_480 : vector<16xf32>
        %add3A_482 = arith.addf %mul3A_479, %mul3A_481 : vector<16xf32>
        %swap3A_483 = arith.constant 2 : i32
        %swap3A_484 = arith.index_cast %scan3A_365 : i32 to index
        %swap3A_485 = arith.index_cast %swap3A_483 : i32 to index
        %swap3A_486 = arith.constant 16 : index
        %swap3A_487 = tpu.vector_load %arg12[%swap3A_484, %swap3A_485, %swap3A_486] {strides = array<i32>} : memref<80x3x32xf32, #tpu.memory_space<vmem>>, vector<1x1x16xf32>,
        %swap3A_488 = vector.shape_cast %swap3A_487 : vector<1x1x16xf32> to vector<16xf32>
        %swap3A_489 = vector.shape_cast %add3A_482 : vector<16xf32> to vector<1x1x16xf32>
        tpu.vector_store %arg12[%swap3A_484, %swap3A_485, %swap3A_486], %swap3A_489 {strides = array<i32>} : memref<80x3x32xf32, #tpu.memory_space<vmem>>, vector<1x1x16xf32>,
        %scan3A_490 = arith.constant 1 : i32
        %scan3A_491 = arith.addi %scan3A_365, %scan3A_490 : i32
        %get3A_492 = arith.index_cast %scan3A_491 : i32 to index
        %get3A_493 = arith.constant 0 : index
        %get3A_494 = tpu.vector_load %arg18[%get3A_492, %get3A_493] {strides = array<i32>} : memref<80x16xf32, #tpu.memory_space<vmem>>, vector<1x16xf32>,
        %get3A_495 = vector.shape_cast %get3A_494 : vector<1x16xf32> to vector<16xf32>
        %slice3A_496 = vector.extract_strided_slice %get3A_495 {offsets = [0], sizes = [1], strides = [1]} : vector<16xf32> to vector<1xf32>
        %squeeze3A_497 = vector.extract %slice3A_496[0] : f32 from vector<1xf32>
        %slice3A_498 = vector.extract_strided_slice %get3A_495 {offsets = [1], sizes = [1], strides = [1]} : vector<16xf32> to vector<1xf32>
        %squeeze3A_499 = vector.extract %slice3A_498[0] : f32 from vector<1xf32>
        %slice3A_500 = vector.extract_strided_slice %get3A_495 {offsets = [2], sizes = [1], strides = [1]} : vector<16xf32> to vector<1xf32>
        %squeeze3A_501 = vector.extract %slice3A_500[0] : f32 from vector<1xf32>
        %get3A_502 = arith.index_cast %scan3A_491 : i32 to index
        %get3A_503 = arith.constant 0 : index
        %get3A_504 = tpu.vector_load %arg14[%get3A_502, %get3A_503] {strides = array<i32>} : memref<80x32xf32, #tpu.memory_space<vmem>>, vector<1x16xf32>,
        %get3A_505 = vector.shape_cast %get3A_504 : vector<1x16xf32> to vector<16xf32>
        %get3A_506 = arith.index_cast %scan3A_491 : i32 to index
        %get3A_507 = arith.constant 0 : index
        %get3A_508 = tpu.vector_load %arg16[%get3A_506, %get3A_507] {strides = array<i32>} : memref<80x32xf32, #tpu.memory_space<vmem>>, vector<1x16xf32>,
        %get3A_509 = vector.shape_cast %get3A_508 : vector<1x16xf32> to vector<16xf32>
        %get3A_510 = arith.constant 0 : i32
        %get3A_511 = arith.index_cast %scan3A_491 : i32 to index
        %get3A_512 = arith.index_cast %get3A_510 : i32 to index
        %get3A_513 = arith.constant 0 : index
        %get3A_514 = tpu.vector_load %arg12[%get3A_511, %get3A_512, %get3A_513] {strides = array<i32>} : memref<80x3x32xf32, #tpu.memory_space<vmem>>, vector<1x1x16xf32>,
        %get3A_515 = vector.shape_cast %get3A_514 : vector<1x1x16xf32> to vector<16xf32>
        %mul3A_516 = arith.mulf %get3A_515, %get3A_505 : vector<16xf32>
        %mul3A_517 = vector.broadcast %squeeze3A_497 : f32 to vector<16xf32>
        %mul3A_518 = arith.mulf %get3A_509, %mul3A_517 : vector<16xf32>
        %add3A_519 = arith.addf %mul3A_516, %mul3A_518 : vector<16xf32>
        %swap3A_520 = arith.constant 0 : i32
        %swap3A_521 = arith.index_cast %scan3A_491 : i32 to index
        %swap3A_522 = arith.index_cast %swap3A_520 : i32 to index
        %swap3A_523 = arith.constant 0 : index
        %swap3A_524 = tpu.vector_load %arg12[%swap3A_521, %swap3A_522, %swap3A_523] {strides = array<i32>} : memref<80x3x32xf32, #tpu.memory_space<vmem>>, vector<1x1x16xf32>,
        %swap3A_525 = vector.shape_cast %swap3A_524 : vector<1x1x16xf32> to vector<16xf32>
        %swap3A_526 = vector.shape_cast %add3A_519 : vector<16xf32> to vector<1x1x16xf32>
        tpu.vector_store %arg12[%swap3A_521, %swap3A_522, %swap3A_523], %swap3A_526 {strides = array<i32>} : memref<80x3x32xf32, #tpu.memory_space<vmem>>, vector<1x1x16xf32>,
        %get3A_527 = arith.constant 1 : i32
        %get3A_528 = arith.index_cast %scan3A_491 : i32 to index
        %get3A_529 = arith.index_cast %get3A_527 : i32 to index
        %get3A_530 = arith.constant 0 : index
        %get3A_531 = tpu.vector_load %arg12[%get3A_528, %get3A_529, %get3A_530] {strides = array<i32>} : memref<80x3x32xf32, #tpu.memory_space<vmem>>, vector<1x1x16xf32>,
        %get3A_532 = vector.shape_cast %get3A_531 : vector<1x1x16xf32> to vector<16xf32>
        %mul3A_533 = arith.mulf %get3A_532, %get3A_505 : vector<16xf32>
        %mul3A_534 = vector.broadcast %squeeze3A_499 : f32 to vector<16xf32>
        %mul3A_535 = arith.mulf %get3A_509, %mul3A_534 : vector<16xf32>
        %add3A_536 = arith.addf %mul3A_533, %mul3A_535 : vector<16xf32>
        %swap3A_537 = arith.constant 1 : i32
        %swap3A_538 = arith.index_cast %scan3A_491 : i32 to index
        %swap3A_539 = arith.index_cast %swap3A_537 : i32 to index
        %swap3A_540 = arith.constant 0 : index
        %swap3A_541 = tpu.vector_load %arg12[%swap3A_538, %swap3A_539, %swap3A_540] {strides = array<i32>} : memref<80x3x32xf32, #tpu.memory_space<vmem>>, vector<1x1x16xf32>,
        %swap3A_542 = vector.shape_cast %swap3A_541 : vector<1x1x16xf32> to vector<16xf32>
        %swap3A_543 = vector.shape_cast %add3A_536 : vector<16xf32> to vector<1x1x16xf32>
        tpu.vector_store %arg12[%swap3A_538, %swap3A_539, %swap3A_540], %swap3A_543 {strides = array<i32>} : memref<80x3x32xf32, #tpu.memory_space<vmem>>, vector<1x1x16xf32>,
        %get3A_544 = arith.constant 2 : i32
        %get3A_545 = arith.index_cast %scan3A_491 : i32 to index
        %get3A_546 = arith.index_cast %get3A_544 : i32 to index
        %get3A_547 = arith.constant 0 : index
        %get3A_548 = tpu.vector_load %arg12[%get3A_545, %get3A_546, %get3A_547] {strides = array<i32>} : memref<80x3x32xf32, #tpu.memory_space<vmem>>, vector<1x1x16xf32>,
        %get3A_549 = vector.shape_cast %get3A_548 : vector<1x1x16xf32> to vector<16xf32>
        %mul3A_550 = arith.mulf %get3A_549, %get3A_505 : vector<16xf32>
        %mul3A_551 = vector.broadcast %squeeze3A_501 : f32 to vector<16xf32>
        %mul3A_552 = arith.mulf %get3A_509, %mul3A_551 : vector<16xf32>
        %add3A_553 = arith.addf %mul3A_550, %mul3A_552 : vector<16xf32>
        %swap3A_554 = arith.constant 2 : i32
        %swap3A_555 = arith.index_cast %scan3A_491 : i32 to index
        %swap3A_556 = arith.index_cast %swap3A_554 : i32 to index
        %swap3A_557 = arith.constant 0 : index
        %swap3A_558 = tpu.vector_load %arg12[%swap3A_555, %swap3A_556, %swap3A_557] {strides = array<i32>} : memref<80x3x32xf32, #tpu.memory_space<vmem>>, vector<1x1x16xf32>,
        %swap3A_559 = vector.shape_cast %swap3A_558 : vector<1x1x16xf32> to vector<16xf32>
        %swap3A_560 = vector.shape_cast %add3A_553 : vector<16xf32> to vector<1x1x16xf32>
        tpu.vector_store %arg12[%swap3A_555, %swap3A_556, %swap3A_557], %swap3A_560 {strides = array<i32>} : memref<80x3x32xf32, #tpu.memory_space<vmem>>, vector<1x1x16xf32>,
        %get3A_561 = arith.index_cast %scan3A_491 : i32 to index
        %get3A_562 = arith.constant 16 : index
        %get3A_563 = tpu.vector_load %arg14[%get3A_561, %get3A_562] {strides = array<i32>} : memref<80x32xf32, #tpu.memory_space<vmem>>, vector<1x16xf32>,
        %get3A_564 = vector.shape_cast %get3A_563 : vector<1x16xf32> to vector<16xf32>
        %get3A_565 = arith.index_cast %scan3A_491 : i32 to index
        %get3A_566 = arith.constant 16 : index
        %get3A_567 = tpu.vector_load %arg16[%get3A_565, %get3A_566] {strides = array<i32>} : memref<80x32xf32, #tpu.memory_space<vmem>>, vector<1x16xf32>,
        %get3A_568 = vector.shape_cast %get3A_567 : vector<1x16xf32> to vector<16xf32>
        %get3A_569 = arith.constant 0 : i32
        %get3A_570 = arith.index_cast %scan3A_491 : i32 to index
        %get3A_571 = arith.index_cast %get3A_569 : i32 to index
        %get3A_572 = arith.constant 16 : index
        %get3A_573 = tpu.vector_load %arg12[%get3A_570, %get3A_571, %get3A_572] {strides = array<i32>} : memref<80x3x32xf32, #tpu.memory_space<vmem>>, vector<1x1x16xf32>,
        %get3A_574 = vector.shape_cast %get3A_573 : vector<1x1x16xf32> to vector<16xf32>
        %mul3A_575 = arith.mulf %get3A_574, %get3A_564 : vector<16xf32>
        %mul3A_576 = vector.broadcast %squeeze3A_497 : f32 to vector<16xf32>
        %mul3A_577 = arith.mulf %get3A_568, %mul3A_576 : vector<16xf32>
        %add3A_578 = arith.addf %mul3A_575, %mul3A_577 : vector<16xf32>
        %swap3A_579 = arith.constant 0 : i32
        %swap3A_580 = arith.index_cast %scan3A_491 : i32 to index
        %swap3A_581 = arith.index_cast %swap3A_579 : i32 to index
        %swap3A_582 = arith.constant 16 : index
        %swap3A_583 = tpu.vector_load %arg12[%swap3A_580, %swap3A_581, %swap3A_582] {strides = array<i32>} : memref<80x3x32xf32, #tpu.memory_space<vmem>>, vector<1x1x16xf32>,
        %swap3A_584 = vector.shape_cast %swap3A_583 : vector<1x1x16xf32> to vector<16xf32>
        %swap3A_585 = vector.shape_cast %add3A_578 : vector<16xf32> to vector<1x1x16xf32>
        tpu.vector_store %arg12[%swap3A_580, %swap3A_581, %swap3A_582], %swap3A_585 {strides = array<i32>} : memref<80x3x32xf32, #tpu.memory_space<vmem>>, vector<1x1x16xf32>,
        %get3A_586 = arith.constant 1 : i32
        %get3A_587 = arith.index_cast %scan3A_491 : i32 to index
        %get3A_588 = arith.index_cast %get3A_586 : i32 to index
        %get3A_589 = arith.constant 16 : index
        %get3A_590 = tpu.vector_load %arg12[%get3A_587, %get3A_588, %get3A_589] {strides = array<i32>} : memref<80x3x32xf32, #tpu.memory_space<vmem>>, vector<1x1x16xf32>,
        %get3A_591 = vector.shape_cast %get3A_590 : vector<1x1x16xf32> to vector<16xf32>
        %mul3A_592 = arith.mulf %get3A_591, %get3A_564 : vector<16xf32>
        %mul3A_593 = vector.broadcast %squeeze3A_499 : f32 to vector<16xf32>
        %mul3A_594 = arith.mulf %get3A_568, %mul3A_593 : vector<16xf32>
        %add3A_595 = arith.addf %mul3A_592, %mul3A_594 : vector<16xf32>
        %swap3A_596 = arith.constant 1 : i32
        %swap3A_597 = arith.index_cast %scan3A_491 : i32 to index
        %swap3A_598 = arith.index_cast %swap3A_596 : i32 to index
        %swap3A_599 = arith.constant 16 : index
        %swap3A_600 = tpu.vector_load %arg12[%swap3A_597, %swap3A_598, %swap3A_599] {strides = array<i32>} : memref<80x3x32xf32, #tpu.memory_space<vmem>>, vector<1x1x16xf32>,
        %swap3A_601 = vector.shape_cast %swap3A_600 : vector<1x1x16xf32> to vector<16xf32>
        %swap3A_602 = vector.shape_cast %add3A_595 : vector<16xf32> to vector<1x1x16xf32>
        tpu.vector_store %arg12[%swap3A_597, %swap3A_598, %swap3A_599], %swap3A_602 {strides = array<i32>} : memref<80x3x32xf32, #tpu.memory_space<vmem>>, vector<1x1x16xf32>,
        %get3A_603 = arith.constant 2 : i32
        %get3A_604 = arith.index_cast %scan3A_491 : i32 to index
        %get3A_605 = arith.index_cast %get3A_603 : i32 to index
        %get3A_606 = arith.constant 16 : index
        %get3A_607 = tpu.vector_load %arg12[%get3A_604, %get3A_605, %get3A_606] {strides = array<i32>} : memref<80x3x32xf32, #tpu.memory_space<vmem>>, vector<1x1x16xf32>,
        %get3A_608 = vector.shape_cast %get3A_607 : vector<1x1x16xf32> to vector<16xf32>
        %mul3A_609 = arith.mulf %get3A_608, %get3A_564 : vector<16xf32>
        %mul3A_610 = vector.broadcast %squeeze3A_501 : f32 to vector<16xf32>
        %mul3A_611 = arith.mulf %get3A_568, %mul3A_610 : vector<16xf32>
        %add3A_612 = arith.addf %mul3A_609, %mul3A_611 : vector<16xf32>
        %swap3A_613 = arith.constant 2 : i32
        %swap3A_614 = arith.index_cast %scan3A_491 : i32 to index
        %swap3A_615 = arith.index_cast %swap3A_613 : i32 to index
        %swap3A_616 = arith.constant 16 : index
        %swap3A_617 = tpu.vector_load %arg12[%swap3A_614, %swap3A_615, %swap3A_616] {strides = array<i32>} : memref<80x3x32xf32, #tpu.memory_space<vmem>>, vector<1x1x16xf32>,
        %swap3A_618 = vector.shape_cast %swap3A_617 : vector<1x1x16xf32> to vector<16xf32>
        %swap3A_619 = vector.shape_cast %add3A_612 : vector<16xf32> to vector<1x1x16xf32>
        tpu.vector_store %arg12[%swap3A_614, %swap3A_615, %swap3A_616], %swap3A_619 {strides = array<i32>} : memref<80x3x32xf32, #tpu.memory_space<vmem>>, vector<1x1x16xf32>,
      }
      %scan3A_364 = arith.constant 80 : i32
      "tpu.region"() ({
        %run_scoped3A = tpu.sem_alloc : memref<!tpu.dma_semaphore, #tpu.memory_space<semaphore_mem>>
        %dma_start3A_365 = arith.constant 0 : i32
        %dma_start3A_366 = arith.constant 0 : i32
        %dma_start3A_367 = arith.constant 0 : i32
        %dma_start3A_368 = tpu.memref_slice %arg20[%dma_start3A_365, %dma_start3A_366, %dma_start3A_367] : memref<10000x3x32xf32, #tpu.memory_space<vmem_shared>> -> memref<10000x3x32xf32, #tpu.memory_space<vmem_shared>>
        tpu.enqueue_indirect_dma source(%arg12 : memref<80x3x32xf32, #tpu.memory_space<vmem>>) target(%dma_start3A_368 : memref<10000x3x32xf32, #tpu.memory_space<vmem_shared>>) offsets(%arg10 : memref<80xi32, #tpu.memory_space<vmem>>) semaphore(%run_scoped3A : memref<!tpu.dma_semaphore, #tpu.memory_space<semaphore_mem>>) {add = true}
        %dma_wait3A_369 = arith.constant 0 : i32
        %dma_wait3A_370 = arith.constant 0 : i32
        %dma_wait3A_371 = arith.constant 0 : i32
        %dma_wait3A_372 = tpu.memref_slice %arg20[%dma_wait3A_369, %dma_wait3A_370, %dma_wait3A_371] : memref<10000x3x32xf32, #tpu.memory_space<vmem_shared>> -> memref<10000x3x32xf32, #tpu.memory_space<vmem_shared>>
        tpu.wait_indirect_dma semaphore(%run_scoped3A : memref<!tpu.dma_semaphore, #tpu.memory_space<semaphore_mem>>) src(%arg12 : memref<80x3x32xf32, #tpu.memory_space<vmem>>) dst(%dma_wait3A_372 : memref<10000x3x32xf32, #tpu.memory_space<vmem_shared>>)
        tpu.yield
      }) : () -> ()
    }
    %scan3A_49 = arith.constant 62 : i32
    %add3A_50 = arith.constant 9920 : i32
    %add3A_51 = arith.addi %mul3A_0, %add3A_50 : i32
    %dma_wait3A = tpu.memref_slice %arg2[%add3A_51] : memref<160000xi32, #tpu.memory_space<hbm>> -> memref<80xi32, #tpu.memory_space<hbm>>
    %dma_wait3A_52 = tpu.memref_slice %arg2[%add3A_51] : memref<160000xi32, #tpu.memory_space<hbm>> -> memref<80xi32, #tpu.memory_space<hbm>>
    tpu.wait_dma2 semaphore(%arg21 : memref<!tpu.dma_semaphore, #tpu.memory_space<semaphore_mem>>) src(%dma_wait3A_52 : memref<80xi32, #tpu.memory_space<hbm>>) dst(%arg9 : memref<80xi32, #tpu.memory_space<vmem>>)
    %dma_wait3A_53 = arith.constant 0 : i32
    %dma_wait3A_54 = tpu.memref_slice %arg4[%add3A_51, %dma_wait3A_53, %add3A_8] : memref<160000x3x128xf32, #tpu.memory_space<hbm>> -> memref<80x3x32xf32, #tpu.memory_space<hbm>>
    %dma_wait3A_55 = arith.constant 0 : i32
    %dma_wait3A_56 = tpu.memref_slice %arg4[%add3A_51, %dma_wait3A_55, %add3A_8] : memref<160000x3x128xf32, #tpu.memory_space<hbm>> -> memref<80x3x32xf32, #tpu.memory_space<hbm>>
    tpu.wait_dma2 semaphore(%arg23 : memref<!tpu.dma_semaphore, #tpu.memory_space<semaphore_mem>>) src(%dma_wait3A_56 : memref<80x3x32xf32, #tpu.memory_space<hbm>>) dst(%arg11 : memref<80x3x32xf32, #tpu.memory_space<vmem>>)
    %dma_wait3A_57 = tpu.memref_slice %arg5[%add3A_51, %add3A_8] : memref<160000x128xf32, #tpu.memory_space<hbm>> -> memref<80x32xf32, #tpu.memory_space<hbm>>
    %dma_wait3A_58 = tpu.memref_slice %arg5[%add3A_51, %add3A_8] : memref<160000x128xf32, #tpu.memory_space<hbm>> -> memref<80x32xf32, #tpu.memory_space<hbm>>
    tpu.wait_dma2 semaphore(%arg25 : memref<!tpu.dma_semaphore, #tpu.memory_space<semaphore_mem>>) src(%dma_wait3A_58 : memref<80x32xf32, #tpu.memory_space<hbm>>) dst(%arg13 : memref<80x32xf32, #tpu.memory_space<vmem>>)
    %dma_wait3A_59 = tpu.memref_slice %arg6[%add3A_51, %add3A_8] : memref<160000x128xf32, #tpu.memory_space<hbm>> -> memref<80x32xf32, #tpu.memory_space<hbm>>
    %dma_wait3A_60 = tpu.memref_slice %arg6[%add3A_51, %add3A_8] : memref<160000x128xf32, #tpu.memory_space<hbm>> -> memref<80x32xf32, #tpu.memory_space<hbm>>
    tpu.wait_dma2 semaphore(%arg27 : memref<!tpu.dma_semaphore, #tpu.memory_space<semaphore_mem>>) src(%dma_wait3A_60 : memref<80x32xf32, #tpu.memory_space<hbm>>) dst(%arg15 : memref<80x32xf32, #tpu.memory_space<vmem>>)
    %dma_wait3A_61 = arith.constant 0 : i32
    %dma_wait3A_62 = tpu.memref_slice %arg7[%add3A_51, %dma_wait3A_61] : memref<160000x16xf32, #tpu.memory_space<hbm>> -> memref<80x16xf32, #tpu.memory_space<hbm>>
    %dma_wait3A_63 = arith.constant 0 : i32
    %dma_wait3A_64 = tpu.memref_slice %arg7[%add3A_51, %dma_wait3A_63] : memref<160000x16xf32, #tpu.memory_space<hbm>> -> memref<80x16xf32, #tpu.memory_space<hbm>>
    tpu.wait_dma2 semaphore(%arg29 : memref<!tpu.dma_semaphore, #tpu.memory_space<semaphore_mem>>) src(%dma_wait3A_64 : memref<80x16xf32, #tpu.memory_space<hbm>>) dst(%arg17 : memref<80x16xf32, #tpu.memory_space<vmem>>)
    %scan3A_65 = arith.constant 0 : i32
    %scan3A_66 = arith.constant 0 : i32
    %scan3A_67 = arith.constant 80 : i32
    %scan3A_68 = arith.addi %scan3A_66, %scan3A_67 : i32
    %scan3A_69 = arith.constant 2 : i32
    scf.for %scan3A_276 = %scan3A_66 to %scan3A_68 step %scan3A_69  : i32 {
      %get3A = arith.index_cast %scan3A_276 : i32 to index
      %get3A_277 = arith.constant 0 : index
      %get3A_278 = tpu.vector_load %arg17[%get3A, %get3A_277] {strides = array<i32>} : memref<80x16xf32, #tpu.memory_space<vmem>>, vector<1x16xf32>,
      %get3A_279 = vector.shape_cast %get3A_278 : vector<1x16xf32> to vector<16xf32>
      %slice3A = vector.extract_strided_slice %get3A_279 {offsets = [0], sizes = [1], strides = [1]} : vector<16xf32> to vector<1xf32>
      %squeeze3A = vector.extract %slice3A[0] : f32 from vector<1xf32>
      %slice3A_280 = vector.extract_strided_slice %get3A_279 {offsets = [1], sizes = [1], strides = [1]} : vector<16xf32> to vector<1xf32>
      %squeeze3A_281 = vector.extract %slice3A_280[0] : f32 from vector<1xf32>
      %slice3A_282 = vector.extract_strided_slice %get3A_279 {offsets = [2], sizes = [1], strides = [1]} : vector<16xf32> to vector<1xf32>
      %squeeze3A_283 = vector.extract %slice3A_282[0] : f32 from vector<1xf32>
      %get3A_284 = arith.index_cast %scan3A_276 : i32 to index
      %get3A_285 = arith.constant 0 : index
      %get3A_286 = tpu.vector_load %arg13[%get3A_284, %get3A_285] {strides = array<i32>} : memref<80x32xf32, #tpu.memory_space<vmem>>, vector<1x16xf32>,
      %get3A_287 = vector.shape_cast %get3A_286 : vector<1x16xf32> to vector<16xf32>
      %get3A_288 = arith.index_cast %scan3A_276 : i32 to index
      %get3A_289 = arith.constant 0 : index
      %get3A_290 = tpu.vector_load %arg15[%get3A_288, %get3A_289] {strides = array<i32>} : memref<80x32xf32, #tpu.memory_space<vmem>>, vector<1x16xf32>,
      %get3A_291 = vector.shape_cast %get3A_290 : vector<1x16xf32> to vector<16xf32>
      %get3A_292 = arith.constant 0 : i32
      %get3A_293 = arith.index_cast %scan3A_276 : i32 to index
      %get3A_294 = arith.index_cast %get3A_292 : i32 to index
      %get3A_295 = arith.constant 0 : index
      %get3A_296 = tpu.vector_load %arg11[%get3A_293, %get3A_294, %get3A_295] {strides = array<i32>} : memref<80x3x32xf32, #tpu.memory_space<vmem>>, vector<1x1x16xf32>,
      %get3A_297 = vector.shape_cast %get3A_296 : vector<1x1x16xf32> to vector<16xf32>
      %mul3A_298 = arith.mulf %get3A_297, %get3A_287 : vector<16xf32>
      %mul3A_299 = vector.broadcast %squeeze3A : f32 to vector<16xf32>
      %mul3A_300 = arith.mulf %get3A_291, %mul3A_299 : vector<16xf32>
      %add3A_301 = arith.addf %mul3A_298, %mul3A_300 : vector<16xf32>
      %swap3A = arith.constant 0 : i32
      %swap3A_302 = arith.index_cast %scan3A_276 : i32 to index
      %swap3A_303 = arith.index_cast %swap3A : i32 to index
      %swap3A_304 = arith.constant 0 : index
      %swap3A_305 = tpu.vector_load %arg11[%swap3A_302, %swap3A_303, %swap3A_304] {strides = array<i32>} : memref<80x3x32xf32, #tpu.memory_space<vmem>>, vector<1x1x16xf32>,
      %swap3A_306 = vector.shape_cast %swap3A_305 : vector<1x1x16xf32> to vector<16xf32>
      %swap3A_307 = vector.shape_cast %add3A_301 : vector<16xf32> to vector<1x1x16xf32>
      tpu.vector_store %arg11[%swap3A_302, %swap3A_303, %swap3A_304], %swap3A_307 {strides = array<i32>} : memref<80x3x32xf32, #tpu.memory_space<vmem>>, vector<1x1x16xf32>,
      %get3A_308 = arith.constant 1 : i32
      %get3A_309 = arith.index_cast %scan3A_276 : i32 to index
      %get3A_310 = arith.index_cast %get3A_308 : i32 to index
      %get3A_311 = arith.constant 0 : index
      %get3A_312 = tpu.vector_load %arg11[%get3A_309, %get3A_310, %get3A_311] {strides = array<i32>} : memref<80x3x32xf32, #tpu.memory_space<vmem>>, vector<1x1x16xf32>,
      %get3A_313 = vector.shape_cast %get3A_312 : vector<1x1x16xf32> to vector<16xf32>
      %mul3A_314 = arith.mulf %get3A_313, %get3A_287 : vector<16xf32>
      %mul3A_315 = vector.broadcast %squeeze3A_281 : f32 to vector<16xf32>
      %mul3A_316 = arith.mulf %get3A_291, %mul3A_315 : vector<16xf32>
      %add3A_317 = arith.addf %mul3A_314, %mul3A_316 : vector<16xf32>
      %swap3A_318 = arith.constant 1 : i32
      %swap3A_319 = arith.index_cast %scan3A_276 : i32 to index
      %swap3A_320 = arith.index_cast %swap3A_318 : i32 to index
      %swap3A_321 = arith.constant 0 : index
      %swap3A_322 = tpu.vector_load %arg11[%swap3A_319, %swap3A_320, %swap3A_321] {strides = array<i32>} : memref<80x3x32xf32, #tpu.memory_space<vmem>>, vector<1x1x16xf32>,
      %swap3A_323 = vector.shape_cast %swap3A_322 : vector<1x1x16xf32> to vector<16xf32>
      %swap3A_324 = vector.shape_cast %add3A_317 : vector<16xf32> to vector<1x1x16xf32>
      tpu.vector_store %arg11[%swap3A_319, %swap3A_320, %swap3A_321], %swap3A_324 {strides = array<i32>} : memref<80x3x32xf32, #tpu.memory_space<vmem>>, vector<1x1x16xf32>,
      %get3A_325 = arith.constant 2 : i32
      %get3A_326 = arith.index_cast %scan3A_276 : i32 to index
      %get3A_327 = arith.index_cast %get3A_325 : i32 to index
      %get3A_328 = arith.constant 0 : index
      %get3A_329 = tpu.vector_load %arg11[%get3A_326, %get3A_327, %get3A_328] {strides = array<i32>} : memref<80x3x32xf32, #tpu.memory_space<vmem>>, vector<1x1x16xf32>,
      %get3A_330 = vector.shape_cast %get3A_329 : vector<1x1x16xf32> to vector<16xf32>
      %mul3A_331 = arith.mulf %get3A_330, %get3A_287 : vector<16xf32>
      %mul3A_332 = vector.broadcast %squeeze3A_283 : f32 to vector<16xf32>
      %mul3A_333 = arith.mulf %get3A_291, %mul3A_332 : vector<16xf32>
      %add3A_334 = arith.addf %mul3A_331, %mul3A_333 : vector<16xf32>
      %swap3A_335 = arith.constant 2 : i32
      %swap3A_336 = arith.index_cast %scan3A_276 : i32 to index
      %swap3A_337 = arith.index_cast %swap3A_335 : i32 to index
      %swap3A_338 = arith.constant 0 : index
      %swap3A_339 = tpu.vector_load %arg11[%swap3A_336, %swap3A_337, %swap3A_338] {strides = array<i32>} : memref<80x3x32xf32, #tpu.memory_space<vmem>>, vector<1x1x16xf32>,
      %swap3A_340 = vector.shape_cast %swap3A_339 : vector<1x1x16xf32> to vector<16xf32>
      %swap3A_341 = vector.shape_cast %add3A_334 : vector<16xf32> to vector<1x1x16xf32>
      tpu.vector_store %arg11[%swap3A_336, %swap3A_337, %swap3A_338], %swap3A_341 {strides = array<i32>} : memref<80x3x32xf32, #tpu.memory_space<vmem>>, vector<1x1x16xf32>,
      %get3A_342 = arith.index_cast %scan3A_276 : i32 to index
      %get3A_343 = arith.constant 16 : index
      %get3A_344 = tpu.vector_load %arg13[%get3A_342, %get3A_343] {strides = array<i32>} : memref<80x32xf32, #tpu.memory_space<vmem>>, vector<1x16xf32>,
      %get3A_345 = vector.shape_cast %get3A_344 : vector<1x16xf32> to vector<16xf32>
      %get3A_346 = arith.index_cast %scan3A_276 : i32 to index
      %get3A_347 = arith.constant 16 : index
      %get3A_348 = tpu.vector_load %arg15[%get3A_346, %get3A_347] {strides = array<i32>} : memref<80x32xf32, #tpu.memory_space<vmem>>, vector<1x16xf32>,
      %get3A_349 = vector.shape_cast %get3A_348 : vector<1x16xf32> to vector<16xf32>
      %get3A_350 = arith.constant 0 : i32
      %get3A_351 = arith.index_cast %scan3A_276 : i32 to index
      %get3A_352 = arith.index_cast %get3A_350 : i32 to index
      %get3A_353 = arith.constant 16 : index
      %get3A_354 = tpu.vector_load %arg11[%get3A_351, %get3A_352, %get3A_353] {strides = array<i32>} : memref<80x3x32xf32, #tpu.memory_space<vmem>>, vector<1x1x16xf32>,
      %get3A_355 = vector.shape_cast %get3A_354 : vector<1x1x16xf32> to vector<16xf32>
      %mul3A_356 = arith.mulf %get3A_355, %get3A_345 : vector<16xf32>
      %mul3A_357 = vector.broadcast %squeeze3A : f32 to vector<16xf32>
      %mul3A_358 = arith.mulf %get3A_349, %mul3A_357 : vector<16xf32>
      %add3A_359 = arith.addf %mul3A_356, %mul3A_358 : vector<16xf32>
      %swap3A_360 = arith.constant 0 : i32
      %swap3A_361 = arith.index_cast %scan3A_276 : i32 to index
      %swap3A_362 = arith.index_cast %swap3A_360 : i32 to index
      %swap3A_363 = arith.constant 16 : index
      %swap3A_364 = tpu.vector_load %arg11[%swap3A_361, %swap3A_362, %swap3A_363] {strides = array<i32>} : memref<80x3x32xf32, #tpu.memory_space<vmem>>, vector<1x1x16xf32>,
      %swap3A_365 = vector.shape_cast %swap3A_364 : vector<1x1x16xf32> to vector<16xf32>
      %swap3A_366 = vector.shape_cast %add3A_359 : vector<16xf32> to vector<1x1x16xf32>
      tpu.vector_store %arg11[%swap3A_361, %swap3A_362, %swap3A_363], %swap3A_366 {strides = array<i32>} : memref<80x3x32xf32, #tpu.memory_space<vmem>>, vector<1x1x16xf32>,
      %get3A_367 = arith.constant 1 : i32
      %get3A_368 = arith.index_cast %scan3A_276 : i32 to index
      %get3A_369 = arith.index_cast %get3A_367 : i32 to index
      %get3A_370 = arith.constant 16 : index
      %get3A_371 = tpu.vector_load %arg11[%get3A_368, %get3A_369, %get3A_370] {strides = array<i32>} : memref<80x3x32xf32, #tpu.memory_space<vmem>>, vector<1x1x16xf32>,
      %get3A_372 = vector.shape_cast %get3A_371 : vector<1x1x16xf32> to vector<16xf32>
      %mul3A_373 = arith.mulf %get3A_372, %get3A_345 : vector<16xf32>
      %mul3A_374 = vector.broadcast %squeeze3A_281 : f32 to vector<16xf32>
      %mul3A_375 = arith.mulf %get3A_349, %mul3A_374 : vector<16xf32>
      %add3A_376 = arith.addf %mul3A_373, %mul3A_375 : vector<16xf32>
      %swap3A_377 = arith.constant 1 : i32
      %swap3A_378 = arith.index_cast %scan3A_276 : i32 to index
      %swap3A_379 = arith.index_cast %swap3A_377 : i32 to index
      %swap3A_380 = arith.constant 16 : index
      %swap3A_381 = tpu.vector_load %arg11[%swap3A_378, %swap3A_379, %swap3A_380] {strides = array<i32>} : memref<80x3x32xf32, #tpu.memory_space<vmem>>, vector<1x1x16xf32>,
      %swap3A_382 = vector.shape_cast %swap3A_381 : vector<1x1x16xf32> to vector<16xf32>
      %swap3A_383 = vector.shape_cast %add3A_376 : vector<16xf32> to vector<1x1x16xf32>
      tpu.vector_store %arg11[%swap3A_378, %swap3A_379, %swap3A_380], %swap3A_383 {strides = array<i32>} : memref<80x3x32xf32, #tpu.memory_space<vmem>>, vector<1x1x16xf32>,
      %get3A_384 = arith.constant 2 : i32
      %get3A_385 = arith.index_cast %scan3A_276 : i32 to index
      %get3A_386 = arith.index_cast %get3A_384 : i32 to index
      %get3A_387 = arith.constant 16 : index
      %get3A_388 = tpu.vector_load %arg11[%get3A_385, %get3A_386, %get3A_387] {strides = array<i32>} : memref<80x3x32xf32, #tpu.memory_space<vmem>>, vector<1x1x16xf32>,
      %get3A_389 = vector.shape_cast %get3A_388 : vector<1x1x16xf32> to vector<16xf32>
      %mul3A_390 = arith.mulf %get3A_389, %get3A_345 : vector<16xf32>
      %mul3A_391 = vector.broadcast %squeeze3A_283 : f32 to vector<16xf32>
      %mul3A_392 = arith.mulf %get3A_349, %mul3A_391 : vector<16xf32>
      %add3A_393 = arith.addf %mul3A_390, %mul3A_392 : vector<16xf32>
      %swap3A_394 = arith.constant 2 : i32
      %swap3A_395 = arith.index_cast %scan3A_276 : i32 to index
      %swap3A_396 = arith.index_cast %swap3A_394 : i32 to index
      %swap3A_397 = arith.constant 16 : index
      %swap3A_398 = tpu.vector_load %arg11[%swap3A_395, %swap3A_396, %swap3A_397] {strides = array<i32>} : memref<80x3x32xf32, #tpu.memory_space<vmem>>, vector<1x1x16xf32>,
      %swap3A_399 = vector.shape_cast %swap3A_398 : vector<1x1x16xf32> to vector<16xf32>
      %swap3A_400 = vector.shape_cast %add3A_393 : vector<16xf32> to vector<1x1x16xf32>
      tpu.vector_store %arg11[%swap3A_395, %swap3A_396, %swap3A_397], %swap3A_400 {strides = array<i32>} : memref<80x3x32xf32, #tpu.memory_space<vmem>>, vector<1x1x16xf32>,
      %scan3A_401 = arith.constant 1 : i32
      %scan3A_402 = arith.addi %scan3A_276, %scan3A_401 : i32
      %get3A_403 = arith.index_cast %scan3A_402 : i32 to index
      %get3A_404 = arith.constant 0 : index
      %get3A_405 = tpu.vector_load %arg17[%get3A_403, %get3A_404] {strides = array<i32>} : memref<80x16xf32, #tpu.memory_space<vmem>>, vector<1x16xf32>,
      %get3A_406 = vector.shape_cast %get3A_405 : vector<1x16xf32> to vector<16xf32>
      %slice3A_407 = vector.extract_strided_slice %get3A_406 {offsets = [0], sizes = [1], strides = [1]} : vector<16xf32> to vector<1xf32>
      %squeeze3A_408 = vector.extract %slice3A_407[0] : f32 from vector<1xf32>
      %slice3A_409 = vector.extract_strided_slice %get3A_406 {offsets = [1], sizes = [1], strides = [1]} : vector<16xf32> to vector<1xf32>
      %squeeze3A_410 = vector.extract %slice3A_409[0] : f32 from vector<1xf32>
      %slice3A_411 = vector.extract_strided_slice %get3A_406 {offsets = [2], sizes = [1], strides = [1]} : vector<16xf32> to vector<1xf32>
      %squeeze3A_412 = vector.extract %slice3A_411[0] : f32 from vector<1xf32>
      %get3A_413 = arith.index_cast %scan3A_402 : i32 to index
      %get3A_414 = arith.constant 0 : index
      %get3A_415 = tpu.vector_load %arg13[%get3A_413, %get3A_414] {strides = array<i32>} : memref<80x32xf32, #tpu.memory_space<vmem>>, vector<1x16xf32>,
      %get3A_416 = vector.shape_cast %get3A_415 : vector<1x16xf32> to vector<16xf32>
      %get3A_417 = arith.index_cast %scan3A_402 : i32 to index
      %get3A_418 = arith.constant 0 : index
      %get3A_419 = tpu.vector_load %arg15[%get3A_417, %get3A_418] {strides = array<i32>} : memref<80x32xf32, #tpu.memory_space<vmem>>, vector<1x16xf32>,
      %get3A_420 = vector.shape_cast %get3A_419 : vector<1x16xf32> to vector<16xf32>
      %get3A_421 = arith.constant 0 : i32
      %get3A_422 = arith.index_cast %scan3A_402 : i32 to index
      %get3A_423 = arith.index_cast %get3A_421 : i32 to index
      %get3A_424 = arith.constant 0 : index
      %get3A_425 = tpu.vector_load %arg11[%get3A_422, %get3A_423, %get3A_424] {strides = array<i32>} : memref<80x3x32xf32, #tpu.memory_space<vmem>>, vector<1x1x16xf32>,
      %get3A_426 = vector.shape_cast %get3A_425 : vector<1x1x16xf32> to vector<16xf32>
      %mul3A_427 = arith.mulf %get3A_426, %get3A_416 : vector<16xf32>
      %mul3A_428 = vector.broadcast %squeeze3A_408 : f32 to vector<16xf32>
      %mul3A_429 = arith.mulf %get3A_420, %mul3A_428 : vector<16xf32>
      %add3A_430 = arith.addf %mul3A_427, %mul3A_429 : vector<16xf32>
      %swap3A_431 = arith.constant 0 : i32
      %swap3A_432 = arith.index_cast %scan3A_402 : i32 to index
      %swap3A_433 = arith.index_cast %swap3A_431 : i32 to index
      %swap3A_434 = arith.constant 0 : index
      %swap3A_435 = tpu.vector_load %arg11[%swap3A_432, %swap3A_433, %swap3A_434] {strides = array<i32>} : memref<80x3x32xf32, #tpu.memory_space<vmem>>, vector<1x1x16xf32>,
      %swap3A_436 = vector.shape_cast %swap3A_435 : vector<1x1x16xf32> to vector<16xf32>
      %swap3A_437 = vector.shape_cast %add3A_430 : vector<16xf32> to vector<1x1x16xf32>
      tpu.vector_store %arg11[%swap3A_432, %swap3A_433, %swap3A_434], %swap3A_437 {strides = array<i32>} : memref<80x3x32xf32, #tpu.memory_space<vmem>>, vector<1x1x16xf32>,
      %get3A_438 = arith.constant 1 : i32
      %get3A_439 = arith.index_cast %scan3A_402 : i32 to index
      %get3A_440 = arith.index_cast %get3A_438 : i32 to index
      %get3A_441 = arith.constant 0 : index
      %get3A_442 = tpu.vector_load %arg11[%get3A_439, %get3A_440, %get3A_441] {strides = array<i32>} : memref<80x3x32xf32, #tpu.memory_space<vmem>>, vector<1x1x16xf32>,
      %get3A_443 = vector.shape_cast %get3A_442 : vector<1x1x16xf32> to vector<16xf32>
      %mul3A_444 = arith.mulf %get3A_443, %get3A_416 : vector<16xf32>
      %mul3A_445 = vector.broadcast %squeeze3A_410 : f32 to vector<16xf32>
      %mul3A_446 = arith.mulf %get3A_420, %mul3A_445 : vector<16xf32>
      %add3A_447 = arith.addf %mul3A_444, %mul3A_446 : vector<16xf32>
      %swap3A_448 = arith.constant 1 : i32
      %swap3A_449 = arith.index_cast %scan3A_402 : i32 to index
      %swap3A_450 = arith.index_cast %swap3A_448 : i32 to index
      %swap3A_451 = arith.constant 0 : index
      %swap3A_452 = tpu.vector_load %arg11[%swap3A_449, %swap3A_450, %swap3A_451] {strides = array<i32>} : memref<80x3x32xf32, #tpu.memory_space<vmem>>, vector<1x1x16xf32>,
      %swap3A_453 = vector.shape_cast %swap3A_452 : vector<1x1x16xf32> to vector<16xf32>
      %swap3A_454 = vector.shape_cast %add3A_447 : vector<16xf32> to vector<1x1x16xf32>
      tpu.vector_store %arg11[%swap3A_449, %swap3A_450, %swap3A_451], %swap3A_454 {strides = array<i32>} : memref<80x3x32xf32, #tpu.memory_space<vmem>>, vector<1x1x16xf32>,
      %get3A_455 = arith.constant 2 : i32
      %get3A_456 = arith.index_cast %scan3A_402 : i32 to index
      %get3A_457 = arith.index_cast %get3A_455 : i32 to index
      %get3A_458 = arith.constant 0 : index
      %get3A_459 = tpu.vector_load %arg11[%get3A_456, %get3A_457, %get3A_458] {strides = array<i32>} : memref<80x3x32xf32, #tpu.memory_space<vmem>>, vector<1x1x16xf32>,
      %get3A_460 = vector.shape_cast %get3A_459 : vector<1x1x16xf32> to vector<16xf32>
      %mul3A_461 = arith.mulf %get3A_460, %get3A_416 : vector<16xf32>
      %mul3A_462 = vector.broadcast %squeeze3A_412 : f32 to vector<16xf32>
      %mul3A_463 = arith.mulf %get3A_420, %mul3A_462 : vector<16xf32>
      %add3A_464 = arith.addf %mul3A_461, %mul3A_463 : vector<16xf32>
      %swap3A_465 = arith.constant 2 : i32
      %swap3A_466 = arith.index_cast %scan3A_402 : i32 to index
      %swap3A_467 = arith.index_cast %swap3A_465 : i32 to index
      %swap3A_468 = arith.constant 0 : index
      %swap3A_469 = tpu.vector_load %arg11[%swap3A_466, %swap3A_467, %swap3A_468] {strides = array<i32>} : memref<80x3x32xf32, #tpu.memory_space<vmem>>, vector<1x1x16xf32>,
      %swap3A_470 = vector.shape_cast %swap3A_469 : vector<1x1x16xf32> to vector<16xf32>
      %swap3A_471 = vector.shape_cast %add3A_464 : vector<16xf32> to vector<1x1x16xf32>
      tpu.vector_store %arg11[%swap3A_466, %swap3A_467, %swap3A_468], %swap3A_471 {strides = array<i32>} : memref<80x3x32xf32, #tpu.memory_space<vmem>>, vector<1x1x16xf32>,
      %get3A_472 = arith.index_cast %scan3A_402 : i32 to index
      %get3A_473 = arith.constant 16 : index
      %get3A_474 = tpu.vector_load %arg13[%get3A_472, %get3A_473] {strides = array<i32>} : memref<80x32xf32, #tpu.memory_space<vmem>>, vector<1x16xf32>,
      %get3A_475 = vector.shape_cast %get3A_474 : vector<1x16xf32> to vector<16xf32>
      %get3A_476 = arith.index_cast %scan3A_402 : i32 to index
      %get3A_477 = arith.constant 16 : index
      %get3A_478 = tpu.vector_load %arg15[%get3A_476, %get3A_477] {strides = array<i32>} : memref<80x32xf32, #tpu.memory_space<vmem>>, vector<1x16xf32>,
      %get3A_479 = vector.shape_cast %get3A_478 : vector<1x16xf32> to vector<16xf32>
      %get3A_480 = arith.constant 0 : i32
      %get3A_481 = arith.index_cast %scan3A_402 : i32 to index
      %get3A_482 = arith.index_cast %get3A_480 : i32 to index
      %get3A_483 = arith.constant 16 : index
      %get3A_484 = tpu.vector_load %arg11[%get3A_481, %get3A_482, %get3A_483] {strides = array<i32>} : memref<80x3x32xf32, #tpu.memory_space<vmem>>, vector<1x1x16xf32>,
      %get3A_485 = vector.shape_cast %get3A_484 : vector<1x1x16xf32> to vector<16xf32>
      %mul3A_486 = arith.mulf %get3A_485, %get3A_475 : vector<16xf32>
      %mul3A_487 = vector.broadcast %squeeze3A_408 : f32 to vector<16xf32>
      %mul3A_488 = arith.mulf %get3A_479, %mul3A_487 : vector<16xf32>
      %add3A_489 = arith.addf %mul3A_486, %mul3A_488 : vector<16xf32>
      %swap3A_490 = arith.constant 0 : i32
      %swap3A_491 = arith.index_cast %scan3A_402 : i32 to index
      %swap3A_492 = arith.index_cast %swap3A_490 : i32 to index
      %swap3A_493 = arith.constant 16 : index
      %swap3A_494 = tpu.vector_load %arg11[%swap3A_491, %swap3A_492, %swap3A_493] {strides = array<i32>} : memref<80x3x32xf32, #tpu.memory_space<vmem>>, vector<1x1x16xf32>,
      %swap3A_495 = vector.shape_cast %swap3A_494 : vector<1x1x16xf32> to vector<16xf32>
      %swap3A_496 = vector.shape_cast %add3A_489 : vector<16xf32> to vector<1x1x16xf32>
      tpu.vector_store %arg11[%swap3A_491, %swap3A_492, %swap3A_493], %swap3A_496 {strides = array<i32>} : memref<80x3x32xf32, #tpu.memory_space<vmem>>, vector<1x1x16xf32>,
      %get3A_497 = arith.constant 1 : i32
      %get3A_498 = arith.index_cast %scan3A_402 : i32 to index
      %get3A_499 = arith.index_cast %get3A_497 : i32 to index
      %get3A_500 = arith.constant 16 : index
      %get3A_501 = tpu.vector_load %arg11[%get3A_498, %get3A_499, %get3A_500] {strides = array<i32>} : memref<80x3x32xf32, #tpu.memory_space<vmem>>, vector<1x1x16xf32>,
      %get3A_502 = vector.shape_cast %get3A_501 : vector<1x1x16xf32> to vector<16xf32>
      %mul3A_503 = arith.mulf %get3A_502, %get3A_475 : vector<16xf32>
      %mul3A_504 = vector.broadcast %squeeze3A_410 : f32 to vector<16xf32>
      %mul3A_505 = arith.mulf %get3A_479, %mul3A_504 : vector<16xf32>
      %add3A_506 = arith.addf %mul3A_503, %mul3A_505 : vector<16xf32>
      %swap3A_507 = arith.constant 1 : i32
      %swap3A_508 = arith.index_cast %scan3A_402 : i32 to index
      %swap3A_509 = arith.index_cast %swap3A_507 : i32 to index
      %swap3A_510 = arith.constant 16 : index
      %swap3A_511 = tpu.vector_load %arg11[%swap3A_508, %swap3A_509, %swap3A_510] {strides = array<i32>} : memref<80x3x32xf32, #tpu.memory_space<vmem>>, vector<1x1x16xf32>,
      %swap3A_512 = vector.shape_cast %swap3A_511 : vector<1x1x16xf32> to vector<16xf32>
      %swap3A_513 = vector.shape_cast %add3A_506 : vector<16xf32> to vector<1x1x16xf32>
      tpu.vector_store %arg11[%swap3A_508, %swap3A_509, %swap3A_510], %swap3A_513 {strides = array<i32>} : memref<80x3x32xf32, #tpu.memory_space<vmem>>, vector<1x1x16xf32>,
      %get3A_514 = arith.constant 2 : i32
      %get3A_515 = arith.index_cast %scan3A_402 : i32 to index
      %get3A_516 = arith.index_cast %get3A_514 : i32 to index
      %get3A_517 = arith.constant 16 : index
      %get3A_518 = tpu.vector_load %arg11[%get3A_515, %get3A_516, %get3A_517] {strides = array<i32>} : memref<80x3x32xf32, #tpu.memory_space<vmem>>, vector<1x1x16xf32>,
      %get3A_519 = vector.shape_cast %get3A_518 : vector<1x1x16xf32> to vector<16xf32>
      %mul3A_520 = arith.mulf %get3A_519, %get3A_475 : vector<16xf32>
      %mul3A_521 = vector.broadcast %squeeze3A_412 : f32 to vector<16xf32>
      %mul3A_522 = arith.mulf %get3A_479, %mul3A_521 : vector<16xf32>
      %add3A_523 = arith.addf %mul3A_520, %mul3A_522 : vector<16xf32>
      %swap3A_524 = arith.constant 2 : i32
      %swap3A_525 = arith.index_cast %scan3A_402 : i32 to index
      %swap3A_526 = arith.index_cast %swap3A_524 : i32 to index
      %swap3A_527 = arith.constant 16 : index
      %swap3A_528 = tpu.vector_load %arg11[%swap3A_525, %swap3A_526, %swap3A_527] {strides = array<i32>} : memref<80x3x32xf32, #tpu.memory_space<vmem>>, vector<1x1x16xf32>,
      %swap3A_529 = vector.shape_cast %swap3A_528 : vector<1x1x16xf32> to vector<16xf32>
      %swap3A_530 = vector.shape_cast %add3A_523 : vector<16xf32> to vector<1x1x16xf32>
      tpu.vector_store %arg11[%swap3A_525, %swap3A_526, %swap3A_527], %swap3A_530 {strides = array<i32>} : memref<80x3x32xf32, #tpu.memory_space<vmem>>, vector<1x1x16xf32>,
    }
    %scan3A_70 = arith.constant 80 : i32
    "tpu.region"() ({
      %run_scoped3A = tpu.sem_alloc : memref<!tpu.dma_semaphore, #tpu.memory_space<semaphore_mem>>
      %dma_start3A_276 = arith.constant 0 : i32
      %dma_start3A_277 = arith.constant 0 : i32
      %dma_start3A_278 = arith.constant 0 : i32
      %dma_start3A_279 = tpu.memref_slice %arg20[%dma_start3A_276, %dma_start3A_277, %dma_start3A_278] : memref<10000x3x32xf32, #tpu.memory_space<vmem_shared>> -> memref<10000x3x32xf32, #tpu.memory_space<vmem_shared>>
      tpu.enqueue_indirect_dma source(%arg11 : memref<80x3x32xf32, #tpu.memory_space<vmem>>) target(%dma_start3A_279 : memref<10000x3x32xf32, #tpu.memory_space<vmem_shared>>) offsets(%arg9 : memref<80xi32, #tpu.memory_space<vmem>>) semaphore(%run_scoped3A : memref<!tpu.dma_semaphore, #tpu.memory_space<semaphore_mem>>) {add = true}
      %dma_wait3A_280 = arith.constant 0 : i32
      %dma_wait3A_281 = arith.constant 0 : i32
      %dma_wait3A_282 = arith.constant 0 : i32
      %dma_wait3A_283 = tpu.memref_slice %arg20[%dma_wait3A_280, %dma_wait3A_281, %dma_wait3A_282] : memref<10000x3x32xf32, #tpu.memory_space<vmem_shared>> -> memref<10000x3x32xf32, #tpu.memory_space<vmem_shared>>
      tpu.wait_indirect_dma semaphore(%run_scoped3A : memref<!tpu.dma_semaphore, #tpu.memory_space<semaphore_mem>>) src(%arg11 : memref<80x3x32xf32, #tpu.memory_space<vmem>>) dst(%dma_wait3A_283 : memref<10000x3x32xf32, #tpu.memory_space<vmem_shared>>)
      tpu.yield
    }) : () -> ()
    %barrier3A_71 = arith.constant 0 : index
    tpu.barrier barrier_id(%barrier3A_71)
    %add3A_72 = arith.constant 0 : i32
    %add3A_73 = arith.addi %mul3A_0, %add3A_72 : i32
    %dma_start3A_74 = tpu.memref_slice %arg3[%add3A_73] : memref<160000xi32, #tpu.memory_space<hbm>> -> memref<80xi32, #tpu.memory_space<hbm>>
    %dma_start3A_75 = tpu.memref_slice %arg3[%add3A_73] : memref<160000xi32, #tpu.memory_space<hbm>> -> memref<80xi32, #tpu.memory_space<hbm>>
    tpu.enqueue_dma source(%dma_start3A_75 : memref<80xi32, #tpu.memory_space<hbm>>) target(%arg9 : memref<80xi32, #tpu.memory_space<vmem>>) target_semaphore(%arg21 : memref<!tpu.dma_semaphore, #tpu.memory_space<semaphore_mem>>)
    %add3A_76 = arith.constant 80 : i32
    %add3A_77 = arith.addi %mul3A_0, %add3A_76 : i32
    %dma_start3A_78 = tpu.memref_slice %arg3[%add3A_77] : memref<160000xi32, #tpu.memory_space<hbm>> -> memref<80xi32, #tpu.memory_space<hbm>>
    %dma_start3A_79 = tpu.memref_slice %arg3[%add3A_77] : memref<160000xi32, #tpu.memory_space<hbm>> -> memref<80xi32, #tpu.memory_space<hbm>>
    tpu.enqueue_dma source(%dma_start3A_79 : memref<80xi32, #tpu.memory_space<hbm>>) target(%arg10 : memref<80xi32, #tpu.memory_space<vmem>>) target_semaphore(%arg22 : memref<!tpu.dma_semaphore, #tpu.memory_space<semaphore_mem>>)
    %add3A_80 = arith.constant 0 : i32
    %add3A_81 = arith.addi %mul3A_0, %add3A_80 : i32
    %dma_wait3A_82 = tpu.memref_slice %arg3[%add3A_81] : memref<160000xi32, #tpu.memory_space<hbm>> -> memref<80xi32, #tpu.memory_space<hbm>>
    %dma_wait3A_83 = tpu.memref_slice %arg3[%add3A_81] : memref<160000xi32, #tpu.memory_space<hbm>> -> memref<80xi32, #tpu.memory_space<hbm>>
    tpu.wait_dma2 semaphore(%arg21 : memref<!tpu.dma_semaphore, #tpu.memory_space<semaphore_mem>>) src(%dma_wait3A_83 : memref<80xi32, #tpu.memory_space<hbm>>) dst(%arg9 : memref<80xi32, #tpu.memory_space<vmem>>)
    "tpu.region"() ({
      %run_scoped3A = tpu.sem_alloc : memref<!tpu.dma_semaphore, #tpu.memory_space<semaphore_mem>>
      %dma_start3A_276 = arith.constant 0 : i32
      %dma_start3A_277 = arith.constant 0 : i32
      %dma_start3A_278 = arith.constant 0 : i32
      %dma_start3A_279 = tpu.memref_slice %arg20[%dma_start3A_276, %dma_start3A_277, %dma_start3A_278] : memref<10000x3x32xf32, #tpu.memory_space<vmem_shared>> -> memref<10000x3x32xf32, #tpu.memory_space<vmem_shared>>
      tpu.enqueue_indirect_dma source(%dma_start3A_279 : memref<10000x3x32xf32, #tpu.memory_space<vmem_shared>>) target(%arg11 : memref<80x3x32xf32, #tpu.memory_space<vmem>>) offsets(%arg9 : memref<80xi32, #tpu.memory_space<vmem>>) semaphore(%run_scoped3A : memref<!tpu.dma_semaphore, #tpu.memory_space<semaphore_mem>>)
      %dma_wait3A_280 = arith.constant 0 : i32
      %dma_wait3A_281 = arith.constant 0 : i32
      %dma_wait3A_282 = arith.constant 0 : i32
      %dma_wait3A_283 = tpu.memref_slice %arg20[%dma_wait3A_280, %dma_wait3A_281, %dma_wait3A_282] : memref<10000x3x32xf32, #tpu.memory_space<vmem_shared>> -> memref<10000x3x32xf32, #tpu.memory_space<vmem_shared>>
      tpu.wait_indirect_dma semaphore(%run_scoped3A : memref<!tpu.dma_semaphore, #tpu.memory_space<semaphore_mem>>) src(%dma_wait3A_283 : memref<10000x3x32xf32, #tpu.memory_space<vmem_shared>>) dst(%arg11 : memref<80x3x32xf32, #tpu.memory_space<vmem>>)
      tpu.yield
    }) : () -> ()
    %add3A_84 = arith.constant 0 : i32
    %add3A_85 = arith.addi %mul3A_0, %add3A_84 : i32
    %dma_start3A_86 = arith.constant 0 : i32
    %dma_start3A_87 = tpu.memref_slice %arg8[%add3A_85, %dma_start3A_86, %add3A_8] : memref<160000x3x128xf32, #tpu.memory_space<hbm>> -> memref<80x3x32xf32, #tpu.memory_space<hbm>>
    %dma_start3A_88 = arith.constant 0 : i32
    %dma_start3A_89 = tpu.memref_slice %arg8[%add3A_85, %dma_start3A_88, %add3A_8] : memref<160000x3x128xf32, #tpu.memory_space<hbm>> -> memref<80x3x32xf32, #tpu.memory_space<hbm>>
    tpu.enqueue_dma source(%arg11 : memref<80x3x32xf32, #tpu.memory_space<vmem>>) target(%dma_start3A_89 : memref<80x3x32xf32, #tpu.memory_space<hbm>>) target_semaphore(%arg23 : memref<!tpu.dma_semaphore, #tpu.memory_space<semaphore_mem>>)
    %add3A_90 = arith.constant 160 : i32
    %add3A_91 = arith.addi %mul3A_0, %add3A_90 : i32
    %dma_start3A_92 = tpu.memref_slice %arg3[%add3A_91] : memref<160000xi32, #tpu.memory_space<hbm>> -> memref<80xi32, #tpu.memory_space<hbm>>
    %dma_start3A_93 = tpu.memref_slice %arg3[%add3A_91] : memref<160000xi32, #tpu.memory_space<hbm>> -> memref<80xi32, #tpu.memory_space<hbm>>
    tpu.enqueue_dma source(%dma_start3A_93 : memref<80xi32, #tpu.memory_space<hbm>>) target(%arg9 : memref<80xi32, #tpu.memory_space<vmem>>) target_semaphore(%arg21 : memref<!tpu.dma_semaphore, #tpu.memory_space<semaphore_mem>>)
    %add3A_94 = arith.constant 80 : i32
    %add3A_95 = arith.addi %mul3A_0, %add3A_94 : i32
    %dma_wait3A_96 = tpu.memref_slice %arg3[%add3A_95] : memref<160000xi32, #tpu.memory_space<hbm>> -> memref<80xi32, #tpu.memory_space<hbm>>
    %dma_wait3A_97 = tpu.memref_slice %arg3[%add3A_95] : memref<160000xi32, #tpu.memory_space<hbm>> -> memref<80xi32, #tpu.memory_space<hbm>>
    tpu.wait_dma2 semaphore(%arg22 : memref<!tpu.dma_semaphore, #tpu.memory_space<semaphore_mem>>) src(%dma_wait3A_97 : memref<80xi32, #tpu.memory_space<hbm>>) dst(%arg10 : memref<80xi32, #tpu.memory_space<vmem>>)
    "tpu.region"() ({
      %run_scoped3A = tpu.sem_alloc : memref<!tpu.dma_semaphore, #tpu.memory_space<semaphore_mem>>
      %dma_start3A_276 = arith.constant 0 : i32
      %dma_start3A_277 = arith.constant 0 : i32
      %dma_start3A_278 = arith.constant 0 : i32
      %dma_start3A_279 = tpu.memref_slice %arg20[%dma_start3A_276, %dma_start3A_277, %dma_start3A_278] : memref<10000x3x32xf32, #tpu.memory_space<vmem_shared>> -> memref<10000x3x32xf32, #tpu.memory_space<vmem_shared>>
      tpu.enqueue_indirect_dma source(%dma_start3A_279 : memref<10000x3x32xf32, #tpu.memory_space<vmem_shared>>) target(%arg12 : memref<80x3x32xf32, #tpu.memory_space<vmem>>) offsets(%arg10 : memref<80xi32, #tpu.memory_space<vmem>>) semaphore(%run_scoped3A : memref<!tpu.dma_semaphore, #tpu.memory_space<semaphore_mem>>)
      %dma_wait3A_280 = arith.constant 0 : i32
      %dma_wait3A_281 = arith.constant 0 : i32
      %dma_wait3A_282 = arith.constant 0 : i32
      %dma_wait3A_283 = tpu.memref_slice %arg20[%dma_wait3A_280, %dma_wait3A_281, %dma_wait3A_282] : memref<10000x3x32xf32, #tpu.memory_space<vmem_shared>> -> memref<10000x3x32xf32, #tpu.memory_space<vmem_shared>>
      tpu.wait_indirect_dma semaphore(%run_scoped3A : memref<!tpu.dma_semaphore, #tpu.memory_space<semaphore_mem>>) src(%dma_wait3A_283 : memref<10000x3x32xf32, #tpu.memory_space<vmem_shared>>) dst(%arg12 : memref<80x3x32xf32, #tpu.memory_space<vmem>>)
      tpu.yield
    }) : () -> ()
    %add3A_98 = arith.constant 80 : i32
    %add3A_99 = arith.addi %mul3A_0, %add3A_98 : i32
    %dma_start3A_100 = arith.constant 0 : i32
    %dma_start3A_101 = tpu.memref_slice %arg8[%add3A_99, %dma_start3A_100, %add3A_8] : memref<160000x3x128xf32, #tpu.memory_space<hbm>> -> memref<80x3x32xf32, #tpu.memory_space<hbm>>
    %dma_start3A_102 = arith.constant 0 : i32
    %dma_start3A_103 = tpu.memref_slice %arg8[%add3A_99, %dma_start3A_102, %add3A_8] : memref<160000x3x128xf32, #tpu.memory_space<hbm>> -> memref<80x3x32xf32, #tpu.memory_space<hbm>>
    tpu.enqueue_dma source(%arg12 : memref<80x3x32xf32, #tpu.memory_space<vmem>>) target(%dma_start3A_103 : memref<80x3x32xf32, #tpu.memory_space<hbm>>) target_semaphore(%arg24 : memref<!tpu.dma_semaphore, #tpu.memory_space<semaphore_mem>>)
    %scan3A_104 = arith.constant 0 : i32
    %scan3A_105 = arith.constant 0 : i32
    %scan3A_106 = arith.constant 61 : i32
    %scan3A_107 = arith.addi %scan3A_105, %scan3A_106 : i32
    %scan3A_108 = arith.constant 1 : i32
    scf.for %scan3A_276 = %scan3A_105 to %scan3A_107 step %scan3A_108  : i32 {
      %mul3A_277 = arith.constant 2 : i32
      %mul3A_278 = arith.muli %mul3A_277, %scan3A_276 : i32
      %add3A_279 = arith.constant 2 : i32
      %add3A_280 = arith.addi %mul3A_278, %add3A_279 : i32
      %add3A_281 = arith.constant 1 : i32
      %add3A_282 = arith.addi %add3A_280, %add3A_281 : i32
      %mul3A_283 = arith.constant 80 : i32
      %mul3A_284 = arith.muli %add3A_282, %mul3A_283 : i32
      %add3A_285 = arith.addi %mul3A_0, %mul3A_284 : i32
      %dma_start3A_286 = tpu.memref_slice %arg3[%add3A_285] : memref<160000xi32, #tpu.memory_space<hbm>> -> memref<80xi32, #tpu.memory_space<hbm>>
      %dma_start3A_287 = tpu.memref_slice %arg3[%add3A_285] : memref<160000xi32, #tpu.memory_space<hbm>> -> memref<80xi32, #tpu.memory_space<hbm>>
      tpu.enqueue_dma source(%dma_start3A_287 : memref<80xi32, #tpu.memory_space<hbm>>) target(%arg10 : memref<80xi32, #tpu.memory_space<vmem>>) target_semaphore(%arg22 : memref<!tpu.dma_semaphore, #tpu.memory_space<semaphore_mem>>)
      %mul3A_288 = arith.constant 80 : i32
      %mul3A_289 = arith.muli %add3A_280, %mul3A_288 : i32
      %add3A_290 = arith.addi %mul3A_0, %mul3A_289 : i32
      %dma_wait3A_291 = tpu.memref_slice %arg3[%add3A_290] : memref<160000xi32, #tpu.memory_space<hbm>> -> memref<80xi32, #tpu.memory_space<hbm>>
      %dma_wait3A_292 = tpu.memref_slice %arg3[%add3A_290] : memref<160000xi32, #tpu.memory_space<hbm>> -> memref<80xi32, #tpu.memory_space<hbm>>
      tpu.wait_dma2 semaphore(%arg21 : memref<!tpu.dma_semaphore, #tpu.memory_space<semaphore_mem>>) src(%dma_wait3A_292 : memref<80xi32, #tpu.memory_space<hbm>>) dst(%arg9 : memref<80xi32, #tpu.memory_space<vmem>>)
      %sub3A = arith.constant 2 : i32
      %sub3A_293 = arith.subi %add3A_280, %sub3A : i32
      %mul3A_294 = arith.constant 80 : i32
      %mul3A_295 = arith.muli %sub3A_293, %mul3A_294 : i32
      %add3A_296 = arith.addi %mul3A_0, %mul3A_295 : i32
      %dma_wait3A_297 = arith.constant 0 : i32
      %dma_wait3A_298 = tpu.memref_slice %arg8[%add3A_296, %dma_wait3A_297, %add3A_8] : memref<160000x3x128xf32, #tpu.memory_space<hbm>> -> memref<80x3x32xf32, #tpu.memory_space<hbm>>
      %dma_wait3A_299 = arith.constant 0 : i32
      %dma_wait3A_300 = tpu.memref_slice %arg8[%add3A_296, %dma_wait3A_299, %add3A_8] : memref<160000x3x128xf32, #tpu.memory_space<hbm>> -> memref<80x3x32xf32, #tpu.memory_space<hbm>>
      tpu.wait_dma2 semaphore(%arg23 : memref<!tpu.dma_semaphore, #tpu.memory_space<semaphore_mem>>) src(%arg11 : memref<80x3x32xf32, #tpu.memory_space<vmem>>) dst(%dma_wait3A_300 : memref<80x3x32xf32, #tpu.memory_space<hbm>>)
      "tpu.region"() ({
        %run_scoped3A = tpu.sem_alloc : memref<!tpu.dma_semaphore, #tpu.memory_space<semaphore_mem>>
        %dma_start3A_340 = arith.constant 0 : i32
        %dma_start3A_341 = arith.constant 0 : i32
        %dma_start3A_342 = arith.constant 0 : i32
        %dma_start3A_343 = tpu.memref_slice %arg20[%dma_start3A_340, %dma_start3A_341, %dma_start3A_342] : memref<10000x3x32xf32, #tpu.memory_space<vmem_shared>> -> memref<10000x3x32xf32, #tpu.memory_space<vmem_shared>>
        tpu.enqueue_indirect_dma source(%dma_start3A_343 : memref<10000x3x32xf32, #tpu.memory_space<vmem_shared>>) target(%arg11 : memref<80x3x32xf32, #tpu.memory_space<vmem>>) offsets(%arg9 : memref<80xi32, #tpu.memory_space<vmem>>) semaphore(%run_scoped3A : memref<!tpu.dma_semaphore, #tpu.memory_space<semaphore_mem>>)
        %dma_wait3A_344 = arith.constant 0 : i32
        %dma_wait3A_345 = arith.constant 0 : i32
        %dma_wait3A_346 = arith.constant 0 : i32
        %dma_wait3A_347 = tpu.memref_slice %arg20[%dma_wait3A_344, %dma_wait3A_345, %dma_wait3A_346] : memref<10000x3x32xf32, #tpu.memory_space<vmem_shared>> -> memref<10000x3x32xf32, #tpu.memory_space<vmem_shared>>
        tpu.wait_indirect_dma semaphore(%run_scoped3A : memref<!tpu.dma_semaphore, #tpu.memory_space<semaphore_mem>>) src(%dma_wait3A_347 : memref<10000x3x32xf32, #tpu.memory_space<vmem_shared>>) dst(%arg11 : memref<80x3x32xf32, #tpu.memory_space<vmem>>)
        tpu.yield
      }) : () -> ()
      %mul3A_301 = arith.constant 80 : i32
      %mul3A_302 = arith.muli %add3A_280, %mul3A_301 : i32
      %add3A_303 = arith.addi %mul3A_0, %mul3A_302 : i32
      %dma_start3A_304 = arith.constant 0 : i32
      %dma_start3A_305 = tpu.memref_slice %arg8[%add3A_303, %dma_start3A_304, %add3A_8] : memref<160000x3x128xf32, #tpu.memory_space<hbm>> -> memref<80x3x32xf32, #tpu.memory_space<hbm>>
      %dma_start3A_306 = arith.constant 0 : i32
      %dma_start3A_307 = tpu.memref_slice %arg8[%add3A_303, %dma_start3A_306, %add3A_8] : memref<160000x3x128xf32, #tpu.memory_space<hbm>> -> memref<80x3x32xf32, #tpu.memory_space<hbm>>
      tpu.enqueue_dma source(%arg11 : memref<80x3x32xf32, #tpu.memory_space<vmem>>) target(%dma_start3A_307 : memref<80x3x32xf32, #tpu.memory_space<hbm>>) target_semaphore(%arg23 : memref<!tpu.dma_semaphore, #tpu.memory_space<semaphore_mem>>)
      %add3A_308 = arith.constant 2 : i32
      %add3A_309 = arith.addi %add3A_280, %add3A_308 : i32
      %mul3A_310 = arith.constant 80 : i32
      %mul3A_311 = arith.muli %add3A_309, %mul3A_310 : i32
      %add3A_312 = arith.addi %mul3A_0, %mul3A_311 : i32
      %dma_start3A_313 = tpu.memref_slice %arg3[%add3A_312] : memref<160000xi32, #tpu.memory_space<hbm>> -> memref<80xi32, #tpu.memory_space<hbm>>
      %dma_start3A_314 = tpu.memref_slice %arg3[%add3A_312] : memref<160000xi32, #tpu.memory_space<hbm>> -> memref<80xi32, #tpu.memory_space<hbm>>
      tpu.enqueue_dma source(%dma_start3A_314 : memref<80xi32, #tpu.memory_space<hbm>>) target(%arg9 : memref<80xi32, #tpu.memory_space<vmem>>) target_semaphore(%arg21 : memref<!tpu.dma_semaphore, #tpu.memory_space<semaphore_mem>>)
      %add3A_315 = arith.constant 1 : i32
      %add3A_316 = arith.addi %add3A_280, %add3A_315 : i32
      %mul3A_317 = arith.constant 80 : i32
      %mul3A_318 = arith.muli %add3A_316, %mul3A_317 : i32
      %add3A_319 = arith.addi %mul3A_0, %mul3A_318 : i32
      %dma_wait3A_320 = tpu.memref_slice %arg3[%add3A_319] : memref<160000xi32, #tpu.memory_space<hbm>> -> memref<80xi32, #tpu.memory_space<hbm>>
      %dma_wait3A_321 = tpu.memref_slice %arg3[%add3A_319] : memref<160000xi32, #tpu.memory_space<hbm>> -> memref<80xi32, #tpu.memory_space<hbm>>
      tpu.wait_dma2 semaphore(%arg22 : memref<!tpu.dma_semaphore, #tpu.memory_space<semaphore_mem>>) src(%dma_wait3A_321 : memref<80xi32, #tpu.memory_space<hbm>>) dst(%arg10 : memref<80xi32, #tpu.memory_space<vmem>>)
      %add3A_322 = arith.constant 1 : i32
      %add3A_323 = arith.addi %add3A_280, %add3A_322 : i32
      %sub3A_324 = arith.constant 2 : i32
      %sub3A_325 = arith.subi %add3A_323, %sub3A_324 : i32
      %mul3A_326 = arith.constant 80 : i32
      %mul3A_327 = arith.muli %sub3A_325, %mul3A_326 : i32
      %add3A_328 = arith.addi %mul3A_0, %mul3A_327 : i32
      %dma_wait3A_329 = arith.constant 0 : i32
      %dma_wait3A_330 = tpu.memref_slice %arg8[%add3A_328, %dma_wait3A_329, %add3A_8] : memref<160000x3x128xf32, #tpu.memory_space<hbm>> -> memref<80x3x32xf32, #tpu.memory_space<hbm>>
      %dma_wait3A_331 = arith.constant 0 : i32
      %dma_wait3A_332 = tpu.memref_slice %arg8[%add3A_328, %dma_wait3A_331, %add3A_8] : memref<160000x3x128xf32, #tpu.memory_space<hbm>> -> memref<80x3x32xf32, #tpu.memory_space<hbm>>
      tpu.wait_dma2 semaphore(%arg24 : memref<!tpu.dma_semaphore, #tpu.memory_space<semaphore_mem>>) src(%arg12 : memref<80x3x32xf32, #tpu.memory_space<vmem>>) dst(%dma_wait3A_332 : memref<80x3x32xf32, #tpu.memory_space<hbm>>)
      "tpu.region"() ({
        %run_scoped3A = tpu.sem_alloc : memref<!tpu.dma_semaphore, #tpu.memory_space<semaphore_mem>>
        %dma_start3A_340 = arith.constant 0 : i32
        %dma_start3A_341 = arith.constant 0 : i32
        %dma_start3A_342 = arith.constant 0 : i32
        %dma_start3A_343 = tpu.memref_slice %arg20[%dma_start3A_340, %dma_start3A_341, %dma_start3A_342] : memref<10000x3x32xf32, #tpu.memory_space<vmem_shared>> -> memref<10000x3x32xf32, #tpu.memory_space<vmem_shared>>
        tpu.enqueue_indirect_dma source(%dma_start3A_343 : memref<10000x3x32xf32, #tpu.memory_space<vmem_shared>>) target(%arg12 : memref<80x3x32xf32, #tpu.memory_space<vmem>>) offsets(%arg10 : memref<80xi32, #tpu.memory_space<vmem>>) semaphore(%run_scoped3A : memref<!tpu.dma_semaphore, #tpu.memory_space<semaphore_mem>>)
        %dma_wait3A_344 = arith.constant 0 : i32
        %dma_wait3A_345 = arith.constant 0 : i32
        %dma_wait3A_346 = arith.constant 0 : i32
        %dma_wait3A_347 = tpu.memref_slice %arg20[%dma_wait3A_344, %dma_wait3A_345, %dma_wait3A_346] : memref<10000x3x32xf32, #tpu.memory_space<vmem_shared>> -> memref<10000x3x32xf32, #tpu.memory_space<vmem_shared>>
        tpu.wait_indirect_dma semaphore(%run_scoped3A : memref<!tpu.dma_semaphore, #tpu.memory_space<semaphore_mem>>) src(%dma_wait3A_347 : memref<10000x3x32xf32, #tpu.memory_space<vmem_shared>>) dst(%arg12 : memref<80x3x32xf32, #tpu.memory_space<vmem>>)
        tpu.yield
      }) : () -> ()
      %mul3A_333 = arith.constant 80 : i32
      %mul3A_334 = arith.muli %add3A_323, %mul3A_333 : i32
      %add3A_335 = arith.addi %mul3A_0, %mul3A_334 : i32
      %dma_start3A_336 = arith.constant 0 : i32
      %dma_start3A_337 = tpu.memref_slice %arg8[%add3A_335, %dma_start3A_336, %add3A_8] : memref<160000x3x128xf32, #tpu.memory_space<hbm>> -> memref<80x3x32xf32, #tpu.memory_space<hbm>>
      %dma_start3A_338 = arith.constant 0 : i32
      %dma_start3A_339 = tpu.memref_slice %arg8[%add3A_335, %dma_start3A_338, %add3A_8] : memref<160000x3x128xf32, #tpu.memory_space<hbm>> -> memref<80x3x32xf32, #tpu.memory_space<hbm>>
      tpu.enqueue_dma source(%arg12 : memref<80x3x32xf32, #tpu.memory_space<vmem>>) target(%dma_start3A_339 : memref<80x3x32xf32, #tpu.memory_space<hbm>>) target_semaphore(%arg24 : memref<!tpu.dma_semaphore, #tpu.memory_space<semaphore_mem>>)
    }
    %scan3A_109 = arith.constant 61 : i32
    %add3A_110 = arith.constant 9920 : i32
    %add3A_111 = arith.addi %mul3A_0, %add3A_110 : i32
    %dma_wait3A_112 = tpu.memref_slice %arg3[%add3A_111] : memref<160000xi32, #tpu.memory_space<hbm>> -> memref<80xi32, #tpu.memory_space<hbm>>
    %dma_wait3A_113 = tpu.memref_slice %arg3[%add3A_111] : memref<160000xi32, #tpu.memory_space<hbm>> -> memref<80xi32, #tpu.memory_space<hbm>>
    tpu.wait_dma2 semaphore(%arg21 : memref<!tpu.dma_semaphore, #tpu.memory_space<semaphore_mem>>) src(%dma_wait3A_113 : memref<80xi32, #tpu.memory_space<hbm>>) dst(%arg9 : memref<80xi32, #tpu.memory_space<vmem>>)
    %add3A_114 = arith.constant 9760 : i32
    %add3A_115 = arith.addi %mul3A_0, %add3A_114 : i32
    %dma_wait3A_116 = arith.constant 0 : i32
    %dma_wait3A_117 = tpu.memref_slice %arg8[%add3A_115, %dma_wait3A_116, %add3A_8] : memref<160000x3x128xf32, #tpu.memory_space<hbm>> -> memref<80x3x32xf32, #tpu.memory_space<hbm>>
    %dma_wait3A_118 = arith.constant 0 : i32
    %dma_wait3A_119 = tpu.memref_slice %arg8[%add3A_115, %dma_wait3A_118, %add3A_8] : memref<160000x3x128xf32, #tpu.memory_space<hbm>> -> memref<80x3x32xf32, #tpu.memory_space<hbm>>
    tpu.wait_dma2 semaphore(%arg23 : memref<!tpu.dma_semaphore, #tpu.memory_space<semaphore_mem>>) src(%arg11 : memref<80x3x32xf32, #tpu.memory_space<vmem>>) dst(%dma_wait3A_119 : memref<80x3x32xf32, #tpu.memory_space<hbm>>)
    "tpu.region"() ({
      %run_scoped3A = tpu.sem_alloc : memref<!tpu.dma_semaphore, #tpu.memory_space<semaphore_mem>>
      %dma_start3A_276 = arith.constant 0 : i32
      %dma_start3A_277 = arith.constant 0 : i32
      %dma_start3A_278 = arith.constant 0 : i32
      %dma_start3A_279 = tpu.memref_slice %arg20[%dma_start3A_276, %dma_start3A_277, %dma_start3A_278] : memref<10000x3x32xf32, #tpu.memory_space<vmem_shared>> -> memref<10000x3x32xf32, #tpu.memory_space<vmem_shared>>
      tpu.enqueue_indirect_dma source(%dma_start3A_279 : memref<10000x3x32xf32, #tpu.memory_space<vmem_shared>>) target(%arg11 : memref<80x3x32xf32, #tpu.memory_space<vmem>>) offsets(%arg9 : memref<80xi32, #tpu.memory_space<vmem>>) semaphore(%run_scoped3A : memref<!tpu.dma_semaphore, #tpu.memory_space<semaphore_mem>>)
      %dma_wait3A_280 = arith.constant 0 : i32
      %dma_wait3A_281 = arith.constant 0 : i32
      %dma_wait3A_282 = arith.constant 0 : i32
      %dma_wait3A_283 = tpu.memref_slice %arg20[%dma_wait3A_280, %dma_wait3A_281, %dma_wait3A_282] : memref<10000x3x32xf32, #tpu.memory_space<vmem_shared>> -> memref<10000x3x32xf32, #tpu.memory_space<vmem_shared>>
      tpu.wait_indirect_dma semaphore(%run_scoped3A : memref<!tpu.dma_semaphore, #tpu.memory_space<semaphore_mem>>) src(%dma_wait3A_283 : memref<10000x3x32xf32, #tpu.memory_space<vmem_shared>>) dst(%arg11 : memref<80x3x32xf32, #tpu.memory_space<vmem>>)
      tpu.yield
    }) : () -> ()
    %add3A_120 = arith.constant 9920 : i32
    %add3A_121 = arith.addi %mul3A_0, %add3A_120 : i32
    %dma_start3A_122 = arith.constant 0 : i32
    %dma_start3A_123 = tpu.memref_slice %arg8[%add3A_121, %dma_start3A_122, %add3A_8] : memref<160000x3x128xf32, #tpu.memory_space<hbm>> -> memref<80x3x32xf32, #tpu.memory_space<hbm>>
    %dma_start3A_124 = arith.constant 0 : i32
    %dma_start3A_125 = tpu.memref_slice %arg8[%add3A_121, %dma_start3A_124, %add3A_8] : memref<160000x3x128xf32, #tpu.memory_space<hbm>> -> memref<80x3x32xf32, #tpu.memory_space<hbm>>
    tpu.enqueue_dma source(%arg11 : memref<80x3x32xf32, #tpu.memory_space<vmem>>) target(%dma_start3A_125 : memref<80x3x32xf32, #tpu.memory_space<hbm>>) target_semaphore(%arg23 : memref<!tpu.dma_semaphore, #tpu.memory_space<semaphore_mem>>)
    %add3A_126 = arith.constant 9840 : i32
    %add3A_127 = arith.addi %mul3A_0, %add3A_126 : i32
    %dma_wait3A_128 = arith.constant 0 : i32
    %dma_wait3A_129 = tpu.memref_slice %arg8[%add3A_127, %dma_wait3A_128, %add3A_8] : memref<160000x3x128xf32, #tpu.memory_space<hbm>> -> memref<80x3x32xf32, #tpu.memory_space<hbm>>
    %dma_wait3A_130 = arith.constant 0 : i32
    %dma_wait3A_131 = tpu.memref_slice %arg8[%add3A_127, %dma_wait3A_130, %add3A_8] : memref<160000x3x128xf32, #tpu.memory_space<hbm>> -> memref<80x3x32xf32, #tpu.memory_space<hbm>>
    tpu.wait_dma2 semaphore(%arg24 : memref<!tpu.dma_semaphore, #tpu.memory_space<semaphore_mem>>) src(%arg12 : memref<80x3x32xf32, #tpu.memory_space<vmem>>) dst(%dma_wait3A_131 : memref<80x3x32xf32, #tpu.memory_space<hbm>>)
    %add3A_132 = arith.constant 9920 : i32
    %add3A_133 = arith.addi %mul3A_0, %add3A_132 : i32
    %dma_wait3A_134 = arith.constant 0 : i32
    %dma_wait3A_135 = tpu.memref_slice %arg8[%add3A_133, %dma_wait3A_134, %add3A_8] : memref<160000x3x128xf32, #tpu.memory_space<hbm>> -> memref<80x3x32xf32, #tpu.memory_space<hbm>>
    %dma_wait3A_136 = arith.constant 0 : i32
    %dma_wait3A_137 = tpu.memref_slice %arg8[%add3A_133, %dma_wait3A_136, %add3A_8] : memref<160000x3x128xf32, #tpu.memory_space<hbm>> -> memref<80x3x32xf32, #tpu.memory_space<hbm>>
    tpu.wait_dma2 semaphore(%arg23 : memref<!tpu.dma_semaphore, #tpu.memory_space<semaphore_mem>>) src(%arg11 : memref<80x3x32xf32, #tpu.memory_space<vmem>>) dst(%dma_wait3A_137 : memref<80x3x32xf32, #tpu.memory_space<hbm>>)
    %barrier3A_138 = arith.constant 0 : index
    tpu.barrier barrier_id(%barrier3A_138)
    %mul3A_139 = arith.constant 64 : i32
    %mul3A_140 = arith.muli %arg0, %mul3A_139 : i32
    %add3A_141 = arith.constant 32 : i32
    %add3A_142 = arith.addi %mul3A_140, %add3A_141 : i32
    %mul3A_143 = arith.constant 625 : i32
    %mul3A_144 = arith.muli %arg1, %mul3A_143 : i32
    %add3A_145 = arith.constant 0 : i32
    %add3A_146 = arith.addi %mul3A_144, %add3A_145 : i32
    "tpu.region"() ({
      %run_scoped3A = tpu.sem_alloc : memref<!tpu.dma_semaphore, #tpu.memory_space<semaphore_mem>>
      %dma_start3A_276 = arith.constant 0 : i32
      %dma_start3A_277 = arith.constant 0 : i32
      %dma_start3A_278 = tpu.memref_slice %arg20[%add3A_146, %dma_start3A_276, %dma_start3A_277] : memref<10000x3x32xf32, #tpu.memory_space<vmem_shared>> -> memref<125x3x32xf32, #tpu.memory_space<vmem_shared>>
      %dma_start3A_279 = arith.constant 0 : i32
      %dma_start3A_280 = arith.constant 0 : i32
      %dma_start3A_281 = tpu.memref_slice %arg20[%add3A_146, %dma_start3A_279, %dma_start3A_280] : memref<10000x3x32xf32, #tpu.memory_space<vmem_shared>> -> memref<125x3x32xf32, #tpu.memory_space<vmem_shared>>
      tpu.enqueue_dma source(%arg19 : memref<125x3x32xf32, #tpu.memory_space<vmem>>) target(%dma_start3A_281 : memref<125x3x32xf32, #tpu.memory_space<vmem_shared>>) target_semaphore(%run_scoped3A : memref<!tpu.dma_semaphore, #tpu.memory_space<semaphore_mem>>)
      %dma_wait3A_282 = arith.constant 0 : i32
      %dma_wait3A_283 = arith.constant 0 : i32
      %dma_wait3A_284 = tpu.memref_slice %arg20[%add3A_146, %dma_wait3A_282, %dma_wait3A_283] : memref<10000x3x32xf32, #tpu.memory_space<vmem_shared>> -> memref<125x3x32xf32, #tpu.memory_space<vmem_shared>>
      %dma_wait3A_285 = arith.constant 0 : i32
      %dma_wait3A_286 = arith.constant 0 : i32
      %dma_wait3A_287 = tpu.memref_slice %arg20[%add3A_146, %dma_wait3A_285, %dma_wait3A_286] : memref<10000x3x32xf32, #tpu.memory_space<vmem_shared>> -> memref<125x3x32xf32, #tpu.memory_space<vmem_shared>>
      tpu.wait_dma2 semaphore(%run_scoped3A : memref<!tpu.dma_semaphore, #tpu.memory_space<semaphore_mem>>) src(%arg19 : memref<125x3x32xf32, #tpu.memory_space<vmem>>) dst(%dma_wait3A_287 : memref<125x3x32xf32, #tpu.memory_space<vmem_shared>>)
      tpu.yield
    }) : () -> ()
    %mul3A_147 = arith.constant 625 : i32
    %mul3A_148 = arith.muli %arg1, %mul3A_147 : i32
    %add3A_149 = arith.constant 125 : i32
    %add3A_150 = arith.addi %mul3A_148, %add3A_149 : i32
    "tpu.region"() ({
      %run_scoped3A = tpu.sem_alloc : memref<!tpu.dma_semaphore, #tpu.memory_space<semaphore_mem>>
      %dma_start3A_276 = arith.constant 0 : i32
      %dma_start3A_277 = arith.constant 0 : i32
      %dma_start3A_278 = tpu.memref_slice %arg20[%add3A_150, %dma_start3A_276, %dma_start3A_277] : memref<10000x3x32xf32, #tpu.memory_space<vmem_shared>> -> memref<125x3x32xf32, #tpu.memory_space<vmem_shared>>
      %dma_start3A_279 = arith.constant 0 : i32
      %dma_start3A_280 = arith.constant 0 : i32
      %dma_start3A_281 = tpu.memref_slice %arg20[%add3A_150, %dma_start3A_279, %dma_start3A_280] : memref<10000x3x32xf32, #tpu.memory_space<vmem_shared>> -> memref<125x3x32xf32, #tpu.memory_space<vmem_shared>>
      tpu.enqueue_dma source(%arg19 : memref<125x3x32xf32, #tpu.memory_space<vmem>>) target(%dma_start3A_281 : memref<125x3x32xf32, #tpu.memory_space<vmem_shared>>) target_semaphore(%run_scoped3A : memref<!tpu.dma_semaphore, #tpu.memory_space<semaphore_mem>>)
      %dma_wait3A_282 = arith.constant 0 : i32
      %dma_wait3A_283 = arith.constant 0 : i32
      %dma_wait3A_284 = tpu.memref_slice %arg20[%add3A_150, %dma_wait3A_282, %dma_wait3A_283] : memref<10000x3x32xf32, #tpu.memory_space<vmem_shared>> -> memref<125x3x32xf32, #tpu.memory_space<vmem_shared>>
      %dma_wait3A_285 = arith.constant 0 : i32
      %dma_wait3A_286 = arith.constant 0 : i32
      %dma_wait3A_287 = tpu.memref_slice %arg20[%add3A_150, %dma_wait3A_285, %dma_wait3A_286] : memref<10000x3x32xf32, #tpu.memory_space<vmem_shared>> -> memref<125x3x32xf32, #tpu.memory_space<vmem_shared>>
      tpu.wait_dma2 semaphore(%run_scoped3A : memref<!tpu.dma_semaphore, #tpu.memory_space<semaphore_mem>>) src(%arg19 : memref<125x3x32xf32, #tpu.memory_space<vmem>>) dst(%dma_wait3A_287 : memref<125x3x32xf32, #tpu.memory_space<vmem_shared>>)
      tpu.yield
    }) : () -> ()
    %mul3A_151 = arith.constant 625 : i32
    %mul3A_152 = arith.muli %arg1, %mul3A_151 : i32
    %add3A_153 = arith.constant 250 : i32
    %add3A_154 = arith.addi %mul3A_152, %add3A_153 : i32
    "tpu.region"() ({
      %run_scoped3A = tpu.sem_alloc : memref<!tpu.dma_semaphore, #tpu.memory_space<semaphore_mem>>
      %dma_start3A_276 = arith.constant 0 : i32
      %dma_start3A_277 = arith.constant 0 : i32
      %dma_start3A_278 = tpu.memref_slice %arg20[%add3A_154, %dma_start3A_276, %dma_start3A_277] : memref<10000x3x32xf32, #tpu.memory_space<vmem_shared>> -> memref<125x3x32xf32, #tpu.memory_space<vmem_shared>>
      %dma_start3A_279 = arith.constant 0 : i32
      %dma_start3A_280 = arith.constant 0 : i32
      %dma_start3A_281 = tpu.memref_slice %arg20[%add3A_154, %dma_start3A_279, %dma_start3A_280] : memref<10000x3x32xf32, #tpu.memory_space<vmem_shared>> -> memref<125x3x32xf32, #tpu.memory_space<vmem_shared>>
      tpu.enqueue_dma source(%arg19 : memref<125x3x32xf32, #tpu.memory_space<vmem>>) target(%dma_start3A_281 : memref<125x3x32xf32, #tpu.memory_space<vmem_shared>>) target_semaphore(%run_scoped3A : memref<!tpu.dma_semaphore, #tpu.memory_space<semaphore_mem>>)
      %dma_wait3A_282 = arith.constant 0 : i32
      %dma_wait3A_283 = arith.constant 0 : i32
      %dma_wait3A_284 = tpu.memref_slice %arg20[%add3A_154, %dma_wait3A_282, %dma_wait3A_283] : memref<10000x3x32xf32, #tpu.memory_space<vmem_shared>> -> memref<125x3x32xf32, #tpu.memory_space<vmem_shared>>
      %dma_wait3A_285 = arith.constant 0 : i32
      %dma_wait3A_286 = arith.constant 0 : i32
      %dma_wait3A_287 = tpu.memref_slice %arg20[%add3A_154, %dma_wait3A_285, %dma_wait3A_286] : memref<10000x3x32xf32, #tpu.memory_space<vmem_shared>> -> memref<125x3x32xf32, #tpu.memory_space<vmem_shared>>
      tpu.wait_dma2 semaphore(%run_scoped3A : memref<!tpu.dma_semaphore, #tpu.memory_space<semaphore_mem>>) src(%arg19 : memref<125x3x32xf32, #tpu.memory_space<vmem>>) dst(%dma_wait3A_287 : memref<125x3x32xf32, #tpu.memory_space<vmem_shared>>)
      tpu.yield
    }) : () -> ()
    %mul3A_155 = arith.constant 625 : i32
    %mul3A_156 = arith.muli %arg1, %mul3A_155 : i32
    %add3A_157 = arith.constant 375 : i32
    %add3A_158 = arith.addi %mul3A_156, %add3A_157 : i32
    "tpu.region"() ({
      %run_scoped3A = tpu.sem_alloc : memref<!tpu.dma_semaphore, #tpu.memory_space<semaphore_mem>>
      %dma_start3A_276 = arith.constant 0 : i32
      %dma_start3A_277 = arith.constant 0 : i32
      %dma_start3A_278 = tpu.memref_slice %arg20[%add3A_158, %dma_start3A_276, %dma_start3A_277] : memref<10000x3x32xf32, #tpu.memory_space<vmem_shared>> -> memref<125x3x32xf32, #tpu.memory_space<vmem_shared>>
      %dma_start3A_279 = arith.constant 0 : i32
      %dma_start3A_280 = arith.constant 0 : i32
      %dma_start3A_281 = tpu.memref_slice %arg20[%add3A_158, %dma_start3A_279, %dma_start3A_280] : memref<10000x3x32xf32, #tpu.memory_space<vmem_shared>> -> memref<125x3x32xf32, #tpu.memory_space<vmem_shared>>
      tpu.enqueue_dma source(%arg19 : memref<125x3x32xf32, #tpu.memory_space<vmem>>) target(%dma_start3A_281 : memref<125x3x32xf32, #tpu.memory_space<vmem_shared>>) target_semaphore(%run_scoped3A : memref<!tpu.dma_semaphore, #tpu.memory_space<semaphore_mem>>)
      %dma_wait3A_282 = arith.constant 0 : i32
      %dma_wait3A_283 = arith.constant 0 : i32
      %dma_wait3A_284 = tpu.memref_slice %arg20[%add3A_158, %dma_wait3A_282, %dma_wait3A_283] : memref<10000x3x32xf32, #tpu.memory_space<vmem_shared>> -> memref<125x3x32xf32, #tpu.memory_space<vmem_shared>>
      %dma_wait3A_285 = arith.constant 0 : i32
      %dma_wait3A_286 = arith.constant 0 : i32
      %dma_wait3A_287 = tpu.memref_slice %arg20[%add3A_158, %dma_wait3A_285, %dma_wait3A_286] : memref<10000x3x32xf32, #tpu.memory_space<vmem_shared>> -> memref<125x3x32xf32, #tpu.memory_space<vmem_shared>>
      tpu.wait_dma2 semaphore(%run_scoped3A : memref<!tpu.dma_semaphore, #tpu.memory_space<semaphore_mem>>) src(%arg19 : memref<125x3x32xf32, #tpu.memory_space<vmem>>) dst(%dma_wait3A_287 : memref<125x3x32xf32, #tpu.memory_space<vmem_shared>>)
      tpu.yield
    }) : () -> ()
    %mul3A_159 = arith.constant 625 : i32
    %mul3A_160 = arith.muli %arg1, %mul3A_159 : i32
    %add3A_161 = arith.constant 500 : i32
    %add3A_162 = arith.addi %mul3A_160, %add3A_161 : i32
    "tpu.region"() ({
      %run_scoped3A = tpu.sem_alloc : memref<!tpu.dma_semaphore, #tpu.memory_space<semaphore_mem>>
      %dma_start3A_276 = arith.constant 0 : i32
      %dma_start3A_277 = arith.constant 0 : i32
      %dma_start3A_278 = tpu.memref_slice %arg20[%add3A_162, %dma_start3A_276, %dma_start3A_277] : memref<10000x3x32xf32, #tpu.memory_space<vmem_shared>> -> memref<125x3x32xf32, #tpu.memory_space<vmem_shared>>
      %dma_start3A_279 = arith.constant 0 : i32
      %dma_start3A_280 = arith.constant 0 : i32
      %dma_start3A_281 = tpu.memref_slice %arg20[%add3A_162, %dma_start3A_279, %dma_start3A_280] : memref<10000x3x32xf32, #tpu.memory_space<vmem_shared>> -> memref<125x3x32xf32, #tpu.memory_space<vmem_shared>>
      tpu.enqueue_dma source(%arg19 : memref<125x3x32xf32, #tpu.memory_space<vmem>>) target(%dma_start3A_281 : memref<125x3x32xf32, #tpu.memory_space<vmem_shared>>) target_semaphore(%run_scoped3A : memref<!tpu.dma_semaphore, #tpu.memory_space<semaphore_mem>>)
      %dma_wait3A_282 = arith.constant 0 : i32
      %dma_wait3A_283 = arith.constant 0 : i32
      %dma_wait3A_284 = tpu.memref_slice %arg20[%add3A_162, %dma_wait3A_282, %dma_wait3A_283] : memref<10000x3x32xf32, #tpu.memory_space<vmem_shared>> -> memref<125x3x32xf32, #tpu.memory_space<vmem_shared>>
      %dma_wait3A_285 = arith.constant 0 : i32
      %dma_wait3A_286 = arith.constant 0 : i32
      %dma_wait3A_287 = tpu.memref_slice %arg20[%add3A_162, %dma_wait3A_285, %dma_wait3A_286] : memref<10000x3x32xf32, #tpu.memory_space<vmem_shared>> -> memref<125x3x32xf32, #tpu.memory_space<vmem_shared>>
      tpu.wait_dma2 semaphore(%run_scoped3A : memref<!tpu.dma_semaphore, #tpu.memory_space<semaphore_mem>>) src(%arg19 : memref<125x3x32xf32, #tpu.memory_space<vmem>>) dst(%dma_wait3A_287 : memref<125x3x32xf32, #tpu.memory_space<vmem_shared>>)
      tpu.yield
    }) : () -> ()
    %barrier3A_163 = arith.constant 0 : index
    tpu.barrier barrier_id(%barrier3A_163)
    %add3A_164 = arith.constant 0 : i32
    %add3A_165 = arith.addi %mul3A_0, %add3A_164 : i32
    %dma_start3A_166 = tpu.memref_slice %arg2[%add3A_165] : memref<160000xi32, #tpu.memory_space<hbm>> -> memref<80xi32, #tpu.memory_space<hbm>>
    %dma_start3A_167 = tpu.memref_slice %arg2[%add3A_165] : memref<160000xi32, #tpu.memory_space<hbm>> -> memref<80xi32, #tpu.memory_space<hbm>>
    tpu.enqueue_dma source(%dma_start3A_167 : memref<80xi32, #tpu.memory_space<hbm>>) target(%arg9 : memref<80xi32, #tpu.memory_space<vmem>>) target_semaphore(%arg21 : memref<!tpu.dma_semaphore, #tpu.memory_space<semaphore_mem>>)
    %dma_start3A_168 = arith.constant 0 : i32
    %dma_start3A_169 = tpu.memref_slice %arg4[%add3A_165, %dma_start3A_168, %add3A_142] : memref<160000x3x128xf32, #tpu.memory_space<hbm>> -> memref<80x3x32xf32, #tpu.memory_space<hbm>>
    %dma_start3A_170 = arith.constant 0 : i32
    %dma_start3A_171 = tpu.memref_slice %arg4[%add3A_165, %dma_start3A_170, %add3A_142] : memref<160000x3x128xf32, #tpu.memory_space<hbm>> -> memref<80x3x32xf32, #tpu.memory_space<hbm>>
    tpu.enqueue_dma source(%dma_start3A_171 : memref<80x3x32xf32, #tpu.memory_space<hbm>>) target(%arg11 : memref<80x3x32xf32, #tpu.memory_space<vmem>>) target_semaphore(%arg23 : memref<!tpu.dma_semaphore, #tpu.memory_space<semaphore_mem>>)
    %dma_start3A_172 = tpu.memref_slice %arg5[%add3A_165, %add3A_142] : memref<160000x128xf32, #tpu.memory_space<hbm>> -> memref<80x32xf32, #tpu.memory_space<hbm>>
    %dma_start3A_173 = tpu.memref_slice %arg5[%add3A_165, %add3A_142] : memref<160000x128xf32, #tpu.memory_space<hbm>> -> memref<80x32xf32, #tpu.memory_space<hbm>>
    tpu.enqueue_dma source(%dma_start3A_173 : memref<80x32xf32, #tpu.memory_space<hbm>>) target(%arg13 : memref<80x32xf32, #tpu.memory_space<vmem>>) target_semaphore(%arg25 : memref<!tpu.dma_semaphore, #tpu.memory_space<semaphore_mem>>)
    %dma_start3A_174 = tpu.memref_slice %arg6[%add3A_165, %add3A_142] : memref<160000x128xf32, #tpu.memory_space<hbm>> -> memref<80x32xf32, #tpu.memory_space<hbm>>
    %dma_start3A_175 = tpu.memref_slice %arg6[%add3A_165, %add3A_142] : memref<160000x128xf32, #tpu.memory_space<hbm>> -> memref<80x32xf32, #tpu.memory_space<hbm>>
    tpu.enqueue_dma source(%dma_start3A_175 : memref<80x32xf32, #tpu.memory_space<hbm>>) target(%arg15 : memref<80x32xf32, #tpu.memory_space<vmem>>) target_semaphore(%arg27 : memref<!tpu.dma_semaphore, #tpu.memory_space<semaphore_mem>>)
    %dma_start3A_176 = arith.constant 0 : i32
    %dma_start3A_177 = tpu.memref_slice %arg7[%add3A_165, %dma_start3A_176] : memref<160000x16xf32, #tpu.memory_space<hbm>> -> memref<80x16xf32, #tpu.memory_space<hbm>>
    %dma_start3A_178 = arith.constant 0 : i32
    %dma_start3A_179 = tpu.memref_slice %arg7[%add3A_165, %dma_start3A_178] : memref<160000x16xf32, #tpu.memory_space<hbm>> -> memref<80x16xf32, #tpu.memory_space<hbm>>
    tpu.enqueue_dma source(%dma_start3A_179 : memref<80x16xf32, #tpu.memory_space<hbm>>) target(%arg17 : memref<80x16xf32, #tpu.memory_space<vmem>>) target_semaphore(%arg29 : memref<!tpu.dma_semaphore, #tpu.memory_space<semaphore_mem>>)
    %scan3A_180 = arith.constant 0 : i32
    %scan3A_181 = arith.constant 0 : i32
    %scan3A_182 = arith.constant 62 : i32
    %scan3A_183 = arith.addi %scan3A_181, %scan3A_182 : i32
    %scan3A_184 = arith.constant 1 : i32
    scf.for %scan3A_276 = %scan3A_181 to %scan3A_183 step %scan3A_184  : i32 {
      %mul3A_277 = arith.constant 2 : i32
      %mul3A_278 = arith.muli %mul3A_277, %scan3A_276 : i32
      %add3A_279 = arith.constant 1 : i32
      %add3A_280 = arith.addi %mul3A_278, %add3A_279 : i32
      %mul3A_281 = arith.constant 80 : i32
      %mul3A_282 = arith.muli %add3A_280, %mul3A_281 : i32
      %add3A_283 = arith.addi %mul3A_0, %mul3A_282 : i32
      %dma_start3A_284 = tpu.memref_slice %arg2[%add3A_283] : memref<160000xi32, #tpu.memory_space<hbm>> -> memref<80xi32, #tpu.memory_space<hbm>>
      %dma_start3A_285 = tpu.memref_slice %arg2[%add3A_283] : memref<160000xi32, #tpu.memory_space<hbm>> -> memref<80xi32, #tpu.memory_space<hbm>>
      tpu.enqueue_dma source(%dma_start3A_285 : memref<80xi32, #tpu.memory_space<hbm>>) target(%arg10 : memref<80xi32, #tpu.memory_space<vmem>>) target_semaphore(%arg22 : memref<!tpu.dma_semaphore, #tpu.memory_space<semaphore_mem>>)
      %dma_start3A_286 = arith.constant 0 : i32
      %dma_start3A_287 = tpu.memref_slice %arg4[%add3A_283, %dma_start3A_286, %add3A_142] : memref<160000x3x128xf32, #tpu.memory_space<hbm>> -> memref<80x3x32xf32, #tpu.memory_space<hbm>>
      %dma_start3A_288 = arith.constant 0 : i32
      %dma_start3A_289 = tpu.memref_slice %arg4[%add3A_283, %dma_start3A_288, %add3A_142] : memref<160000x3x128xf32, #tpu.memory_space<hbm>> -> memref<80x3x32xf32, #tpu.memory_space<hbm>>
      tpu.enqueue_dma source(%dma_start3A_289 : memref<80x3x32xf32, #tpu.memory_space<hbm>>) target(%arg12 : memref<80x3x32xf32, #tpu.memory_space<vmem>>) target_semaphore(%arg24 : memref<!tpu.dma_semaphore, #tpu.memory_space<semaphore_mem>>)
      %dma_start3A_290 = tpu.memref_slice %arg5[%add3A_283, %add3A_142] : memref<160000x128xf32, #tpu.memory_space<hbm>> -> memref<80x32xf32, #tpu.memory_space<hbm>>
      %dma_start3A_291 = tpu.memref_slice %arg5[%add3A_283, %add3A_142] : memref<160000x128xf32, #tpu.memory_space<hbm>> -> memref<80x32xf32, #tpu.memory_space<hbm>>
      tpu.enqueue_dma source(%dma_start3A_291 : memref<80x32xf32, #tpu.memory_space<hbm>>) target(%arg14 : memref<80x32xf32, #tpu.memory_space<vmem>>) target_semaphore(%arg26 : memref<!tpu.dma_semaphore, #tpu.memory_space<semaphore_mem>>)
      %dma_start3A_292 = tpu.memref_slice %arg6[%add3A_283, %add3A_142] : memref<160000x128xf32, #tpu.memory_space<hbm>> -> memref<80x32xf32, #tpu.memory_space<hbm>>
      %dma_start3A_293 = tpu.memref_slice %arg6[%add3A_283, %add3A_142] : memref<160000x128xf32, #tpu.memory_space<hbm>> -> memref<80x32xf32, #tpu.memory_space<hbm>>
      tpu.enqueue_dma source(%dma_start3A_293 : memref<80x32xf32, #tpu.memory_space<hbm>>) target(%arg16 : memref<80x32xf32, #tpu.memory_space<vmem>>) target_semaphore(%arg28 : memref<!tpu.dma_semaphore, #tpu.memory_space<semaphore_mem>>)
      %dma_start3A_294 = arith.constant 0 : i32
      %dma_start3A_295 = tpu.memref_slice %arg7[%add3A_283, %dma_start3A_294] : memref<160000x16xf32, #tpu.memory_space<hbm>> -> memref<80x16xf32, #tpu.memory_space<hbm>>
      %dma_start3A_296 = arith.constant 0 : i32
      %dma_start3A_297 = tpu.memref_slice %arg7[%add3A_283, %dma_start3A_296] : memref<160000x16xf32, #tpu.memory_space<hbm>> -> memref<80x16xf32, #tpu.memory_space<hbm>>
      tpu.enqueue_dma source(%dma_start3A_297 : memref<80x16xf32, #tpu.memory_space<hbm>>) target(%arg18 : memref<80x16xf32, #tpu.memory_space<vmem>>) target_semaphore(%arg30 : memref<!tpu.dma_semaphore, #tpu.memory_space<semaphore_mem>>)
      %mul3A_298 = arith.constant 80 : i32
      %mul3A_299 = arith.muli %mul3A_278, %mul3A_298 : i32
      %add3A_300 = arith.addi %mul3A_0, %mul3A_299 : i32
      %dma_wait3A_301 = tpu.memref_slice %arg2[%add3A_300] : memref<160000xi32, #tpu.memory_space<hbm>> -> memref<80xi32, #tpu.memory_space<hbm>>
      %dma_wait3A_302 = tpu.memref_slice %arg2[%add3A_300] : memref<160000xi32, #tpu.memory_space<hbm>> -> memref<80xi32, #tpu.memory_space<hbm>>
      tpu.wait_dma2 semaphore(%arg21 : memref<!tpu.dma_semaphore, #tpu.memory_space<semaphore_mem>>) src(%dma_wait3A_302 : memref<80xi32, #tpu.memory_space<hbm>>) dst(%arg9 : memref<80xi32, #tpu.memory_space<vmem>>)
      %dma_wait3A_303 = arith.constant 0 : i32
      %dma_wait3A_304 = tpu.memref_slice %arg4[%add3A_300, %dma_wait3A_303, %add3A_142] : memref<160000x3x128xf32, #tpu.memory_space<hbm>> -> memref<80x3x32xf32, #tpu.memory_space<hbm>>
      %dma_wait3A_305 = arith.constant 0 : i32
      %dma_wait3A_306 = tpu.memref_slice %arg4[%add3A_300, %dma_wait3A_305, %add3A_142] : memref<160000x3x128xf32, #tpu.memory_space<hbm>> -> memref<80x3x32xf32, #tpu.memory_space<hbm>>
      tpu.wait_dma2 semaphore(%arg23 : memref<!tpu.dma_semaphore, #tpu.memory_space<semaphore_mem>>) src(%dma_wait3A_306 : memref<80x3x32xf32, #tpu.memory_space<hbm>>) dst(%arg11 : memref<80x3x32xf32, #tpu.memory_space<vmem>>)
      %dma_wait3A_307 = tpu.memref_slice %arg5[%add3A_300, %add3A_142] : memref<160000x128xf32, #tpu.memory_space<hbm>> -> memref<80x32xf32, #tpu.memory_space<hbm>>
      %dma_wait3A_308 = tpu.memref_slice %arg5[%add3A_300, %add3A_142] : memref<160000x128xf32, #tpu.memory_space<hbm>> -> memref<80x32xf32, #tpu.memory_space<hbm>>
      tpu.wait_dma2 semaphore(%arg25 : memref<!tpu.dma_semaphore, #tpu.memory_space<semaphore_mem>>) src(%dma_wait3A_308 : memref<80x32xf32, #tpu.memory_space<hbm>>) dst(%arg13 : memref<80x32xf32, #tpu.memory_space<vmem>>)
      %dma_wait3A_309 = tpu.memref_slice %arg6[%add3A_300, %add3A_142] : memref<160000x128xf32, #tpu.memory_space<hbm>> -> memref<80x32xf32, #tpu.memory_space<hbm>>
      %dma_wait3A_310 = tpu.memref_slice %arg6[%add3A_300, %add3A_142] : memref<160000x128xf32, #tpu.memory_space<hbm>> -> memref<80x32xf32, #tpu.memory_space<hbm>>
      tpu.wait_dma2 semaphore(%arg27 : memref<!tpu.dma_semaphore, #tpu.memory_space<semaphore_mem>>) src(%dma_wait3A_310 : memref<80x32xf32, #tpu.memory_space<hbm>>) dst(%arg15 : memref<80x32xf32, #tpu.memory_space<vmem>>)
      %dma_wait3A_311 = arith.constant 0 : i32
      %dma_wait3A_312 = tpu.memref_slice %arg7[%add3A_300, %dma_wait3A_311] : memref<160000x16xf32, #tpu.memory_space<hbm>> -> memref<80x16xf32, #tpu.memory_space<hbm>>
      %dma_wait3A_313 = arith.constant 0 : i32
      %dma_wait3A_314 = tpu.memref_slice %arg7[%add3A_300, %dma_wait3A_313] : memref<160000x16xf32, #tpu.memory_space<hbm>> -> memref<80x16xf32, #tpu.memory_space<hbm>>
      tpu.wait_dma2 semaphore(%arg29 : memref<!tpu.dma_semaphore, #tpu.memory_space<semaphore_mem>>) src(%dma_wait3A_314 : memref<80x16xf32, #tpu.memory_space<hbm>>) dst(%arg17 : memref<80x16xf32, #tpu.memory_space<vmem>>)
      %scan3A_315 = arith.constant 0 : i32
      %scan3A_316 = arith.constant 0 : i32
      %scan3A_317 = arith.constant 80 : i32
      %scan3A_318 = arith.addi %scan3A_316, %scan3A_317 : i32
      %scan3A_319 = arith.constant 2 : i32
      scf.for %scan3A_365 = %scan3A_316 to %scan3A_318 step %scan3A_319  : i32 {
        %get3A = arith.index_cast %scan3A_365 : i32 to index
        %get3A_366 = arith.constant 0 : index
        %get3A_367 = tpu.vector_load %arg17[%get3A, %get3A_366] {strides = array<i32>} : memref<80x16xf32, #tpu.memory_space<vmem>>, vector<1x16xf32>,
        %get3A_368 = vector.shape_cast %get3A_367 : vector<1x16xf32> to vector<16xf32>
        %slice3A = vector.extract_strided_slice %get3A_368 {offsets = [0], sizes = [1], strides = [1]} : vector<16xf32> to vector<1xf32>
        %squeeze3A = vector.extract %slice3A[0] : f32 from vector<1xf32>
        %slice3A_369 = vector.extract_strided_slice %get3A_368 {offsets = [1], sizes = [1], strides = [1]} : vector<16xf32> to vector<1xf32>
        %squeeze3A_370 = vector.extract %slice3A_369[0] : f32 from vector<1xf32>
        %slice3A_371 = vector.extract_strided_slice %get3A_368 {offsets = [2], sizes = [1], strides = [1]} : vector<16xf32> to vector<1xf32>
        %squeeze3A_372 = vector.extract %slice3A_371[0] : f32 from vector<1xf32>
        %get3A_373 = arith.index_cast %scan3A_365 : i32 to index
        %get3A_374 = arith.constant 0 : index
        %get3A_375 = tpu.vector_load %arg13[%get3A_373, %get3A_374] {strides = array<i32>} : memref<80x32xf32, #tpu.memory_space<vmem>>, vector<1x16xf32>,
        %get3A_376 = vector.shape_cast %get3A_375 : vector<1x16xf32> to vector<16xf32>
        %get3A_377 = arith.index_cast %scan3A_365 : i32 to index
        %get3A_378 = arith.constant 0 : index
        %get3A_379 = tpu.vector_load %arg15[%get3A_377, %get3A_378] {strides = array<i32>} : memref<80x32xf32, #tpu.memory_space<vmem>>, vector<1x16xf32>,
        %get3A_380 = vector.shape_cast %get3A_379 : vector<1x16xf32> to vector<16xf32>
        %get3A_381 = arith.constant 0 : i32
        %get3A_382 = arith.index_cast %scan3A_365 : i32 to index
        %get3A_383 = arith.index_cast %get3A_381 : i32 to index
        %get3A_384 = arith.constant 0 : index
        %get3A_385 = tpu.vector_load %arg11[%get3A_382, %get3A_383, %get3A_384] {strides = array<i32>} : memref<80x3x32xf32, #tpu.memory_space<vmem>>, vector<1x1x16xf32>,
        %get3A_386 = vector.shape_cast %get3A_385 : vector<1x1x16xf32> to vector<16xf32>
        %mul3A_387 = arith.mulf %get3A_386, %get3A_376 : vector<16xf32>
        %mul3A_388 = vector.broadcast %squeeze3A : f32 to vector<16xf32>
        %mul3A_389 = arith.mulf %get3A_380, %mul3A_388 : vector<16xf32>
        %add3A_390 = arith.addf %mul3A_387, %mul3A_389 : vector<16xf32>
        %swap3A = arith.constant 0 : i32
        %swap3A_391 = arith.index_cast %scan3A_365 : i32 to index
        %swap3A_392 = arith.index_cast %swap3A : i32 to index
        %swap3A_393 = arith.constant 0 : index
        %swap3A_394 = tpu.vector_load %arg11[%swap3A_391, %swap3A_392, %swap3A_393] {strides = array<i32>} : memref<80x3x32xf32, #tpu.memory_space<vmem>>, vector<1x1x16xf32>,
        %swap3A_395 = vector.shape_cast %swap3A_394 : vector<1x1x16xf32> to vector<16xf32>
        %swap3A_396 = vector.shape_cast %add3A_390 : vector<16xf32> to vector<1x1x16xf32>
        tpu.vector_store %arg11[%swap3A_391, %swap3A_392, %swap3A_393], %swap3A_396 {strides = array<i32>} : memref<80x3x32xf32, #tpu.memory_space<vmem>>, vector<1x1x16xf32>,
        %get3A_397 = arith.constant 1 : i32
        %get3A_398 = arith.index_cast %scan3A_365 : i32 to index
        %get3A_399 = arith.index_cast %get3A_397 : i32 to index
        %get3A_400 = arith.constant 0 : index
        %get3A_401 = tpu.vector_load %arg11[%get3A_398, %get3A_399, %get3A_400] {strides = array<i32>} : memref<80x3x32xf32, #tpu.memory_space<vmem>>, vector<1x1x16xf32>,
        %get3A_402 = vector.shape_cast %get3A_401 : vector<1x1x16xf32> to vector<16xf32>
        %mul3A_403 = arith.mulf %get3A_402, %get3A_376 : vector<16xf32>
        %mul3A_404 = vector.broadcast %squeeze3A_370 : f32 to vector<16xf32>
        %mul3A_405 = arith.mulf %get3A_380, %mul3A_404 : vector<16xf32>
        %add3A_406 = arith.addf %mul3A_403, %mul3A_405 : vector<16xf32>
        %swap3A_407 = arith.constant 1 : i32
        %swap3A_408 = arith.index_cast %scan3A_365 : i32 to index
        %swap3A_409 = arith.index_cast %swap3A_407 : i32 to index
        %swap3A_410 = arith.constant 0 : index
        %swap3A_411 = tpu.vector_load %arg11[%swap3A_408, %swap3A_409, %swap3A_410] {strides = array<i32>} : memref<80x3x32xf32, #tpu.memory_space<vmem>>, vector<1x1x16xf32>,
        %swap3A_412 = vector.shape_cast %swap3A_411 : vector<1x1x16xf32> to vector<16xf32>
        %swap3A_413 = vector.shape_cast %add3A_406 : vector<16xf32> to vector<1x1x16xf32>
        tpu.vector_store %arg11[%swap3A_408, %swap3A_409, %swap3A_410], %swap3A_413 {strides = array<i32>} : memref<80x3x32xf32, #tpu.memory_space<vmem>>, vector<1x1x16xf32>,
        %get3A_414 = arith.constant 2 : i32
        %get3A_415 = arith.index_cast %scan3A_365 : i32 to index
        %get3A_416 = arith.index_cast %get3A_414 : i32 to index
        %get3A_417 = arith.constant 0 : index
        %get3A_418 = tpu.vector_load %arg11[%get3A_415, %get3A_416, %get3A_417] {strides = array<i32>} : memref<80x3x32xf32, #tpu.memory_space<vmem>>, vector<1x1x16xf32>,
        %get3A_419 = vector.shape_cast %get3A_418 : vector<1x1x16xf32> to vector<16xf32>
        %mul3A_420 = arith.mulf %get3A_419, %get3A_376 : vector<16xf32>
        %mul3A_421 = vector.broadcast %squeeze3A_372 : f32 to vector<16xf32>
        %mul3A_422 = arith.mulf %get3A_380, %mul3A_421 : vector<16xf32>
        %add3A_423 = arith.addf %mul3A_420, %mul3A_422 : vector<16xf32>
        %swap3A_424 = arith.constant 2 : i32
        %swap3A_425 = arith.index_cast %scan3A_365 : i32 to index
        %swap3A_426 = arith.index_cast %swap3A_424 : i32 to index
        %swap3A_427 = arith.constant 0 : index
        %swap3A_428 = tpu.vector_load %arg11[%swap3A_425, %swap3A_426, %swap3A_427] {strides = array<i32>} : memref<80x3x32xf32, #tpu.memory_space<vmem>>, vector<1x1x16xf32>,
        %swap3A_429 = vector.shape_cast %swap3A_428 : vector<1x1x16xf32> to vector<16xf32>
        %swap3A_430 = vector.shape_cast %add3A_423 : vector<16xf32> to vector<1x1x16xf32>
        tpu.vector_store %arg11[%swap3A_425, %swap3A_426, %swap3A_427], %swap3A_430 {strides = array<i32>} : memref<80x3x32xf32, #tpu.memory_space<vmem>>, vector<1x1x16xf32>,
        %get3A_431 = arith.index_cast %scan3A_365 : i32 to index
        %get3A_432 = arith.constant 16 : index
        %get3A_433 = tpu.vector_load %arg13[%get3A_431, %get3A_432] {strides = array<i32>} : memref<80x32xf32, #tpu.memory_space<vmem>>, vector<1x16xf32>,
        %get3A_434 = vector.shape_cast %get3A_433 : vector<1x16xf32> to vector<16xf32>
        %get3A_435 = arith.index_cast %scan3A_365 : i32 to index
        %get3A_436 = arith.constant 16 : index
        %get3A_437 = tpu.vector_load %arg15[%get3A_435, %get3A_436] {strides = array<i32>} : memref<80x32xf32, #tpu.memory_space<vmem>>, vector<1x16xf32>,
        %get3A_438 = vector.shape_cast %get3A_437 : vector<1x16xf32> to vector<16xf32>
        %get3A_439 = arith.constant 0 : i32
        %get3A_440 = arith.index_cast %scan3A_365 : i32 to index
        %get3A_441 = arith.index_cast %get3A_439 : i32 to index
        %get3A_442 = arith.constant 16 : index
        %get3A_443 = tpu.vector_load %arg11[%get3A_440, %get3A_441, %get3A_442] {strides = array<i32>} : memref<80x3x32xf32, #tpu.memory_space<vmem>>, vector<1x1x16xf32>,
        %get3A_444 = vector.shape_cast %get3A_443 : vector<1x1x16xf32> to vector<16xf32>
        %mul3A_445 = arith.mulf %get3A_444, %get3A_434 : vector<16xf32>
        %mul3A_446 = vector.broadcast %squeeze3A : f32 to vector<16xf32>
        %mul3A_447 = arith.mulf %get3A_438, %mul3A_446 : vector<16xf32>
        %add3A_448 = arith.addf %mul3A_445, %mul3A_447 : vector<16xf32>
        %swap3A_449 = arith.constant 0 : i32
        %swap3A_450 = arith.index_cast %scan3A_365 : i32 to index
        %swap3A_451 = arith.index_cast %swap3A_449 : i32 to index
        %swap3A_452 = arith.constant 16 : index
        %swap3A_453 = tpu.vector_load %arg11[%swap3A_450, %swap3A_451, %swap3A_452] {strides = array<i32>} : memref<80x3x32xf32, #tpu.memory_space<vmem>>, vector<1x1x16xf32>,
        %swap3A_454 = vector.shape_cast %swap3A_453 : vector<1x1x16xf32> to vector<16xf32>
        %swap3A_455 = vector.shape_cast %add3A_448 : vector<16xf32> to vector<1x1x16xf32>
        tpu.vector_store %arg11[%swap3A_450, %swap3A_451, %swap3A_452], %swap3A_455 {strides = array<i32>} : memref<80x3x32xf32, #tpu.memory_space<vmem>>, vector<1x1x16xf32>,
        %get3A_456 = arith.constant 1 : i32
        %get3A_457 = arith.index_cast %scan3A_365 : i32 to index
        %get3A_458 = arith.index_cast %get3A_456 : i32 to index
        %get3A_459 = arith.constant 16 : index
        %get3A_460 = tpu.vector_load %arg11[%get3A_457, %get3A_458, %get3A_459] {strides = array<i32>} : memref<80x3x32xf32, #tpu.memory_space<vmem>>, vector<1x1x16xf32>,
        %get3A_461 = vector.shape_cast %get3A_460 : vector<1x1x16xf32> to vector<16xf32>
        %mul3A_462 = arith.mulf %get3A_461, %get3A_434 : vector<16xf32>
        %mul3A_463 = vector.broadcast %squeeze3A_370 : f32 to vector<16xf32>
        %mul3A_464 = arith.mulf %get3A_438, %mul3A_463 : vector<16xf32>
        %add3A_465 = arith.addf %mul3A_462, %mul3A_464 : vector<16xf32>
        %swap3A_466 = arith.constant 1 : i32
        %swap3A_467 = arith.index_cast %scan3A_365 : i32 to index
        %swap3A_468 = arith.index_cast %swap3A_466 : i32 to index
        %swap3A_469 = arith.constant 16 : index
        %swap3A_470 = tpu.vector_load %arg11[%swap3A_467, %swap3A_468, %swap3A_469] {strides = array<i32>} : memref<80x3x32xf32, #tpu.memory_space<vmem>>, vector<1x1x16xf32>,
        %swap3A_471 = vector.shape_cast %swap3A_470 : vector<1x1x16xf32> to vector<16xf32>
        %swap3A_472 = vector.shape_cast %add3A_465 : vector<16xf32> to vector<1x1x16xf32>
        tpu.vector_store %arg11[%swap3A_467, %swap3A_468, %swap3A_469], %swap3A_472 {strides = array<i32>} : memref<80x3x32xf32, #tpu.memory_space<vmem>>, vector<1x1x16xf32>,
        %get3A_473 = arith.constant 2 : i32
        %get3A_474 = arith.index_cast %scan3A_365 : i32 to index
        %get3A_475 = arith.index_cast %get3A_473 : i32 to index
        %get3A_476 = arith.constant 16 : index
        %get3A_477 = tpu.vector_load %arg11[%get3A_474, %get3A_475, %get3A_476] {strides = array<i32>} : memref<80x3x32xf32, #tpu.memory_space<vmem>>, vector<1x1x16xf32>,
        %get3A_478 = vector.shape_cast %get3A_477 : vector<1x1x16xf32> to vector<16xf32>
        %mul3A_479 = arith.mulf %get3A_478, %get3A_434 : vector<16xf32>
        %mul3A_480 = vector.broadcast %squeeze3A_372 : f32 to vector<16xf32>
        %mul3A_481 = arith.mulf %get3A_438, %mul3A_480 : vector<16xf32>
        %add3A_482 = arith.addf %mul3A_479, %mul3A_481 : vector<16xf32>
        %swap3A_483 = arith.constant 2 : i32
        %swap3A_484 = arith.index_cast %scan3A_365 : i32 to index
        %swap3A_485 = arith.index_cast %swap3A_483 : i32 to index
        %swap3A_486 = arith.constant 16 : index
        %swap3A_487 = tpu.vector_load %arg11[%swap3A_484, %swap3A_485, %swap3A_486] {strides = array<i32>} : memref<80x3x32xf32, #tpu.memory_space<vmem>>, vector<1x1x16xf32>,
        %swap3A_488 = vector.shape_cast %swap3A_487 : vector<1x1x16xf32> to vector<16xf32>
        %swap3A_489 = vector.shape_cast %add3A_482 : vector<16xf32> to vector<1x1x16xf32>
        tpu.vector_store %arg11[%swap3A_484, %swap3A_485, %swap3A_486], %swap3A_489 {strides = array<i32>} : memref<80x3x32xf32, #tpu.memory_space<vmem>>, vector<1x1x16xf32>,
        %scan3A_490 = arith.constant 1 : i32
        %scan3A_491 = arith.addi %scan3A_365, %scan3A_490 : i32
        %get3A_492 = arith.index_cast %scan3A_491 : i32 to index
        %get3A_493 = arith.constant 0 : index
        %get3A_494 = tpu.vector_load %arg17[%get3A_492, %get3A_493] {strides = array<i32>} : memref<80x16xf32, #tpu.memory_space<vmem>>, vector<1x16xf32>,
        %get3A_495 = vector.shape_cast %get3A_494 : vector<1x16xf32> to vector<16xf32>
        %slice3A_496 = vector.extract_strided_slice %get3A_495 {offsets = [0], sizes = [1], strides = [1]} : vector<16xf32> to vector<1xf32>
        %squeeze3A_497 = vector.extract %slice3A_496[0] : f32 from vector<1xf32>
        %slice3A_498 = vector.extract_strided_slice %get3A_495 {offsets = [1], sizes = [1], strides = [1]} : vector<16xf32> to vector<1xf32>
        %squeeze3A_499 = vector.extract %slice3A_498[0] : f32 from vector<1xf32>
        %slice3A_500 = vector.extract_strided_slice %get3A_495 {offsets = [2], sizes = [1], strides = [1]} : vector<16xf32> to vector<1xf32>
        %squeeze3A_501 = vector.extract %slice3A_500[0] : f32 from vector<1xf32>
        %get3A_502 = arith.index_cast %scan3A_491 : i32 to index
        %get3A_503 = arith.constant 0 : index
        %get3A_504 = tpu.vector_load %arg13[%get3A_502, %get3A_503] {strides = array<i32>} : memref<80x32xf32, #tpu.memory_space<vmem>>, vector<1x16xf32>,
        %get3A_505 = vector.shape_cast %get3A_504 : vector<1x16xf32> to vector<16xf32>
        %get3A_506 = arith.index_cast %scan3A_491 : i32 to index
        %get3A_507 = arith.constant 0 : index
        %get3A_508 = tpu.vector_load %arg15[%get3A_506, %get3A_507] {strides = array<i32>} : memref<80x32xf32, #tpu.memory_space<vmem>>, vector<1x16xf32>,
        %get3A_509 = vector.shape_cast %get3A_508 : vector<1x16xf32> to vector<16xf32>
        %get3A_510 = arith.constant 0 : i32
        %get3A_511 = arith.index_cast %scan3A_491 : i32 to index
        %get3A_512 = arith.index_cast %get3A_510 : i32 to index
        %get3A_513 = arith.constant 0 : index
        %get3A_514 = tpu.vector_load %arg11[%get3A_511, %get3A_512, %get3A_513] {strides = array<i32>} : memref<80x3x32xf32, #tpu.memory_space<vmem>>, vector<1x1x16xf32>,
        %get3A_515 = vector.shape_cast %get3A_514 : vector<1x1x16xf32> to vector<16xf32>
        %mul3A_516 = arith.mulf %get3A_515, %get3A_505 : vector<16xf32>
        %mul3A_517 = vector.broadcast %squeeze3A_497 : f32 to vector<16xf32>
        %mul3A_518 = arith.mulf %get3A_509, %mul3A_517 : vector<16xf32>
        %add3A_519 = arith.addf %mul3A_516, %mul3A_518 : vector<16xf32>
        %swap3A_520 = arith.constant 0 : i32
        %swap3A_521 = arith.index_cast %scan3A_491 : i32 to index
        %swap3A_522 = arith.index_cast %swap3A_520 : i32 to index
        %swap3A_523 = arith.constant 0 : index
        %swap3A_524 = tpu.vector_load %arg11[%swap3A_521, %swap3A_522, %swap3A_523] {strides = array<i32>} : memref<80x3x32xf32, #tpu.memory_space<vmem>>, vector<1x1x16xf32>,
        %swap3A_525 = vector.shape_cast %swap3A_524 : vector<1x1x16xf32> to vector<16xf32>
        %swap3A_526 = vector.shape_cast %add3A_519 : vector<16xf32> to vector<1x1x16xf32>
        tpu.vector_store %arg11[%swap3A_521, %swap3A_522, %swap3A_523], %swap3A_526 {strides = array<i32>} : memref<80x3x32xf32, #tpu.memory_space<vmem>>, vector<1x1x16xf32>,
        %get3A_527 = arith.constant 1 : i32
        %get3A_528 = arith.index_cast %scan3A_491 : i32 to index
        %get3A_529 = arith.index_cast %get3A_527 : i32 to index
        %get3A_530 = arith.constant 0 : index
        %get3A_531 = tpu.vector_load %arg11[%get3A_528, %get3A_529, %get3A_530] {strides = array<i32>} : memref<80x3x32xf32, #tpu.memory_space<vmem>>, vector<1x1x16xf32>,
        %get3A_532 = vector.shape_cast %get3A_531 : vector<1x1x16xf32> to vector<16xf32>
        %mul3A_533 = arith.mulf %get3A_532, %get3A_505 : vector<16xf32>
        %mul3A_534 = vector.broadcast %squeeze3A_499 : f32 to vector<16xf32>
        %mul3A_535 = arith.mulf %get3A_509, %mul3A_534 : vector<16xf32>
        %add3A_536 = arith.addf %mul3A_533, %mul3A_535 : vector<16xf32>
        %swap3A_537 = arith.constant 1 : i32
        %swap3A_538 = arith.index_cast %scan3A_491 : i32 to index
        %swap3A_539 = arith.index_cast %swap3A_537 : i32 to index
        %swap3A_540 = arith.constant 0 : index
        %swap3A_541 = tpu.vector_load %arg11[%swap3A_538, %swap3A_539, %swap3A_540] {strides = array<i32>} : memref<80x3x32xf32, #tpu.memory_space<vmem>>, vector<1x1x16xf32>,
        %swap3A_542 = vector.shape_cast %swap3A_541 : vector<1x1x16xf32> to vector<16xf32>
        %swap3A_543 = vector.shape_cast %add3A_536 : vector<16xf32> to vector<1x1x16xf32>
        tpu.vector_store %arg11[%swap3A_538, %swap3A_539, %swap3A_540], %swap3A_543 {strides = array<i32>} : memref<80x3x32xf32, #tpu.memory_space<vmem>>, vector<1x1x16xf32>,
        %get3A_544 = arith.constant 2 : i32
        %get3A_545 = arith.index_cast %scan3A_491 : i32 to index
        %get3A_546 = arith.index_cast %get3A_544 : i32 to index
        %get3A_547 = arith.constant 0 : index
        %get3A_548 = tpu.vector_load %arg11[%get3A_545, %get3A_546, %get3A_547] {strides = array<i32>} : memref<80x3x32xf32, #tpu.memory_space<vmem>>, vector<1x1x16xf32>,
        %get3A_549 = vector.shape_cast %get3A_548 : vector<1x1x16xf32> to vector<16xf32>
        %mul3A_550 = arith.mulf %get3A_549, %get3A_505 : vector<16xf32>
        %mul3A_551 = vector.broadcast %squeeze3A_501 : f32 to vector<16xf32>
        %mul3A_552 = arith.mulf %get3A_509, %mul3A_551 : vector<16xf32>
        %add3A_553 = arith.addf %mul3A_550, %mul3A_552 : vector<16xf32>
        %swap3A_554 = arith.constant 2 : i32
        %swap3A_555 = arith.index_cast %scan3A_491 : i32 to index
        %swap3A_556 = arith.index_cast %swap3A_554 : i32 to index
        %swap3A_557 = arith.constant 0 : index
        %swap3A_558 = tpu.vector_load %arg11[%swap3A_555, %swap3A_556, %swap3A_557] {strides = array<i32>} : memref<80x3x32xf32, #tpu.memory_space<vmem>>, vector<1x1x16xf32>,
        %swap3A_559 = vector.shape_cast %swap3A_558 : vector<1x1x16xf32> to vector<16xf32>
        %swap3A_560 = vector.shape_cast %add3A_553 : vector<16xf32> to vector<1x1x16xf32>
        tpu.vector_store %arg11[%swap3A_555, %swap3A_556, %swap3A_557], %swap3A_560 {strides = array<i32>} : memref<80x3x32xf32, #tpu.memory_space<vmem>>, vector<1x1x16xf32>,
        %get3A_561 = arith.index_cast %scan3A_491 : i32 to index
        %get3A_562 = arith.constant 16 : index
        %get3A_563 = tpu.vector_load %arg13[%get3A_561, %get3A_562] {strides = array<i32>} : memref<80x32xf32, #tpu.memory_space<vmem>>, vector<1x16xf32>,
        %get3A_564 = vector.shape_cast %get3A_563 : vector<1x16xf32> to vector<16xf32>
        %get3A_565 = arith.index_cast %scan3A_491 : i32 to index
        %get3A_566 = arith.constant 16 : index
        %get3A_567 = tpu.vector_load %arg15[%get3A_565, %get3A_566] {strides = array<i32>} : memref<80x32xf32, #tpu.memory_space<vmem>>, vector<1x16xf32>,
        %get3A_568 = vector.shape_cast %get3A_567 : vector<1x16xf32> to vector<16xf32>
        %get3A_569 = arith.constant 0 : i32
        %get3A_570 = arith.index_cast %scan3A_491 : i32 to index
        %get3A_571 = arith.index_cast %get3A_569 : i32 to index
        %get3A_572 = arith.constant 16 : index
        %get3A_573 = tpu.vector_load %arg11[%get3A_570, %get3A_571, %get3A_572] {strides = array<i32>} : memref<80x3x32xf32, #tpu.memory_space<vmem>>, vector<1x1x16xf32>,
        %get3A_574 = vector.shape_cast %get3A_573 : vector<1x1x16xf32> to vector<16xf32>
        %mul3A_575 = arith.mulf %get3A_574, %get3A_564 : vector<16xf32>
        %mul3A_576 = vector.broadcast %squeeze3A_497 : f32 to vector<16xf32>
        %mul3A_577 = arith.mulf %get3A_568, %mul3A_576 : vector<16xf32>
        %add3A_578 = arith.addf %mul3A_575, %mul3A_577 : vector<16xf32>
        %swap3A_579 = arith.constant 0 : i32
        %swap3A_580 = arith.index_cast %scan3A_491 : i32 to index
        %swap3A_581 = arith.index_cast %swap3A_579 : i32 to index
        %swap3A_582 = arith.constant 16 : index
        %swap3A_583 = tpu.vector_load %arg11[%swap3A_580, %swap3A_581, %swap3A_582] {strides = array<i32>} : memref<80x3x32xf32, #tpu.memory_space<vmem>>, vector<1x1x16xf32>,
        %swap3A_584 = vector.shape_cast %swap3A_583 : vector<1x1x16xf32> to vector<16xf32>
        %swap3A_585 = vector.shape_cast %add3A_578 : vector<16xf32> to vector<1x1x16xf32>
        tpu.vector_store %arg11[%swap3A_580, %swap3A_581, %swap3A_582], %swap3A_585 {strides = array<i32>} : memref<80x3x32xf32, #tpu.memory_space<vmem>>, vector<1x1x16xf32>,
        %get3A_586 = arith.constant 1 : i32
        %get3A_587 = arith.index_cast %scan3A_491 : i32 to index
        %get3A_588 = arith.index_cast %get3A_586 : i32 to index
        %get3A_589 = arith.constant 16 : index
        %get3A_590 = tpu.vector_load %arg11[%get3A_587, %get3A_588, %get3A_589] {strides = array<i32>} : memref<80x3x32xf32, #tpu.memory_space<vmem>>, vector<1x1x16xf32>,
        %get3A_591 = vector.shape_cast %get3A_590 : vector<1x1x16xf32> to vector<16xf32>
        %mul3A_592 = arith.mulf %get3A_591, %get3A_564 : vector<16xf32>
        %mul3A_593 = vector.broadcast %squeeze3A_499 : f32 to vector<16xf32>
        %mul3A_594 = arith.mulf %get3A_568, %mul3A_593 : vector<16xf32>
        %add3A_595 = arith.addf %mul3A_592, %mul3A_594 : vector<16xf32>
        %swap3A_596 = arith.constant 1 : i32
        %swap3A_597 = arith.index_cast %scan3A_491 : i32 to index
        %swap3A_598 = arith.index_cast %swap3A_596 : i32 to index
        %swap3A_599 = arith.constant 16 : index
        %swap3A_600 = tpu.vector_load %arg11[%swap3A_597, %swap3A_598, %swap3A_599] {strides = array<i32>} : memref<80x3x32xf32, #tpu.memory_space<vmem>>, vector<1x1x16xf32>,
        %swap3A_601 = vector.shape_cast %swap3A_600 : vector<1x1x16xf32> to vector<16xf32>
        %swap3A_602 = vector.shape_cast %add3A_595 : vector<16xf32> to vector<1x1x16xf32>
        tpu.vector_store %arg11[%swap3A_597, %swap3A_598, %swap3A_599], %swap3A_602 {strides = array<i32>} : memref<80x3x32xf32, #tpu.memory_space<vmem>>, vector<1x1x16xf32>,
        %get3A_603 = arith.constant 2 : i32
        %get3A_604 = arith.index_cast %scan3A_491 : i32 to index
        %get3A_605 = arith.index_cast %get3A_603 : i32 to index
        %get3A_606 = arith.constant 16 : index
        %get3A_607 = tpu.vector_load %arg11[%get3A_604, %get3A_605, %get3A_606] {strides = array<i32>} : memref<80x3x32xf32, #tpu.memory_space<vmem>>, vector<1x1x16xf32>,
        %get3A_608 = vector.shape_cast %get3A_607 : vector<1x1x16xf32> to vector<16xf32>
        %mul3A_609 = arith.mulf %get3A_608, %get3A_564 : vector<16xf32>
        %mul3A_610 = vector.broadcast %squeeze3A_501 : f32 to vector<16xf32>
        %mul3A_611 = arith.mulf %get3A_568, %mul3A_610 : vector<16xf32>
        %add3A_612 = arith.addf %mul3A_609, %mul3A_611 : vector<16xf32>
        %swap3A_613 = arith.constant 2 : i32
        %swap3A_614 = arith.index_cast %scan3A_491 : i32 to index
        %swap3A_615 = arith.index_cast %swap3A_613 : i32 to index
        %swap3A_616 = arith.constant 16 : index
        %swap3A_617 = tpu.vector_load %arg11[%swap3A_614, %swap3A_615, %swap3A_616] {strides = array<i32>} : memref<80x3x32xf32, #tpu.memory_space<vmem>>, vector<1x1x16xf32>,
        %swap3A_618 = vector.shape_cast %swap3A_617 : vector<1x1x16xf32> to vector<16xf32>
        %swap3A_619 = vector.shape_cast %add3A_612 : vector<16xf32> to vector<1x1x16xf32>
        tpu.vector_store %arg11[%swap3A_614, %swap3A_615, %swap3A_616], %swap3A_619 {strides = array<i32>} : memref<80x3x32xf32, #tpu.memory_space<vmem>>, vector<1x1x16xf32>,
      }
      %scan3A_320 = arith.constant 80 : i32
      "tpu.region"() ({
        %run_scoped3A = tpu.sem_alloc : memref<!tpu.dma_semaphore, #tpu.memory_space<semaphore_mem>>
        %dma_start3A_365 = arith.constant 0 : i32
        %dma_start3A_366 = arith.constant 0 : i32
        %dma_start3A_367 = arith.constant 0 : i32
        %dma_start3A_368 = tpu.memref_slice %arg20[%dma_start3A_365, %dma_start3A_366, %dma_start3A_367] : memref<10000x3x32xf32, #tpu.memory_space<vmem_shared>> -> memref<10000x3x32xf32, #tpu.memory_space<vmem_shared>>
        tpu.enqueue_indirect_dma source(%arg11 : memref<80x3x32xf32, #tpu.memory_space<vmem>>) target(%dma_start3A_368 : memref<10000x3x32xf32, #tpu.memory_space<vmem_shared>>) offsets(%arg9 : memref<80xi32, #tpu.memory_space<vmem>>) semaphore(%run_scoped3A : memref<!tpu.dma_semaphore, #tpu.memory_space<semaphore_mem>>) {add = true}
        %dma_wait3A_369 = arith.constant 0 : i32
        %dma_wait3A_370 = arith.constant 0 : i32
        %dma_wait3A_371 = arith.constant 0 : i32
        %dma_wait3A_372 = tpu.memref_slice %arg20[%dma_wait3A_369, %dma_wait3A_370, %dma_wait3A_371] : memref<10000x3x32xf32, #tpu.memory_space<vmem_shared>> -> memref<10000x3x32xf32, #tpu.memory_space<vmem_shared>>
        tpu.wait_indirect_dma semaphore(%run_scoped3A : memref<!tpu.dma_semaphore, #tpu.memory_space<semaphore_mem>>) src(%arg11 : memref<80x3x32xf32, #tpu.memory_space<vmem>>) dst(%dma_wait3A_372 : memref<10000x3x32xf32, #tpu.memory_space<vmem_shared>>)
        tpu.yield
      }) : () -> ()
      %add3A_321 = arith.constant 2 : i32
      %add3A_322 = arith.addi %mul3A_278, %add3A_321 : i32
      %mul3A_323 = arith.constant 80 : i32
      %mul3A_324 = arith.muli %add3A_322, %mul3A_323 : i32
      %add3A_325 = arith.addi %mul3A_0, %mul3A_324 : i32
      %dma_start3A_326 = tpu.memref_slice %arg2[%add3A_325] : memref<160000xi32, #tpu.memory_space<hbm>> -> memref<80xi32, #tpu.memory_space<hbm>>
      %dma_start3A_327 = tpu.memref_slice %arg2[%add3A_325] : memref<160000xi32, #tpu.memory_space<hbm>> -> memref<80xi32, #tpu.memory_space<hbm>>
      tpu.enqueue_dma source(%dma_start3A_327 : memref<80xi32, #tpu.memory_space<hbm>>) target(%arg9 : memref<80xi32, #tpu.memory_space<vmem>>) target_semaphore(%arg21 : memref<!tpu.dma_semaphore, #tpu.memory_space<semaphore_mem>>)
      %dma_start3A_328 = arith.constant 0 : i32
      %dma_start3A_329 = tpu.memref_slice %arg4[%add3A_325, %dma_start3A_328, %add3A_142] : memref<160000x3x128xf32, #tpu.memory_space<hbm>> -> memref<80x3x32xf32, #tpu.memory_space<hbm>>
      %dma_start3A_330 = arith.constant 0 : i32
      %dma_start3A_331 = tpu.memref_slice %arg4[%add3A_325, %dma_start3A_330, %add3A_142] : memref<160000x3x128xf32, #tpu.memory_space<hbm>> -> memref<80x3x32xf32, #tpu.memory_space<hbm>>
      tpu.enqueue_dma source(%dma_start3A_331 : memref<80x3x32xf32, #tpu.memory_space<hbm>>) target(%arg11 : memref<80x3x32xf32, #tpu.memory_space<vmem>>) target_semaphore(%arg23 : memref<!tpu.dma_semaphore, #tpu.memory_space<semaphore_mem>>)
      %dma_start3A_332 = tpu.memref_slice %arg5[%add3A_325, %add3A_142] : memref<160000x128xf32, #tpu.memory_space<hbm>> -> memref<80x32xf32, #tpu.memory_space<hbm>>
      %dma_start3A_333 = tpu.memref_slice %arg5[%add3A_325, %add3A_142] : memref<160000x128xf32, #tpu.memory_space<hbm>> -> memref<80x32xf32, #tpu.memory_space<hbm>>
      tpu.enqueue_dma source(%dma_start3A_333 : memref<80x32xf32, #tpu.memory_space<hbm>>) target(%arg13 : memref<80x32xf32, #tpu.memory_space<vmem>>) target_semaphore(%arg25 : memref<!tpu.dma_semaphore, #tpu.memory_space<semaphore_mem>>)
      %dma_start3A_334 = tpu.memref_slice %arg6[%add3A_325, %add3A_142] : memref<160000x128xf32, #tpu.memory_space<hbm>> -> memref<80x32xf32, #tpu.memory_space<hbm>>
      %dma_start3A_335 = tpu.memref_slice %arg6[%add3A_325, %add3A_142] : memref<160000x128xf32, #tpu.memory_space<hbm>> -> memref<80x32xf32, #tpu.memory_space<hbm>>
      tpu.enqueue_dma source(%dma_start3A_335 : memref<80x32xf32, #tpu.memory_space<hbm>>) target(%arg15 : memref<80x32xf32, #tpu.memory_space<vmem>>) target_semaphore(%arg27 : memref<!tpu.dma_semaphore, #tpu.memory_space<semaphore_mem>>)
      %dma_start3A_336 = arith.constant 0 : i32
      %dma_start3A_337 = tpu.memref_slice %arg7[%add3A_325, %dma_start3A_336] : memref<160000x16xf32, #tpu.memory_space<hbm>> -> memref<80x16xf32, #tpu.memory_space<hbm>>
      %dma_start3A_338 = arith.constant 0 : i32
      %dma_start3A_339 = tpu.memref_slice %arg7[%add3A_325, %dma_start3A_338] : memref<160000x16xf32, #tpu.memory_space<hbm>> -> memref<80x16xf32, #tpu.memory_space<hbm>>
      tpu.enqueue_dma source(%dma_start3A_339 : memref<80x16xf32, #tpu.memory_space<hbm>>) target(%arg17 : memref<80x16xf32, #tpu.memory_space<vmem>>) target_semaphore(%arg29 : memref<!tpu.dma_semaphore, #tpu.memory_space<semaphore_mem>>)
      %add3A_340 = arith.constant 1 : i32
      %add3A_341 = arith.addi %mul3A_278, %add3A_340 : i32
      %mul3A_342 = arith.constant 80 : i32
      %mul3A_343 = arith.muli %add3A_341, %mul3A_342 : i32
      %add3A_344 = arith.addi %mul3A_0, %mul3A_343 : i32
      %dma_wait3A_345 = tpu.memref_slice %arg2[%add3A_344] : memref<160000xi32, #tpu.memory_space<hbm>> -> memref<80xi32, #tpu.memory_space<hbm>>
      %dma_wait3A_346 = tpu.memref_slice %arg2[%add3A_344] : memref<160000xi32, #tpu.memory_space<hbm>> -> memref<80xi32, #tpu.memory_space<hbm>>
      tpu.wait_dma2 semaphore(%arg22 : memref<!tpu.dma_semaphore, #tpu.memory_space<semaphore_mem>>) src(%dma_wait3A_346 : memref<80xi32, #tpu.memory_space<hbm>>) dst(%arg10 : memref<80xi32, #tpu.memory_space<vmem>>)
      %dma_wait3A_347 = arith.constant 0 : i32
      %dma_wait3A_348 = tpu.memref_slice %arg4[%add3A_344, %dma_wait3A_347, %add3A_142] : memref<160000x3x128xf32, #tpu.memory_space<hbm>> -> memref<80x3x32xf32, #tpu.memory_space<hbm>>
      %dma_wait3A_349 = arith.constant 0 : i32
      %dma_wait3A_350 = tpu.memref_slice %arg4[%add3A_344, %dma_wait3A_349, %add3A_142] : memref<160000x3x128xf32, #tpu.memory_space<hbm>> -> memref<80x3x32xf32, #tpu.memory_space<hbm>>
      tpu.wait_dma2 semaphore(%arg24 : memref<!tpu.dma_semaphore, #tpu.memory_space<semaphore_mem>>) src(%dma_wait3A_350 : memref<80x3x32xf32, #tpu.memory_space<hbm>>) dst(%arg12 : memref<80x3x32xf32, #tpu.memory_space<vmem>>)
      %dma_wait3A_351 = tpu.memref_slice %arg5[%add3A_344, %add3A_142] : memref<160000x128xf32, #tpu.memory_space<hbm>> -> memref<80x32xf32, #tpu.memory_space<hbm>>
      %dma_wait3A_352 = tpu.memref_slice %arg5[%add3A_344, %add3A_142] : memref<160000x128xf32, #tpu.memory_space<hbm>> -> memref<80x32xf32, #tpu.memory_space<hbm>>
      tpu.wait_dma2 semaphore(%arg26 : memref<!tpu.dma_semaphore, #tpu.memory_space<semaphore_mem>>) src(%dma_wait3A_352 : memref<80x32xf32, #tpu.memory_space<hbm>>) dst(%arg14 : memref<80x32xf32, #tpu.memory_space<vmem>>)
      %dma_wait3A_353 = tpu.memref_slice %arg6[%add3A_344, %add3A_142] : memref<160000x128xf32, #tpu.memory_space<hbm>> -> memref<80x32xf32, #tpu.memory_space<hbm>>
      %dma_wait3A_354 = tpu.memref_slice %arg6[%add3A_344, %add3A_142] : memref<160000x128xf32, #tpu.memory_space<hbm>> -> memref<80x32xf32, #tpu.memory_space<hbm>>
      tpu.wait_dma2 semaphore(%arg28 : memref<!tpu.dma_semaphore, #tpu.memory_space<semaphore_mem>>) src(%dma_wait3A_354 : memref<80x32xf32, #tpu.memory_space<hbm>>) dst(%arg16 : memref<80x32xf32, #tpu.memory_space<vmem>>)
      %dma_wait3A_355 = arith.constant 0 : i32
      %dma_wait3A_356 = tpu.memref_slice %arg7[%add3A_344, %dma_wait3A_355] : memref<160000x16xf32, #tpu.memory_space<hbm>> -> memref<80x16xf32, #tpu.memory_space<hbm>>
      %dma_wait3A_357 = arith.constant 0 : i32
      %dma_wait3A_358 = tpu.memref_slice %arg7[%add3A_344, %dma_wait3A_357] : memref<160000x16xf32, #tpu.memory_space<hbm>> -> memref<80x16xf32, #tpu.memory_space<hbm>>
      tpu.wait_dma2 semaphore(%arg30 : memref<!tpu.dma_semaphore, #tpu.memory_space<semaphore_mem>>) src(%dma_wait3A_358 : memref<80x16xf32, #tpu.memory_space<hbm>>) dst(%arg18 : memref<80x16xf32, #tpu.memory_space<vmem>>)
      %scan3A_359 = arith.constant 0 : i32
      %scan3A_360 = arith.constant 0 : i32
      %scan3A_361 = arith.constant 80 : i32
      %scan3A_362 = arith.addi %scan3A_360, %scan3A_361 : i32
      %scan3A_363 = arith.constant 2 : i32
      scf.for %scan3A_365 = %scan3A_360 to %scan3A_362 step %scan3A_363  : i32 {
        %get3A = arith.index_cast %scan3A_365 : i32 to index
        %get3A_366 = arith.constant 0 : index
        %get3A_367 = tpu.vector_load %arg18[%get3A, %get3A_366] {strides = array<i32>} : memref<80x16xf32, #tpu.memory_space<vmem>>, vector<1x16xf32>,
        %get3A_368 = vector.shape_cast %get3A_367 : vector<1x16xf32> to vector<16xf32>
        %slice3A = vector.extract_strided_slice %get3A_368 {offsets = [0], sizes = [1], strides = [1]} : vector<16xf32> to vector<1xf32>
        %squeeze3A = vector.extract %slice3A[0] : f32 from vector<1xf32>
        %slice3A_369 = vector.extract_strided_slice %get3A_368 {offsets = [1], sizes = [1], strides = [1]} : vector<16xf32> to vector<1xf32>
        %squeeze3A_370 = vector.extract %slice3A_369[0] : f32 from vector<1xf32>
        %slice3A_371 = vector.extract_strided_slice %get3A_368 {offsets = [2], sizes = [1], strides = [1]} : vector<16xf32> to vector<1xf32>
        %squeeze3A_372 = vector.extract %slice3A_371[0] : f32 from vector<1xf32>
        %get3A_373 = arith.index_cast %scan3A_365 : i32 to index
        %get3A_374 = arith.constant 0 : index
        %get3A_375 = tpu.vector_load %arg14[%get3A_373, %get3A_374] {strides = array<i32>} : memref<80x32xf32, #tpu.memory_space<vmem>>, vector<1x16xf32>,
        %get3A_376 = vector.shape_cast %get3A_375 : vector<1x16xf32> to vector<16xf32>
        %get3A_377 = arith.index_cast %scan3A_365 : i32 to index
        %get3A_378 = arith.constant 0 : index
        %get3A_379 = tpu.vector_load %arg16[%get3A_377, %get3A_378] {strides = array<i32>} : memref<80x32xf32, #tpu.memory_space<vmem>>, vector<1x16xf32>,
        %get3A_380 = vector.shape_cast %get3A_379 : vector<1x16xf32> to vector<16xf32>
        %get3A_381 = arith.constant 0 : i32
        %get3A_382 = arith.index_cast %scan3A_365 : i32 to index
        %get3A_383 = arith.index_cast %get3A_381 : i32 to index
        %get3A_384 = arith.constant 0 : index
        %get3A_385 = tpu.vector_load %arg12[%get3A_382, %get3A_383, %get3A_384] {strides = array<i32>} : memref<80x3x32xf32, #tpu.memory_space<vmem>>, vector<1x1x16xf32>,
        %get3A_386 = vector.shape_cast %get3A_385 : vector<1x1x16xf32> to vector<16xf32>
        %mul3A_387 = arith.mulf %get3A_386, %get3A_376 : vector<16xf32>
        %mul3A_388 = vector.broadcast %squeeze3A : f32 to vector<16xf32>
        %mul3A_389 = arith.mulf %get3A_380, %mul3A_388 : vector<16xf32>
        %add3A_390 = arith.addf %mul3A_387, %mul3A_389 : vector<16xf32>
        %swap3A = arith.constant 0 : i32
        %swap3A_391 = arith.index_cast %scan3A_365 : i32 to index
        %swap3A_392 = arith.index_cast %swap3A : i32 to index
        %swap3A_393 = arith.constant 0 : index
        %swap3A_394 = tpu.vector_load %arg12[%swap3A_391, %swap3A_392, %swap3A_393] {strides = array<i32>} : memref<80x3x32xf32, #tpu.memory_space<vmem>>, vector<1x1x16xf32>,
        %swap3A_395 = vector.shape_cast %swap3A_394 : vector<1x1x16xf32> to vector<16xf32>
        %swap3A_396 = vector.shape_cast %add3A_390 : vector<16xf32> to vector<1x1x16xf32>
        tpu.vector_store %arg12[%swap3A_391, %swap3A_392, %swap3A_393], %swap3A_396 {strides = array<i32>} : memref<80x3x32xf32, #tpu.memory_space<vmem>>, vector<1x1x16xf32>,
        %get3A_397 = arith.constant 1 : i32
        %get3A_398 = arith.index_cast %scan3A_365 : i32 to index
        %get3A_399 = arith.index_cast %get3A_397 : i32 to index
        %get3A_400 = arith.constant 0 : index
        %get3A_401 = tpu.vector_load %arg12[%get3A_398, %get3A_399, %get3A_400] {strides = array<i32>} : memref<80x3x32xf32, #tpu.memory_space<vmem>>, vector<1x1x16xf32>,
        %get3A_402 = vector.shape_cast %get3A_401 : vector<1x1x16xf32> to vector<16xf32>
        %mul3A_403 = arith.mulf %get3A_402, %get3A_376 : vector<16xf32>
        %mul3A_404 = vector.broadcast %squeeze3A_370 : f32 to vector<16xf32>
        %mul3A_405 = arith.mulf %get3A_380, %mul3A_404 : vector<16xf32>
        %add3A_406 = arith.addf %mul3A_403, %mul3A_405 : vector<16xf32>
        %swap3A_407 = arith.constant 1 : i32
        %swap3A_408 = arith.index_cast %scan3A_365 : i32 to index
        %swap3A_409 = arith.index_cast %swap3A_407 : i32 to index
        %swap3A_410 = arith.constant 0 : index
        %swap3A_411 = tpu.vector_load %arg12[%swap3A_408, %swap3A_409, %swap3A_410] {strides = array<i32>} : memref<80x3x32xf32, #tpu.memory_space<vmem>>, vector<1x1x16xf32>,
        %swap3A_412 = vector.shape_cast %swap3A_411 : vector<1x1x16xf32> to vector<16xf32>
        %swap3A_413 = vector.shape_cast %add3A_406 : vector<16xf32> to vector<1x1x16xf32>
        tpu.vector_store %arg12[%swap3A_408, %swap3A_409, %swap3A_410], %swap3A_413 {strides = array<i32>} : memref<80x3x32xf32, #tpu.memory_space<vmem>>, vector<1x1x16xf32>,
        %get3A_414 = arith.constant 2 : i32
        %get3A_415 = arith.index_cast %scan3A_365 : i32 to index
        %get3A_416 = arith.index_cast %get3A_414 : i32 to index
        %get3A_417 = arith.constant 0 : index
        %get3A_418 = tpu.vector_load %arg12[%get3A_415, %get3A_416, %get3A_417] {strides = array<i32>} : memref<80x3x32xf32, #tpu.memory_space<vmem>>, vector<1x1x16xf32>,
        %get3A_419 = vector.shape_cast %get3A_418 : vector<1x1x16xf32> to vector<16xf32>
        %mul3A_420 = arith.mulf %get3A_419, %get3A_376 : vector<16xf32>
        %mul3A_421 = vector.broadcast %squeeze3A_372 : f32 to vector<16xf32>
        %mul3A_422 = arith.mulf %get3A_380, %mul3A_421 : vector<16xf32>
        %add3A_423 = arith.addf %mul3A_420, %mul3A_422 : vector<16xf32>
        %swap3A_424 = arith.constant 2 : i32
        %swap3A_425 = arith.index_cast %scan3A_365 : i32 to index
        %swap3A_426 = arith.index_cast %swap3A_424 : i32 to index
        %swap3A_427 = arith.constant 0 : index
        %swap3A_428 = tpu.vector_load %arg12[%swap3A_425, %swap3A_426, %swap3A_427] {strides = array<i32>} : memref<80x3x32xf32, #tpu.memory_space<vmem>>, vector<1x1x16xf32>,
        %swap3A_429 = vector.shape_cast %swap3A_428 : vector<1x1x16xf32> to vector<16xf32>
        %swap3A_430 = vector.shape_cast %add3A_423 : vector<16xf32> to vector<1x1x16xf32>
        tpu.vector_store %arg12[%swap3A_425, %swap3A_426, %swap3A_427], %swap3A_430 {strides = array<i32>} : memref<80x3x32xf32, #tpu.memory_space<vmem>>, vector<1x1x16xf32>,
        %get3A_431 = arith.index_cast %scan3A_365 : i32 to index
        %get3A_432 = arith.constant 16 : index
        %get3A_433 = tpu.vector_load %arg14[%get3A_431, %get3A_432] {strides = array<i32>} : memref<80x32xf32, #tpu.memory_space<vmem>>, vector<1x16xf32>,
        %get3A_434 = vector.shape_cast %get3A_433 : vector<1x16xf32> to vector<16xf32>
        %get3A_435 = arith.index_cast %scan3A_365 : i32 to index
        %get3A_436 = arith.constant 16 : index
        %get3A_437 = tpu.vector_load %arg16[%get3A_435, %get3A_436] {strides = array<i32>} : memref<80x32xf32, #tpu.memory_space<vmem>>, vector<1x16xf32>,
        %get3A_438 = vector.shape_cast %get3A_437 : vector<1x16xf32> to vector<16xf32>
        %get3A_439 = arith.constant 0 : i32
        %get3A_440 = arith.index_cast %scan3A_365 : i32 to index
        %get3A_441 = arith.index_cast %get3A_439 : i32 to index
        %get3A_442 = arith.constant 16 : index
        %get3A_443 = tpu.vector_load %arg12[%get3A_440, %get3A_441, %get3A_442] {strides = array<i32>} : memref<80x3x32xf32, #tpu.memory_space<vmem>>, vector<1x1x16xf32>,
        %get3A_444 = vector.shape_cast %get3A_443 : vector<1x1x16xf32> to vector<16xf32>
        %mul3A_445 = arith.mulf %get3A_444, %get3A_434 : vector<16xf32>
        %mul3A_446 = vector.broadcast %squeeze3A : f32 to vector<16xf32>
        %mul3A_447 = arith.mulf %get3A_438, %mul3A_446 : vector<16xf32>
        %add3A_448 = arith.addf %mul3A_445, %mul3A_447 : vector<16xf32>
        %swap3A_449 = arith.constant 0 : i32
        %swap3A_450 = arith.index_cast %scan3A_365 : i32 to index
        %swap3A_451 = arith.index_cast %swap3A_449 : i32 to index
        %swap3A_452 = arith.constant 16 : index
        %swap3A_453 = tpu.vector_load %arg12[%swap3A_450, %swap3A_451, %swap3A_452] {strides = array<i32>} : memref<80x3x32xf32, #tpu.memory_space<vmem>>, vector<1x1x16xf32>,
        %swap3A_454 = vector.shape_cast %swap3A_453 : vector<1x1x16xf32> to vector<16xf32>
        %swap3A_455 = vector.shape_cast %add3A_448 : vector<16xf32> to vector<1x1x16xf32>
        tpu.vector_store %arg12[%swap3A_450, %swap3A_451, %swap3A_452], %swap3A_455 {strides = array<i32>} : memref<80x3x32xf32, #tpu.memory_space<vmem>>, vector<1x1x16xf32>,
        %get3A_456 = arith.constant 1 : i32
        %get3A_457 = arith.index_cast %scan3A_365 : i32 to index
        %get3A_458 = arith.index_cast %get3A_456 : i32 to index
        %get3A_459 = arith.constant 16 : index
        %get3A_460 = tpu.vector_load %arg12[%get3A_457, %get3A_458, %get3A_459] {strides = array<i32>} : memref<80x3x32xf32, #tpu.memory_space<vmem>>, vector<1x1x16xf32>,
        %get3A_461 = vector.shape_cast %get3A_460 : vector<1x1x16xf32> to vector<16xf32>
        %mul3A_462 = arith.mulf %get3A_461, %get3A_434 : vector<16xf32>
        %mul3A_463 = vector.broadcast %squeeze3A_370 : f32 to vector<16xf32>
        %mul3A_464 = arith.mulf %get3A_438, %mul3A_463 : vector<16xf32>
        %add3A_465 = arith.addf %mul3A_462, %mul3A_464 : vector<16xf32>
        %swap3A_466 = arith.constant 1 : i32
        %swap3A_467 = arith.index_cast %scan3A_365 : i32 to index
        %swap3A_468 = arith.index_cast %swap3A_466 : i32 to index
        %swap3A_469 = arith.constant 16 : index
        %swap3A_470 = tpu.vector_load %arg12[%swap3A_467, %swap3A_468, %swap3A_469] {strides = array<i32>} : memref<80x3x32xf32, #tpu.memory_space<vmem>>, vector<1x1x16xf32>,
        %swap3A_471 = vector.shape_cast %swap3A_470 : vector<1x1x16xf32> to vector<16xf32>
        %swap3A_472 = vector.shape_cast %add3A_465 : vector<16xf32> to vector<1x1x16xf32>
        tpu.vector_store %arg12[%swap3A_467, %swap3A_468, %swap3A_469], %swap3A_472 {strides = array<i32>} : memref<80x3x32xf32, #tpu.memory_space<vmem>>, vector<1x1x16xf32>,
        %get3A_473 = arith.constant 2 : i32
        %get3A_474 = arith.index_cast %scan3A_365 : i32 to index
        %get3A_475 = arith.index_cast %get3A_473 : i32 to index
        %get3A_476 = arith.constant 16 : index
        %get3A_477 = tpu.vector_load %arg12[%get3A_474, %get3A_475, %get3A_476] {strides = array<i32>} : memref<80x3x32xf32, #tpu.memory_space<vmem>>, vector<1x1x16xf32>,
        %get3A_478 = vector.shape_cast %get3A_477 : vector<1x1x16xf32> to vector<16xf32>
        %mul3A_479 = arith.mulf %get3A_478, %get3A_434 : vector<16xf32>
        %mul3A_480 = vector.broadcast %squeeze3A_372 : f32 to vector<16xf32>
        %mul3A_481 = arith.mulf %get3A_438, %mul3A_480 : vector<16xf32>
        %add3A_482 = arith.addf %mul3A_479, %mul3A_481 : vector<16xf32>
        %swap3A_483 = arith.constant 2 : i32
        %swap3A_484 = arith.index_cast %scan3A_365 : i32 to index
        %swap3A_485 = arith.index_cast %swap3A_483 : i32 to index
        %swap3A_486 = arith.constant 16 : index
        %swap3A_487 = tpu.vector_load %arg12[%swap3A_484, %swap3A_485, %swap3A_486] {strides = array<i32>} : memref<80x3x32xf32, #tpu.memory_space<vmem>>, vector<1x1x16xf32>,
        %swap3A_488 = vector.shape_cast %swap3A_487 : vector<1x1x16xf32> to vector<16xf32>
        %swap3A_489 = vector.shape_cast %add3A_482 : vector<16xf32> to vector<1x1x16xf32>
        tpu.vector_store %arg12[%swap3A_484, %swap3A_485, %swap3A_486], %swap3A_489 {strides = array<i32>} : memref<80x3x32xf32, #tpu.memory_space<vmem>>, vector<1x1x16xf32>,
        %scan3A_490 = arith.constant 1 : i32
        %scan3A_491 = arith.addi %scan3A_365, %scan3A_490 : i32
        %get3A_492 = arith.index_cast %scan3A_491 : i32 to index
        %get3A_493 = arith.constant 0 : index
        %get3A_494 = tpu.vector_load %arg18[%get3A_492, %get3A_493] {strides = array<i32>} : memref<80x16xf32, #tpu.memory_space<vmem>>, vector<1x16xf32>,
        %get3A_495 = vector.shape_cast %get3A_494 : vector<1x16xf32> to vector<16xf32>
        %slice3A_496 = vector.extract_strided_slice %get3A_495 {offsets = [0], sizes = [1], strides = [1]} : vector<16xf32> to vector<1xf32>
        %squeeze3A_497 = vector.extract %slice3A_496[0] : f32 from vector<1xf32>
        %slice3A_498 = vector.extract_strided_slice %get3A_495 {offsets = [1], sizes = [1], strides = [1]} : vector<16xf32> to vector<1xf32>
        %squeeze3A_499 = vector.extract %slice3A_498[0] : f32 from vector<1xf32>
        %slice3A_500 = vector.extract_strided_slice %get3A_495 {offsets = [2], sizes = [1], strides = [1]} : vector<16xf32> to vector<1xf32>
        %squeeze3A_501 = vector.extract %slice3A_500[0] : f32 from vector<1xf32>
        %get3A_502 = arith.index_cast %scan3A_491 : i32 to index
        %get3A_503 = arith.constant 0 : index
        %get3A_504 = tpu.vector_load %arg14[%get3A_502, %get3A_503] {strides = array<i32>} : memref<80x32xf32, #tpu.memory_space<vmem>>, vector<1x16xf32>,
        %get3A_505 = vector.shape_cast %get3A_504 : vector<1x16xf32> to vector<16xf32>
        %get3A_506 = arith.index_cast %scan3A_491 : i32 to index
        %get3A_507 = arith.constant 0 : index
        %get3A_508 = tpu.vector_load %arg16[%get3A_506, %get3A_507] {strides = array<i32>} : memref<80x32xf32, #tpu.memory_space<vmem>>, vector<1x16xf32>,
        %get3A_509 = vector.shape_cast %get3A_508 : vector<1x16xf32> to vector<16xf32>
        %get3A_510 = arith.constant 0 : i32
        %get3A_511 = arith.index_cast %scan3A_491 : i32 to index
        %get3A_512 = arith.index_cast %get3A_510 : i32 to index
        %get3A_513 = arith.constant 0 : index
        %get3A_514 = tpu.vector_load %arg12[%get3A_511, %get3A_512, %get3A_513] {strides = array<i32>} : memref<80x3x32xf32, #tpu.memory_space<vmem>>, vector<1x1x16xf32>,
        %get3A_515 = vector.shape_cast %get3A_514 : vector<1x1x16xf32> to vector<16xf32>
        %mul3A_516 = arith.mulf %get3A_515, %get3A_505 : vector<16xf32>
        %mul3A_517 = vector.broadcast %squeeze3A_497 : f32 to vector<16xf32>
        %mul3A_518 = arith.mulf %get3A_509, %mul3A_517 : vector<16xf32>
        %add3A_519 = arith.addf %mul3A_516, %mul3A_518 : vector<16xf32>
        %swap3A_520 = arith.constant 0 : i32
        %swap3A_521 = arith.index_cast %scan3A_491 : i32 to index
        %swap3A_522 = arith.index_cast %swap3A_520 : i32 to index
        %swap3A_523 = arith.constant 0 : index
        %swap3A_524 = tpu.vector_load %arg12[%swap3A_521, %swap3A_522, %swap3A_523] {strides = array<i32>} : memref<80x3x32xf32, #tpu.memory_space<vmem>>, vector<1x1x16xf32>,
        %swap3A_525 = vector.shape_cast %swap3A_524 : vector<1x1x16xf32> to vector<16xf32>
        %swap3A_526 = vector.shape_cast %add3A_519 : vector<16xf32> to vector<1x1x16xf32>
        tpu.vector_store %arg12[%swap3A_521, %swap3A_522, %swap3A_523], %swap3A_526 {strides = array<i32>} : memref<80x3x32xf32, #tpu.memory_space<vmem>>, vector<1x1x16xf32>,
        %get3A_527 = arith.constant 1 : i32
        %get3A_528 = arith.index_cast %scan3A_491 : i32 to index
        %get3A_529 = arith.index_cast %get3A_527 : i32 to index
        %get3A_530 = arith.constant 0 : index
        %get3A_531 = tpu.vector_load %arg12[%get3A_528, %get3A_529, %get3A_530] {strides = array<i32>} : memref<80x3x32xf32, #tpu.memory_space<vmem>>, vector<1x1x16xf32>,
        %get3A_532 = vector.shape_cast %get3A_531 : vector<1x1x16xf32> to vector<16xf32>
        %mul3A_533 = arith.mulf %get3A_532, %get3A_505 : vector<16xf32>
        %mul3A_534 = vector.broadcast %squeeze3A_499 : f32 to vector<16xf32>
        %mul3A_535 = arith.mulf %get3A_509, %mul3A_534 : vector<16xf32>
        %add3A_536 = arith.addf %mul3A_533, %mul3A_535 : vector<16xf32>
        %swap3A_537 = arith.constant 1 : i32
        %swap3A_538 = arith.index_cast %scan3A_491 : i32 to index
        %swap3A_539 = arith.index_cast %swap3A_537 : i32 to index
        %swap3A_540 = arith.constant 0 : index
        %swap3A_541 = tpu.vector_load %arg12[%swap3A_538, %swap3A_539, %swap3A_540] {strides = array<i32>} : memref<80x3x32xf32, #tpu.memory_space<vmem>>, vector<1x1x16xf32>,
        %swap3A_542 = vector.shape_cast %swap3A_541 : vector<1x1x16xf32> to vector<16xf32>
        %swap3A_543 = vector.shape_cast %add3A_536 : vector<16xf32> to vector<1x1x16xf32>
        tpu.vector_store %arg12[%swap3A_538, %swap3A_539, %swap3A_540], %swap3A_543 {strides = array<i32>} : memref<80x3x32xf32, #tpu.memory_space<vmem>>, vector<1x1x16xf32>,
        %get3A_544 = arith.constant 2 : i32
        %get3A_545 = arith.index_cast %scan3A_491 : i32 to index
        %get3A_546 = arith.index_cast %get3A_544 : i32 to index
        %get3A_547 = arith.constant 0 : index
        %get3A_548 = tpu.vector_load %arg12[%get3A_545, %get3A_546, %get3A_547] {strides = array<i32>} : memref<80x3x32xf32, #tpu.memory_space<vmem>>, vector<1x1x16xf32>,
        %get3A_549 = vector.shape_cast %get3A_548 : vector<1x1x16xf32> to vector<16xf32>
        %mul3A_550 = arith.mulf %get3A_549, %get3A_505 : vector<16xf32>
        %mul3A_551 = vector.broadcast %squeeze3A_501 : f32 to vector<16xf32>
        %mul3A_552 = arith.mulf %get3A_509, %mul3A_551 : vector<16xf32>
        %add3A_553 = arith.addf %mul3A_550, %mul3A_552 : vector<16xf32>
        %swap3A_554 = arith.constant 2 : i32
        %swap3A_555 = arith.index_cast %scan3A_491 : i32 to index
        %swap3A_556 = arith.index_cast %swap3A_554 : i32 to index
        %swap3A_557 = arith.constant 0 : index
        %swap3A_558 = tpu.vector_load %arg12[%swap3A_555, %swap3A_556, %swap3A_557] {strides = array<i32>} : memref<80x3x32xf32, #tpu.memory_space<vmem>>, vector<1x1x16xf32>,
        %swap3A_559 = vector.shape_cast %swap3A_558 : vector<1x1x16xf32> to vector<16xf32>
        %swap3A_560 = vector.shape_cast %add3A_553 : vector<16xf32> to vector<1x1x16xf32>
        tpu.vector_store %arg12[%swap3A_555, %swap3A_556, %swap3A_557], %swap3A_560 {strides = array<i32>} : memref<80x3x32xf32, #tpu.memory_space<vmem>>, vector<1x1x16xf32>,
        %get3A_561 = arith.index_cast %scan3A_491 : i32 to index
        %get3A_562 = arith.constant 16 : index
        %get3A_563 = tpu.vector_load %arg14[%get3A_561, %get3A_562] {strides = array<i32>} : memref<80x32xf32, #tpu.memory_space<vmem>>, vector<1x16xf32>,
        %get3A_564 = vector.shape_cast %get3A_563 : vector<1x16xf32> to vector<16xf32>
        %get3A_565 = arith.index_cast %scan3A_491 : i32 to index
        %get3A_566 = arith.constant 16 : index
        %get3A_567 = tpu.vector_load %arg16[%get3A_565, %get3A_566] {strides = array<i32>} : memref<80x32xf32, #tpu.memory_space<vmem>>, vector<1x16xf32>,
        %get3A_568 = vector.shape_cast %get3A_567 : vector<1x16xf32> to vector<16xf32>
        %get3A_569 = arith.constant 0 : i32
        %get3A_570 = arith.index_cast %scan3A_491 : i32 to index
        %get3A_571 = arith.index_cast %get3A_569 : i32 to index
        %get3A_572 = arith.constant 16 : index
        %get3A_573 = tpu.vector_load %arg12[%get3A_570, %get3A_571, %get3A_572] {strides = array<i32>} : memref<80x3x32xf32, #tpu.memory_space<vmem>>, vector<1x1x16xf32>,
        %get3A_574 = vector.shape_cast %get3A_573 : vector<1x1x16xf32> to vector<16xf32>
        %mul3A_575 = arith.mulf %get3A_574, %get3A_564 : vector<16xf32>
        %mul3A_576 = vector.broadcast %squeeze3A_497 : f32 to vector<16xf32>
        %mul3A_577 = arith.mulf %get3A_568, %mul3A_576 : vector<16xf32>
        %add3A_578 = arith.addf %mul3A_575, %mul3A_577 : vector<16xf32>
        %swap3A_579 = arith.constant 0 : i32
        %swap3A_580 = arith.index_cast %scan3A_491 : i32 to index
        %swap3A_581 = arith.index_cast %swap3A_579 : i32 to index
        %swap3A_582 = arith.constant 16 : index
        %swap3A_583 = tpu.vector_load %arg12[%swap3A_580, %swap3A_581, %swap3A_582] {strides = array<i32>} : memref<80x3x32xf32, #tpu.memory_space<vmem>>, vector<1x1x16xf32>,
        %swap3A_584 = vector.shape_cast %swap3A_583 : vector<1x1x16xf32> to vector<16xf32>
        %swap3A_585 = vector.shape_cast %add3A_578 : vector<16xf32> to vector<1x1x16xf32>
        tpu.vector_store %arg12[%swap3A_580, %swap3A_581, %swap3A_582], %swap3A_585 {strides = array<i32>} : memref<80x3x32xf32, #tpu.memory_space<vmem>>, vector<1x1x16xf32>,
        %get3A_586 = arith.constant 1 : i32
        %get3A_587 = arith.index_cast %scan3A_491 : i32 to index
        %get3A_588 = arith.index_cast %get3A_586 : i32 to index
        %get3A_589 = arith.constant 16 : index
        %get3A_590 = tpu.vector_load %arg12[%get3A_587, %get3A_588, %get3A_589] {strides = array<i32>} : memref<80x3x32xf32, #tpu.memory_space<vmem>>, vector<1x1x16xf32>,
        %get3A_591 = vector.shape_cast %get3A_590 : vector<1x1x16xf32> to vector<16xf32>
        %mul3A_592 = arith.mulf %get3A_591, %get3A_564 : vector<16xf32>
        %mul3A_593 = vector.broadcast %squeeze3A_499 : f32 to vector<16xf32>
        %mul3A_594 = arith.mulf %get3A_568, %mul3A_593 : vector<16xf32>
        %add3A_595 = arith.addf %mul3A_592, %mul3A_594 : vector<16xf32>
        %swap3A_596 = arith.constant 1 : i32
        %swap3A_597 = arith.index_cast %scan3A_491 : i32 to index
        %swap3A_598 = arith.index_cast %swap3A_596 : i32 to index
        %swap3A_599 = arith.constant 16 : index
        %swap3A_600 = tpu.vector_load %arg12[%swap3A_597, %swap3A_598, %swap3A_599] {strides = array<i32>} : memref<80x3x32xf32, #tpu.memory_space<vmem>>, vector<1x1x16xf32>,
        %swap3A_601 = vector.shape_cast %swap3A_600 : vector<1x1x16xf32> to vector<16xf32>
        %swap3A_602 = vector.shape_cast %add3A_595 : vector<16xf32> to vector<1x1x16xf32>
        tpu.vector_store %arg12[%swap3A_597, %swap3A_598, %swap3A_599], %swap3A_602 {strides = array<i32>} : memref<80x3x32xf32, #tpu.memory_space<vmem>>, vector<1x1x16xf32>,
        %get3A_603 = arith.constant 2 : i32
        %get3A_604 = arith.index_cast %scan3A_491 : i32 to index
        %get3A_605 = arith.index_cast %get3A_603 : i32 to index
        %get3A_606 = arith.constant 16 : index
        %get3A_607 = tpu.vector_load %arg12[%get3A_604, %get3A_605, %get3A_606] {strides = array<i32>} : memref<80x3x32xf32, #tpu.memory_space<vmem>>, vector<1x1x16xf32>,
        %get3A_608 = vector.shape_cast %get3A_607 : vector<1x1x16xf32> to vector<16xf32>
        %mul3A_609 = arith.mulf %get3A_608, %get3A_564 : vector<16xf32>
        %mul3A_610 = vector.broadcast %squeeze3A_501 : f32 to vector<16xf32>
        %mul3A_611 = arith.mulf %get3A_568, %mul3A_610 : vector<16xf32>
        %add3A_612 = arith.addf %mul3A_609, %mul3A_611 : vector<16xf32>
        %swap3A_613 = arith.constant 2 : i32
        %swap3A_614 = arith.index_cast %scan3A_491 : i32 to index
        %swap3A_615 = arith.index_cast %swap3A_613 : i32 to index
        %swap3A_616 = arith.constant 16 : index
        %swap3A_617 = tpu.vector_load %arg12[%swap3A_614, %swap3A_615, %swap3A_616] {strides = array<i32>} : memref<80x3x32xf32, #tpu.memory_space<vmem>>, vector<1x1x16xf32>,
        %swap3A_618 = vector.shape_cast %swap3A_617 : vector<1x1x16xf32> to vector<16xf32>
        %swap3A_619 = vector.shape_cast %add3A_612 : vector<16xf32> to vector<1x1x16xf32>
        tpu.vector_store %arg12[%swap3A_614, %swap3A_615, %swap3A_616], %swap3A_619 {strides = array<i32>} : memref<80x3x32xf32, #tpu.memory_space<vmem>>, vector<1x1x16xf32>,
      }
      %scan3A_364 = arith.constant 80 : i32
      "tpu.region"() ({
        %run_scoped3A = tpu.sem_alloc : memref<!tpu.dma_semaphore, #tpu.memory_space<semaphore_mem>>
        %dma_start3A_365 = arith.constant 0 : i32
        %dma_start3A_366 = arith.constant 0 : i32
        %dma_start3A_367 = arith.constant 0 : i32
        %dma_start3A_368 = tpu.memref_slice %arg20[%dma_start3A_365, %dma_start3A_366, %dma_start3A_367] : memref<10000x3x32xf32, #tpu.memory_space<vmem_shared>> -> memref<10000x3x32xf32, #tpu.memory_space<vmem_shared>>
        tpu.enqueue_indirect_dma source(%arg12 : memref<80x3x32xf32, #tpu.memory_space<vmem>>) target(%dma_start3A_368 : memref<10000x3x32xf32, #tpu.memory_space<vmem_shared>>) offsets(%arg10 : memref<80xi32, #tpu.memory_space<vmem>>) semaphore(%run_scoped3A : memref<!tpu.dma_semaphore, #tpu.memory_space<semaphore_mem>>) {add = true}
        %dma_wait3A_369 = arith.constant 0 : i32
        %dma_wait3A_370 = arith.constant 0 : i32
        %dma_wait3A_371 = arith.constant 0 : i32
        %dma_wait3A_372 = tpu.memref_slice %arg20[%dma_wait3A_369, %dma_wait3A_370, %dma_wait3A_371] : memref<10000x3x32xf32, #tpu.memory_space<vmem_shared>> -> memref<10000x3x32xf32, #tpu.memory_space<vmem_shared>>
        tpu.wait_indirect_dma semaphore(%run_scoped3A : memref<!tpu.dma_semaphore, #tpu.memory_space<semaphore_mem>>) src(%arg12 : memref<80x3x32xf32, #tpu.memory_space<vmem>>) dst(%dma_wait3A_372 : memref<10000x3x32xf32, #tpu.memory_space<vmem_shared>>)
        tpu.yield
      }) : () -> ()
    }
    %scan3A_185 = arith.constant 62 : i32
    %add3A_186 = arith.constant 9920 : i32
    %add3A_187 = arith.addi %mul3A_0, %add3A_186 : i32
    %dma_wait3A_188 = tpu.memref_slice %arg2[%add3A_187] : memref<160000xi32, #tpu.memory_space<hbm>> -> memref<80xi32, #tpu.memory_space<hbm>>
    %dma_wait3A_189 = tpu.memref_slice %arg2[%add3A_187] : memref<160000xi32, #tpu.memory_space<hbm>> -> memref<80xi32, #tpu.memory_space<hbm>>
    tpu.wait_dma2 semaphore(%arg21 : memref<!tpu.dma_semaphore, #tpu.memory_space<semaphore_mem>>) src(%dma_wait3A_189 : memref<80xi32, #tpu.memory_space<hbm>>) dst(%arg9 : memref<80xi32, #tpu.memory_space<vmem>>)
    %dma_wait3A_190 = arith.constant 0 : i32
    %dma_wait3A_191 = tpu.memref_slice %arg4[%add3A_187, %dma_wait3A_190, %add3A_142] : memref<160000x3x128xf32, #tpu.memory_space<hbm>> -> memref<80x3x32xf32, #tpu.memory_space<hbm>>
    %dma_wait3A_192 = arith.constant 0 : i32
    %dma_wait3A_193 = tpu.memref_slice %arg4[%add3A_187, %dma_wait3A_192, %add3A_142] : memref<160000x3x128xf32, #tpu.memory_space<hbm>> -> memref<80x3x32xf32, #tpu.memory_space<hbm>>
    tpu.wait_dma2 semaphore(%arg23 : memref<!tpu.dma_semaphore, #tpu.memory_space<semaphore_mem>>) src(%dma_wait3A_193 : memref<80x3x32xf32, #tpu.memory_space<hbm>>) dst(%arg11 : memref<80x3x32xf32, #tpu.memory_space<vmem>>)
    %dma_wait3A_194 = tpu.memref_slice %arg5[%add3A_187, %add3A_142] : memref<160000x128xf32, #tpu.memory_space<hbm>> -> memref<80x32xf32, #tpu.memory_space<hbm>>
    %dma_wait3A_195 = tpu.memref_slice %arg5[%add3A_187, %add3A_142] : memref<160000x128xf32, #tpu.memory_space<hbm>> -> memref<80x32xf32, #tpu.memory_space<hbm>>
    tpu.wait_dma2 semaphore(%arg25 : memref<!tpu.dma_semaphore, #tpu.memory_space<semaphore_mem>>) src(%dma_wait3A_195 : memref<80x32xf32, #tpu.memory_space<hbm>>) dst(%arg13 : memref<80x32xf32, #tpu.memory_space<vmem>>)
    %dma_wait3A_196 = tpu.memref_slice %arg6[%add3A_187, %add3A_142] : memref<160000x128xf32, #tpu.memory_space<hbm>> -> memref<80x32xf32, #tpu.memory_space<hbm>>
    %dma_wait3A_197 = tpu.memref_slice %arg6[%add3A_187, %add3A_142] : memref<160000x128xf32, #tpu.memory_space<hbm>> -> memref<80x32xf32, #tpu.memory_space<hbm>>
    tpu.wait_dma2 semaphore(%arg27 : memref<!tpu.dma_semaphore, #tpu.memory_space<semaphore_mem>>) src(%dma_wait3A_197 : memref<80x32xf32, #tpu.memory_space<hbm>>) dst(%arg15 : memref<80x32xf32, #tpu.memory_space<vmem>>)
    %dma_wait3A_198 = arith.constant 0 : i32
    %dma_wait3A_199 = tpu.memref_slice %arg7[%add3A_187, %dma_wait3A_198] : memref<160000x16xf32, #tpu.memory_space<hbm>> -> memref<80x16xf32, #tpu.memory_space<hbm>>
    %dma_wait3A_200 = arith.constant 0 : i32
    %dma_wait3A_201 = tpu.memref_slice %arg7[%add3A_187, %dma_wait3A_200] : memref<160000x16xf32, #tpu.memory_space<hbm>> -> memref<80x16xf32, #tpu.memory_space<hbm>>
    tpu.wait_dma2 semaphore(%arg29 : memref<!tpu.dma_semaphore, #tpu.memory_space<semaphore_mem>>) src(%dma_wait3A_201 : memref<80x16xf32, #tpu.memory_space<hbm>>) dst(%arg17 : memref<80x16xf32, #tpu.memory_space<vmem>>)
    %scan3A_202 = arith.constant 0 : i32
    %scan3A_203 = arith.constant 0 : i32
    %scan3A_204 = arith.constant 80 : i32
    %scan3A_205 = arith.addi %scan3A_203, %scan3A_204 : i32
    %scan3A_206 = arith.constant 2 : i32
    scf.for %scan3A_276 = %scan3A_203 to %scan3A_205 step %scan3A_206  : i32 {
      %get3A = arith.index_cast %scan3A_276 : i32 to index
      %get3A_277 = arith.constant 0 : index
      %get3A_278 = tpu.vector_load %arg17[%get3A, %get3A_277] {strides = array<i32>} : memref<80x16xf32, #tpu.memory_space<vmem>>, vector<1x16xf32>,
      %get3A_279 = vector.shape_cast %get3A_278 : vector<1x16xf32> to vector<16xf32>
      %slice3A = vector.extract_strided_slice %get3A_279 {offsets = [0], sizes = [1], strides = [1]} : vector<16xf32> to vector<1xf32>
      %squeeze3A = vector.extract %slice3A[0] : f32 from vector<1xf32>
      %slice3A_280 = vector.extract_strided_slice %get3A_279 {offsets = [1], sizes = [1], strides = [1]} : vector<16xf32> to vector<1xf32>
      %squeeze3A_281 = vector.extract %slice3A_280[0] : f32 from vector<1xf32>
      %slice3A_282 = vector.extract_strided_slice %get3A_279 {offsets = [2], sizes = [1], strides = [1]} : vector<16xf32> to vector<1xf32>
      %squeeze3A_283 = vector.extract %slice3A_282[0] : f32 from vector<1xf32>
      %get3A_284 = arith.index_cast %scan3A_276 : i32 to index
      %get3A_285 = arith.constant 0 : index
      %get3A_286 = tpu.vector_load %arg13[%get3A_284, %get3A_285] {strides = array<i32>} : memref<80x32xf32, #tpu.memory_space<vmem>>, vector<1x16xf32>,
      %get3A_287 = vector.shape_cast %get3A_286 : vector<1x16xf32> to vector<16xf32>
      %get3A_288 = arith.index_cast %scan3A_276 : i32 to index
      %get3A_289 = arith.constant 0 : index
      %get3A_290 = tpu.vector_load %arg15[%get3A_288, %get3A_289] {strides = array<i32>} : memref<80x32xf32, #tpu.memory_space<vmem>>, vector<1x16xf32>,
      %get3A_291 = vector.shape_cast %get3A_290 : vector<1x16xf32> to vector<16xf32>
      %get3A_292 = arith.constant 0 : i32
      %get3A_293 = arith.index_cast %scan3A_276 : i32 to index
      %get3A_294 = arith.index_cast %get3A_292 : i32 to index
      %get3A_295 = arith.constant 0 : index
      %get3A_296 = tpu.vector_load %arg11[%get3A_293, %get3A_294, %get3A_295] {strides = array<i32>} : memref<80x3x32xf32, #tpu.memory_space<vmem>>, vector<1x1x16xf32>,
      %get3A_297 = vector.shape_cast %get3A_296 : vector<1x1x16xf32> to vector<16xf32>
      %mul3A_298 = arith.mulf %get3A_297, %get3A_287 : vector<16xf32>
      %mul3A_299 = vector.broadcast %squeeze3A : f32 to vector<16xf32>
      %mul3A_300 = arith.mulf %get3A_291, %mul3A_299 : vector<16xf32>
      %add3A_301 = arith.addf %mul3A_298, %mul3A_300 : vector<16xf32>
      %swap3A = arith.constant 0 : i32
      %swap3A_302 = arith.index_cast %scan3A_276 : i32 to index
      %swap3A_303 = arith.index_cast %swap3A : i32 to index
      %swap3A_304 = arith.constant 0 : index
      %swap3A_305 = tpu.vector_load %arg11[%swap3A_302, %swap3A_303, %swap3A_304] {strides = array<i32>} : memref<80x3x32xf32, #tpu.memory_space<vmem>>, vector<1x1x16xf32>,
      %swap3A_306 = vector.shape_cast %swap3A_305 : vector<1x1x16xf32> to vector<16xf32>
      %swap3A_307 = vector.shape_cast %add3A_301 : vector<16xf32> to vector<1x1x16xf32>
      tpu.vector_store %arg11[%swap3A_302, %swap3A_303, %swap3A_304], %swap3A_307 {strides = array<i32>} : memref<80x3x32xf32, #tpu.memory_space<vmem>>, vector<1x1x16xf32>,
      %get3A_308 = arith.constant 1 : i32
      %get3A_309 = arith.index_cast %scan3A_276 : i32 to index
      %get3A_310 = arith.index_cast %get3A_308 : i32 to index
      %get3A_311 = arith.constant 0 : index
      %get3A_312 = tpu.vector_load %arg11[%get3A_309, %get3A_310, %get3A_311] {strides = array<i32>} : memref<80x3x32xf32, #tpu.memory_space<vmem>>, vector<1x1x16xf32>,
      %get3A_313 = vector.shape_cast %get3A_312 : vector<1x1x16xf32> to vector<16xf32>
      %mul3A_314 = arith.mulf %get3A_313, %get3A_287 : vector<16xf32>
      %mul3A_315 = vector.broadcast %squeeze3A_281 : f32 to vector<16xf32>
      %mul3A_316 = arith.mulf %get3A_291, %mul3A_315 : vector<16xf32>
      %add3A_317 = arith.addf %mul3A_314, %mul3A_316 : vector<16xf32>
      %swap3A_318 = arith.constant 1 : i32
      %swap3A_319 = arith.index_cast %scan3A_276 : i32 to index
      %swap3A_320 = arith.index_cast %swap3A_318 : i32 to index
      %swap3A_321 = arith.constant 0 : index
      %swap3A_322 = tpu.vector_load %arg11[%swap3A_319, %swap3A_320, %swap3A_321] {strides = array<i32>} : memref<80x3x32xf32, #tpu.memory_space<vmem>>, vector<1x1x16xf32>,
      %swap3A_323 = vector.shape_cast %swap3A_322 : vector<1x1x16xf32> to vector<16xf32>
      %swap3A_324 = vector.shape_cast %add3A_317 : vector<16xf32> to vector<1x1x16xf32>
      tpu.vector_store %arg11[%swap3A_319, %swap3A_320, %swap3A_321], %swap3A_324 {strides = array<i32>} : memref<80x3x32xf32, #tpu.memory_space<vmem>>, vector<1x1x16xf32>,
      %get3A_325 = arith.constant 2 : i32
      %get3A_326 = arith.index_cast %scan3A_276 : i32 to index
      %get3A_327 = arith.index_cast %get3A_325 : i32 to index
      %get3A_328 = arith.constant 0 : index
      %get3A_329 = tpu.vector_load %arg11[%get3A_326, %get3A_327, %get3A_328] {strides = array<i32>} : memref<80x3x32xf32, #tpu.memory_space<vmem>>, vector<1x1x16xf32>,
      %get3A_330 = vector.shape_cast %get3A_329 : vector<1x1x16xf32> to vector<16xf32>
      %mul3A_331 = arith.mulf %get3A_330, %get3A_287 : vector<16xf32>
      %mul3A_332 = vector.broadcast %squeeze3A_283 : f32 to vector<16xf32>
      %mul3A_333 = arith.mulf %get3A_291, %mul3A_332 : vector<16xf32>
      %add3A_334 = arith.addf %mul3A_331, %mul3A_333 : vector<16xf32>
      %swap3A_335 = arith.constant 2 : i32
      %swap3A_336 = arith.index_cast %scan3A_276 : i32 to index
      %swap3A_337 = arith.index_cast %swap3A_335 : i32 to index
      %swap3A_338 = arith.constant 0 : index
      %swap3A_339 = tpu.vector_load %arg11[%swap3A_336, %swap3A_337, %swap3A_338] {strides = array<i32>} : memref<80x3x32xf32, #tpu.memory_space<vmem>>, vector<1x1x16xf32>,
      %swap3A_340 = vector.shape_cast %swap3A_339 : vector<1x1x16xf32> to vector<16xf32>
      %swap3A_341 = vector.shape_cast %add3A_334 : vector<16xf32> to vector<1x1x16xf32>
      tpu.vector_store %arg11[%swap3A_336, %swap3A_337, %swap3A_338], %swap3A_341 {strides = array<i32>} : memref<80x3x32xf32, #tpu.memory_space<vmem>>, vector<1x1x16xf32>,
      %get3A_342 = arith.index_cast %scan3A_276 : i32 to index
      %get3A_343 = arith.constant 16 : index
      %get3A_344 = tpu.vector_load %arg13[%get3A_342, %get3A_343] {strides = array<i32>} : memref<80x32xf32, #tpu.memory_space<vmem>>, vector<1x16xf32>,
      %get3A_345 = vector.shape_cast %get3A_344 : vector<1x16xf32> to vector<16xf32>
      %get3A_346 = arith.index_cast %scan3A_276 : i32 to index
      %get3A_347 = arith.constant 16 : index
      %get3A_348 = tpu.vector_load %arg15[%get3A_346, %get3A_347] {strides = array<i32>} : memref<80x32xf32, #tpu.memory_space<vmem>>, vector<1x16xf32>,
      %get3A_349 = vector.shape_cast %get3A_348 : vector<1x16xf32> to vector<16xf32>
      %get3A_350 = arith.constant 0 : i32
      %get3A_351 = arith.index_cast %scan3A_276 : i32 to index
      %get3A_352 = arith.index_cast %get3A_350 : i32 to index
      %get3A_353 = arith.constant 16 : index
      %get3A_354 = tpu.vector_load %arg11[%get3A_351, %get3A_352, %get3A_353] {strides = array<i32>} : memref<80x3x32xf32, #tpu.memory_space<vmem>>, vector<1x1x16xf32>,
      %get3A_355 = vector.shape_cast %get3A_354 : vector<1x1x16xf32> to vector<16xf32>
      %mul3A_356 = arith.mulf %get3A_355, %get3A_345 : vector<16xf32>
      %mul3A_357 = vector.broadcast %squeeze3A : f32 to vector<16xf32>
      %mul3A_358 = arith.mulf %get3A_349, %mul3A_357 : vector<16xf32>
      %add3A_359 = arith.addf %mul3A_356, %mul3A_358 : vector<16xf32>
      %swap3A_360 = arith.constant 0 : i32
      %swap3A_361 = arith.index_cast %scan3A_276 : i32 to index
      %swap3A_362 = arith.index_cast %swap3A_360 : i32 to index
      %swap3A_363 = arith.constant 16 : index
      %swap3A_364 = tpu.vector_load %arg11[%swap3A_361, %swap3A_362, %swap3A_363] {strides = array<i32>} : memref<80x3x32xf32, #tpu.memory_space<vmem>>, vector<1x1x16xf32>,
      %swap3A_365 = vector.shape_cast %swap3A_364 : vector<1x1x16xf32> to vector<16xf32>
      %swap3A_366 = vector.shape_cast %add3A_359 : vector<16xf32> to vector<1x1x16xf32>
      tpu.vector_store %arg11[%swap3A_361, %swap3A_362, %swap3A_363], %swap3A_366 {strides = array<i32>} : memref<80x3x32xf32, #tpu.memory_space<vmem>>, vector<1x1x16xf32>,
      %get3A_367 = arith.constant 1 : i32
      %get3A_368 = arith.index_cast %scan3A_276 : i32 to index
      %get3A_369 = arith.index_cast %get3A_367 : i32 to index
      %get3A_370 = arith.constant 16 : index
      %get3A_371 = tpu.vector_load %arg11[%get3A_368, %get3A_369, %get3A_370] {strides = array<i32>} : memref<80x3x32xf32, #tpu.memory_space<vmem>>, vector<1x1x16xf32>,
      %get3A_372 = vector.shape_cast %get3A_371 : vector<1x1x16xf32> to vector<16xf32>
      %mul3A_373 = arith.mulf %get3A_372, %get3A_345 : vector<16xf32>
      %mul3A_374 = vector.broadcast %squeeze3A_281 : f32 to vector<16xf32>
      %mul3A_375 = arith.mulf %get3A_349, %mul3A_374 : vector<16xf32>
      %add3A_376 = arith.addf %mul3A_373, %mul3A_375 : vector<16xf32>
      %swap3A_377 = arith.constant 1 : i32
      %swap3A_378 = arith.index_cast %scan3A_276 : i32 to index
      %swap3A_379 = arith.index_cast %swap3A_377 : i32 to index
      %swap3A_380 = arith.constant 16 : index
      %swap3A_381 = tpu.vector_load %arg11[%swap3A_378, %swap3A_379, %swap3A_380] {strides = array<i32>} : memref<80x3x32xf32, #tpu.memory_space<vmem>>, vector<1x1x16xf32>,
      %swap3A_382 = vector.shape_cast %swap3A_381 : vector<1x1x16xf32> to vector<16xf32>
      %swap3A_383 = vector.shape_cast %add3A_376 : vector<16xf32> to vector<1x1x16xf32>
      tpu.vector_store %arg11[%swap3A_378, %swap3A_379, %swap3A_380], %swap3A_383 {strides = array<i32>} : memref<80x3x32xf32, #tpu.memory_space<vmem>>, vector<1x1x16xf32>,
      %get3A_384 = arith.constant 2 : i32
      %get3A_385 = arith.index_cast %scan3A_276 : i32 to index
      %get3A_386 = arith.index_cast %get3A_384 : i32 to index
      %get3A_387 = arith.constant 16 : index
      %get3A_388 = tpu.vector_load %arg11[%get3A_385, %get3A_386, %get3A_387] {strides = array<i32>} : memref<80x3x32xf32, #tpu.memory_space<vmem>>, vector<1x1x16xf32>,
      %get3A_389 = vector.shape_cast %get3A_388 : vector<1x1x16xf32> to vector<16xf32>
      %mul3A_390 = arith.mulf %get3A_389, %get3A_345 : vector<16xf32>
      %mul3A_391 = vector.broadcast %squeeze3A_283 : f32 to vector<16xf32>
      %mul3A_392 = arith.mulf %get3A_349, %mul3A_391 : vector<16xf32>
      %add3A_393 = arith.addf %mul3A_390, %mul3A_392 : vector<16xf32>
      %swap3A_394 = arith.constant 2 : i32
      %swap3A_395 = arith.index_cast %scan3A_276 : i32 to index
      %swap3A_396 = arith.index_cast %swap3A_394 : i32 to index
      %swap3A_397 = arith.constant 16 : index
      %swap3A_398 = tpu.vector_load %arg11[%swap3A_395, %swap3A_396, %swap3A_397] {strides = array<i32>} : memref<80x3x32xf32, #tpu.memory_space<vmem>>, vector<1x1x16xf32>,
      %swap3A_399 = vector.shape_cast %swap3A_398 : vector<1x1x16xf32> to vector<16xf32>
      %swap3A_400 = vector.shape_cast %add3A_393 : vector<16xf32> to vector<1x1x16xf32>
      tpu.vector_store %arg11[%swap3A_395, %swap3A_396, %swap3A_397], %swap3A_400 {strides = array<i32>} : memref<80x3x32xf32, #tpu.memory_space<vmem>>, vector<1x1x16xf32>,
      %scan3A_401 = arith.constant 1 : i32
      %scan3A_402 = arith.addi %scan3A_276, %scan3A_401 : i32
      %get3A_403 = arith.index_cast %scan3A_402 : i32 to index
      %get3A_404 = arith.constant 0 : index
      %get3A_405 = tpu.vector_load %arg17[%get3A_403, %get3A_404] {strides = array<i32>} : memref<80x16xf32, #tpu.memory_space<vmem>>, vector<1x16xf32>,
      %get3A_406 = vector.shape_cast %get3A_405 : vector<1x16xf32> to vector<16xf32>
      %slice3A_407 = vector.extract_strided_slice %get3A_406 {offsets = [0], sizes = [1], strides = [1]} : vector<16xf32> to vector<1xf32>
      %squeeze3A_408 = vector.extract %slice3A_407[0] : f32 from vector<1xf32>
      %slice3A_409 = vector.extract_strided_slice %get3A_406 {offsets = [1], sizes = [1], strides = [1]} : vector<16xf32> to vector<1xf32>
      %squeeze3A_410 = vector.extract %slice3A_409[0] : f32 from vector<1xf32>
      %slice3A_411 = vector.extract_strided_slice %get3A_406 {offsets = [2], sizes = [1], strides = [1]} : vector<16xf32> to vector<1xf32>
      %squeeze3A_412 = vector.extract %slice3A_411[0] : f32 from vector<1xf32>
      %get3A_413 = arith.index_cast %scan3A_402 : i32 to index
      %get3A_414 = arith.constant 0 : index
      %get3A_415 = tpu.vector_load %arg13[%get3A_413, %get3A_414] {strides = array<i32>} : memref<80x32xf32, #tpu.memory_space<vmem>>, vector<1x16xf32>,
      %get3A_416 = vector.shape_cast %get3A_415 : vector<1x16xf32> to vector<16xf32>
      %get3A_417 = arith.index_cast %scan3A_402 : i32 to index
      %get3A_418 = arith.constant 0 : index
      %get3A_419 = tpu.vector_load %arg15[%get3A_417, %get3A_418] {strides = array<i32>} : memref<80x32xf32, #tpu.memory_space<vmem>>, vector<1x16xf32>,
      %get3A_420 = vector.shape_cast %get3A_419 : vector<1x16xf32> to vector<16xf32>
      %get3A_421 = arith.constant 0 : i32
      %get3A_422 = arith.index_cast %scan3A_402 : i32 to index
      %get3A_423 = arith.index_cast %get3A_421 : i32 to index
      %get3A_424 = arith.constant 0 : index
      %get3A_425 = tpu.vector_load %arg11[%get3A_422, %get3A_423, %get3A_424] {strides = array<i32>} : memref<80x3x32xf32, #tpu.memory_space<vmem>>, vector<1x1x16xf32>,
      %get3A_426 = vector.shape_cast %get3A_425 : vector<1x1x16xf32> to vector<16xf32>
      %mul3A_427 = arith.mulf %get3A_426, %get3A_416 : vector<16xf32>
      %mul3A_428 = vector.broadcast %squeeze3A_408 : f32 to vector<16xf32>
      %mul3A_429 = arith.mulf %get3A_420, %mul3A_428 : vector<16xf32>
      %add3A_430 = arith.addf %mul3A_427, %mul3A_429 : vector<16xf32>
      %swap3A_431 = arith.constant 0 : i32
      %swap3A_432 = arith.index_cast %scan3A_402 : i32 to index
      %swap3A_433 = arith.index_cast %swap3A_431 : i32 to index
      %swap3A_434 = arith.constant 0 : index
      %swap3A_435 = tpu.vector_load %arg11[%swap3A_432, %swap3A_433, %swap3A_434] {strides = array<i32>} : memref<80x3x32xf32, #tpu.memory_space<vmem>>, vector<1x1x16xf32>,
      %swap3A_436 = vector.shape_cast %swap3A_435 : vector<1x1x16xf32> to vector<16xf32>
      %swap3A_437 = vector.shape_cast %add3A_430 : vector<16xf32> to vector<1x1x16xf32>
      tpu.vector_store %arg11[%swap3A_432, %swap3A_433, %swap3A_434], %swap3A_437 {strides = array<i32>} : memref<80x3x32xf32, #tpu.memory_space<vmem>>, vector<1x1x16xf32>,
      %get3A_438 = arith.constant 1 : i32
      %get3A_439 = arith.index_cast %scan3A_402 : i32 to index
      %get3A_440 = arith.index_cast %get3A_438 : i32 to index
      %get3A_441 = arith.constant 0 : index
      %get3A_442 = tpu.vector_load %arg11[%get3A_439, %get3A_440, %get3A_441] {strides = array<i32>} : memref<80x3x32xf32, #tpu.memory_space<vmem>>, vector<1x1x16xf32>,
      %get3A_443 = vector.shape_cast %get3A_442 : vector<1x1x16xf32> to vector<16xf32>
      %mul3A_444 = arith.mulf %get3A_443, %get3A_416 : vector<16xf32>
      %mul3A_445 = vector.broadcast %squeeze3A_410 : f32 to vector<16xf32>
      %mul3A_446 = arith.mulf %get3A_420, %mul3A_445 : vector<16xf32>
      %add3A_447 = arith.addf %mul3A_444, %mul3A_446 : vector<16xf32>
      %swap3A_448 = arith.constant 1 : i32
      %swap3A_449 = arith.index_cast %scan3A_402 : i32 to index
      %swap3A_450 = arith.index_cast %swap3A_448 : i32 to index
      %swap3A_451 = arith.constant 0 : index
      %swap3A_452 = tpu.vector_load %arg11[%swap3A_449, %swap3A_450, %swap3A_451] {strides = array<i32>} : memref<80x3x32xf32, #tpu.memory_space<vmem>>, vector<1x1x16xf32>,
      %swap3A_453 = vector.shape_cast %swap3A_452 : vector<1x1x16xf32> to vector<16xf32>
      %swap3A_454 = vector.shape_cast %add3A_447 : vector<16xf32> to vector<1x1x16xf32>
      tpu.vector_store %arg11[%swap3A_449, %swap3A_450, %swap3A_451], %swap3A_454 {strides = array<i32>} : memref<80x3x32xf32, #tpu.memory_space<vmem>>, vector<1x1x16xf32>,
      %get3A_455 = arith.constant 2 : i32
      %get3A_456 = arith.index_cast %scan3A_402 : i32 to index
      %get3A_457 = arith.index_cast %get3A_455 : i32 to index
      %get3A_458 = arith.constant 0 : index
      %get3A_459 = tpu.vector_load %arg11[%get3A_456, %get3A_457, %get3A_458] {strides = array<i32>} : memref<80x3x32xf32, #tpu.memory_space<vmem>>, vector<1x1x16xf32>,
      %get3A_460 = vector.shape_cast %get3A_459 : vector<1x1x16xf32> to vector<16xf32>
      %mul3A_461 = arith.mulf %get3A_460, %get3A_416 : vector<16xf32>
      %mul3A_462 = vector.broadcast %squeeze3A_412 : f32 to vector<16xf32>
      %mul3A_463 = arith.mulf %get3A_420, %mul3A_462 : vector<16xf32>
      %add3A_464 = arith.addf %mul3A_461, %mul3A_463 : vector<16xf32>
      %swap3A_465 = arith.constant 2 : i32
      %swap3A_466 = arith.index_cast %scan3A_402 : i32 to index
      %swap3A_467 = arith.index_cast %swap3A_465 : i32 to index
      %swap3A_468 = arith.constant 0 : index
      %swap3A_469 = tpu.vector_load %arg11[%swap3A_466, %swap3A_467, %swap3A_468] {strides = array<i32>} : memref<80x3x32xf32, #tpu.memory_space<vmem>>, vector<1x1x16xf32>,
      %swap3A_470 = vector.shape_cast %swap3A_469 : vector<1x1x16xf32> to vector<16xf32>
      %swap3A_471 = vector.shape_cast %add3A_464 : vector<16xf32> to vector<1x1x16xf32>
      tpu.vector_store %arg11[%swap3A_466, %swap3A_467, %swap3A_468], %swap3A_471 {strides = array<i32>} : memref<80x3x32xf32, #tpu.memory_space<vmem>>, vector<1x1x16xf32>,
      %get3A_472 = arith.index_cast %scan3A_402 : i32 to index
      %get3A_473 = arith.constant 16 : index
      %get3A_474 = tpu.vector_load %arg13[%get3A_472, %get3A_473] {strides = array<i32>} : memref<80x32xf32, #tpu.memory_space<vmem>>, vector<1x16xf32>,
      %get3A_475 = vector.shape_cast %get3A_474 : vector<1x16xf32> to vector<16xf32>
      %get3A_476 = arith.index_cast %scan3A_402 : i32 to index
      %get3A_477 = arith.constant 16 : index
      %get3A_478 = tpu.vector_load %arg15[%get3A_476, %get3A_477] {strides = array<i32>} : memref<80x32xf32, #tpu.memory_space<vmem>>, vector<1x16xf32>,
      %get3A_479 = vector.shape_cast %get3A_478 : vector<1x16xf32> to vector<16xf32>
      %get3A_480 = arith.constant 0 : i32
      %get3A_481 = arith.index_cast %scan3A_402 : i32 to index
      %get3A_482 = arith.index_cast %get3A_480 : i32 to index
      %get3A_483 = arith.constant 16 : index
      %get3A_484 = tpu.vector_load %arg11[%get3A_481, %get3A_482, %get3A_483] {strides = array<i32>} : memref<80x3x32xf32, #tpu.memory_space<vmem>>, vector<1x1x16xf32>,
      %get3A_485 = vector.shape_cast %get3A_484 : vector<1x1x16xf32> to vector<16xf32>
      %mul3A_486 = arith.mulf %get3A_485, %get3A_475 : vector<16xf32>
      %mul3A_487 = vector.broadcast %squeeze3A_408 : f32 to vector<16xf32>
      %mul3A_488 = arith.mulf %get3A_479, %mul3A_487 : vector<16xf32>
      %add3A_489 = arith.addf %mul3A_486, %mul3A_488 : vector<16xf32>
      %swap3A_490 = arith.constant 0 : i32
      %swap3A_491 = arith.index_cast %scan3A_402 : i32 to index
      %swap3A_492 = arith.index_cast %swap3A_490 : i32 to index
      %swap3A_493 = arith.constant 16 : index
      %swap3A_494 = tpu.vector_load %arg11[%swap3A_491, %swap3A_492, %swap3A_493] {strides = array<i32>} : memref<80x3x32xf32, #tpu.memory_space<vmem>>, vector<1x1x16xf32>,
      %swap3A_495 = vector.shape_cast %swap3A_494 : vector<1x1x16xf32> to vector<16xf32>
      %swap3A_496 = vector.shape_cast %add3A_489 : vector<16xf32> to vector<1x1x16xf32>
      tpu.vector_store %arg11[%swap3A_491, %swap3A_492, %swap3A_493], %swap3A_496 {strides = array<i32>} : memref<80x3x32xf32, #tpu.memory_space<vmem>>, vector<1x1x16xf32>,
      %get3A_497 = arith.constant 1 : i32
      %get3A_498 = arith.index_cast %scan3A_402 : i32 to index
      %get3A_499 = arith.index_cast %get3A_497 : i32 to index
      %get3A_500 = arith.constant 16 : index
      %get3A_501 = tpu.vector_load %arg11[%get3A_498, %get3A_499, %get3A_500] {strides = array<i32>} : memref<80x3x32xf32, #tpu.memory_space<vmem>>, vector<1x1x16xf32>,
      %get3A_502 = vector.shape_cast %get3A_501 : vector<1x1x16xf32> to vector<16xf32>
      %mul3A_503 = arith.mulf %get3A_502, %get3A_475 : vector<16xf32>
      %mul3A_504 = vector.broadcast %squeeze3A_410 : f32 to vector<16xf32>
      %mul3A_505 = arith.mulf %get3A_479, %mul3A_504 : vector<16xf32>
      %add3A_506 = arith.addf %mul3A_503, %mul3A_505 : vector<16xf32>
      %swap3A_507 = arith.constant 1 : i32
      %swap3A_508 = arith.index_cast %scan3A_402 : i32 to index
      %swap3A_509 = arith.index_cast %swap3A_507 : i32 to index
      %swap3A_510 = arith.constant 16 : index
      %swap3A_511 = tpu.vector_load %arg11[%swap3A_508, %swap3A_509, %swap3A_510] {strides = array<i32>} : memref<80x3x32xf32, #tpu.memory_space<vmem>>, vector<1x1x16xf32>,
      %swap3A_512 = vector.shape_cast %swap3A_511 : vector<1x1x16xf32> to vector<16xf32>
      %swap3A_513 = vector.shape_cast %add3A_506 : vector<16xf32> to vector<1x1x16xf32>
      tpu.vector_store %arg11[%swap3A_508, %swap3A_509, %swap3A_510], %swap3A_513 {strides = array<i32>} : memref<80x3x32xf32, #tpu.memory_space<vmem>>, vector<1x1x16xf32>,
      %get3A_514 = arith.constant 2 : i32
      %get3A_515 = arith.index_cast %scan3A_402 : i32 to index
      %get3A_516 = arith.index_cast %get3A_514 : i32 to index
      %get3A_517 = arith.constant 16 : index
      %get3A_518 = tpu.vector_load %arg11[%get3A_515, %get3A_516, %get3A_517] {strides = array<i32>} : memref<80x3x32xf32, #tpu.memory_space<vmem>>, vector<1x1x16xf32>,
      %get3A_519 = vector.shape_cast %get3A_518 : vector<1x1x16xf32> to vector<16xf32>
      %mul3A_520 = arith.mulf %get3A_519, %get3A_475 : vector<16xf32>
      %mul3A_521 = vector.broadcast %squeeze3A_412 : f32 to vector<16xf32>
      %mul3A_522 = arith.mulf %get3A_479, %mul3A_521 : vector<16xf32>
      %add3A_523 = arith.addf %mul3A_520, %mul3A_522 : vector<16xf32>
      %swap3A_524 = arith.constant 2 : i32
      %swap3A_525 = arith.index_cast %scan3A_402 : i32 to index
      %swap3A_526 = arith.index_cast %swap3A_524 : i32 to index
      %swap3A_527 = arith.constant 16 : index
      %swap3A_528 = tpu.vector_load %arg11[%swap3A_525, %swap3A_526, %swap3A_527] {strides = array<i32>} : memref<80x3x32xf32, #tpu.memory_space<vmem>>, vector<1x1x16xf32>,
      %swap3A_529 = vector.shape_cast %swap3A_528 : vector<1x1x16xf32> to vector<16xf32>
      %swap3A_530 = vector.shape_cast %add3A_523 : vector<16xf32> to vector<1x1x16xf32>
      tpu.vector_store %arg11[%swap3A_525, %swap3A_526, %swap3A_527], %swap3A_530 {strides = array<i32>} : memref<80x3x32xf32, #tpu.memory_space<vmem>>, vector<1x1x16xf32>,
    }
    %scan3A_207 = arith.constant 80 : i32
    "tpu.region"() ({
      %run_scoped3A = tpu.sem_alloc : memref<!tpu.dma_semaphore, #tpu.memory_space<semaphore_mem>>
      %dma_start3A_276 = arith.constant 0 : i32
      %dma_start3A_277 = arith.constant 0 : i32
      %dma_start3A_278 = arith.constant 0 : i32
      %dma_start3A_279 = tpu.memref_slice %arg20[%dma_start3A_276, %dma_start3A_277, %dma_start3A_278] : memref<10000x3x32xf32, #tpu.memory_space<vmem_shared>> -> memref<10000x3x32xf32, #tpu.memory_space<vmem_shared>>
      tpu.enqueue_indirect_dma source(%arg11 : memref<80x3x32xf32, #tpu.memory_space<vmem>>) target(%dma_start3A_279 : memref<10000x3x32xf32, #tpu.memory_space<vmem_shared>>) offsets(%arg9 : memref<80xi32, #tpu.memory_space<vmem>>) semaphore(%run_scoped3A : memref<!tpu.dma_semaphore, #tpu.memory_space<semaphore_mem>>) {add = true}
      %dma_wait3A_280 = arith.constant 0 : i32
      %dma_wait3A_281 = arith.constant 0 : i32
      %dma_wait3A_282 = arith.constant 0 : i32
      %dma_wait3A_283 = tpu.memref_slice %arg20[%dma_wait3A_280, %dma_wait3A_281, %dma_wait3A_282] : memref<10000x3x32xf32, #tpu.memory_space<vmem_shared>> -> memref<10000x3x32xf32, #tpu.memory_space<vmem_shared>>
      tpu.wait_indirect_dma semaphore(%run_scoped3A : memref<!tpu.dma_semaphore, #tpu.memory_space<semaphore_mem>>) src(%arg11 : memref<80x3x32xf32, #tpu.memory_space<vmem>>) dst(%dma_wait3A_283 : memref<10000x3x32xf32, #tpu.memory_space<vmem_shared>>)
      tpu.yield
    }) : () -> ()
    %barrier3A_208 = arith.constant 0 : index
    tpu.barrier barrier_id(%barrier3A_208)
    %add3A_209 = arith.constant 0 : i32
    %add3A_210 = arith.addi %mul3A_0, %add3A_209 : i32
    %dma_start3A_211 = tpu.memref_slice %arg3[%add3A_210] : memref<160000xi32, #tpu.memory_space<hbm>> -> memref<80xi32, #tpu.memory_space<hbm>>
    %dma_start3A_212 = tpu.memref_slice %arg3[%add3A_210] : memref<160000xi32, #tpu.memory_space<hbm>> -> memref<80xi32, #tpu.memory_space<hbm>>
    tpu.enqueue_dma source(%dma_start3A_212 : memref<80xi32, #tpu.memory_space<hbm>>) target(%arg9 : memref<80xi32, #tpu.memory_space<vmem>>) target_semaphore(%arg21 : memref<!tpu.dma_semaphore, #tpu.memory_space<semaphore_mem>>)
    %add3A_213 = arith.constant 80 : i32
    %add3A_214 = arith.addi %mul3A_0, %add3A_213 : i32
    %dma_start3A_215 = tpu.memref_slice %arg3[%add3A_214] : memref<160000xi32, #tpu.memory_space<hbm>> -> memref<80xi32, #tpu.memory_space<hbm>>
    %dma_start3A_216 = tpu.memref_slice %arg3[%add3A_214] : memref<160000xi32, #tpu.memory_space<hbm>> -> memref<80xi32, #tpu.memory_space<hbm>>
    tpu.enqueue_dma source(%dma_start3A_216 : memref<80xi32, #tpu.memory_space<hbm>>) target(%arg10 : memref<80xi32, #tpu.memory_space<vmem>>) target_semaphore(%arg22 : memref<!tpu.dma_semaphore, #tpu.memory_space<semaphore_mem>>)
    %add3A_217 = arith.constant 0 : i32
    %add3A_218 = arith.addi %mul3A_0, %add3A_217 : i32
    %dma_wait3A_219 = tpu.memref_slice %arg3[%add3A_218] : memref<160000xi32, #tpu.memory_space<hbm>> -> memref<80xi32, #tpu.memory_space<hbm>>
    %dma_wait3A_220 = tpu.memref_slice %arg3[%add3A_218] : memref<160000xi32, #tpu.memory_space<hbm>> -> memref<80xi32, #tpu.memory_space<hbm>>
    tpu.wait_dma2 semaphore(%arg21 : memref<!tpu.dma_semaphore, #tpu.memory_space<semaphore_mem>>) src(%dma_wait3A_220 : memref<80xi32, #tpu.memory_space<hbm>>) dst(%arg9 : memref<80xi32, #tpu.memory_space<vmem>>)
    "tpu.region"() ({
      %run_scoped3A = tpu.sem_alloc : memref<!tpu.dma_semaphore, #tpu.memory_space<semaphore_mem>>
      %dma_start3A_276 = arith.constant 0 : i32
      %dma_start3A_277 = arith.constant 0 : i32
      %dma_start3A_278 = arith.constant 0 : i32
      %dma_start3A_279 = tpu.memref_slice %arg20[%dma_start3A_276, %dma_start3A_277, %dma_start3A_278] : memref<10000x3x32xf32, #tpu.memory_space<vmem_shared>> -> memref<10000x3x32xf32, #tpu.memory_space<vmem_shared>>
      tpu.enqueue_indirect_dma source(%dma_start3A_279 : memref<10000x3x32xf32, #tpu.memory_space<vmem_shared>>) target(%arg11 : memref<80x3x32xf32, #tpu.memory_space<vmem>>) offsets(%arg9 : memref<80xi32, #tpu.memory_space<vmem>>) semaphore(%run_scoped3A : memref<!tpu.dma_semaphore, #tpu.memory_space<semaphore_mem>>)
      %dma_wait3A_280 = arith.constant 0 : i32
      %dma_wait3A_281 = arith.constant 0 : i32
      %dma_wait3A_282 = arith.constant 0 : i32
      %dma_wait3A_283 = tpu.memref_slice %arg20[%dma_wait3A_280, %dma_wait3A_281, %dma_wait3A_282] : memref<10000x3x32xf32, #tpu.memory_space<vmem_shared>> -> memref<10000x3x32xf32, #tpu.memory_space<vmem_shared>>
      tpu.wait_indirect_dma semaphore(%run_scoped3A : memref<!tpu.dma_semaphore, #tpu.memory_space<semaphore_mem>>) src(%dma_wait3A_283 : memref<10000x3x32xf32, #tpu.memory_space<vmem_shared>>) dst(%arg11 : memref<80x3x32xf32, #tpu.memory_space<vmem>>)
      tpu.yield
    }) : () -> ()
    %add3A_221 = arith.constant 0 : i32
    %add3A_222 = arith.addi %mul3A_0, %add3A_221 : i32
    %dma_start3A_223 = arith.constant 0 : i32
    %dma_start3A_224 = tpu.memref_slice %arg8[%add3A_222, %dma_start3A_223, %add3A_142] : memref<160000x3x128xf32, #tpu.memory_space<hbm>> -> memref<80x3x32xf32, #tpu.memory_space<hbm>>
    %dma_start3A_225 = arith.constant 0 : i32
    %dma_start3A_226 = tpu.memref_slice %arg8[%add3A_222, %dma_start3A_225, %add3A_142] : memref<160000x3x128xf32, #tpu.memory_space<hbm>> -> memref<80x3x32xf32, #tpu.memory_space<hbm>>
    tpu.enqueue_dma source(%arg11 : memref<80x3x32xf32, #tpu.memory_space<vmem>>) target(%dma_start3A_226 : memref<80x3x32xf32, #tpu.memory_space<hbm>>) target_semaphore(%arg23 : memref<!tpu.dma_semaphore, #tpu.memory_space<semaphore_mem>>)
    %add3A_227 = arith.constant 160 : i32
    %add3A_228 = arith.addi %mul3A_0, %add3A_227 : i32
    %dma_start3A_229 = tpu.memref_slice %arg3[%add3A_228] : memref<160000xi32, #tpu.memory_space<hbm>> -> memref<80xi32, #tpu.memory_space<hbm>>
    %dma_start3A_230 = tpu.memref_slice %arg3[%add3A_228] : memref<160000xi32, #tpu.memory_space<hbm>> -> memref<80xi32, #tpu.memory_space<hbm>>
    tpu.enqueue_dma source(%dma_start3A_230 : memref<80xi32, #tpu.memory_space<hbm>>) target(%arg9 : memref<80xi32, #tpu.memory_space<vmem>>) target_semaphore(%arg21 : memref<!tpu.dma_semaphore, #tpu.memory_space<semaphore_mem>>)
    %add3A_231 = arith.constant 80 : i32
    %add3A_232 = arith.addi %mul3A_0, %add3A_231 : i32
    %dma_wait3A_233 = tpu.memref_slice %arg3[%add3A_232] : memref<160000xi32, #tpu.memory_space<hbm>> -> memref<80xi32, #tpu.memory_space<hbm>>
    %dma_wait3A_234 = tpu.memref_slice %arg3[%add3A_232] : memref<160000xi32, #tpu.memory_space<hbm>> -> memref<80xi32, #tpu.memory_space<hbm>>
    tpu.wait_dma2 semaphore(%arg22 : memref<!tpu.dma_semaphore, #tpu.memory_space<semaphore_mem>>) src(%dma_wait3A_234 : memref<80xi32, #tpu.memory_space<hbm>>) dst(%arg10 : memref<80xi32, #tpu.memory_space<vmem>>)
    "tpu.region"() ({
      %run_scoped3A = tpu.sem_alloc : memref<!tpu.dma_semaphore, #tpu.memory_space<semaphore_mem>>
      %dma_start3A_276 = arith.constant 0 : i32
      %dma_start3A_277 = arith.constant 0 : i32
      %dma_start3A_278 = arith.constant 0 : i32
      %dma_start3A_279 = tpu.memref_slice %arg20[%dma_start3A_276, %dma_start3A_277, %dma_start3A_278] : memref<10000x3x32xf32, #tpu.memory_space<vmem_shared>> -> memref<10000x3x32xf32, #tpu.memory_space<vmem_shared>>
      tpu.enqueue_indirect_dma source(%dma_start3A_279 : memref<10000x3x32xf32, #tpu.memory_space<vmem_shared>>) target(%arg12 : memref<80x3x32xf32, #tpu.memory_space<vmem>>) offsets(%arg10 : memref<80xi32, #tpu.memory_space<vmem>>) semaphore(%run_scoped3A : memref<!tpu.dma_semaphore, #tpu.memory_space<semaphore_mem>>)
      %dma_wait3A_280 = arith.constant 0 : i32
      %dma_wait3A_281 = arith.constant 0 : i32
      %dma_wait3A_282 = arith.constant 0 : i32
      %dma_wait3A_283 = tpu.memref_slice %arg20[%dma_wait3A_280, %dma_wait3A_281, %dma_wait3A_282] : memref<10000x3x32xf32, #tpu.memory_space<vmem_shared>> -> memref<10000x3x32xf32, #tpu.memory_space<vmem_shared>>
      tpu.wait_indirect_dma semaphore(%run_scoped3A : memref<!tpu.dma_semaphore, #tpu.memory_space<semaphore_mem>>) src(%dma_wait3A_283 : memref<10000x3x32xf32, #tpu.memory_space<vmem_shared>>) dst(%arg12 : memref<80x3x32xf32, #tpu.memory_space<vmem>>)
      tpu.yield
    }) : () -> ()
    %add3A_235 = arith.constant 80 : i32
    %add3A_236 = arith.addi %mul3A_0, %add3A_235 : i32
    %dma_start3A_237 = arith.constant 0 : i32
    %dma_start3A_238 = tpu.memref_slice %arg8[%add3A_236, %dma_start3A_237, %add3A_142] : memref<160000x3x128xf32, #tpu.memory_space<hbm>> -> memref<80x3x32xf32, #tpu.memory_space<hbm>>
    %dma_start3A_239 = arith.constant 0 : i32
    %dma_start3A_240 = tpu.memref_slice %arg8[%add3A_236, %dma_start3A_239, %add3A_142] : memref<160000x3x128xf32, #tpu.memory_space<hbm>> -> memref<80x3x32xf32, #tpu.memory_space<hbm>>
    tpu.enqueue_dma source(%arg12 : memref<80x3x32xf32, #tpu.memory_space<vmem>>) target(%dma_start3A_240 : memref<80x3x32xf32, #tpu.memory_space<hbm>>) target_semaphore(%arg24 : memref<!tpu.dma_semaphore, #tpu.memory_space<semaphore_mem>>)
    %scan3A_241 = arith.constant 0 : i32
    %scan3A_242 = arith.constant 0 : i32
    %scan3A_243 = arith.constant 61 : i32
    %scan3A_244 = arith.addi %scan3A_242, %scan3A_243 : i32
    %scan3A_245 = arith.constant 1 : i32
    scf.for %scan3A_276 = %scan3A_242 to %scan3A_244 step %scan3A_245  : i32 {
      %mul3A_277 = arith.constant 2 : i32
      %mul3A_278 = arith.muli %mul3A_277, %scan3A_276 : i32
      %add3A_279 = arith.constant 2 : i32
      %add3A_280 = arith.addi %mul3A_278, %add3A_279 : i32
      %add3A_281 = arith.constant 1 : i32
      %add3A_282 = arith.addi %add3A_280, %add3A_281 : i32
      %mul3A_283 = arith.constant 80 : i32
      %mul3A_284 = arith.muli %add3A_282, %mul3A_283 : i32
      %add3A_285 = arith.addi %mul3A_0, %mul3A_284 : i32
      %dma_start3A_286 = tpu.memref_slice %arg3[%add3A_285] : memref<160000xi32, #tpu.memory_space<hbm>> -> memref<80xi32, #tpu.memory_space<hbm>>
      %dma_start3A_287 = tpu.memref_slice %arg3[%add3A_285] : memref<160000xi32, #tpu.memory_space<hbm>> -> memref<80xi32, #tpu.memory_space<hbm>>
      tpu.enqueue_dma source(%dma_start3A_287 : memref<80xi32, #tpu.memory_space<hbm>>) target(%arg10 : memref<80xi32, #tpu.memory_space<vmem>>) target_semaphore(%arg22 : memref<!tpu.dma_semaphore, #tpu.memory_space<semaphore_mem>>)
      %mul3A_288 = arith.constant 80 : i32
      %mul3A_289 = arith.muli %add3A_280, %mul3A_288 : i32
      %add3A_290 = arith.addi %mul3A_0, %mul3A_289 : i32
      %dma_wait3A_291 = tpu.memref_slice %arg3[%add3A_290] : memref<160000xi32, #tpu.memory_space<hbm>> -> memref<80xi32, #tpu.memory_space<hbm>>
      %dma_wait3A_292 = tpu.memref_slice %arg3[%add3A_290] : memref<160000xi32, #tpu.memory_space<hbm>> -> memref<80xi32, #tpu.memory_space<hbm>>
      tpu.wait_dma2 semaphore(%arg21 : memref<!tpu.dma_semaphore, #tpu.memory_space<semaphore_mem>>) src(%dma_wait3A_292 : memref<80xi32, #tpu.memory_space<hbm>>) dst(%arg9 : memref<80xi32, #tpu.memory_space<vmem>>)
      %sub3A = arith.constant 2 : i32
      %sub3A_293 = arith.subi %add3A_280, %sub3A : i32
      %mul3A_294 = arith.constant 80 : i32
      %mul3A_295 = arith.muli %sub3A_293, %mul3A_294 : i32
      %add3A_296 = arith.addi %mul3A_0, %mul3A_295 : i32
      %dma_wait3A_297 = arith.constant 0 : i32
      %dma_wait3A_298 = tpu.memref_slice %arg8[%add3A_296, %dma_wait3A_297, %add3A_142] : memref<160000x3x128xf32, #tpu.memory_space<hbm>> -> memref<80x3x32xf32, #tpu.memory_space<hbm>>
      %dma_wait3A_299 = arith.constant 0 : i32
      %dma_wait3A_300 = tpu.memref_slice %arg8[%add3A_296, %dma_wait3A_299, %add3A_142] : memref<160000x3x128xf32, #tpu.memory_space<hbm>> -> memref<80x3x32xf32, #tpu.memory_space<hbm>>
      tpu.wait_dma2 semaphore(%arg23 : memref<!tpu.dma_semaphore, #tpu.memory_space<semaphore_mem>>) src(%arg11 : memref<80x3x32xf32, #tpu.memory_space<vmem>>) dst(%dma_wait3A_300 : memref<80x3x32xf32, #tpu.memory_space<hbm>>)
      "tpu.region"() ({
        %run_scoped3A = tpu.sem_alloc : memref<!tpu.dma_semaphore, #tpu.memory_space<semaphore_mem>>
        %dma_start3A_340 = arith.constant 0 : i32
        %dma_start3A_341 = arith.constant 0 : i32
        %dma_start3A_342 = arith.constant 0 : i32
        %dma_start3A_343 = tpu.memref_slice %arg20[%dma_start3A_340, %dma_start3A_341, %dma_start3A_342] : memref<10000x3x32xf32, #tpu.memory_space<vmem_shared>> -> memref<10000x3x32xf32, #tpu.memory_space<vmem_shared>>
        tpu.enqueue_indirect_dma source(%dma_start3A_343 : memref<10000x3x32xf32, #tpu.memory_space<vmem_shared>>) target(%arg11 : memref<80x3x32xf32, #tpu.memory_space<vmem>>) offsets(%arg9 : memref<80xi32, #tpu.memory_space<vmem>>) semaphore(%run_scoped3A : memref<!tpu.dma_semaphore, #tpu.memory_space<semaphore_mem>>)
        %dma_wait3A_344 = arith.constant 0 : i32
        %dma_wait3A_345 = arith.constant 0 : i32
        %dma_wait3A_346 = arith.constant 0 : i32
        %dma_wait3A_347 = tpu.memref_slice %arg20[%dma_wait3A_344, %dma_wait3A_345, %dma_wait3A_346] : memref<10000x3x32xf32, #tpu.memory_space<vmem_shared>> -> memref<10000x3x32xf32, #tpu.memory_space<vmem_shared>>
        tpu.wait_indirect_dma semaphore(%run_scoped3A : memref<!tpu.dma_semaphore, #tpu.memory_space<semaphore_mem>>) src(%dma_wait3A_347 : memref<10000x3x32xf32, #tpu.memory_space<vmem_shared>>) dst(%arg11 : memref<80x3x32xf32, #tpu.memory_space<vmem>>)
        tpu.yield
      }) : () -> ()
      %mul3A_301 = arith.constant 80 : i32
      %mul3A_302 = arith.muli %add3A_280, %mul3A_301 : i32
      %add3A_303 = arith.addi %mul3A_0, %mul3A_302 : i32
      %dma_start3A_304 = arith.constant 0 : i32
      %dma_start3A_305 = tpu.memref_slice %arg8[%add3A_303, %dma_start3A_304, %add3A_142] : memref<160000x3x128xf32, #tpu.memory_space<hbm>> -> memref<80x3x32xf32, #tpu.memory_space<hbm>>
      %dma_start3A_306 = arith.constant 0 : i32
      %dma_start3A_307 = tpu.memref_slice %arg8[%add3A_303, %dma_start3A_306, %add3A_142] : memref<160000x3x128xf32, #tpu.memory_space<hbm>> -> memref<80x3x32xf32, #tpu.memory_space<hbm>>
      tpu.enqueue_dma source(%arg11 : memref<80x3x32xf32, #tpu.memory_space<vmem>>) target(%dma_start3A_307 : memref<80x3x32xf32, #tpu.memory_space<hbm>>) target_semaphore(%arg23 : memref<!tpu.dma_semaphore, #tpu.memory_space<semaphore_mem>>)
      %add3A_308 = arith.constant 2 : i32
      %add3A_309 = arith.addi %add3A_280, %add3A_308 : i32
      %mul3A_310 = arith.constant 80 : i32
      %mul3A_311 = arith.muli %add3A_309, %mul3A_310 : i32
      %add3A_312 = arith.addi %mul3A_0, %mul3A_311 : i32
      %dma_start3A_313 = tpu.memref_slice %arg3[%add3A_312] : memref<160000xi32, #tpu.memory_space<hbm>> -> memref<80xi32, #tpu.memory_space<hbm>>
      %dma_start3A_314 = tpu.memref_slice %arg3[%add3A_312] : memref<160000xi32, #tpu.memory_space<hbm>> -> memref<80xi32, #tpu.memory_space<hbm>>
      tpu.enqueue_dma source(%dma_start3A_314 : memref<80xi32, #tpu.memory_space<hbm>>) target(%arg9 : memref<80xi32, #tpu.memory_space<vmem>>) target_semaphore(%arg21 : memref<!tpu.dma_semaphore, #tpu.memory_space<semaphore_mem>>)
      %add3A_315 = arith.constant 1 : i32
      %add3A_316 = arith.addi %add3A_280, %add3A_315 : i32
      %mul3A_317 = arith.constant 80 : i32
      %mul3A_318 = arith.muli %add3A_316, %mul3A_317 : i32
      %add3A_319 = arith.addi %mul3A_0, %mul3A_318 : i32
      %dma_wait3A_320 = tpu.memref_slice %arg3[%add3A_319] : memref<160000xi32, #tpu.memory_space<hbm>> -> memref<80xi32, #tpu.memory_space<hbm>>
      %dma_wait3A_321 = tpu.memref_slice %arg3[%add3A_319] : memref<160000xi32, #tpu.memory_space<hbm>> -> memref<80xi32, #tpu.memory_space<hbm>>
      tpu.wait_dma2 semaphore(%arg22 : memref<!tpu.dma_semaphore, #tpu.memory_space<semaphore_mem>>) src(%dma_wait3A_321 : memref<80xi32, #tpu.memory_space<hbm>>) dst(%arg10 : memref<80xi32, #tpu.memory_space<vmem>>)
      %add3A_322 = arith.constant 1 : i32
      %add3A_323 = arith.addi %add3A_280, %add3A_322 : i32
      %sub3A_324 = arith.constant 2 : i32
      %sub3A_325 = arith.subi %add3A_323, %sub3A_324 : i32
      %mul3A_326 = arith.constant 80 : i32
      %mul3A_327 = arith.muli %sub3A_325, %mul3A_326 : i32
      %add3A_328 = arith.addi %mul3A_0, %mul3A_327 : i32
      %dma_wait3A_329 = arith.constant 0 : i32
      %dma_wait3A_330 = tpu.memref_slice %arg8[%add3A_328, %dma_wait3A_329, %add3A_142] : memref<160000x3x128xf32, #tpu.memory_space<hbm>> -> memref<80x3x32xf32, #tpu.memory_space<hbm>>
      %dma_wait3A_331 = arith.constant 0 : i32
      %dma_wait3A_332 = tpu.memref_slice %arg8[%add3A_328, %dma_wait3A_331, %add3A_142] : memref<160000x3x128xf32, #tpu.memory_space<hbm>> -> memref<80x3x32xf32, #tpu.memory_space<hbm>>
      tpu.wait_dma2 semaphore(%arg24 : memref<!tpu.dma_semaphore, #tpu.memory_space<semaphore_mem>>) src(%arg12 : memref<80x3x32xf32, #tpu.memory_space<vmem>>) dst(%dma_wait3A_332 : memref<80x3x32xf32, #tpu.memory_space<hbm>>)
      "tpu.region"() ({
        %run_scoped3A = tpu.sem_alloc : memref<!tpu.dma_semaphore, #tpu.memory_space<semaphore_mem>>
        %dma_start3A_340 = arith.constant 0 : i32
        %dma_start3A_341 = arith.constant 0 : i32
        %dma_start3A_342 = arith.constant 0 : i32
        %dma_start3A_343 = tpu.memref_slice %arg20[%dma_start3A_340, %dma_start3A_341, %dma_start3A_342] : memref<10000x3x32xf32, #tpu.memory_space<vmem_shared>> -> memref<10000x3x32xf32, #tpu.memory_space<vmem_shared>>
        tpu.enqueue_indirect_dma source(%dma_start3A_343 : memref<10000x3x32xf32, #tpu.memory_space<vmem_shared>>) target(%arg12 : memref<80x3x32xf32, #tpu.memory_space<vmem>>) offsets(%arg10 : memref<80xi32, #tpu.memory_space<vmem>>) semaphore(%run_scoped3A : memref<!tpu.dma_semaphore, #tpu.memory_space<semaphore_mem>>)
        %dma_wait3A_344 = arith.constant 0 : i32
        %dma_wait3A_345 = arith.constant 0 : i32
        %dma_wait3A_346 = arith.constant 0 : i32
        %dma_wait3A_347 = tpu.memref_slice %arg20[%dma_wait3A_344, %dma_wait3A_345, %dma_wait3A_346] : memref<10000x3x32xf32, #tpu.memory_space<vmem_shared>> -> memref<10000x3x32xf32, #tpu.memory_space<vmem_shared>>
        tpu.wait_indirect_dma semaphore(%run_scoped3A : memref<!tpu.dma_semaphore, #tpu.memory_space<semaphore_mem>>) src(%dma_wait3A_347 : memref<10000x3x32xf32, #tpu.memory_space<vmem_shared>>) dst(%arg12 : memref<80x3x32xf32, #tpu.memory_space<vmem>>)
        tpu.yield
      }) : () -> ()
      %mul3A_333 = arith.constant 80 : i32
      %mul3A_334 = arith.muli %add3A_323, %mul3A_333 : i32
      %add3A_335 = arith.addi %mul3A_0, %mul3A_334 : i32
      %dma_start3A_336 = arith.constant 0 : i32
      %dma_start3A_337 = tpu.memref_slice %arg8[%add3A_335, %dma_start3A_336, %add3A_142] : memref<160000x3x128xf32, #tpu.memory_space<hbm>> -> memref<80x3x32xf32, #tpu.memory_space<hbm>>
      %dma_start3A_338 = arith.constant 0 : i32
      %dma_start3A_339 = tpu.memref_slice %arg8[%add3A_335, %dma_start3A_338, %add3A_142] : memref<160000x3x128xf32, #tpu.memory_space<hbm>> -> memref<80x3x32xf32, #tpu.memory_space<hbm>>
      tpu.enqueue_dma source(%arg12 : memref<80x3x32xf32, #tpu.memory_space<vmem>>) target(%dma_start3A_339 : memref<80x3x32xf32, #tpu.memory_space<hbm>>) target_semaphore(%arg24 : memref<!tpu.dma_semaphore, #tpu.memory_space<semaphore_mem>>)
    }
    %scan3A_246 = arith.constant 61 : i32
    %add3A_247 = arith.constant 9920 : i32
    %add3A_248 = arith.addi %mul3A_0, %add3A_247 : i32
    %dma_wait3A_249 = tpu.memref_slice %arg3[%add3A_248] : memref<160000xi32, #tpu.memory_space<hbm>> -> memref<80xi32, #tpu.memory_space<hbm>>
    %dma_wait3A_250 = tpu.memref_slice %arg3[%add3A_248] : memref<160000xi32, #tpu.memory_space<hbm>> -> memref<80xi32, #tpu.memory_space<hbm>>
    tpu.wait_dma2 semaphore(%arg21 : memref<!tpu.dma_semaphore, #tpu.memory_space<semaphore_mem>>) src(%dma_wait3A_250 : memref<80xi32, #tpu.memory_space<hbm>>) dst(%arg9 : memref<80xi32, #tpu.memory_space<vmem>>)
    %add3A_251 = arith.constant 9760 : i32
    %add3A_252 = arith.addi %mul3A_0, %add3A_251 : i32
    %dma_wait3A_253 = arith.constant 0 : i32
    %dma_wait3A_254 = tpu.memref_slice %arg8[%add3A_252, %dma_wait3A_253, %add3A_142] : memref<160000x3x128xf32, #tpu.memory_space<hbm>> -> memref<80x3x32xf32, #tpu.memory_space<hbm>>
    %dma_wait3A_255 = arith.constant 0 : i32
    %dma_wait3A_256 = tpu.memref_slice %arg8[%add3A_252, %dma_wait3A_255, %add3A_142] : memref<160000x3x128xf32, #tpu.memory_space<hbm>> -> memref<80x3x32xf32, #tpu.memory_space<hbm>>
    tpu.wait_dma2 semaphore(%arg23 : memref<!tpu.dma_semaphore, #tpu.memory_space<semaphore_mem>>) src(%arg11 : memref<80x3x32xf32, #tpu.memory_space<vmem>>) dst(%dma_wait3A_256 : memref<80x3x32xf32, #tpu.memory_space<hbm>>)
    "tpu.region"() ({
      %run_scoped3A = tpu.sem_alloc : memref<!tpu.dma_semaphore, #tpu.memory_space<semaphore_mem>>
      %dma_start3A_276 = arith.constant 0 : i32
      %dma_start3A_277 = arith.constant 0 : i32
      %dma_start3A_278 = arith.constant 0 : i32
      %dma_start3A_279 = tpu.memref_slice %arg20[%dma_start3A_276, %dma_start3A_277, %dma_start3A_278] : memref<10000x3x32xf32, #tpu.memory_space<vmem_shared>> -> memref<10000x3x32xf32, #tpu.memory_space<vmem_shared>>
      tpu.enqueue_indirect_dma source(%dma_start3A_279 : memref<10000x3x32xf32, #tpu.memory_space<vmem_shared>>) target(%arg11 : memref<80x3x32xf32, #tpu.memory_space<vmem>>) offsets(%arg9 : memref<80xi32, #tpu.memory_space<vmem>>) semaphore(%run_scoped3A : memref<!tpu.dma_semaphore, #tpu.memory_space<semaphore_mem>>)
      %dma_wait3A_280 = arith.constant 0 : i32
      %dma_wait3A_281 = arith.constant 0 : i32
      %dma_wait3A_282 = arith.constant 0 : i32
      %dma_wait3A_283 = tpu.memref_slice %arg20[%dma_wait3A_280, %dma_wait3A_281, %dma_wait3A_282] : memref<10000x3x32xf32, #tpu.memory_space<vmem_shared>> -> memref<10000x3x32xf32, #tpu.memory_space<vmem_shared>>
      tpu.wait_indirect_dma semaphore(%run_scoped3A : memref<!tpu.dma_semaphore, #tpu.memory_space<semaphore_mem>>) src(%dma_wait3A_283 : memref<10000x3x32xf32, #tpu.memory_space<vmem_shared>>) dst(%arg11 : memref<80x3x32xf32, #tpu.memory_space<vmem>>)
      tpu.yield
    }) : () -> ()
    %add3A_257 = arith.constant 9920 : i32
    %add3A_258 = arith.addi %mul3A_0, %add3A_257 : i32
    %dma_start3A_259 = arith.constant 0 : i32
    %dma_start3A_260 = tpu.memref_slice %arg8[%add3A_258, %dma_start3A_259, %add3A_142] : memref<160000x3x128xf32, #tpu.memory_space<hbm>> -> memref<80x3x32xf32, #tpu.memory_space<hbm>>
    %dma_start3A_261 = arith.constant 0 : i32
    %dma_start3A_262 = tpu.memref_slice %arg8[%add3A_258, %dma_start3A_261, %add3A_142] : memref<160000x3x128xf32, #tpu.memory_space<hbm>> -> memref<80x3x32xf32, #tpu.memory_space<hbm>>
    tpu.enqueue_dma source(%arg11 : memref<80x3x32xf32, #tpu.memory_space<vmem>>) target(%dma_start3A_262 : memref<80x3x32xf32, #tpu.memory_space<hbm>>) target_semaphore(%arg23 : memref<!tpu.dma_semaphore, #tpu.memory_space<semaphore_mem>>)
    %add3A_263 = arith.constant 9840 : i32
    %add3A_264 = arith.addi %mul3A_0, %add3A_263 : i32
    %dma_wait3A_265 = arith.constant 0 : i32
    %dma_wait3A_266 = tpu.memref_slice %arg8[%add3A_264, %dma_wait3A_265, %add3A_142] : memref<160000x3x128xf32, #tpu.memory_space<hbm>> -> memref<80x3x32xf32, #tpu.memory_space<hbm>>
    %dma_wait3A_267 = arith.constant 0 : i32
    %dma_wait3A_268 = tpu.memref_slice %arg8[%add3A_264, %dma_wait3A_267, %add3A_142] : memref<160000x3x128xf32, #tpu.memory_space<hbm>> -> memref<80x3x32xf32, #tpu.memory_space<hbm>>
    tpu.wait_dma2 semaphore(%arg24 : memref<!tpu.dma_semaphore, #tpu.memory_space<semaphore_mem>>) src(%arg12 : memref<80x3x32xf32, #tpu.memory_space<vmem>>) dst(%dma_wait3A_268 : memref<80x3x32xf32, #tpu.memory_space<hbm>>)
    %add3A_269 = arith.constant 9920 : i32
    %add3A_270 = arith.addi %mul3A_0, %add3A_269 : i32
    %dma_wait3A_271 = arith.constant 0 : i32
    %dma_wait3A_272 = tpu.memref_slice %arg8[%add3A_270, %dma_wait3A_271, %add3A_142] : memref<160000x3x128xf32, #tpu.memory_space<hbm>> -> memref<80x3x32xf32, #tpu.memory_space<hbm>>
    %dma_wait3A_273 = arith.constant 0 : i32
    %dma_wait3A_274 = tpu.memref_slice %arg8[%add3A_270, %dma_wait3A_273, %add3A_142] : memref<160000x3x128xf32, #tpu.memory_space<hbm>> -> memref<80x3x32xf32, #tpu.memory_space<hbm>>
    tpu.wait_dma2 semaphore(%arg23 : memref<!tpu.dma_semaphore, #tpu.memory_space<semaphore_mem>>) src(%arg11 : memref<80x3x32xf32, #tpu.memory_space<vmem>>) dst(%dma_wait3A_274 : memref<80x3x32xf32, #tpu.memory_space<hbm>>)
    %barrier3A_275 = arith.constant 0 : index
    tpu.barrier barrier_id(%barrier3A_275)
    return
  }
}

</mosaic_0001>

<sc_bundles>
// kernel: _mpnn_sc.3.cloned.1.call-start
scs
__scs_entry_jumppad:
0x0: {  	(pc) =	sbr.rel $0x88, $3  }
0x1: {  	(tag) =	ssettag $0x0;
	lr =	simm.s32 $0x1  }
0x2: {  	[smem:$0x3F9B] =	sst lr;
	_ =	strace $0xD0000000  }
0x3: {  	_ = 	snop  }
0x4: {  	_ = 	snop  }
0x5: {  	_ = 	snop  }
0x6: {  	_ = 	snop  }
0x7: {  	_ = 	snop  }
__scs_overlays_trampoline_lowered:
0x8: {  	[smem:$0x3FAA] =	sst s0  }
0x9: {  	[smem:$0x3FAB] =	sst s1  }
0xa: {  	[smem:$0x3FAC] =	sst s2  }
0xb: {  	[smem:$0x3FAD] =	sst s3  }
0xc: {  	[smem:$0x3FAE] =	sst s4  }
0xd: {  	[smem:$0x3FAF] =	sst s5  }
0xe: {  	[smem:$0x3FB0] =	sst s6  }
0xf: {  	[smem:$0x3FB1] =	sst s7  }
0x10: {  	[smem:$0x3FB2] =	sst s8  }
0x11: {  	[smem:$0x3FB3] =	sst s9;
	s0 =	simm.s32 @!p0 $0x0  }
0x12: {  	s1 =	sld [smem:$0x3F99];
	s0 =	simm.s32 @p0 $0x1  }
0x13: {  	[smem:$0x3FB4] =	sst s0;
	s0 =	simm.s32 @!p1 $0x0  }
0x14: {  	s2 =	sld [smem:$0x3F98];
	s0 =	simm.s32 @p1 $0x1  }
0x15: {  	[smem:$0x3FB5] =	sst s0;
	s0 =	simm.s32 @!p2 $0x0  }
0x16: {  	s3 =	sld [smem:$0x3FDB];
	s0 =	simm.s32 @p2 $0x1  }
0x17: {  	s4 =	simm.s32 $0x1BF5;
	[smem:$0x3FB7] =	sst s0  }
0x18: {  	s0 =	sld [smem:$0x3F9A];
	_ =	swait.ge [sflag:s4], $0x0  }
0x19: {  	s7 =	sld [smem:$0x3F9B]  }
0x1a: {  	s8 =	sadd.s32 $0xFFFFE003, lr  }
0x1b: {  	s9 =	sadd.s32 $0xFFFFFEF7, lr;
	s5 =	simm.s32 $0xFFFFFFFF;
	p2 =	slt.u32 s8, $0xFFFFF086  }
0x1c: {  	p1 =	slt.u32 s9, $0xF7A;
	s5 =	simm.s32 @!p2 $0x0  }
0x1d: {  	s5 =	simm.s32 @p1 $0x1;
	p0 =	seq.s32 s7, s2  }
0x1e: {  	s7 =	smul.u32 @!p0 $0xF7A, s2;
	p2 =	seq.s32 @!p0 s5, $0x0  }
0x1f: {  	s9 =	smul.u32 $0xF7A, s1;
	s8 =	simm.s32 @!p0 $0x1BF5;
	p2 =	por !p2, p0  }
0x20: {  	[sflag:s8] =	ssyncset.s32 @!p0 $0xFFFFF086;
	s6 =	sadd.s32 @!p0 s3, s7;
	s7 =	simm.s32 @!p0 $0x108  }
0x21: {  	s3 =	sadd.s32 s3, s9;
	s6 =	sadd.s32 @!p0 $0x88, s6;
	s7 =	simm.s32 @p2 $0x1082  }
0x22: {  	[simem:s7], [sflag:s8] =	dma.local @!p0 [hbm:s6], $0xF7A  }
0x23: {  	s9 =	sor.u32 $0xD0000000, s2;
	s6 =	simm.s32 $0x108;
	_ =	swait.ge @!p0 [sflag:s8], $0x0  }
0x24: {  	s3 =	sadd.s32 $0x88, s3;
	s6 =	simm.s32 @!p1 $0x1082;
	[sflag:s4] =	ssyncset.s32 $0xFFFFF086  }
0x25: {  	[simem:s6], [sflag:s4] =	dma.local [hbm:s3], $0xF7A  }
0x26: {  	[smem:$0x3F9B] =	sst s1;
	(tag) =	ssettag s2;
	_ =	strace s9  }
0x27: {  	s1 =	sld [smem:$0x3FAB]  }
0x28: {  	s2 =	sld [smem:$0x3FAC]  }
0x29: {  	s4 =	sld [smem:$0x3FAE]  }
0x2a: {  	p0 =	seq.s32 s5, $0x0;
	s5 =	sld [smem:$0x3FAF]  }
0x2b: {  	s6 =	sld [smem:$0x3FB0]  }
0x2c: {  	s7 =	sld [smem:$0x3FB1]  }
0x2d: {  	s3 =	simm.s32 $0x108;
	s8 =	sld [smem:$0x3FB2]  }
0x2e: {  	s3 =	simm.s32 @!p0 $0x1082;
	s9 =	sld [smem:$0x3FB3]  }
0x2f: {  	lr =	sadd.s32 s0, s3;
	s0 =	sld [smem:$0x3FAA]  }
0x30: {  	s3 =	sld [smem:$0x3FAD]  }
0x31: {  	[smem:$0x3FB6] =	sst s10  }
0x32: {  	s10 =	sld [smem:$0x3FB4];
	_ =	sdelay $0x3  }
0x33: {  	p0 =	seq.s32 s10, $0x1;
	s10 =	sld [smem:$0x3FB6];
	_ =	sdelay $0x3  }
0x34: {  	[smem:$0x3FB6] =	sst s10  }
0x35: {  	s10 =	sld [smem:$0x3FB5];
	_ =	sdelay $0x3  }
0x36: {  	p1 =	seq.s32 s10, $0x1;
	s10 =	sld [smem:$0x3FB6];
	_ =	sdelay $0x3  }
0x37: {  	[smem:$0x3FB6] =	sst s10  }
0x38: {  	s10 =	sld [smem:$0x3FB7]  }
0x39: {  	_ = 	snop;
	(pc) =	sbr.ind lr, $3  }
0x3a: {  	_ = 	snop  }
0x3b: {  	_ = 	snop  }
0x3c: {  	p2 =	seq.s32 s10, $0x1;
	s10 =	sld [smem:$0x3FB6]  }
0x3d: {  	_ =	shalt  }
0x3e: {  	_ =	shalt  }
0x3f: {  	_ =	shalt  }
0x40: {  	_ =	shalt  }
0x41: {  	_ =	shalt  }
0x42: {  	_ =	shalt  }
0x43: {  	_ =	shalt  }
0x44: {  	_ =	shalt  }
0x45: {  	_ =	shalt  }
0x46: {  	_ =	shalt  }
0x47: {  	_ =	shalt  }
0x48: {  	_ =	shalt  }
0x49: {  	_ =	shalt  }
0x4a: {  	_ =	shalt  }
0x4b: {  	_ =	shalt  }
0x4c: {  	_ =	shalt  }
0x4d: {  	_ =	shalt  }
0x4e: {  	_ =	shalt  }
0x4f: {  	_ =	shalt  }
0x50: {  	_ =	shalt  }
0x51: {  	_ =	shalt  }
0x52: {  	_ =	shalt  }
0x53: {  	_ =	shalt  }
0x54: {  	_ =	shalt  }
0x55: {  	_ =	shalt  }
0x56: {  	_ =	shalt  }
0x57: {  	_ =	shalt  }
0x58: {  	_ =	shalt  }
0x59: {  	_ =	shalt  }
0x5a: {  	_ =	shalt  }
0x5b: {  	_ =	shalt  }
0x5c: {  	_ =	shalt  }
0x5d: {  	_ =	shalt  }
0x5e: {  	_ =	shalt  }
0x5f: {  	_ =	shalt  }
0x60: {  	_ =	shalt  }
0x61: {  	_ =	shalt  }
0x62: {  	_ =	shalt  }
0x63: {  	_ =	shalt  }
0x64: {  	_ =	shalt  }
0x65: {  	_ =	shalt  }
0x66: {  	_ =	shalt  }
0x67: {  	_ =	shalt  }
0x68: {  	_ =	shalt  }
0x69: {  	_ =	shalt  }
0x6a: {  	_ =	shalt  }
0x6b: {  	_ =	shalt  }
0x6c: {  	_ =	shalt  }
0x6d: {  	_ =	shalt  }
0x6e: {  	_ =	shalt  }
0x6f: {  	_ =	shalt  }
0x70: {  	_ =	shalt  }
0x71: {  	_ =	shalt  }
0x72: {  	_ =	shalt  }
0x73: {  	_ =	shalt  }
0x74: {  	_ =	shalt  }
0x75: {  	_ =	shalt  }
0x76: {  	_ =	shalt  }
0x77: {  	_ =	shalt  }
0x78: {  	_ =	shalt  }
0x79: {  	_ =	shalt  }
0x7a: {  	_ =	shalt  }
0x7b: {  	_ =	shalt  }
0x7c: {  	_ =	shalt  }
0x7d: {  	_ =	shalt  }
0x7e: {  	_ =	shalt  }
0x7f: {  	_ =	shalt  }
0x80: {  	_ =	shalt  }
0x81: {  	_ =	shalt  }
0x82: {  	_ =	shalt  }
0x83: {  	_ =	shalt  }
0x84: {  	_ =	shalt  }
0x85: {  	_ =	shalt  }
0x86: {  	_ =	shalt  }
0x87: {  	_ =	shalt  }
.Lfunc_end0:
.L_simem_size_0:
called_computation.1_lowered:
.L_overlay_start_0:
0x88: {  	s2 =	sld [smem:$0x3FD9]  }
0x89: {  	s3 =	sld [smem:$0x3FFE];
	_ =	sdelay $0x1  }
0x8a: {  	s1 =	srdreg.scid  }
0x8b: {  	s0 =	sand.u32 $0x1, s1  }
0x8c: {  	s17 =	sshll.u32 s0, $0xA;
	s2 =	sadd.s32 s3, s2  }
0x8d: {  	s2 =	sadd.s32 s2, s17  }
0x8e: {  	[smem:$0x3FC2] =	sst s2  }
0x8f: {  	_ = 	snop  }
0x90: {  	s2 =	sld [smem:$0x3FC9]  }
0x91: {  	s18 =	sld [smem:$0x3FC8]  }
0x92: {  	s4 =	sld [smem:$0x3FC6]  }
0x93: {  	s5 =	sld [smem:$0x3FC5]  }
0x94: {  	s6 =	sld [smem:$0x3FD0];
	(tm) =	ssettm $0x1  }
0x95: {  	s7 =	sld [smem:$0x3FFB];
	_ =	sdelay $0x3  }
0x96: {  	_ =	strace s7  }
0x97: {  	s7 =	sld [smem:$0x3FFC];
	_ =	sdelay $0x3  }
0x98: {  	_ =	strace s7  }
0x99: {  	s7 =	sld [smem:$0x3FFD];
	_ =	sdelay $0x3  }
0x9a: {  	_ =	strace s7  }
0x9b: {  	_ =	strace $0x8FFFFFFF  }
0x9c: {  	s19 =	sld [smem:$0x3FDB];
	_ =	sdelay $0x1  }
0x9d: {  	s8 =	simm.s32 $_scs_section_size  }
0x9e: {  	s9 =	simm.s32 $_size__tile_overlayer_lowered;
	s10 =	simm.s32 $_tile_overlayer_lowered  }
0x9f: {  	s22 =	simm.s32 $0x1BFF;
	s21 =	sshll.u32 s10, $0x1;
	s7 =	sadd.s32 s8, s19  }
0xa0: {  	s11 =	simm.s32 $0x0;
	s20 =	sshll.u32 s9, $0x1;
	s9 =	sadd.s32 s21, s7  }
0xa1: {  	[timem:s11], [sflag:s22] =	dma.local [hbm:s9], s20  }
0xa2: {  	_ =	swait.ge [sflag:s22], s20  }
0xa3: {  	s8 =	ssub.s32 $0x0, s20;
	[sflag:s22] =	ssyncset.done $0x0  }
0xa4: {  	[sflag:s22] =	ssyncadd.s32 s8;
	_ =	sdelay $0x1  }
0xa5: {  	s23 =	simm.s32 $0x1B8B  }
0xa6: {  	_ =	swait.ge [sflag:s23], $0x1  }
0xa7: {  	[sflag:s23] =	ssyncset.done $0x0  }
0xa8: {  	s25 =	simm.s32 $0x1B8E;
	s24 =	sld [smem:$0x3FFE];
	[sflag:s23] =	ssyncadd.s32 $0xFFFFFFFF  }
0xa9: {  	s26 =	simm.s32 $execute0_lowered;
	[smem:$0x3FD2] =	sst s25  }
0xaa: {  	s9 =	sshll.u32 s26, $0x1;
	_ =	strace $0x80000046;
	[dreg:$0x1] =	wrdreg $0xFFFFFFFF  }
0xab: {  	s28 =	simm.s32 $_size_execute0_lowered;
	s7 =	sadd.s32 s7, s9;
	[dreg:$0x0] =	wrdreg $0x0  }
0xac: {  	s9 =	sshll.u32 s28, $0x1;
	[dreg:$0x2] =	wrdreg s7  }
0xad: {  	[dreg:$0x3] =	wrdreg s9  }
0xae: {  	[dreg:$0x4] =	wrdreg $0xC0  }
0xaf: {  	_ =	task [dreg:s11], $0x5FFFF  }
0xb0: {  	[dreg:$0x1] =	wrdreg $0xFFFFFFFF  }
0xb1: {  	[dreg:$0x0] =	wrdreg $0x60  }
0xb2: {  	[dreg:$0x2] =	wrdreg s2  }
0xb3: {  	[dreg:$0x3] =	wrdreg s18  }
0xb4: {  	[dreg:$0x4] =	wrdreg s6  }
0xb5: {  	[dreg:$0x5] =	wrdreg s4  }
0xb6: {  	[dreg:$0x6] =	wrdreg s5  }
0xb7: {  	[dreg:$0x7] =	wrdreg s24  }
0xb8: {  	[dreg:$0x8] =	wrdreg $0x9D800  }
0xb9: {  	[dreg:$0x9] =	wrdreg $0x9  }
0xba: {  	_ =	task.clear_ibuf [dreg:s11], $0xAFFFF;
	_ =	strace $0x90000046  }
0xbb: {  	s29 =	simm.s32 $0x9;
	_ =	strace $0x80000048  }
0xbc: {  	_ =	swait.ge [sflag:s29], $0x1  }
0xbd: {  	[sflag:s29] =	ssyncadd.s32 $0xFFFFFFFF  }
0xbe: {  	_ =	strace $0x90000048  }
0xbf: {  	_ =	sfence  }
0xc0: {  	s30 =	sld [smem:$0x0];
	_ =	sdelay $0x2  }
0xc1: {  	s31 =	sshll.u32 s1, $0xD;
	s1 =	sshrl.u32 s1, $0x2  }
0xc2: {  	s3 =	sand.u32 $0x4000, s31;
	s1 =	sadd.s32 s1, s30  }
0xc3: {  	s0 =	sor.u32 s3, s0;
	s1 =	sshll.u32 s1, $0x11  }
0xc4: {  	s0 =	sor.u32 s1, s0  }
0xc5: {  	s0 =	sadd.s32 $0x8F2B, s0  }
0xc6: {  	[sflag:s0] =	ssyncadd.remote.s32 $0x1  }
0xc7: {  	_ =	sfence.sel $0xFFFF  }
0xc8: {  	[dreg:$0x0] =	wrdreg $0xFFFFFFFF;
	(pc) =	sbr.abs _section_cstart, $3  }
0xc9: {  	[dreg:$0x1] =	wrdreg $0xFFFFFFFF  }
0xca: {  	_ =	task.clear_ibuf [dreg:s11], $0x2FFFF;
	_ =	strace $0x9FFFFFFF  }
0xcb: {  	(tm) =	ssettm $0x7FFFFFFF  }
tec
execute0_lowered:
.L_overlay_start_1:
0x0: {  	(tag) =	ssettag $0x1  }
0x1: {  	s30 =	rddreg [dreg:$0x0]  }
0x2: {  	s0 =	rddreg [dreg:$0x1]  }
0x3: {  	s15 =	rddreg [dreg:$0x2]  }
0x4: {  	s16 =	rddreg [dreg:$0x3]  }
0x5: {  	s17 =	rddreg [dreg:$0x4]  }
0x6: {  	s1 =	rddreg [dreg:$0x5]  }
0x7: {  	s5 =	rddreg [dreg:$0x6];
	s7 =	simm.s32 $0x0;
	s14 =	stileid.u32  }
0x8: {  	s2 =	srdreg.scid;
	s31 =	simm.s32 $0xB;
	s4 =	smul.u32 $0x2710, s14  }
0x9: {  	s29 =	simm.s32 $0x1;
	[smem:$0x7FF] =	sst s7;
	s6 =	smul.u32 $0x3A980, s14  }
0xa: {  	s28 =	simm.s32 $0x4;
	s8 =	sadd.s32 $0x271A00, s1;
	s11 =	smul.u32 $0x3A9800, s14  }
0xb: {  	s2 =	sand.u32 $0x1, s2;
	s9 =	sadd.s32 $0x2BFC00, s1;
	s13 =	smul.u32 $0x4E20, s14  }
0xc: {  	s26 =	smul.u32 $0x4E2, s14;
	_ =	strace $0x80000047;
	s3 =	ssub.s32 $0x2, s2  }
0xd: {  	s10 =	sshll.u32 s2, $0x6;
	s2 =	smul.u32 $0x138800, s14;
	s21 =	sshrl.u32 s3, $0x1  }
0xe: {  	s22 =	sshrl.u32 s6, $0x2;
	s23 =	sshrl.u32 s4, $0x3;
	s20 =	sadd.s32 $0xA0, s4  }
0xf: {  	s12 =	sor.u32 s10, s11;
	s19 =	sadd.s32 $0x50, s4;
	[dreg:$0xb] =	wrdreg s20  }
0x10: {  	s1 =	ssub.s32 s3, s21;
	s24 =	sadd.s32 s30, s23;
	[dreg:$0xa] =	wrdreg s19  }
0x11: {  	s18 =	sadd.s32 s22, s5;
	s6 =	sadd.s32 s0, s23;
	[dreg:$0x9] =	wrdreg s24  }
0x12: {  	s25 =	sor.u32 s10, s2;
	s14 =	sshrl.u32 s19, $0x3;
	[dreg:$0xc] =	wrdreg s6  }
0x13: {  	s20 =	sshrl.u32 s20, $0x3;
	s6 =	sadd.s32 s0, s14;
	[dreg:$0x8] =	wrdreg s18  }
0x14: {  	s22 =	sshrl.u32 s12, $0x3;
	s21 =	sadd.s32 s0, s20;
	[dreg:$0xd] =	wrdreg s6  }
0x15: {  	s3 =	sshrl.u32 s25, $0x3;
	s25 =	sadd.s32 s8, s13;
	[dreg:$0xe] =	wrdreg s21  }
0x16: {  	s0 =	sadd.s32 s26, s0;
	s26 =	sadd.s32 s15, s22;
	[dreg:$0x11] =	wrdreg s25  }
0x17: {  	s24 =	smul.u32 $0x180, s19;
	s4 =	sadd.s32 s9, s22;
	[dreg:$0x12] =	wrdreg s26  }
0x18: {  	s14 =	sadd.s32 $0x3A2000, s11;
	s1 =	smax.u32 s1, $0x1;
	[dreg:$0x13] =	wrdreg s4  }
0x19: {  	s23 =	sadd.s32 s16, s3;
	s3 =	sadd.s32 s17, s3;
	[dreg:$0x1c] =	wrdreg s1  }
0x1a: {  	s19 =	sor.u32 s10, s14;
	s6 =	sadd.s32 $0x16800, s12;
	[dreg:$0xf] =	wrdreg s23  }
0x1b: {  	s0 =	sadd.s32 $0x28, s0;
	s1 =	simm.s32 $0x20;
	[dreg:$0x10] =	wrdreg s3  }
0x1c: {  	s13 =	sor.u32 s10, s24;
	s23 =	sor.u32 $0x20, s10;
	s20 =	sshrl.u32 s19, $0x3  }
0x1d: {  	[dreg:$0x1d] =	wrdreg s0;
	s19 =	sadd.s32 $0x2EE0, s18;
	s3 =	sshrl.u32 s13, $0x3  }
0x1e: {  	s2 =	sor.u32 s2, s23;
	s21 =	sor.u32 s11, s23;
	s24 =	sor.u32 s23, s24  }
0x1f: {  	s4 =	sor.u32 s23, s14;
	s11 =	sshrl.u32 s6, $0x3;
	s13 =	sadd.s32 $0xF000, s12  }
0x20: {  	s14 =	sadd.s32 $0xF020, s12;
	[dreg:$0x1f] =	wrdreg s19;
	s6 =	simm.s32 $0x80  }
0x21: {  	s19 =	simm.s32 $0x1EA0;
	s3 =	sadd.s32 s9, s3;
	[dreg:$0x1e] =	wrdreg s13  }
0x22: {  	s2 =	sshrl.u32 s2, $0x3;
	[dreg:$0x14] =	wrdreg s3;
	s3 =	sadd.s32 s9, s20  }
0x23: {  	s26 =	sshrl.u32 s4, $0x3;
	s22 =	sadd.s32 s16, s2;
	[dreg:$0x15] =	wrdreg s3  }
0x24: {  	s2 =	sadd.s32 s17, s2;
	s4 =	sadd.s32 s9, s26;
	[dreg:$0x16] =	wrdreg s22  }
0x25: {  	s16 =	sshrl.u32 s14, $0x3;
	s20 =	sadd.s32 $0x5DC0, s18;
	[dreg:$0x17] =	wrdreg s2  }
0x26: {  	s26 =	sadd.s32 $0xBB80, s18;
	s3 =	sshrl.u32 s21, $0x3;
	[dreg:$0x1b] =	wrdreg s4  }
0x27: {  	s2 =	sshrl.u32 s24, $0x3;
	s21 =	sadd.s32 s11, s9;
	[smem:$0x7FB] =	sst s20  }
0x28: {  	s22 =	sadd.s32 s16, s9;
	[smem:$0x7FD] =	sst s26;
	s20 =	simm.s32 $0x50  }
0x29: {  	s11 =	simm.s32 $0x3;
	s26 =	simm.s32 $0x2;
	s25 =	sadd.s32 s15, s3  }
0x2a: {  	s3 =	sadd.s32 s9, s3;
	s2 =	sadd.s32 s9, s2;
	[dreg:$0x18] =	wrdreg s25  }
0x2b: {  	s15 =	sadd.s32 $0x16820, s12;
	s12 =	simm.s32 $0xA0;
	[dreg:$0x19] =	wrdreg s3  }
0x2c: {  	[dreg:$0x1a] =	wrdreg s2;
	s17 =	sshrl.u32 s15, $0x3;
	s25 =	sadd.s32 $0x8CA0, s18  }
0x2d: {  	v0 =	vimm.f32 $0.0e+00;
	s2 =	simm.s32 $0x0;
	s24 =	sadd.s32 s17, s9;
	[smem:$0x7FC] =	sst s25  }
.LBB2_1:
0x2e: {  	s0 =	simm.s32 $0x0  }
0x2f: {  	[tilespmem:s0+$0x6EF0] =	vst v0  }
0x30: {  	[tilespmem:s0+$0x6EA0] =	vst v0  }
0x31: {  	[tilespmem:s0+$0x6EB0] =	vst v0  }
0x32: {  	[tilespmem:s0+$0x6EC0] =	vst v0  }
0x33: {  	[smem:$0x7FA] =	sst s2;
	s2 =	simm.s32 $0x180;
	[tilespmem:s0+$0x6ED0] =	vst v0  }
.LBB2_2:
0x34: {  	p0 =	sne.s32 s2, $0xBA00;
	[tilespmem:s0+$0x6EE0] =	vst v0;
	s0 =	sshra.s32 s2, $0x2;
	s2 =	sadd.s32 $0x180, s2  }
.Ltmp0:
0x35: {  	[tilespmem:s0+$0x6EF0] =	vst v0;
	(pc) =	sbr.rel @p0 .LBB2_2-.Ltmp0, $4  }
0x36: {  	[tilespmem:s0+$0x6EA0] =	vst v0  }
0x37: {  	[tilespmem:s0+$0x6EB0] =	vst v0  }
0x38: {  	[tilespmem:s0+$0x6EC0] =	vst v0  }
0x39: {  	[tilespmem:s0+$0x6ED0] =	vst v0  }
0x3a: {  	[tilespmem:s0+$0x6EE0] =	vst v0;
	s17 =	rddreg [dreg:$0x8];
	s2 =	simm.s32 $0x6EA0  }
0x3b: {  	[spmem:s17] =	stream.linear.scatter [tilespmem:s2], [sflag:$0xB], $0x2EE0, $0x38;
	[tilespmem:$0x187E0] =	vst v63  }
0x3c: {  	_ =	swait.ge [sflag:s31], $0x2EE0  }
0x3d: {  	[sflag:s31] =	ssyncset.done $0x0  }
0x3e: {  	s18 =	rddreg [dreg:$0x1f];
	[sflag:s31] =	ssyncadd.s32 $0xFFFFD120  }
0x3f: {  	[spmem:s18] =	stream.linear.scatter [tilespmem:s2], [sflag:$0xB], $0x2EE0, $0x38;
	[tilespmem:$0x187E0] =	vst v63  }
0x40: {  	_ =	swait.ge [sflag:s31], $0x2EE0  }
0x41: {  	s25 =	sld [smem:$0x7FB]  }
0x42: {  	[sflag:s31] =	ssyncset.done $0x0  }
0x43: {  	[sflag:s31] =	ssyncadd.s32 $0xFFFFD120  }
0x44: {  	[spmem:s25] =	stream.linear.scatter [tilespmem:s2], [sflag:$0xB], $0x2EE0, $0x38;
	[tilespmem:$0x187E0] =	vst v63  }
0x45: {  	_ =	swait.ge [sflag:s31], $0x2EE0  }
0x46: {  	s3 =	sld [smem:$0x7FC]  }
0x47: {  	[sflag:s31] =	ssyncset.done $0x0  }
0x48: {  	[sflag:s31] =	ssyncadd.s32 $0xFFFFD120  }
0x49: {  	[spmem:s3] =	stream.linear.scatter [tilespmem:s2], [sflag:$0xB], $0x2EE0, $0x38;
	[tilespmem:$0x187E0] =	vst v63  }
0x4a: {  	_ =	swait.ge [sflag:s31], $0x2EE0  }
0x4b: {  	s4 =	sld [smem:$0x7FD]  }
0x4c: {  	[sflag:s31] =	ssyncset.done $0x0  }
0x4d: {  	[sflag:s31] =	ssyncadd.s32 $0xFFFFD120  }
0x4e: {  	[spmem:s4] =	stream.linear.scatter [tilespmem:s2], [sflag:$0xB], $0x2EE0, $0x38;
	[tilespmem:$0x187E0] =	vst v63  }
0x4f: {  	_ =	swait.ge [sflag:s31], $0x2EE0  }
0x50: {  	[sflag:s31] =	ssyncset.done $0x0  }
0x51: {  	[sflag:s31] =	ssyncadd.s32 $0xFFFFD120  }
0x52: {  	[bflag:$0x0] =	sbarrier.arrive $0xFFFF  }
0x53: {  	s0 =	simm.s32 $0x0;
	s13 =	rddreg [dreg:$0x9]  }
0x54: {  	[tilespmem:s0], [sflag:$0x1] =	stream.linear.gather [hbm4b:s13+s0], $0x50, $0x38;
	[tilespmem:$0x187E0] =	vst v63  }
0x55: {  	s14 =	rddreg [dreg:$0x12]  }
0x56: {  	[tilespmem:s12], [sflag:$0x3] =	stream.strided.gather [hbm4b:s14+s1], $0x1E00, s6, s1, $0x38;
	[tilespmem:$0x187E0] =	vst v63  }
0x57: {  	s3 =	simm.s32 $0x3CA0;
	s15 =	rddreg [dreg:$0xf]  }
0x58: {  	[tilespmem:s3], [sflag:$0x5] =	stream.strided.gather [hbm4b:s15+s1], $0xA00, s6, s1, $0x38;
	[tilespmem:$0x187E0] =	vst v63  }
0x59: {  	s17 =	simm.s32 $0x50A0;
	s16 =	rddreg [dreg:$0x10]  }
0x5a: {  	[tilespmem:s17], [sflag:$0x7] =	stream.strided.gather [hbm4b:s16+s1], $0xA00, s6, s1, $0x38;
	[tilespmem:$0x187E0] =	vst v63  }
0x5b: {  	s25 =	simm.s32 $0x64A0;
	s18 =	rddreg [dreg:$0x11]  }
0x5c: {  	[tilespmem:s25], [sflag:$0x9] =	stream.linear.gather [hbm4b:s18+s0], $0x500, $0x38;
	[tilespmem:$0x187E0] =	vst v63  }
.LBB2_4:
0x5d: {  	s2 =	smul.u32 $0xA0, s0  }
0x5e: {  	s3 =	rddreg [dreg:$0xa]  }
0x5f: {  	s3 =	sadd.s32 s2, s3  }
0x60: {  	s4 =	sshrl.u32 s3, $0x3  }
0x61: {  	s13 =	smul.u32 $0x180, s3;
	s4 =	sadd.s32 s30, s4  }
0x62: {  	[tilespmem:s20], [sflag:$0x2] =	stream.linear.gather [hbm4b:s4+s7], $0x50, $0x38;
	[tilespmem:$0x187E0] =	vst v63  }
0x63: {  	s14 =	sor.u32 s10, s13  }
0x64: {  	s15 =	rddreg [dreg:$0x2];
	s4 =	sshrl.u32 s14, $0x3  }
0x65: {  	s16 =	sshll.u32 s3, $0x7;
	s4 =	sadd.s32 s15, s4  }
0x66: {  	[tilespmem:s19], [sflag:$0x4] =	stream.strided.gather [hbm4b:s4+s1], $0x1E00, s6, s1, $0x38;
	[tilespmem:$0x187E0] =	vst v63  }
0x67: {  	s4 =	sor.u32 s10, s16  }
0x68: {  	s17 =	rddreg [dreg:$0x3];
	s4 =	sshrl.u32 s4, $0x3  }
0x69: {  	s18 =	rddreg [dreg:$0x4];
	s14 =	simm.s32 $0x46A0;
	s13 =	sadd.s32 s17, s4  }
0x6a: {  	[tilespmem:s14], [sflag:$0x6] =	stream.strided.gather [hbm4b:s13+s1], $0xA00, s6, s1, $0x38;
	[tilespmem:$0x187E0] =	vst v63  }
0x6b: {  	s3 =	sshll.u32 s3, $0x1;
	s4 =	sadd.s32 s18, s4;
	s14 =	simm.s32 $0x5AA0  }
0x6c: {  	[tilespmem:s14], [sflag:$0x8] =	stream.strided.gather [hbm4b:s4+s1], $0xA00, s6, s1, $0x38;
	[tilespmem:$0x187E0] =	vst v63  }
0x6d: {  	s3 =	sadd.s32 s8, s3;
	s15 =	simm.s32 $0x69A0  }
0x6e: {  	[tilespmem:s15], [sflag:$0xA] =	stream.linear.gather [hbm4b:s3+s7], $0x500, $0x38;
	[tilespmem:$0x187E0] =	vst v63  }
0x6f: {  	_ =	swait.ge [sflag:s29], $0x50  }
0x70: {  	[sflag:s29] =	ssyncset.done $0x0  }
0x71: {  	[sflag:s29] =	ssyncadd.s32 $0xFFFFFFB0  }
0x72: {  	_ =	swait.ge [sflag:s11], $0x1E00  }
0x73: {  	[sflag:s11] =	ssyncset.done $0x0  }
0x74: {  	s16 =	simm.s32 $0x5;
	[sflag:s11] =	ssyncadd.s32 $0xFFFFE200  }
0x75: {  	_ =	swait.ge [sflag:s16], $0xA00  }
0x76: {  	[sflag:s16] =	ssyncset.done $0x0  }
0x77: {  	s17 =	simm.s32 $0x7;
	[sflag:s16] =	ssyncadd.s32 $0xFFFFF600  }
0x78: {  	_ =	swait.ge [sflag:s17], $0xA00  }
0x79: {  	[sflag:s17] =	ssyncset.done $0x0  }
0x7a: {  	s18 =	simm.s32 $0x9;
	[sflag:s17] =	ssyncadd.s32 $0xFFFFF600  }
0x7b: {  	_ =	swait.ge [sflag:s18], $0x500  }
0x7c: {  	[sflag:s18] =	ssyncset.done $0x0  }
0x7d: {  	s3 =	simm.s32 $0x100;
	[sflag:s18] =	ssyncadd.s32 $0xFFFFFB00  }
0x7e: {  	s14 =	simm.s32 $0x64B0;
	v3 =	vld [tilespmem:s3+$0xFFFFFFA0]  }
0x7f: {  	s4 =	simm.s32 $0x3CC0;
	v4 =	vld [tilespmem:s14+$0xFFFFFFF0]  }
0x80: {  	s15 =	simm.s32 $0x50C0;
	v5 =	vld [tilespmem:s4+$0xFFFFFFE0]  }
0x81: {  	v6 =	vld [tilespmem:s15+$0xFFFFFFE0]  }
0x82: {  	v7 =	vld [tilespmem:s3+$0xFFFFFFC0]  }
0x83: {  	v8 =	vld [tilespmem:s3+$0xFFFFFFE0]  }
0x84: {  	v1 =	vbroadcast v4, $0x0  }
0x85: {  	v2 =	vbroadcast v4, $0x1;
	v9 =	vmul.f32 v3, v5  }
0x86: {  	v3 =	vbroadcast v4, $0x2;
	v10 =	vmul.f32 v6, v1  }
0x87: {  	v4 =	vmul.f32 v7, v5;
	v7 =	vmul.f32 v6, v2  }
0x88: {  	v8 =	vmul.f32 v8, v5;
	v6 =	vmul.f32 v6, v3;
	v9 =	vadd.f32 v9, v10  }
0x89: {  	s25 =	smov.u32 s30;
	s30 =	simm.s32 $0x1C0;
	s13 =	simm.s32 $0x50C0;
	v5 =	vadd.f32 v4, v7  }
0x8a: {  	s16 =	simm.s32 $0x64B0;
	s17 =	simm.s32 $0x0;
	s18 =	simm.s32 $0x3D00;
	v4 =	vadd.f32 v8, v6;
	[tilespmem:s3+$0xFFFFFFA0] =	vst v9  }
.LBB2_5:
0x8b: {  	s17 =	sadd.s32 $0x2, s17;
	[tilespmem:s3+$0xFFFFFFC0] =	vst v5;
	v5 =	vld [tilespmem:s3+$0xFFFFFFD0];
	s14 =	sadd.s32 $0x20, s14;
	s15 =	sadd.s32 $0x40, s15  }
0x8c: {  	p0 =	slt.u32 s17, $0x4E;
	[tilespmem:s3+$0xFFFFFFE0] =	vst v4;
	v4 =	vld [tilespmem:s3+$0xFFFFFFB0]  }
0x8d: {  	v6 =	vld [tilespmem:s4+$0xFFFFFFF0]  }
0x8e: {  	v7 =	vld [tilespmem:s13+$0xFFFFFFF0]  }
0x8f: {  	v8 =	vld [tilespmem:s3+$0xFFFFFFF0];
	_ =	sdelay $0x2  }
0x90: {  	v4 =	vmul.f32 v4, v6;
	v5 =	vmul.f32 v5, v6  }
0x91: {  	v1 =	vmul.f32 v7, v1;
	v2 =	vmul.f32 v7, v2  }
0x92: {  	v3 =	vmul.f32 v7, v3;
	v6 =	vmul.f32 v8, v6  }
0x93: {  	v1 =	vadd.f32 v4, v1;
	v2 =	vadd.f32 v5, v2  }
0x94: {  	v3 =	vadd.f32 v6, v3  }
0x95: {  	[tilespmem:s3+$0xFFFFFFD0] =	vst v2  }
0x96: {  	[tilespmem:s3+$0xFFFFFFF0] =	vst v3  }
0x97: {  	[tilespmem:s3+$0xFFFFFFB0] =	vst v1;
	v1 =	vld [tilespmem:s3+$0x0]  }
0x98: {  	v2 =	vld [tilespmem:s16+$0x0];
	s16 =	smov.u32 s14  }
0x99: {  	v3 =	vld [tilespmem:s4+$0x0]  }
0x9a: {  	v4 =	vld [tilespmem:s13+$0x0]  }
0x9b: {  	v5 =	vld [tilespmem:s3+$0x40]  }
0x9c: {  	v6 =	vld [tilespmem:s3+$0x20]  }
0x9d: {  	v7 =	vbroadcast v2, $0x0;
	v8 =	vbroadcast v2, $0x1  }
0x9e: {  	v2 =	vbroadcast v2, $0x2;
	v1 =	vmul.f32 v1, v3  }
0x9f: {  	v9 =	vmul.f32 v4, v7;
	v10 =	vmul.f32 v4, v8  }
0xa0: {  	v4 =	vmul.f32 v4, v2;
	v5 =	vmul.f32 v5, v3  }
0xa1: {  	v1 =	vadd.f32 v1, v9;
	v3 =	vmul.f32 v6, v3  }
0xa2: {  	v4 =	vadd.f32 v5, v4  }
0xa3: {  	[tilespmem:s3+$0x0] =	vst v1;
	v1 =	vadd.f32 v3, v10  }
0xa4: {  	[tilespmem:s3+$0x40] =	vst v4;
	v3 =	vld [tilespmem:s3+$0x10]  }
0xa5: {  	[tilespmem:s3+$0x20] =	vst v1;
	v1 =	vld [tilespmem:s3+$0x30]  }
0xa6: {  	v4 =	vld [tilespmem:s4+$0x10];
	s4 =	smov.u32 s18  }
0xa7: {  	v5 =	vld [tilespmem:s13+$0x10];
	s13 =	smov.u32 s15  }
0xa8: {  	v6 =	vld [tilespmem:s3+$0x50];
	_ =	sdelay $0x2  }
0xa9: {  	v3 =	vmul.f32 v3, v4;
	v1 =	vmul.f32 v1, v4  }
0xaa: {  	v7 =	vmul.f32 v5, v7;
	v8 =	vmul.f32 v5, v8  }
0xab: {  	v2 =	vmul.f32 v5, v2;
	v4 =	vmul.f32 v6, v4  }
0xac: {  	v3 =	vadd.f32 v3, v7;
	v1 =	vadd.f32 v1, v8  }
0xad: {  	v2 =	vadd.f32 v4, v2  }
0xae: {  	[tilespmem:s3+$0x10] =	vst v3  }
0xaf: {  	[tilespmem:s3+$0x50] =	vst v2  }
0xb0: {  	v3 =	vld [tilespmem:s30+$0xFFFFFFA0];
	[tilespmem:s3+$0x30] =	vst v1;
	s3 =	smov.u32 s30  }
0xb1: {  	v4 =	vld [tilespmem:s14+$0xFFFFFFF0]  }
0xb2: {  	v5 =	vld [tilespmem:s18+$0xFFFFFFE0]  }
0xb3: {  	v6 =	vld [tilespmem:s15+$0xFFFFFFE0]  }
0xb4: {  	v7 =	vld [tilespmem:s30+$0xFFFFFFC0]  }
0xb5: {  	v8 =	vld [tilespmem:s30+$0xFFFFFFE0]  }
0xb6: {  	v1 =	vbroadcast v4, $0x0;
	v2 =	vbroadcast v4, $0x1  }
0xb7: {  	v9 =	vmul.f32 v3, v5  }
.Ltmp1:
0xb8: {  	v3 =	vbroadcast v4, $0x2;
	v10 =	vmul.f32 v6, v1;
	(pc) =	sbr.rel @p0 .LBB2_5-.Ltmp1, $4  }
0xb9: {  	v4 =	vmul.f32 v7, v5;
	v7 =	vmul.f32 v6, v2  }
0xba: {  	v6 =	vmul.f32 v6, v3;
	v9 =	vadd.f32 v9, v10;
	v8 =	vmul.f32 v8, v5  }
0xbb: {  	v5 =	vadd.f32 v4, v7  }
0xbc: {  	s18 =	sadd.s32 $0x40, s18;
	s30 =	sadd.s32 $0xC0, s30;
	[tilespmem:s3+$0xFFFFFFA0] =	vst v9;
	v4 =	vadd.f32 v8, v6  }
0xbd: {  	[tilespmem:s3+$0xFFFFFFC0] =	vst v5  }
0xbe: {  	v5 =	vld [tilespmem:s3+$0xFFFFFFD0];
	[tilespmem:s3+$0xFFFFFFE0] =	vst v4  }
0xbf: {  	v4 =	vld [tilespmem:s4+$0xFFFFFFF0]  }
0xc0: {  	v6 =	vld [tilespmem:s13+$0xFFFFFFF0]  }
0xc1: {  	v7 =	vld [tilespmem:s3+$0xFFFFFFF0]  }
0xc2: {  	v8 =	vld [tilespmem:s3+$0xFFFFFFB0];
	_ =	sdelay $0x2  }
0xc3: {  	v5 =	vmul.f32 v5, v4;
	v2 =	vmul.f32 v6, v2  }
0xc4: {  	v7 =	vmul.f32 v7, v4;
	v3 =	vmul.f32 v6, v3  }
0xc5: {  	v4 =	vmul.f32 v8, v4;
	v1 =	vmul.f32 v6, v1;
	v2 =	vadd.f32 v5, v2  }
0xc6: {  	v3 =	vadd.f32 v7, v3  }
0xc7: {  	v1 =	vadd.f32 v4, v1;
	[tilespmem:s3+$0xFFFFFFD0] =	vst v2  }
0xc8: {  	[tilespmem:s3+$0xFFFFFFF0] =	vst v3  }
0xc9: {  	[tilespmem:s3+$0xFFFFFFB0] =	vst v1;
	v1 =	vld [tilespmem:s3+$0x0]  }
0xca: {  	v2 =	vld [tilespmem:s16+$0x0]  }
0xcb: {  	v3 =	vld [tilespmem:s4+$0x0]  }
0xcc: {  	v4 =	vld [tilespmem:s13+$0x0]  }
0xcd: {  	v5 =	vld [tilespmem:s3+$0x40]  }
0xce: {  	v6 =	vld [tilespmem:s3+$0x20]  }
0xcf: {  	v7 =	vbroadcast v2, $0x0  }
0xd0: {  	v60 =	vbroadcast v2, $0x1;
	v2 =	vbroadcast v2, $0x2  }
0xd1: {  	v1 =	vmul.f32 v1, v3;
	v9 =	vmul.f32 v4, v7  }
0xd2: {  	v5 =	vmul.f32 v5, v3;
	v10 =	vmul.f32 v4, v2  }
0xd3: {  	v3 =	vmul.f32 v6, v3;
	v4 =	vmul.f32 v4, v60;
	v1 =	vadd.f32 v1, v9  }
0xd4: {  	v5 =	vadd.f32 v5, v10  }
0xd5: {  	[tilespmem:s3+$0x0] =	vst v1;
	v1 =	vadd.f32 v3, v4  }
0xd6: {  	[tilespmem:s3+$0x40] =	vst v5  }
0xd7: {  	v3 =	vld [tilespmem:s3+$0x10];
	[tilespmem:s3+$0x20] =	vst v1  }
0xd8: {  	v1 =	vld [tilespmem:s4+$0x10]  }
0xd9: {  	v4 =	vld [tilespmem:s13+$0x10]  }
0xda: {  	v5 =	vld [tilespmem:s3+$0x50]  }
0xdb: {  	v6 =	vld [tilespmem:s3+$0x30];
	_ =	sdelay $0x2  }
0xdc: {  	v3 =	vmul.f32 v3, v1;
	v7 =	vmul.f32 v4, v7  }
0xdd: {  	v5 =	vmul.f32 v5, v1;
	v2 =	vmul.f32 v4, v2  }
0xde: {  	v1 =	vmul.f32 v6, v1;
	v4 =	vmul.f32 v4, v60;
	v3 =	vadd.f32 v3, v7  }
0xdf: {  	v2 =	vadd.f32 v5, v2  }
0xe0: {  	v1 =	vadd.f32 v1, v4;
	[tilespmem:s3+$0x10] =	vst v3  }
0xe1: {  	[tilespmem:s3+$0x50] =	vst v2  }
0xe2: {  	[tilespmem:s3+$0x30] =	vst v1  }
0xe3: {  	[spmem:s5] =	stream.indirect.scatter.add.f32 [tilespmem:s12], [sflag:$0xB], $0x60, s7, s20, $0xb8;
	[tilespmem:$0x187E0] =	vst v63  }
0xe4: {  	_ =	swait.ge [sflag:s31], $0x1E00  }
0xe5: {  	s4 =	rddreg [dreg:$0xb]  }
0xe6: {  	s2 =	sadd.s32 s2, s4  }
0xe7: {  	[sflag:s31] =	ssyncset.done $0x0;
	s3 =	sshrl.u32 s2, $0x3  }
0xe8: {  	[sflag:s31] =	ssyncadd.s32 $0xFFFFE200;
	s13 =	smul.u32 $0x180, s2;
	s3 =	sadd.s32 s25, s3  }
0xe9: {  	[tilespmem:s7], [sflag:$0x1] =	stream.linear.gather [hbm4b:s3+s7], $0x50, $0x38;
	[tilespmem:$0x187E0] =	vst v63  }
0xea: {  	s14 =	sor.u32 s10, s13  }
0xeb: {  	s15 =	rddreg [dreg:$0x2];
	s3 =	sshrl.u32 s14, $0x3  }
0xec: {  	s16 =	sshll.u32 s2, $0x7;
	s3 =	sadd.s32 s15, s3  }
0xed: {  	[tilespmem:s12], [sflag:$0x3] =	stream.strided.gather [hbm4b:s3+s1], $0x1E00, s6, s1, $0x38;
	[tilespmem:$0x187E0] =	vst v63  }
0xee: {  	s3 =	sor.u32 s10, s16  }
0xef: {  	s17 =	rddreg [dreg:$0x3];
	s3 =	sshrl.u32 s3, $0x3  }
0xf0: {  	s18 =	simm.s32 $0x3CA0;
	s13 =	rddreg [dreg:$0x4];
	s4 =	sadd.s32 s17, s3  }
0xf1: {  	[tilespmem:s18], [sflag:$0x5] =	stream.strided.gather [hbm4b:s4+s1], $0xA00, s6, s1, $0x38;
	[tilespmem:$0x187E0] =	vst v63  }
0xf2: {  	s2 =	sshll.u32 s2, $0x1;
	s14 =	simm.s32 $0x50A0;
	s3 =	sadd.s32 s13, s3  }
0xf3: {  	[tilespmem:s14], [sflag:$0x7] =	stream.strided.gather [hbm4b:s3+s1], $0xA00, s6, s1, $0x38;
	[tilespmem:$0x187E0] =	vst v63  }
0xf4: {  	s2 =	sadd.s32 s8, s2;
	s15 =	simm.s32 $0x64A0  }
0xf5: {  	[tilespmem:s15], [sflag:$0x9] =	stream.linear.gather [hbm4b:s2+s7], $0x500, $0x38;
	[tilespmem:$0x187E0] =	vst v63  }
0xf6: {  	_ =	swait.ge [sflag:s26], $0x50  }
0xf7: {  	[sflag:s26] =	ssyncset.done $0x0  }
0xf8: {  	[sflag:s26] =	ssyncadd.s32 $0xFFFFFFB0  }
0xf9: {  	_ =	swait.ge [sflag:s28], $0x1E00  }
0xfa: {  	[sflag:s28] =	ssyncset.done $0x0  }
0xfb: {  	s16 =	simm.s32 $0x6;
	[sflag:s28] =	ssyncadd.s32 $0xFFFFE200  }
0xfc: {  	_ =	swait.ge [sflag:s16], $0xA00  }
0xfd: {  	[sflag:s16] =	ssyncset.done $0x0  }
0xfe: {  	s17 =	simm.s32 $0x8;
	[sflag:s16] =	ssyncadd.s32 $0xFFFFF600  }
0xff: {  	_ =	swait.ge [sflag:s17], $0xA00  }
0x100: {  	[sflag:s17] =	ssyncset.done $0x0  }
0x101: {  	s18 =	simm.s32 $0xA;
	[sflag:s17] =	ssyncadd.s32 $0xFFFFF600  }
0x102: {  	_ =	swait.ge [sflag:s18], $0x500  }
0x103: {  	[sflag:s18] =	ssyncset.done $0x0  }
0x104: {  	s2 =	simm.s32 $0x1F00;
	[sflag:s18] =	ssyncadd.s32 $0xFFFFFB00  }
0x105: {  	s13 =	simm.s32 $0x69B0;
	v3 =	vld [tilespmem:s2+$0xFFFFFFA0]  }
0x106: {  	s3 =	simm.s32 $0x46C0;
	v4 =	vld [tilespmem:s13+$0xFFFFFFF0]  }
0x107: {  	s14 =	simm.s32 $0x5AC0;
	v5 =	vld [tilespmem:s3+$0xFFFFFFE0]  }
0x108: {  	v6 =	vld [tilespmem:s14+$0xFFFFFFE0]  }
0x109: {  	v7 =	vld [tilespmem:s2+$0xFFFFFFC0]  }
0x10a: {  	v61 =	vld [tilespmem:s2+$0xFFFFFFE0]  }
0x10b: {  	v1 =	vbroadcast v4, $0x0  }
0x10c: {  	v2 =	vbroadcast v4, $0x1;
	v62 =	vmul.f32 v3, v5  }
0x10d: {  	v3 =	vbroadcast v4, $0x2;
	v63 =	vmul.f32 v6, v1  }
0x10e: {  	v4 =	vmul.f32 v7, v5;
	v7 =	vmul.f32 v6, v2  }
0x10f: {  	v8 =	vmul.f32 v61, v5;
	v6 =	vmul.f32 v6, v3;
	v9 =	vadd.f32 v62, v63  }
0x110: {  	s30 =	smov.u32 s25;
	s4 =	simm.s32 $0x5AC0;
	s15 =	simm.s32 $0x69B0;
	v5 =	vadd.f32 v4, v7  }
0x111: {  	s16 =	simm.s32 $0x0;
	s17 =	simm.s32 $0x4700;
	s18 =	simm.s32 $0x1FC0;
	v4 =	vadd.f32 v8, v6;
	[tilespmem:s2+$0xFFFFFFA0] =	vst v9  }
.LBB2_7:
0x112: {  	s16 =	sadd.s32 $0x2, s16;
	[tilespmem:s2+$0xFFFFFFC0] =	vst v5;
	v5 =	vld [tilespmem:s2+$0xFFFFFFD0];
	s13 =	sadd.s32 $0x20, s13;
	s14 =	sadd.s32 $0x40, s14  }
0x113: {  	p0 =	slt.u32 s16, $0x4E;
	[tilespmem:s2+$0xFFFFFFE0] =	vst v4;
	v4 =	vld [tilespmem:s2+$0xFFFFFFB0]  }
0x114: {  	v6 =	vld [tilespmem:s3+$0xFFFFFFF0]  }
0x115: {  	v7 =	vld [tilespmem:s4+$0xFFFFFFF0]  }
0x116: {  	v8 =	vld [tilespmem:s2+$0xFFFFFFF0];
	_ =	sdelay $0x2  }
0x117: {  	v4 =	vmul.f32 v4, v6;
	v5 =	vmul.f32 v5, v6  }
0x118: {  	v1 =	vmul.f32 v7, v1;
	v2 =	vmul.f32 v7, v2  }
0x119: {  	v3 =	vmul.f32 v7, v3;
	v6 =	vmul.f32 v8, v6  }
0x11a: {  	v1 =	vadd.f32 v4, v1;
	v2 =	vadd.f32 v5, v2  }
0x11b: {  	v3 =	vadd.f32 v6, v3  }
0x11c: {  	[tilespmem:s2+$0xFFFFFFD0] =	vst v2  }
0x11d: {  	[tilespmem:s2+$0xFFFFFFF0] =	vst v3  }
0x11e: {  	[tilespmem:s2+$0xFFFFFFB0] =	vst v1;
	v1 =	vld [tilespmem:s2+$0x0]  }
0x11f: {  	v2 =	vld [tilespmem:s15+$0x0];
	s15 =	smov.u32 s13  }
0x120: {  	v3 =	vld [tilespmem:s3+$0x0]  }
0x121: {  	v4 =	vld [tilespmem:s4+$0x0]  }
0x122: {  	v5 =	vld [tilespmem:s2+$0x40]  }
0x123: {  	v6 =	vld [tilespmem:s2+$0x20]  }
0x124: {  	v7 =	vbroadcast v2, $0x0;
	v8 =	vbroadcast v2, $0x1  }
0x125: {  	v2 =	vbroadcast v2, $0x2;
	v1 =	vmul.f32 v1, v3  }
0x126: {  	v9 =	vmul.f32 v4, v7;
	v10 =	vmul.f32 v4, v8  }
0x127: {  	v4 =	vmul.f32 v4, v2;
	v5 =	vmul.f32 v5, v3  }
0x128: {  	v1 =	vadd.f32 v1, v9;
	v3 =	vmul.f32 v6, v3  }
0x129: {  	v4 =	vadd.f32 v5, v4  }
0x12a: {  	[tilespmem:s2+$0x0] =	vst v1;
	v1 =	vadd.f32 v3, v10  }
0x12b: {  	[tilespmem:s2+$0x40] =	vst v4;
	v3 =	vld [tilespmem:s2+$0x10]  }
0x12c: {  	[tilespmem:s2+$0x20] =	vst v1;
	v1 =	vld [tilespmem:s2+$0x30]  }
0x12d: {  	v4 =	vld [tilespmem:s3+$0x10];
	s3 =	smov.u32 s17  }
0x12e: {  	v5 =	vld [tilespmem:s4+$0x10];
	s4 =	smov.u32 s14  }
0x12f: {  	v6 =	vld [tilespmem:s2+$0x50];
	_ =	sdelay $0x2  }
0x130: {  	v3 =	vmul.f32 v3, v4;
	v1 =	vmul.f32 v1, v4  }
0x131: {  	v7 =	vmul.f32 v5, v7;
	v8 =	vmul.f32 v5, v8  }
0x132: {  	v2 =	vmul.f32 v5, v2;
	v4 =	vmul.f32 v6, v4  }
0x133: {  	v3 =	vadd.f32 v3, v7;
	v1 =	vadd.f32 v1, v8  }
0x134: {  	v2 =	vadd.f32 v4, v2  }
0x135: {  	[tilespmem:s2+$0x10] =	vst v3  }
0x136: {  	[tilespmem:s2+$0x50] =	vst v2  }
0x137: {  	v3 =	vld [tilespmem:s18+$0xFFFFFFA0];
	[tilespmem:s2+$0x30] =	vst v1;
	s2 =	smov.u32 s18  }
0x138: {  	v4 =	vld [tilespmem:s13+$0xFFFFFFF0]  }
0x139: {  	v5 =	vld [tilespmem:s17+$0xFFFFFFE0]  }
0x13a: {  	v6 =	vld [tilespmem:s14+$0xFFFFFFE0]  }
0x13b: {  	v7 =	vld [tilespmem:s18+$0xFFFFFFC0]  }
0x13c: {  	v8 =	vld [tilespmem:s18+$0xFFFFFFE0]  }
0x13d: {  	v1 =	vbroadcast v4, $0x0;
	v2 =	vbroadcast v4, $0x1  }
0x13e: {  	v9 =	vmul.f32 v3, v5  }
.Ltmp2:
0x13f: {  	v3 =	vbroadcast v4, $0x2;
	v10 =	vmul.f32 v6, v1;
	(pc) =	sbr.rel @p0 .LBB2_7-.Ltmp2, $4  }
0x140: {  	v4 =	vmul.f32 v7, v5;
	v7 =	vmul.f32 v6, v2  }
0x141: {  	v6 =	vmul.f32 v6, v3;
	v9 =	vadd.f32 v9, v10;
	v8 =	vmul.f32 v8, v5  }
0x142: {  	v5 =	vadd.f32 v4, v7  }
0x143: {  	s17 =	sadd.s32 $0x40, s17;
	s18 =	sadd.s32 $0xC0, s18;
	[tilespmem:s2+$0xFFFFFFA0] =	vst v9;
	v4 =	vadd.f32 v8, v6  }
0x144: {  	[tilespmem:s2+$0xFFFFFFC0] =	vst v5  }
0x145: {  	v55 =	vld [tilespmem:s2+$0xFFFFFFD0];
	[tilespmem:s2+$0xFFFFFFE0] =	vst v4  }
0x146: {  	v4 =	vld [tilespmem:s3+$0xFFFFFFF0]  }
0x147: {  	v6 =	vld [tilespmem:s4+$0xFFFFFFF0]  }
0x148: {  	v7 =	vld [tilespmem:s2+$0xFFFFFFF0]  }
0x149: {  	v8 =	vld [tilespmem:s2+$0xFFFFFFB0];
	_ =	sdelay $0x2  }
0x14a: {  	v5 =	vmul.f32 v55, v4;
	v2 =	vmul.f32 v6, v2  }
0x14b: {  	v7 =	vmul.f32 v7, v4;
	v3 =	vmul.f32 v6, v3  }
0x14c: {  	v4 =	vmul.f32 v8, v4;
	v1 =	vmul.f32 v6, v1;
	v2 =	vadd.f32 v5, v2  }
0x14d: {  	v3 =	vadd.f32 v7, v3  }
0x14e: {  	v1 =	vadd.f32 v4, v1;
	[tilespmem:s2+$0xFFFFFFD0] =	vst v2  }
0x14f: {  	[tilespmem:s2+$0xFFFFFFF0] =	vst v3  }
0x150: {  	[tilespmem:s2+$0xFFFFFFB0] =	vst v1;
	v1 =	vld [tilespmem:s2+$0x0]  }
0x151: {  	v2 =	vld [tilespmem:s15+$0x0]  }
0x152: {  	v3 =	vld [tilespmem:s3+$0x0]  }
0x153: {  	v56 =	vld [tilespmem:s4+$0x0]  }
0x154: {  	v57 =	vld [tilespmem:s2+$0x40]  }
0x155: {  	v58 =	vld [tilespmem:s2+$0x20]  }
0x156: {  	v59 =	vbroadcast v2, $0x0  }
0x157: {  	v60 =	vbroadcast v2, $0x1;
	v2 =	vbroadcast v2, $0x2  }
0x158: {  	v1 =	vmul.f32 v1, v3;
	v9 =	vmul.f32 v56, v59  }
0x159: {  	v5 =	vmul.f32 v57, v3;
	v10 =	vmul.f32 v56, v2  }
0x15a: {  	v3 =	vmul.f32 v58, v3;
	v4 =	vmul.f32 v56, v60;
	v1 =	vadd.f32 v1, v9  }
0x15b: {  	v5 =	vadd.f32 v5, v10  }
0x15c: {  	[tilespmem:s2+$0x0] =	vst v1;
	v1 =	vadd.f32 v3, v4  }
0x15d: {  	[tilespmem:s2+$0x40] =	vst v5  }
0x15e: {  	v3 =	vld [tilespmem:s2+$0x10];
	[tilespmem:s2+$0x20] =	vst v1  }
0x15f: {  	v1 =	vld [tilespmem:s3+$0x10]  }
0x160: {  	v61 =	vld [tilespmem:s4+$0x10]  }
0x161: {  	v62 =	vld [tilespmem:s2+$0x50]  }
0x162: {  	v63 =	vld [tilespmem:s2+$0x30];
	_ =	sdelay $0x2  }
0x163: {  	v3 =	vmul.f32 v3, v1;
	v7 =	vmul.f32 v61, v59  }
0x164: {  	v5 =	vmul.f32 v62, v1;
	v2 =	vmul.f32 v61, v2  }
0x165: {  	v1 =	vmul.f32 v63, v1;
	v4 =	vmul.f32 v61, v60;
	v3 =	vadd.f32 v3, v7  }
0x166: {  	v2 =	vadd.f32 v5, v2  }
0x167: {  	s0 =	sadd.s32 $0x1, s0;
	v1 =	vadd.f32 v1, v4;
	[tilespmem:s2+$0x10] =	vst v3  }
0x168: {  	p0 =	sne.s32 s0, $0x3E;
	[tilespmem:s2+$0x50] =	vst v2  }
.Ltmp3:
0x169: {  	[tilespmem:s2+$0x30] =	vst v1;
	(pc) =	sbr.rel @p0 .LBB2_4-.Ltmp3, $4  }
0x16a: {  	[spmem:s5] =	stream.indirect.scatter.add.f32 [tilespmem:s19], [sflag:$0xB], $0x60, s20, s20, $0xb8;
	[tilespmem:$0x187E0] =	vst v63  }
0x16b: {  	_ =	swait.ge [sflag:s31], $0x1E00  }
0x16c: {  	[sflag:s31] =	ssyncset.done $0x0  }
0x16d: {  	[sflag:s31] =	ssyncadd.s32 $0xFFFFE200  }
0x16e: {  	_ =	swait.ge [sflag:s29], $0x50  }
0x16f: {  	[sflag:s29] =	ssyncset.done $0x0  }
0x170: {  	[sflag:s29] =	ssyncadd.s32 $0xFFFFFFB0  }
0x171: {  	_ =	swait.ge [sflag:s11], $0x1E00  }
0x172: {  	[sflag:s11] =	ssyncset.done $0x0  }
0x173: {  	s0 =	simm.s32 $0x5;
	[sflag:s11] =	ssyncadd.s32 $0xFFFFE200  }
0x174: {  	_ =	swait.ge [sflag:s0], $0xA00  }
0x175: {  	[sflag:s0] =	ssyncset.done $0x0  }
0x176: {  	s17 =	simm.s32 $0x7;
	[sflag:s0] =	ssyncadd.s32 $0xFFFFF600  }
0x177: {  	_ =	swait.ge [sflag:s17], $0xA00  }
0x178: {  	[sflag:s17] =	ssyncset.done $0x0  }
0x179: {  	s18 =	simm.s32 $0x9;
	[sflag:s17] =	ssyncadd.s32 $0xFFFFF600  }
0x17a: {  	_ =	swait.ge [sflag:s18], $0x500  }
0x17b: {  	[sflag:s18] =	ssyncset.done $0x0  }
0x17c: {  	s0 =	simm.s32 $0x100;
	[sflag:s18] =	ssyncadd.s32 $0xFFFFFB00  }
0x17d: {  	s4 =	simm.s32 $0x64B0;
	v3 =	vld [tilespmem:s0+$0xFFFFFFA0]  }
0x17e: {  	s2 =	simm.s32 $0x3CC0;
	v4 =	vld [tilespmem:s4+$0xFFFFFFF0]  }
0x17f: {  	s13 =	simm.s32 $0x50C0;
	v5 =	vld [tilespmem:s2+$0xFFFFFFE0]  }
0x180: {  	v6 =	vld [tilespmem:s13+$0xFFFFFFE0]  }
0x181: {  	v7 =	vld [tilespmem:s0+$0xFFFFFFC0]  }
0x182: {  	v8 =	vld [tilespmem:s0+$0xFFFFFFE0]  }
0x183: {  	v1 =	vbroadcast v4, $0x0  }
0x184: {  	v2 =	vbroadcast v4, $0x1;
	v9 =	vmul.f32 v3, v5  }
0x185: {  	v3 =	vbroadcast v4, $0x2;
	v10 =	vmul.f32 v6, v1  }
0x186: {  	v4 =	vmul.f32 v7, v5;
	v7 =	vmul.f32 v6, v2  }
0x187: {  	v8 =	vmul.f32 v8, v5;
	v6 =	vmul.f32 v6, v3;
	v9 =	vadd.f32 v9, v10  }
0x188: {  	s15 =	simm.s32 $0x0;
	s16 =	simm.s32 $0x3D00;
	v5 =	vadd.f32 v4, v7  }
0x189: {  	s3 =	simm.s32 $0x50C0;
	s14 =	simm.s32 $0x64B0;
	s17 =	simm.s32 $0x1C0;
	v4 =	vadd.f32 v8, v6;
	[tilespmem:s0+$0xFFFFFFA0] =	vst v9  }
.LBB2_10:
0x18a: {  	s15 =	sadd.s32 $0x2, s15;
	[tilespmem:s0+$0xFFFFFFC0] =	vst v5;
	v5 =	vld [tilespmem:s0+$0xFFFFFFD0];
	s4 =	sadd.s32 $0x20, s4;
	s13 =	sadd.s32 $0x40, s13  }
0x18b: {  	p0 =	slt.u32 s15, $0x4E;
	[tilespmem:s0+$0xFFFFFFE0] =	vst v4;
	v4 =	vld [tilespmem:s0+$0xFFFFFFB0]  }
0x18c: {  	v6 =	vld [tilespmem:s2+$0xFFFFFFF0]  }
0x18d: {  	v7 =	vld [tilespmem:s3+$0xFFFFFFF0]  }
0x18e: {  	v8 =	vld [tilespmem:s0+$0xFFFFFFF0];
	_ =	sdelay $0x2  }
0x18f: {  	v4 =	vmul.f32 v4, v6;
	v5 =	vmul.f32 v5, v6  }
0x190: {  	v1 =	vmul.f32 v7, v1;
	v2 =	vmul.f32 v7, v2  }
0x191: {  	v3 =	vmul.f32 v7, v3;
	v6 =	vmul.f32 v8, v6  }
0x192: {  	v1 =	vadd.f32 v4, v1;
	v2 =	vadd.f32 v5, v2  }
0x193: {  	v3 =	vadd.f32 v6, v3  }
0x194: {  	[tilespmem:s0+$0xFFFFFFD0] =	vst v2  }
0x195: {  	[tilespmem:s0+$0xFFFFFFF0] =	vst v3  }
0x196: {  	[tilespmem:s0+$0xFFFFFFB0] =	vst v1;
	v1 =	vld [tilespmem:s0+$0x0]  }
0x197: {  	v2 =	vld [tilespmem:s14+$0x0];
	s14 =	smov.u32 s4  }
0x198: {  	v3 =	vld [tilespmem:s2+$0x0]  }
0x199: {  	v4 =	vld [tilespmem:s3+$0x0]  }
0x19a: {  	v5 =	vld [tilespmem:s0+$0x40]  }
0x19b: {  	v6 =	vld [tilespmem:s0+$0x20]  }
0x19c: {  	v7 =	vbroadcast v2, $0x0;
	v8 =	vbroadcast v2, $0x1  }
0x19d: {  	v2 =	vbroadcast v2, $0x2;
	v1 =	vmul.f32 v1, v3  }
0x19e: {  	v9 =	vmul.f32 v4, v7;
	v10 =	vmul.f32 v4, v8  }
0x19f: {  	v4 =	vmul.f32 v4, v2;
	v5 =	vmul.f32 v5, v3  }
0x1a0: {  	v1 =	vadd.f32 v1, v9;
	v3 =	vmul.f32 v6, v3  }
0x1a1: {  	v4 =	vadd.f32 v5, v4  }
0x1a2: {  	[tilespmem:s0+$0x0] =	vst v1;
	v1 =	vadd.f32 v3, v10  }
0x1a3: {  	[tilespmem:s0+$0x40] =	vst v4;
	v3 =	vld [tilespmem:s0+$0x10]  }
0x1a4: {  	[tilespmem:s0+$0x20] =	vst v1;
	v1 =	vld [tilespmem:s0+$0x30]  }
0x1a5: {  	v4 =	vld [tilespmem:s2+$0x10];
	s2 =	smov.u32 s16  }
0x1a6: {  	v5 =	vld [tilespmem:s3+$0x10];
	s3 =	smov.u32 s13  }
0x1a7: {  	v6 =	vld [tilespmem:s0+$0x50];
	_ =	sdelay $0x2  }
0x1a8: {  	v3 =	vmul.f32 v3, v4;
	v1 =	vmul.f32 v1, v4  }
0x1a9: {  	v7 =	vmul.f32 v5, v7;
	v8 =	vmul.f32 v5, v8  }
0x1aa: {  	v2 =	vmul.f32 v5, v2;
	v4 =	vmul.f32 v6, v4  }
0x1ab: {  	v3 =	vadd.f32 v3, v7;
	v1 =	vadd.f32 v1, v8  }
0x1ac: {  	v2 =	vadd.f32 v4, v2  }
0x1ad: {  	[tilespmem:s0+$0x10] =	vst v3  }
0x1ae: {  	[tilespmem:s0+$0x50] =	vst v2  }
0x1af: {  	v3 =	vld [tilespmem:s17+$0xFFFFFFA0];
	[tilespmem:s0+$0x30] =	vst v1;
	s0 =	smov.u32 s17  }
0x1b0: {  	v4 =	vld [tilespmem:s4+$0xFFFFFFF0]  }
0x1b1: {  	v5 =	vld [tilespmem:s16+$0xFFFFFFE0]  }
0x1b2: {  	v6 =	vld [tilespmem:s13+$0xFFFFFFE0]  }
0x1b3: {  	v7 =	vld [tilespmem:s17+$0xFFFFFFC0]  }
0x1b4: {  	v8 =	vld [tilespmem:s17+$0xFFFFFFE0]  }
0x1b5: {  	v1 =	vbroadcast v4, $0x0;
	v2 =	vbroadcast v4, $0x1  }
0x1b6: {  	v9 =	vmul.f32 v3, v5  }
.Ltmp4:
0x1b7: {  	v3 =	vbroadcast v4, $0x2;
	v10 =	vmul.f32 v6, v1;
	(pc) =	sbr.rel @p0 .LBB2_10-.Ltmp4, $4  }
0x1b8: {  	v4 =	vmul.f32 v7, v5;
	v7 =	vmul.f32 v6, v2  }
0x1b9: {  	v6 =	vmul.f32 v6, v3;
	v9 =	vadd.f32 v9, v10;
	v8 =	vmul.f32 v8, v5  }
0x1ba: {  	v5 =	vadd.f32 v4, v7  }
0x1bb: {  	s16 =	sadd.s32 $0x40, s16;
	s17 =	sadd.s32 $0xC0, s17;
	[tilespmem:s0+$0xFFFFFFA0] =	vst v9;
	v4 =	vadd.f32 v8, v6  }
0x1bc: {  	[tilespmem:s0+$0xFFFFFFC0] =	vst v5  }
0x1bd: {  	v55 =	vld [tilespmem:s0+$0xFFFFFFD0];
	[tilespmem:s0+$0xFFFFFFE0] =	vst v4  }
0x1be: {  	v4 =	vld [tilespmem:s2+$0xFFFFFFF0]  }
0x1bf: {  	v6 =	vld [tilespmem:s3+$0xFFFFFFF0]  }
0x1c0: {  	v7 =	vld [tilespmem:s0+$0xFFFFFFF0]  }
0x1c1: {  	v8 =	vld [tilespmem:s0+$0xFFFFFFB0];
	_ =	sdelay $0x2  }
0x1c2: {  	v5 =	vmul.f32 v55, v4;
	v2 =	vmul.f32 v6, v2  }
0x1c3: {  	v7 =	vmul.f32 v7, v4;
	v3 =	vmul.f32 v6, v3  }
0x1c4: {  	v4 =	vmul.f32 v8, v4;
	v1 =	vmul.f32 v6, v1;
	v2 =	vadd.f32 v5, v2  }
0x1c5: {  	v3 =	vadd.f32 v7, v3  }
0x1c6: {  	v1 =	vadd.f32 v4, v1;
	[tilespmem:s0+$0xFFFFFFD0] =	vst v2  }
0x1c7: {  	[tilespmem:s0+$0xFFFFFFF0] =	vst v3  }
0x1c8: {  	[tilespmem:s0+$0xFFFFFFB0] =	vst v1;
	v1 =	vld [tilespmem:s0+$0x0]  }
0x1c9: {  	v2 =	vld [tilespmem:s14+$0x0]  }
0x1ca: {  	v3 =	vld [tilespmem:s2+$0x0]  }
0x1cb: {  	v56 =	vld [tilespmem:s3+$0x0]  }
0x1cc: {  	v57 =	vld [tilespmem:s0+$0x40]  }
0x1cd: {  	v58 =	vld [tilespmem:s0+$0x20]  }
0x1ce: {  	v59 =	vbroadcast v2, $0x0  }
0x1cf: {  	v60 =	vbroadcast v2, $0x1;
	v2 =	vbroadcast v2, $0x2  }
0x1d0: {  	v1 =	vmul.f32 v1, v3;
	v9 =	vmul.f32 v56, v59  }
0x1d1: {  	v5 =	vmul.f32 v57, v3;
	v10 =	vmul.f32 v56, v2  }
0x1d2: {  	v3 =	vmul.f32 v58, v3;
	v4 =	vmul.f32 v56, v60;
	v1 =	vadd.f32 v1, v9  }
0x1d3: {  	v5 =	vadd.f32 v5, v10  }
0x1d4: {  	[tilespmem:s0+$0x0] =	vst v1;
	v1 =	vadd.f32 v3, v4  }
0x1d5: {  	[tilespmem:s0+$0x40] =	vst v5  }
0x1d6: {  	v3 =	vld [tilespmem:s0+$0x10];
	[tilespmem:s0+$0x20] =	vst v1  }
0x1d7: {  	v1 =	vld [tilespmem:s2+$0x10]  }
0x1d8: {  	v61 =	vld [tilespmem:s3+$0x10]  }
0x1d9: {  	v62 =	vld [tilespmem:s0+$0x50]  }
0x1da: {  	v63 =	vld [tilespmem:s0+$0x30];
	_ =	sdelay $0x2  }
0x1db: {  	v3 =	vmul.f32 v3, v1;
	v7 =	vmul.f32 v61, v59  }
0x1dc: {  	v5 =	vmul.f32 v62, v1;
	v2 =	vmul.f32 v61, v2  }
0x1dd: {  	v1 =	vmul.f32 v63, v1;
	v4 =	vmul.f32 v61, v60;
	v3 =	vadd.f32 v3, v7  }
0x1de: {  	v2 =	vadd.f32 v5, v2  }
0x1df: {  	v1 =	vadd.f32 v1, v4;
	[tilespmem:s0+$0x10] =	vst v3  }
0x1e0: {  	[tilespmem:s0+$0x50] =	vst v2  }
0x1e1: {  	s17 =	simm.s32 $0x0;
	[tilespmem:s0+$0x30] =	vst v1  }
0x1e2: {  	[spmem:s5] =	stream.indirect.scatter.add.f32 [tilespmem:s12], [sflag:$0xB], $0x60, s17, s20, $0xb8;
	[tilespmem:$0x187E0] =	vst v63  }
0x1e3: {  	_ =	swait.ge [sflag:s31], $0x1E00  }
0x1e4: {  	[sflag:s31] =	ssyncset.done $0x0  }
0x1e5: {  	[sflag:s31] =	ssyncadd.s32 $0xFFFFE200  }
0x1e6: {  	[bflag:$0x0] =	sbarrier.arrive $0xFFFF  }
0x1e7: {  	s18 =	rddreg [dreg:$0xc]  }
0x1e8: {  	[tilespmem:s17], [sflag:$0x1] =	stream.linear.gather [hbm4b:s18+s17], $0x50, $0x38;
	[tilespmem:$0x187E0] =	vst v63  }
0x1e9: {  	s3 =	rddreg [dreg:$0xd]  }
0x1ea: {  	[tilespmem:s20], [sflag:$0x2] =	stream.linear.gather [hbm4b:s3+s17], $0x50, $0x38;
	[tilespmem:$0x187E0] =	vst v63  }
0x1eb: {  	_ =	swait.ge [sflag:s29], $0x50  }
0x1ec: {  	[sflag:s29] =	ssyncset.done $0x0  }
0x1ed: {  	[sflag:s29] =	ssyncadd.s32 $0xFFFFFFB0  }
0x1ee: {  	[tilespmem:s12], [sflag:$0xB] =	stream.indirect.gather [spmem:s5], $0x60, s17, s20, $0xb8;
	[tilespmem:$0x187E0] =	vst v63  }
0x1ef: {  	_ =	swait.ge [sflag:s31], $0x1E00  }
0x1f0: {  	[sflag:s31] =	ssyncset.done $0x0  }
0x1f1: {  	s4 =	rddreg [dreg:$0x13];
	[sflag:s31] =	ssyncadd.s32 $0xFFFFE200  }
0x1f2: {  	[hbm4b:s4+s1] =	stream.strided.scatter [tilespmem:s12], [sflag:$0x3], $0x1E00, s6, s1, $0x38;
	[tilespmem:$0x187E0] =	vst v63  }
0x1f3: {  	s13 =	rddreg [dreg:$0xe]  }
0x1f4: {  	[tilespmem:s17], [sflag:$0x1] =	stream.linear.gather [hbm4b:s13+s17], $0x50, $0x38;
	[tilespmem:$0x187E0] =	vst v63  }
0x1f5: {  	_ =	swait.ge [sflag:s26], $0x50  }
0x1f6: {  	[sflag:s26] =	ssyncset.done $0x0  }
0x1f7: {  	[sflag:s26] =	ssyncadd.s32 $0xFFFFFFB0  }
0x1f8: {  	[tilespmem:s19], [sflag:$0xB] =	stream.indirect.gather [spmem:s5], $0x60, s20, s20, $0xb8;
	[tilespmem:$0x187E0] =	vst v63  }
0x1f9: {  	_ =	swait.ge [sflag:s31], $0x1E00  }
0x1fa: {  	[sflag:s31] =	ssyncset.done $0x0;
	s15 =	rddreg [dreg:$0x1d]  }
0x1fb: {  	s14 =	rddreg [dreg:$0x14];
	[sflag:s31] =	ssyncadd.s32 $0xFFFFE200;
	s16 =	sadd.s32 $0xFFFFFFF6, s15  }
0x1fc: {  	[hbm4b:s14+s1] =	stream.strided.scatter [tilespmem:s19], [sflag:$0x4], $0x1E00, s6, s1, $0x38;
	[tilespmem:$0x187E0] =	vst v63  }
0x1fd: {  	[smem:$0x7F9] =	sst s16  }
0x1fe: {  	[tilespmem:s20], [sflag:$0x2] =	stream.linear.gather [hbm4b:s16+s7], $0x50, $0x38;
	[tilespmem:$0x187E0] =	vst v63  }
0x1ff: {  	_ =	swait.ge [sflag:s29], $0x50  }
0x200: {  	[sflag:s29] =	ssyncset.done $0x0  }
0x201: {  	[sflag:s29] =	ssyncadd.s32 $0xFFFFFFB0  }
0x202: {  	_ =	swait.ge [sflag:s11], $0x1E00  }
0x203: {  	[sflag:s11] =	ssyncset.done $0x0  }
0x204: {  	[sflag:s11] =	ssyncadd.s32 $0xFFFFE200  }
0x205: {  	[tilespmem:s12], [sflag:$0xB] =	stream.indirect.gather [spmem:s5], $0x60, s7, s20, $0xb8;
	[tilespmem:$0x187E0] =	vst v63  }
0x206: {  	_ =	swait.ge [sflag:s31], $0x1E00  }
0x207: {  	s17 =	rddreg [dreg:$0x1e]  }
0x208: {  	[sflag:s31] =	ssyncset.done $0x0;
	s18 =	sshrl.u32 s17, $0x3  }
0x209: {  	[sflag:s31] =	ssyncadd.s32 $0xFFFFE200;
	s0 =	sadd.s32 s9, s18  }
0x20a: {  	[hbm4b:s0+s1] =	stream.strided.scatter [tilespmem:s12], [sflag:$0x3], $0x1E00, s6, s1, $0x38;
	[tilespmem:$0x187E0] =	vst v63  }
0x20b: {  	_ = 	snop  }
0x20c: {  	[tilespmem:s7], [sflag:$0x1] =	stream.linear.gather [hbm4b:s15+s7], $0x50, $0x38;
	[tilespmem:$0x187E0] =	vst v63  }
0x20d: {  	_ =	swait.ge [sflag:s26], $0x50  }
0x20e: {  	[sflag:s26] =	ssyncset.done $0x0  }
0x20f: {  	[sflag:s26] =	ssyncadd.s32 $0xFFFFFFB0  }
0x210: {  	_ =	swait.ge [sflag:s28], $0x1E00  }
0x211: {  	[sflag:s28] =	ssyncset.done $0x0  }
0x212: {  	[sflag:s28] =	ssyncadd.s32 $0xFFFFE200  }
0x213: {  	[tilespmem:s19], [sflag:$0xB] =	stream.indirect.gather [spmem:s5], $0x60, s20, s20, $0xb8;
	[tilespmem:$0x187E0] =	vst v63  }
0x214: {  	_ =	swait.ge [sflag:s31], $0x1E00  }
0x215: {  	s4 =	sadd.s32 $0x0, s21;
	s3 =	sadd.s32 $0x14, s15;
	[sflag:s31] =	ssyncset.done $0x0  }
0x216: {  	s2 =	sadd.s32 $0xF000, s17;
	s0 =	simm.s32 $0x1E00;
	[sflag:s31] =	ssyncadd.s32 $0xFFFFE200  }
.LBB2_12:
0x217: {  	[hbm4b:s4+s1] =	stream.strided.scatter [tilespmem:s19], [sflag:$0x4], $0x1E00, s6, s1, $0x38;
	[tilespmem:$0x187E0] =	vst v63  }
0x218: {  	s4 =	smov.u32 s0  }
0x219: {  	s13 =	sadd.s32 $0xFFFFFFF6, s3;
	p0 =	sne.s32 s0, $0x70800;
	s0 =	sadd.s32 $0x1E00, s0  }
0x21a: {  	[tilespmem:s20], [sflag:$0x2] =	stream.linear.gather [hbm4b:s13+s7], $0x50, $0x38;
	[tilespmem:$0x187E0] =	vst v63  }
0x21b: {  	_ =	swait.ge [sflag:s29], $0x50  }
0x21c: {  	[sflag:s29] =	ssyncset.done $0x0  }
0x21d: {  	[sflag:s29] =	ssyncadd.s32 $0xFFFFFFB0  }
0x21e: {  	_ =	swait.ge [sflag:s11], $0x1E00  }
0x21f: {  	[sflag:s11] =	ssyncset.done $0x0  }
0x220: {  	[sflag:s11] =	ssyncadd.s32 $0xFFFFE200  }
0x221: {  	[tilespmem:s12], [sflag:$0xB] =	stream.indirect.gather [spmem:s5], $0x60, s7, s20, $0xb8;
	[tilespmem:$0x187E0] =	vst v63  }
0x222: {  	_ =	swait.ge [sflag:s31], $0x1E00  }
0x223: {  	s13 =	sshrl.u32 s2, $0x3;
	[sflag:s31] =	ssyncset.done $0x0  }
0x224: {  	s13 =	sadd.s32 s9, s13;
	[sflag:s31] =	ssyncadd.s32 $0xFFFFE200  }
0x225: {  	[hbm4b:s13+s1] =	stream.strided.scatter [tilespmem:s12], [sflag:$0x3], $0x1E00, s6, s1, $0x38;
	[tilespmem:$0x187E0] =	vst v63  }
0x226: {  	_ = 	snop  }
0x227: {  	[tilespmem:s7], [sflag:$0x1] =	stream.linear.gather [hbm4b:s3+s7], $0x50, $0x38;
	[tilespmem:$0x187E0] =	vst v63  }
0x228: {  	_ =	swait.ge [sflag:s26], $0x50  }
0x229: {  	[sflag:s26] =	ssyncset.done $0x0  }
0x22a: {  	[sflag:s26] =	ssyncadd.s32 $0xFFFFFFB0  }
0x22b: {  	_ =	swait.ge [sflag:s28], $0x1E00  }
0x22c: {  	[sflag:s28] =	ssyncset.done $0x0  }
.Ltmp5:
0x22d: {  	[sflag:s28] =	ssyncadd.s32 $0xFFFFE200;
	(pc) =	sbr.rel @p0 .LBB2_12-.Ltmp5, $4  }
0x22e: {  	[tilespmem:s19], [sflag:$0xB] =	stream.indirect.gather [spmem:s5], $0x60, s20, s20, $0xb8;
	[tilespmem:$0x187E0] =	vst v63  }
0x22f: {  	_ =	swait.ge [sflag:s31], $0x1E00  }
0x230: {  	s2 =	sadd.s32 $0xF000, s2;
	[sflag:s31] =	ssyncset.done $0x0  }
0x231: {  	s4 =	sadd.s32 s4, s21;
	s3 =	sadd.s32 $0x14, s3;
	[sflag:s31] =	ssyncadd.s32 $0xFFFFE200  }
0x232: {  	[hbm4b:s4+s1] =	stream.strided.scatter [tilespmem:s19], [sflag:$0x4], $0x1E00, s6, s1, $0x38;
	[tilespmem:$0x187E0] =	vst v63  }
0x233: {  	_ =	swait.ge [sflag:s29], $0x50  }
0x234: {  	[sflag:s29] =	ssyncset.done $0x0  }
0x235: {  	[sflag:s29] =	ssyncadd.s32 $0xFFFFFFB0  }
0x236: {  	_ =	swait.ge [sflag:s11], $0x1E00  }
0x237: {  	[sflag:s11] =	ssyncset.done $0x0  }
0x238: {  	s0 =	simm.s32 $0x0;
	[sflag:s11] =	ssyncadd.s32 $0xFFFFE200  }
0x239: {  	[tilespmem:s12], [sflag:$0xB] =	stream.indirect.gather [spmem:s5], $0x60, s0, s20, $0xb8;
	[tilespmem:$0x187E0] =	vst v63  }
0x23a: {  	_ =	swait.ge [sflag:s31], $0x1E00  }
0x23b: {  	[sflag:s31] =	ssyncset.done $0x0  }
0x23c: {  	s2 =	rddreg [dreg:$0x15];
	[sflag:s31] =	ssyncadd.s32 $0xFFFFE200  }
0x23d: {  	[hbm4b:s2+s1] =	stream.strided.scatter [tilespmem:s12], [sflag:$0x3], $0x1E00, s6, s1, $0x38;
	[tilespmem:$0x187E0] =	vst v63  }
0x23e: {  	_ =	swait.ge [sflag:s28], $0x1E00  }
0x23f: {  	[sflag:s28] =	ssyncset.done $0x0  }
0x240: {  	[sflag:s28] =	ssyncadd.s32 $0xFFFFE200  }
0x241: {  	_ =	swait.ge [sflag:s11], $0x1E00  }
0x242: {  	[sflag:s11] =	ssyncset.done $0x0  }
0x243: {  	[sflag:s11] =	ssyncadd.s32 $0xFFFFE200  }
0x244: {  	[bflag:$0x0] =	sbarrier.arrive $0xFFFF  }
0x245: {  	s3 =	simm.s32 $0x6EA0;
	s14 =	rddreg [dreg:$0x8]  }
0x246: {  	[spmem:s14] =	stream.linear.scatter [tilespmem:s3], [sflag:$0xB], $0x2EE0, $0x38;
	[tilespmem:$0x187E0] =	vst v63  }
0x247: {  	_ =	swait.ge [sflag:s31], $0x2EE0  }
0x248: {  	[sflag:s31] =	ssyncset.done $0x0  }
0x249: {  	s15 =	rddreg [dreg:$0x1f];
	[sflag:s31] =	ssyncadd.s32 $0xFFFFD120  }
0x24a: {  	[spmem:s15] =	stream.linear.scatter [tilespmem:s3], [sflag:$0xB], $0x2EE0, $0x38;
	[tilespmem:$0x187E0] =	vst v63  }
0x24b: {  	_ =	swait.ge [sflag:s31], $0x2EE0  }
0x24c: {  	s16 =	sld [smem:$0x7FB]  }
0x24d: {  	[sflag:s31] =	ssyncset.done $0x0  }
0x24e: {  	[sflag:s31] =	ssyncadd.s32 $0xFFFFD120  }
0x24f: {  	[spmem:s16] =	stream.linear.scatter [tilespmem:s3], [sflag:$0xB], $0x2EE0, $0x38;
	[tilespmem:$0x187E0] =	vst v63  }
0x250: {  	_ =	swait.ge [sflag:s31], $0x2EE0  }
0x251: {  	s17 =	sld [smem:$0x7FC]  }
0x252: {  	[sflag:s31] =	ssyncset.done $0x0  }
0x253: {  	[sflag:s31] =	ssyncadd.s32 $0xFFFFD120  }
0x254: {  	[spmem:s17] =	stream.linear.scatter [tilespmem:s3], [sflag:$0xB], $0x2EE0, $0x38;
	[tilespmem:$0x187E0] =	vst v63  }
0x255: {  	_ =	swait.ge [sflag:s31], $0x2EE0  }
0x256: {  	s18 =	sld [smem:$0x7FD]  }
0x257: {  	[sflag:s31] =	ssyncset.done $0x0  }
0x258: {  	[sflag:s31] =	ssyncadd.s32 $0xFFFFD120  }
0x259: {  	[spmem:s18] =	stream.linear.scatter [tilespmem:s3], [sflag:$0xB], $0x2EE0, $0x38;
	[tilespmem:$0x187E0] =	vst v63  }
0x25a: {  	_ =	swait.ge [sflag:s31], $0x2EE0  }
0x25b: {  	[sflag:s31] =	ssyncset.done $0x0  }
0x25c: {  	[sflag:s31] =	ssyncadd.s32 $0xFFFFD120  }
0x25d: {  	[bflag:$0x0] =	sbarrier.arrive $0xFFFF  }
0x25e: {  	s3 =	rddreg [dreg:$0x9]  }
0x25f: {  	[tilespmem:s0], [sflag:$0x1] =	stream.linear.gather [hbm4b:s3+s0], $0x50, $0x38;
	[tilespmem:$0x187E0] =	vst v63  }
0x260: {  	s4 =	rddreg [dreg:$0x18]  }
0x261: {  	[tilespmem:s12], [sflag:$0x3] =	stream.strided.gather [hbm4b:s4+s1], $0x1E00, s6, s1, $0x38;
	[tilespmem:$0x187E0] =	vst v63  }
0x262: {  	s14 =	simm.s32 $0x3CA0;
	s13 =	rddreg [dreg:$0x16]  }
0x263: {  	[tilespmem:s14], [sflag:$0x5] =	stream.strided.gather [hbm4b:s13+s1], $0xA00, s6, s1, $0x38;
	[tilespmem:$0x187E0] =	vst v63  }
0x264: {  	s16 =	simm.s32 $0x50A0;
	s15 =	rddreg [dreg:$0x17]  }
0x265: {  	[tilespmem:s16], [sflag:$0x7] =	stream.strided.gather [hbm4b:s15+s1], $0xA00, s6, s1, $0x38;
	[tilespmem:$0x187E0] =	vst v63  }
0x266: {  	s18 =	simm.s32 $0x64A0;
	s17 =	rddreg [dreg:$0x11]  }
0x267: {  	[tilespmem:s18], [sflag:$0x9] =	stream.linear.gather [hbm4b:s17+s0], $0x500, $0x38;
	[tilespmem:$0x187E0] =	vst v63  }
.LBB2_14:
0x268: {  	s2 =	smul.u32 $0xA0, s0  }
0x269: {  	s3 =	rddreg [dreg:$0xa]  }
0x26a: {  	s3 =	sadd.s32 s2, s3  }
0x26b: {  	s4 =	sshrl.u32 s3, $0x3  }
0x26c: {  	s13 =	smul.u32 $0x180, s3;
	s4 =	sadd.s32 s30, s4  }
0x26d: {  	[tilespmem:s20], [sflag:$0x2] =	stream.linear.gather [hbm4b:s4+s7], $0x50, $0x38;
	[tilespmem:$0x187E0] =	vst v63  }
0x26e: {  	s14 =	sor.u32 s23, s13  }
0x26f: {  	s15 =	rddreg [dreg:$0x2];
	s4 =	sshrl.u32 s14, $0x3  }
0x270: {  	s16 =	sshll.u32 s3, $0x7;
	s4 =	sadd.s32 s15, s4  }
0x271: {  	[tilespmem:s19], [sflag:$0x4] =	stream.strided.gather [hbm4b:s4+s1], $0x1E00, s6, s1, $0x38;
	[tilespmem:$0x187E0] =	vst v63  }
0x272: {  	s4 =	sor.u32 s23, s16  }
0x273: {  	s17 =	rddreg [dreg:$0x3];
	s4 =	sshrl.u32 s4, $0x3  }
0x274: {  	s18 =	rddreg [dreg:$0x4];
	s14 =	simm.s32 $0x46A0;
	s13 =	sadd.s32 s17, s4  }
0x275: {  	[tilespmem:s14], [sflag:$0x6] =	stream.strided.gather [hbm4b:s13+s1], $0xA00, s6, s1, $0x38;
	[tilespmem:$0x187E0] =	vst v63  }
0x276: {  	s3 =	sshll.u32 s3, $0x1;
	s4 =	sadd.s32 s18, s4;
	s14 =	simm.s32 $0x5AA0  }
0x277: {  	[tilespmem:s14], [sflag:$0x8] =	stream.strided.gather [hbm4b:s4+s1], $0xA00, s6, s1, $0x38;
	[tilespmem:$0x187E0] =	vst v63  }
0x278: {  	s3 =	sadd.s32 s8, s3;
	s15 =	simm.s32 $0x69A0  }
0x279: {  	[tilespmem:s15], [sflag:$0xA] =	stream.linear.gather [hbm4b:s3+s7], $0x500, $0x38;
	[tilespmem:$0x187E0] =	vst v63  }
0x27a: {  	_ =	swait.ge [sflag:s29], $0x50  }
0x27b: {  	[sflag:s29] =	ssyncset.done $0x0  }
0x27c: {  	[sflag:s29] =	ssyncadd.s32 $0xFFFFFFB0  }
0x27d: {  	_ =	swait.ge [sflag:s11], $0x1E00  }
0x27e: {  	[sflag:s11] =	ssyncset.done $0x0  }
0x27f: {  	s16 =	simm.s32 $0x5;
	[sflag:s11] =	ssyncadd.s32 $0xFFFFE200  }
0x280: {  	_ =	swait.ge [sflag:s16], $0xA00  }
0x281: {  	[sflag:s16] =	ssyncset.done $0x0  }
0x282: {  	s17 =	simm.s32 $0x7;
	[sflag:s16] =	ssyncadd.s32 $0xFFFFF600  }
0x283: {  	_ =	swait.ge [sflag:s17], $0xA00  }
0x284: {  	[sflag:s17] =	ssyncset.done $0x0  }
0x285: {  	s18 =	simm.s32 $0x9;
	[sflag:s17] =	ssyncadd.s32 $0xFFFFF600  }
0x286: {  	_ =	swait.ge [sflag:s18], $0x500  }
0x287: {  	[sflag:s18] =	ssyncset.done $0x0  }
0x288: {  	s3 =	simm.s32 $0x100;
	[sflag:s18] =	ssyncadd.s32 $0xFFFFFB00  }
0x289: {  	s14 =	simm.s32 $0x64B0;
	v3 =	vld [tilespmem:s3+$0xFFFFFFA0]  }
0x28a: {  	s4 =	simm.s32 $0x3CC0;
	v4 =	vld [tilespmem:s14+$0xFFFFFFF0]  }
0x28b: {  	s15 =	simm.s32 $0x50C0;
	v5 =	vld [tilespmem:s4+$0xFFFFFFE0]  }
0x28c: {  	v6 =	vld [tilespmem:s15+$0xFFFFFFE0]  }
0x28d: {  	v7 =	vld [tilespmem:s3+$0xFFFFFFC0]  }
0x28e: {  	v8 =	vld [tilespmem:s3+$0xFFFFFFE0]  }
0x28f: {  	v1 =	vbroadcast v4, $0x0  }
0x290: {  	v2 =	vbroadcast v4, $0x1;
	v9 =	vmul.f32 v3, v5  }
0x291: {  	v3 =	vbroadcast v4, $0x2;
	v10 =	vmul.f32 v6, v1  }
0x292: {  	v4 =	vmul.f32 v7, v5;
	v7 =	vmul.f32 v6, v2  }
0x293: {  	v8 =	vmul.f32 v8, v5;
	v6 =	vmul.f32 v6, v3;
	v9 =	vadd.f32 v9, v10  }
0x294: {  	s30 =	simm.s32 $0x1C0;
	s13 =	simm.s32 $0x50C0;
	v5 =	vadd.f32 v4, v7  }
0x295: {  	s16 =	simm.s32 $0x64B0;
	s17 =	simm.s32 $0x0;
	s18 =	simm.s32 $0x3D00;
	v4 =	vadd.f32 v8, v6;
	[tilespmem:s3+$0xFFFFFFA0] =	vst v9  }
.LBB2_15:
0x296: {  	s17 =	sadd.s32 $0x2, s17;
	[tilespmem:s3+$0xFFFFFFC0] =	vst v5;
	v5 =	vld [tilespmem:s3+$0xFFFFFFD0];
	s14 =	sadd.s32 $0x20, s14;
	s15 =	sadd.s32 $0x40, s15  }
0x297: {  	p0 =	slt.u32 s17, $0x4E;
	[tilespmem:s3+$0xFFFFFFE0] =	vst v4;
	v4 =	vld [tilespmem:s3+$0xFFFFFFB0]  }
0x298: {  	v6 =	vld [tilespmem:s4+$0xFFFFFFF0]  }
0x299: {  	v7 =	vld [tilespmem:s13+$0xFFFFFFF0]  }
0x29a: {  	v8 =	vld [tilespmem:s3+$0xFFFFFFF0];
	_ =	sdelay $0x2  }
0x29b: {  	v4 =	vmul.f32 v4, v6;
	v5 =	vmul.f32 v5, v6  }
0x29c: {  	v1 =	vmul.f32 v7, v1;
	v2 =	vmul.f32 v7, v2  }
0x29d: {  	v3 =	vmul.f32 v7, v3;
	v6 =	vmul.f32 v8, v6  }
0x29e: {  	v1 =	vadd.f32 v4, v1;
	v2 =	vadd.f32 v5, v2  }
0x29f: {  	v3 =	vadd.f32 v6, v3  }
0x2a0: {  	[tilespmem:s3+$0xFFFFFFD0] =	vst v2  }
0x2a1: {  	[tilespmem:s3+$0xFFFFFFF0] =	vst v3  }
0x2a2: {  	[tilespmem:s3+$0xFFFFFFB0] =	vst v1;
	v1 =	vld [tilespmem:s3+$0x0]  }
0x2a3: {  	v2 =	vld [tilespmem:s16+$0x0];
	s16 =	smov.u32 s14  }
0x2a4: {  	v3 =	vld [tilespmem:s4+$0x0]  }
0x2a5: {  	v4 =	vld [tilespmem:s13+$0x0]  }
0x2a6: {  	v5 =	vld [tilespmem:s3+$0x40]  }
0x2a7: {  	v6 =	vld [tilespmem:s3+$0x20]  }
0x2a8: {  	v7 =	vbroadcast v2, $0x0;
	v8 =	vbroadcast v2, $0x1  }
0x2a9: {  	v2 =	vbroadcast v2, $0x2;
	v1 =	vmul.f32 v1, v3  }
0x2aa: {  	v9 =	vmul.f32 v4, v7;
	v10 =	vmul.f32 v4, v8  }
0x2ab: {  	v4 =	vmul.f32 v4, v2;
	v5 =	vmul.f32 v5, v3  }
0x2ac: {  	v1 =	vadd.f32 v1, v9;
	v3 =	vmul.f32 v6, v3  }
0x2ad: {  	v4 =	vadd.f32 v5, v4  }
0x2ae: {  	[tilespmem:s3+$0x0] =	vst v1;
	v1 =	vadd.f32 v3, v10  }
0x2af: {  	[tilespmem:s3+$0x40] =	vst v4;
	v3 =	vld [tilespmem:s3+$0x10]  }
0x2b0: {  	[tilespmem:s3+$0x20] =	vst v1;
	v1 =	vld [tilespmem:s3+$0x30]  }
0x2b1: {  	v4 =	vld [tilespmem:s4+$0x10];
	s4 =	smov.u32 s18  }
0x2b2: {  	v5 =	vld [tilespmem:s13+$0x10];
	s13 =	smov.u32 s15  }
0x2b3: {  	v6 =	vld [tilespmem:s3+$0x50];
	_ =	sdelay $0x2  }
0x2b4: {  	v3 =	vmul.f32 v3, v4;
	v1 =	vmul.f32 v1, v4  }
0x2b5: {  	v7 =	vmul.f32 v5, v7;
	v8 =	vmul.f32 v5, v8  }
0x2b6: {  	v2 =	vmul.f32 v5, v2;
	v4 =	vmul.f32 v6, v4  }
0x2b7: {  	v3 =	vadd.f32 v3, v7;
	v1 =	vadd.f32 v1, v8  }
0x2b8: {  	v2 =	vadd.f32 v4, v2  }
0x2b9: {  	[tilespmem:s3+$0x10] =	vst v3  }
0x2ba: {  	[tilespmem:s3+$0x50] =	vst v2  }
0x2bb: {  	v3 =	vld [tilespmem:s30+$0xFFFFFFA0];
	[tilespmem:s3+$0x30] =	vst v1;
	s3 =	smov.u32 s30  }
0x2bc: {  	v4 =	vld [tilespmem:s14+$0xFFFFFFF0]  }
0x2bd: {  	v5 =	vld [tilespmem:s18+$0xFFFFFFE0]  }
0x2be: {  	v6 =	vld [tilespmem:s15+$0xFFFFFFE0]  }
0x2bf: {  	v7 =	vld [tilespmem:s30+$0xFFFFFFC0]  }
0x2c0: {  	v8 =	vld [tilespmem:s30+$0xFFFFFFE0]  }
0x2c1: {  	v1 =	vbroadcast v4, $0x0;
	v2 =	vbroadcast v4, $0x1  }
0x2c2: {  	v9 =	vmul.f32 v3, v5  }
.Ltmp6:
0x2c3: {  	v3 =	vbroadcast v4, $0x2;
	v10 =	vmul.f32 v6, v1;
	(pc) =	sbr.rel @p0 .LBB2_15-.Ltmp6, $4  }
0x2c4: {  	v4 =	vmul.f32 v7, v5;
	v7 =	vmul.f32 v6, v2  }
0x2c5: {  	v6 =	vmul.f32 v6, v3;
	v9 =	vadd.f32 v9, v10;
	v8 =	vmul.f32 v8, v5  }
0x2c6: {  	v5 =	vadd.f32 v4, v7  }
0x2c7: {  	s18 =	sadd.s32 $0x40, s18;
	s30 =	sadd.s32 $0xC0, s30;
	[tilespmem:s3+$0xFFFFFFA0] =	vst v9;
	v4 =	vadd.f32 v8, v6  }
0x2c8: {  	[tilespmem:s3+$0xFFFFFFC0] =	vst v5  }
0x2c9: {  	v5 =	vld [tilespmem:s3+$0xFFFFFFD0];
	[tilespmem:s3+$0xFFFFFFE0] =	vst v4  }
0x2ca: {  	v4 =	vld [tilespmem:s4+$0xFFFFFFF0]  }
0x2cb: {  	v6 =	vld [tilespmem:s13+$0xFFFFFFF0]  }
0x2cc: {  	v7 =	vld [tilespmem:s3+$0xFFFFFFF0]  }
0x2cd: {  	v8 =	vld [tilespmem:s3+$0xFFFFFFB0];
	_ =	sdelay $0x2  }
0x2ce: {  	v5 =	vmul.f32 v5, v4;
	v2 =	vmul.f32 v6, v2  }
0x2cf: {  	v7 =	vmul.f32 v7, v4;
	v3 =	vmul.f32 v6, v3  }
0x2d0: {  	v4 =	vmul.f32 v8, v4;
	v1 =	vmul.f32 v6, v1;
	v2 =	vadd.f32 v5, v2  }
0x2d1: {  	v3 =	vadd.f32 v7, v3  }
0x2d2: {  	v1 =	vadd.f32 v4, v1;
	[tilespmem:s3+$0xFFFFFFD0] =	vst v2  }
0x2d3: {  	[tilespmem:s3+$0xFFFFFFF0] =	vst v3  }
0x2d4: {  	[tilespmem:s3+$0xFFFFFFB0] =	vst v1;
	v1 =	vld [tilespmem:s3+$0x0]  }
0x2d5: {  	v2 =	vld [tilespmem:s16+$0x0]  }
0x2d6: {  	v3 =	vld [tilespmem:s4+$0x0]  }
0x2d7: {  	v4 =	vld [tilespmem:s13+$0x0]  }
0x2d8: {  	v5 =	vld [tilespmem:s3+$0x40]  }
0x2d9: {  	v6 =	vld [tilespmem:s3+$0x20]  }
0x2da: {  	v7 =	vbroadcast v2, $0x0  }
0x2db: {  	v60 =	vbroadcast v2, $0x1;
	v2 =	vbroadcast v2, $0x2  }
0x2dc: {  	v1 =	vmul.f32 v1, v3;
	v9 =	vmul.f32 v4, v7  }
0x2dd: {  	v5 =	vmul.f32 v5, v3;
	v10 =	vmul.f32 v4, v2  }
0x2de: {  	v3 =	vmul.f32 v6, v3;
	v4 =	vmul.f32 v4, v60;
	v1 =	vadd.f32 v1, v9  }
0x2df: {  	v5 =	vadd.f32 v5, v10  }
0x2e0: {  	[tilespmem:s3+$0x0] =	vst v1;
	v1 =	vadd.f32 v3, v4  }
0x2e1: {  	[tilespmem:s3+$0x40] =	vst v5  }
0x2e2: {  	v3 =	vld [tilespmem:s3+$0x10];
	[tilespmem:s3+$0x20] =	vst v1  }
0x2e3: {  	v1 =	vld [tilespmem:s4+$0x10]  }
0x2e4: {  	v4 =	vld [tilespmem:s13+$0x10]  }
0x2e5: {  	v5 =	vld [tilespmem:s3+$0x50]  }
0x2e6: {  	v6 =	vld [tilespmem:s3+$0x30];
	_ =	sdelay $0x2  }
0x2e7: {  	v3 =	vmul.f32 v3, v1;
	v7 =	vmul.f32 v4, v7  }
0x2e8: {  	v5 =	vmul.f32 v5, v1;
	v2 =	vmul.f32 v4, v2  }
0x2e9: {  	v1 =	vmul.f32 v6, v1;
	v4 =	vmul.f32 v4, v60;
	v3 =	vadd.f32 v3, v7  }
0x2ea: {  	v2 =	vadd.f32 v5, v2  }
0x2eb: {  	v1 =	vadd.f32 v1, v4;
	[tilespmem:s3+$0x10] =	vst v3  }
0x2ec: {  	[tilespmem:s3+$0x50] =	vst v2  }
0x2ed: {  	[tilespmem:s3+$0x30] =	vst v1  }
0x2ee: {  	[spmem:s5] =	stream.indirect.scatter.add.f32 [tilespmem:s12], [sflag:$0xB], $0x60, s7, s20, $0xb8;
	[tilespmem:$0x187E0] =	vst v63  }
0x2ef: {  	_ =	swait.ge [sflag:s31], $0x1E00  }
0x2f0: {  	s4 =	rddreg [dreg:$0xb]  }
0x2f1: {  	s2 =	sadd.s32 s2, s4  }
0x2f2: {  	[sflag:s31] =	ssyncset.done $0x0;
	s3 =	sshrl.u32 s2, $0x3  }
0x2f3: {  	[sflag:s31] =	ssyncadd.s32 $0xFFFFE200;
	s13 =	smul.u32 $0x180, s2;
	s3 =	sadd.s32 s25, s3  }
0x2f4: {  	[tilespmem:s7], [sflag:$0x1] =	stream.linear.gather [hbm4b:s3+s7], $0x50, $0x38;
	[tilespmem:$0x187E0] =	vst v63  }
0x2f5: {  	s14 =	sor.u32 s23, s13  }
0x2f6: {  	s15 =	rddreg [dreg:$0x2];
	s3 =	sshrl.u32 s14, $0x3  }
0x2f7: {  	s16 =	sshll.u32 s2, $0x7;
	s3 =	sadd.s32 s15, s3  }
0x2f8: {  	[tilespmem:s12], [sflag:$0x3] =	stream.strided.gather [hbm4b:s3+s1], $0x1E00, s6, s1, $0x38;
	[tilespmem:$0x187E0] =	vst v63  }
0x2f9: {  	s3 =	sor.u32 s23, s16  }
0x2fa: {  	s17 =	rddreg [dreg:$0x3];
	s3 =	sshrl.u32 s3, $0x3  }
0x2fb: {  	s18 =	simm.s32 $0x3CA0;
	s13 =	rddreg [dreg:$0x4];
	s4 =	sadd.s32 s17, s3  }
0x2fc: {  	[tilespmem:s18], [sflag:$0x5] =	stream.strided.gather [hbm4b:s4+s1], $0xA00, s6, s1, $0x38;
	[tilespmem:$0x187E0] =	vst v63  }
0x2fd: {  	s2 =	sshll.u32 s2, $0x1;
	s14 =	simm.s32 $0x50A0;
	s3 =	sadd.s32 s13, s3  }
0x2fe: {  	[tilespmem:s14], [sflag:$0x7] =	stream.strided.gather [hbm4b:s3+s1], $0xA00, s6, s1, $0x38;
	[tilespmem:$0x187E0] =	vst v63  }
0x2ff: {  	s2 =	sadd.s32 s8, s2;
	s15 =	simm.s32 $0x64A0  }
0x300: {  	[tilespmem:s15], [sflag:$0x9] =	stream.linear.gather [hbm4b:s2+s7], $0x500, $0x38;
	[tilespmem:$0x187E0] =	vst v63  }
0x301: {  	_ =	swait.ge [sflag:s26], $0x50  }
0x302: {  	[sflag:s26] =	ssyncset.done $0x0  }
0x303: {  	[sflag:s26] =	ssyncadd.s32 $0xFFFFFFB0  }
0x304: {  	_ =	swait.ge [sflag:s28], $0x1E00  }
0x305: {  	[sflag:s28] =	ssyncset.done $0x0  }
0x306: {  	s16 =	simm.s32 $0x6;
	[sflag:s28] =	ssyncadd.s32 $0xFFFFE200  }
0x307: {  	_ =	swait.ge [sflag:s16], $0xA00  }
0x308: {  	[sflag:s16] =	ssyncset.done $0x0  }
0x309: {  	s17 =	simm.s32 $0x8;
	[sflag:s16] =	ssyncadd.s32 $0xFFFFF600  }
0x30a: {  	_ =	swait.ge [sflag:s17], $0xA00  }
0x30b: {  	[sflag:s17] =	ssyncset.done $0x0  }
0x30c: {  	s18 =	simm.s32 $0xA;
	[sflag:s17] =	ssyncadd.s32 $0xFFFFF600  }
0x30d: {  	_ =	swait.ge [sflag:s18], $0x500  }
0x30e: {  	[sflag:s18] =	ssyncset.done $0x0  }
0x30f: {  	s2 =	simm.s32 $0x1F00;
	[sflag:s18] =	ssyncadd.s32 $0xFFFFFB00  }
0x310: {  	s13 =	simm.s32 $0x69B0;
	v3 =	vld [tilespmem:s2+$0xFFFFFFA0]  }
0x311: {  	s3 =	simm.s32 $0x46C0;
	v4 =	vld [tilespmem:s13+$0xFFFFFFF0]  }
0x312: {  	s14 =	simm.s32 $0x5AC0;
	v5 =	vld [tilespmem:s3+$0xFFFFFFE0]  }
0x313: {  	v6 =	vld [tilespmem:s14+$0xFFFFFFE0]  }
0x314: {  	v7 =	vld [tilespmem:s2+$0xFFFFFFC0]  }
0x315: {  	v61 =	vld [tilespmem:s2+$0xFFFFFFE0]  }
0x316: {  	v1 =	vbroadcast v4, $0x0  }
0x317: {  	v2 =	vbroadcast v4, $0x1;
	v62 =	vmul.f32 v3, v5  }
0x318: {  	v3 =	vbroadcast v4, $0x2;
	v63 =	vmul.f32 v6, v1  }
0x319: {  	v4 =	vmul.f32 v7, v5;
	v7 =	vmul.f32 v6, v2  }
0x31a: {  	v8 =	vmul.f32 v61, v5;
	v6 =	vmul.f32 v6, v3;
	v9 =	vadd.f32 v62, v63  }
0x31b: {  	s30 =	smov.u32 s25;
	s4 =	simm.s32 $0x5AC0;
	s15 =	simm.s32 $0x69B0;
	v5 =	vadd.f32 v4, v7  }
0x31c: {  	s16 =	simm.s32 $0x0;
	s17 =	simm.s32 $0x4700;
	s18 =	simm.s32 $0x1FC0;
	v4 =	vadd.f32 v8, v6;
	[tilespmem:s2+$0xFFFFFFA0] =	vst v9  }
.LBB2_17:
0x31d: {  	s16 =	sadd.s32 $0x2, s16;
	[tilespmem:s2+$0xFFFFFFC0] =	vst v5;
	v5 =	vld [tilespmem:s2+$0xFFFFFFD0];
	s13 =	sadd.s32 $0x20, s13;
	s14 =	sadd.s32 $0x40, s14  }
0x31e: {  	p0 =	slt.u32 s16, $0x4E;
	[tilespmem:s2+$0xFFFFFFE0] =	vst v4;
	v4 =	vld [tilespmem:s2+$0xFFFFFFB0]  }
0x31f: {  	v6 =	vld [tilespmem:s3+$0xFFFFFFF0]  }
0x320: {  	v7 =	vld [tilespmem:s4+$0xFFFFFFF0]  }
0x321: {  	v8 =	vld [tilespmem:s2+$0xFFFFFFF0];
	_ =	sdelay $0x2  }
0x322: {  	v4 =	vmul.f32 v4, v6;
	v5 =	vmul.f32 v5, v6  }
0x323: {  	v1 =	vmul.f32 v7, v1;
	v2 =	vmul.f32 v7, v2  }
0x324: {  	v3 =	vmul.f32 v7, v3;
	v6 =	vmul.f32 v8, v6  }
0x325: {  	v1 =	vadd.f32 v4, v1;
	v2 =	vadd.f32 v5, v2  }
0x326: {  	v3 =	vadd.f32 v6, v3  }
0x327: {  	[tilespmem:s2+$0xFFFFFFD0] =	vst v2  }
0x328: {  	[tilespmem:s2+$0xFFFFFFF0] =	vst v3  }
0x329: {  	[tilespmem:s2+$0xFFFFFFB0] =	vst v1;
	v1 =	vld [tilespmem:s2+$0x0]  }
0x32a: {  	v2 =	vld [tilespmem:s15+$0x0];
	s15 =	smov.u32 s13  }
0x32b: {  	v3 =	vld [tilespmem:s3+$0x0]  }
0x32c: {  	v4 =	vld [tilespmem:s4+$0x0]  }
0x32d: {  	v5 =	vld [tilespmem:s2+$0x40]  }
0x32e: {  	v6 =	vld [tilespmem:s2+$0x20]  }
0x32f: {  	v7 =	vbroadcast v2, $0x0;
	v8 =	vbroadcast v2, $0x1  }
0x330: {  	v2 =	vbroadcast v2, $0x2;
	v1 =	vmul.f32 v1, v3  }
0x331: {  	v9 =	vmul.f32 v4, v7;
	v10 =	vmul.f32 v4, v8  }
0x332: {  	v4 =	vmul.f32 v4, v2;
	v5 =	vmul.f32 v5, v3  }
0x333: {  	v1 =	vadd.f32 v1, v9;
	v3 =	vmul.f32 v6, v3  }
0x334: {  	v4 =	vadd.f32 v5, v4  }
0x335: {  	[tilespmem:s2+$0x0] =	vst v1;
	v1 =	vadd.f32 v3, v10  }
0x336: {  	[tilespmem:s2+$0x40] =	vst v4;
	v3 =	vld [tilespmem:s2+$0x10]  }
0x337: {  	[tilespmem:s2+$0x20] =	vst v1;
	v1 =	vld [tilespmem:s2+$0x30]  }
0x338: {  	v4 =	vld [tilespmem:s3+$0x10];
	s3 =	smov.u32 s17  }
0x339: {  	v5 =	vld [tilespmem:s4+$0x10];
	s4 =	smov.u32 s14  }
0x33a: {  	v6 =	vld [tilespmem:s2+$0x50];
	_ =	sdelay $0x2  }
0x33b: {  	v3 =	vmul.f32 v3, v4;
	v1 =	vmul.f32 v1, v4  }
0x33c: {  	v7 =	vmul.f32 v5, v7;
	v8 =	vmul.f32 v5, v8  }
0x33d: {  	v2 =	vmul.f32 v5, v2;
	v4 =	vmul.f32 v6, v4  }
0x33e: {  	v3 =	vadd.f32 v3, v7;
	v1 =	vadd.f32 v1, v8  }
0x33f: {  	v2 =	vadd.f32 v4, v2  }
0x340: {  	[tilespmem:s2+$0x10] =	vst v3  }
0x341: {  	[tilespmem:s2+$0x50] =	vst v2  }
0x342: {  	v3 =	vld [tilespmem:s18+$0xFFFFFFA0];
	[tilespmem:s2+$0x30] =	vst v1;
	s2 =	smov.u32 s18  }
0x343: {  	v4 =	vld [tilespmem:s13+$0xFFFFFFF0]  }
0x344: {  	v5 =	vld [tilespmem:s17+$0xFFFFFFE0]  }
0x345: {  	v6 =	vld [tilespmem:s14+$0xFFFFFFE0]  }
0x346: {  	v7 =	vld [tilespmem:s18+$0xFFFFFFC0]  }
0x347: {  	v8 =	vld [tilespmem:s18+$0xFFFFFFE0]  }
0x348: {  	v1 =	vbroadcast v4, $0x0;
	v2 =	vbroadcast v4, $0x1  }
0x349: {  	v9 =	vmul.f32 v3, v5  }
.Ltmp7:
0x34a: {  	v3 =	vbroadcast v4, $0x2;
	v10 =	vmul.f32 v6, v1;
	(pc) =	sbr.rel @p0 .LBB2_17-.Ltmp7, $4  }
0x34b: {  	v4 =	vmul.f32 v7, v5;
	v7 =	vmul.f32 v6, v2  }
0x34c: {  	v6 =	vmul.f32 v6, v3;
	v9 =	vadd.f32 v9, v10;
	v8 =	vmul.f32 v8, v5  }
0x34d: {  	v5 =	vadd.f32 v4, v7  }
0x34e: {  	s17 =	sadd.s32 $0x40, s17;
	s18 =	sadd.s32 $0xC0, s18;
	[tilespmem:s2+$0xFFFFFFA0] =	vst v9;
	v4 =	vadd.f32 v8, v6  }
0x34f: {  	[tilespmem:s2+$0xFFFFFFC0] =	vst v5  }
0x350: {  	v55 =	vld [tilespmem:s2+$0xFFFFFFD0];
	[tilespmem:s2+$0xFFFFFFE0] =	vst v4  }
0x351: {  	v4 =	vld [tilespmem:s3+$0xFFFFFFF0]  }
0x352: {  	v6 =	vld [tilespmem:s4+$0xFFFFFFF0]  }
0x353: {  	v7 =	vld [tilespmem:s2+$0xFFFFFFF0]  }
0x354: {  	v8 =	vld [tilespmem:s2+$0xFFFFFFB0];
	_ =	sdelay $0x2  }
0x355: {  	v5 =	vmul.f32 v55, v4;
	v2 =	vmul.f32 v6, v2  }
0x356: {  	v7 =	vmul.f32 v7, v4;
	v3 =	vmul.f32 v6, v3  }
0x357: {  	v4 =	vmul.f32 v8, v4;
	v1 =	vmul.f32 v6, v1;
	v2 =	vadd.f32 v5, v2  }
0x358: {  	v3 =	vadd.f32 v7, v3  }
0x359: {  	v1 =	vadd.f32 v4, v1;
	[tilespmem:s2+$0xFFFFFFD0] =	vst v2  }
0x35a: {  	[tilespmem:s2+$0xFFFFFFF0] =	vst v3  }
0x35b: {  	[tilespmem:s2+$0xFFFFFFB0] =	vst v1;
	v1 =	vld [tilespmem:s2+$0x0]  }
0x35c: {  	v2 =	vld [tilespmem:s15+$0x0]  }
0x35d: {  	v3 =	vld [tilespmem:s3+$0x0]  }
0x35e: {  	v56 =	vld [tilespmem:s4+$0x0]  }
0x35f: {  	v57 =	vld [tilespmem:s2+$0x40]  }
0x360: {  	v58 =	vld [tilespmem:s2+$0x20]  }
0x361: {  	v59 =	vbroadcast v2, $0x0  }
0x362: {  	v60 =	vbroadcast v2, $0x1;
	v2 =	vbroadcast v2, $0x2  }
0x363: {  	v1 =	vmul.f32 v1, v3;
	v9 =	vmul.f32 v56, v59  }
0x364: {  	v5 =	vmul.f32 v57, v3;
	v10 =	vmul.f32 v56, v2  }
0x365: {  	v3 =	vmul.f32 v58, v3;
	v4 =	vmul.f32 v56, v60;
	v1 =	vadd.f32 v1, v9  }
0x366: {  	v5 =	vadd.f32 v5, v10  }
0x367: {  	[tilespmem:s2+$0x0] =	vst v1;
	v1 =	vadd.f32 v3, v4  }
0x368: {  	[tilespmem:s2+$0x40] =	vst v5  }
0x369: {  	v3 =	vld [tilespmem:s2+$0x10];
	[tilespmem:s2+$0x20] =	vst v1  }
0x36a: {  	v1 =	vld [tilespmem:s3+$0x10]  }
0x36b: {  	v61 =	vld [tilespmem:s4+$0x10]  }
0x36c: {  	v62 =	vld [tilespmem:s2+$0x50]  }
0x36d: {  	v63 =	vld [tilespmem:s2+$0x30];
	_ =	sdelay $0x2  }
0x36e: {  	v3 =	vmul.f32 v3, v1;
	v7 =	vmul.f32 v61, v59  }
0x36f: {  	v5 =	vmul.f32 v62, v1;
	v2 =	vmul.f32 v61, v2  }
0x370: {  	v1 =	vmul.f32 v63, v1;
	v4 =	vmul.f32 v61, v60;
	v3 =	vadd.f32 v3, v7  }
0x371: {  	v2 =	vadd.f32 v5, v2  }
0x372: {  	s0 =	sadd.s32 $0x1, s0;
	v1 =	vadd.f32 v1, v4;
	[tilespmem:s2+$0x10] =	vst v3  }
0x373: {  	p0 =	sne.s32 s0, $0x3E;
	[tilespmem:s2+$0x50] =	vst v2  }
.Ltmp8:
0x374: {  	[tilespmem:s2+$0x30] =	vst v1;
	(pc) =	sbr.rel @p0 .LBB2_14-.Ltmp8, $4  }
0x375: {  	[spmem:s5] =	stream.indirect.scatter.add.f32 [tilespmem:s19], [sflag:$0xB], $0x60, s20, s20, $0xb8;
	[tilespmem:$0x187E0] =	vst v63  }
0x376: {  	_ =	swait.ge [sflag:s31], $0x1E00  }
0x377: {  	[sflag:s31] =	ssyncset.done $0x0  }
0x378: {  	[sflag:s31] =	ssyncadd.s32 $0xFFFFE200  }
0x379: {  	_ =	swait.ge [sflag:s29], $0x50  }
0x37a: {  	[sflag:s29] =	ssyncset.done $0x0  }
0x37b: {  	[sflag:s29] =	ssyncadd.s32 $0xFFFFFFB0  }
0x37c: {  	_ =	swait.ge [sflag:s11], $0x1E00  }
0x37d: {  	[sflag:s11] =	ssyncset.done $0x0  }
0x37e: {  	s0 =	simm.s32 $0x5;
	[sflag:s11] =	ssyncadd.s32 $0xFFFFE200  }
0x37f: {  	_ =	swait.ge [sflag:s0], $0xA00  }
0x380: {  	[sflag:s0] =	ssyncset.done $0x0  }
0x381: {  	s18 =	simm.s32 $0x7;
	[sflag:s0] =	ssyncadd.s32 $0xFFFFF600  }
0x382: {  	_ =	swait.ge [sflag:s18], $0xA00  }
0x383: {  	[sflag:s18] =	ssyncset.done $0x0  }
0x384: {  	s25 =	simm.s32 $0x9;
	[sflag:s18] =	ssyncadd.s32 $0xFFFFF600  }
0x385: {  	_ =	swait.ge [sflag:s25], $0x500  }
0x386: {  	[sflag:s25] =	ssyncset.done $0x0  }
0x387: {  	s0 =	simm.s32 $0x100;
	[sflag:s25] =	ssyncadd.s32 $0xFFFFFB00  }
0x388: {  	s4 =	simm.s32 $0x64B0;
	v3 =	vld [tilespmem:s0+$0xFFFFFFA0]  }
0x389: {  	s2 =	simm.s32 $0x3CC0;
	v4 =	vld [tilespmem:s4+$0xFFFFFFF0]  }
0x38a: {  	s13 =	simm.s32 $0x50C0;
	v5 =	vld [tilespmem:s2+$0xFFFFFFE0]  }
0x38b: {  	v6 =	vld [tilespmem:s13+$0xFFFFFFE0]  }
0x38c: {  	v7 =	vld [tilespmem:s0+$0xFFFFFFC0]  }
0x38d: {  	v8 =	vld [tilespmem:s0+$0xFFFFFFE0]  }
0x38e: {  	v1 =	vbroadcast v4, $0x0  }
0x38f: {  	v2 =	vbroadcast v4, $0x1;
	v9 =	vmul.f32 v3, v5  }
0x390: {  	v3 =	vbroadcast v4, $0x2;
	v10 =	vmul.f32 v6, v1  }
0x391: {  	v4 =	vmul.f32 v7, v5;
	v7 =	vmul.f32 v6, v2  }
0x392: {  	v8 =	vmul.f32 v8, v5;
	v6 =	vmul.f32 v6, v3;
	v9 =	vadd.f32 v9, v10  }
0x393: {  	s15 =	simm.s32 $0x0;
	s16 =	simm.s32 $0x3D00;
	v5 =	vadd.f32 v4, v7  }
0x394: {  	s17 =	simm.s32 $0x1C0;
	s3 =	simm.s32 $0x50C0;
	s14 =	simm.s32 $0x64B0;
	v4 =	vadd.f32 v8, v6;
	[tilespmem:s0+$0xFFFFFFA0] =	vst v9  }
.LBB2_20:
0x395: {  	s15 =	sadd.s32 $0x2, s15;
	[tilespmem:s0+$0xFFFFFFC0] =	vst v5;
	v5 =	vld [tilespmem:s0+$0xFFFFFFD0];
	s4 =	sadd.s32 $0x20, s4;
	s13 =	sadd.s32 $0x40, s13  }
0x396: {  	p0 =	slt.u32 s15, $0x4E;
	[tilespmem:s0+$0xFFFFFFE0] =	vst v4;
	v4 =	vld [tilespmem:s0+$0xFFFFFFB0]  }
0x397: {  	v6 =	vld [tilespmem:s2+$0xFFFFFFF0]  }
0x398: {  	v7 =	vld [tilespmem:s3+$0xFFFFFFF0]  }
0x399: {  	v8 =	vld [tilespmem:s0+$0xFFFFFFF0];
	_ =	sdelay $0x2  }
0x39a: {  	v4 =	vmul.f32 v4, v6;
	v5 =	vmul.f32 v5, v6  }
0x39b: {  	v1 =	vmul.f32 v7, v1;
	v2 =	vmul.f32 v7, v2  }
0x39c: {  	v3 =	vmul.f32 v7, v3;
	v6 =	vmul.f32 v8, v6  }
0x39d: {  	v1 =	vadd.f32 v4, v1;
	v2 =	vadd.f32 v5, v2  }
0x39e: {  	v3 =	vadd.f32 v6, v3  }
0x39f: {  	[tilespmem:s0+$0xFFFFFFD0] =	vst v2  }
0x3a0: {  	[tilespmem:s0+$0xFFFFFFF0] =	vst v3  }
0x3a1: {  	[tilespmem:s0+$0xFFFFFFB0] =	vst v1;
	v1 =	vld [tilespmem:s0+$0x0]  }
0x3a2: {  	v2 =	vld [tilespmem:s14+$0x0];
	s14 =	smov.u32 s4  }
0x3a3: {  	v3 =	vld [tilespmem:s2+$0x0]  }
0x3a4: {  	v4 =	vld [tilespmem:s3+$0x0]  }
0x3a5: {  	v5 =	vld [tilespmem:s0+$0x40]  }
0x3a6: {  	v6 =	vld [tilespmem:s0+$0x20]  }
0x3a7: {  	v7 =	vbroadcast v2, $0x0;
	v8 =	vbroadcast v2, $0x1  }
0x3a8: {  	v2 =	vbroadcast v2, $0x2;
	v1 =	vmul.f32 v1, v3  }
0x3a9: {  	v9 =	vmul.f32 v4, v7;
	v10 =	vmul.f32 v4, v8  }
0x3aa: {  	v4 =	vmul.f32 v4, v2;
	v5 =	vmul.f32 v5, v3  }
0x3ab: {  	v1 =	vadd.f32 v1, v9;
	v3 =	vmul.f32 v6, v3  }
0x3ac: {  	v4 =	vadd.f32 v5, v4  }
0x3ad: {  	[tilespmem:s0+$0x0] =	vst v1;
	v1 =	vadd.f32 v3, v10  }
0x3ae: {  	[tilespmem:s0+$0x40] =	vst v4;
	v3 =	vld [tilespmem:s0+$0x10]  }
0x3af: {  	[tilespmem:s0+$0x20] =	vst v1;
	v1 =	vld [tilespmem:s0+$0x30]  }
0x3b0: {  	v4 =	vld [tilespmem:s2+$0x10];
	s2 =	smov.u32 s16  }
0x3b1: {  	v5 =	vld [tilespmem:s3+$0x10];
	s3 =	smov.u32 s13  }
0x3b2: {  	v6 =	vld [tilespmem:s0+$0x50];
	_ =	sdelay $0x2  }
0x3b3: {  	v3 =	vmul.f32 v3, v4;
	v1 =	vmul.f32 v1, v4  }
0x3b4: {  	v7 =	vmul.f32 v5, v7;
	v8 =	vmul.f32 v5, v8  }
0x3b5: {  	v2 =	vmul.f32 v5, v2;
	v4 =	vmul.f32 v6, v4  }
0x3b6: {  	v3 =	vadd.f32 v3, v7;
	v1 =	vadd.f32 v1, v8  }
0x3b7: {  	v2 =	vadd.f32 v4, v2  }
0x3b8: {  	[tilespmem:s0+$0x10] =	vst v3  }
0x3b9: {  	[tilespmem:s0+$0x50] =	vst v2  }
0x3ba: {  	v3 =	vld [tilespmem:s17+$0xFFFFFFA0];
	[tilespmem:s0+$0x30] =	vst v1;
	s0 =	smov.u32 s17  }
0x3bb: {  	v4 =	vld [tilespmem:s4+$0xFFFFFFF0]  }
0x3bc: {  	v5 =	vld [tilespmem:s16+$0xFFFFFFE0]  }
0x3bd: {  	v6 =	vld [tilespmem:s13+$0xFFFFFFE0]  }
0x3be: {  	v7 =	vld [tilespmem:s17+$0xFFFFFFC0]  }
0x3bf: {  	v8 =	vld [tilespmem:s17+$0xFFFFFFE0]  }
0x3c0: {  	v1 =	vbroadcast v4, $0x0;
	v2 =	vbroadcast v4, $0x1  }
0x3c1: {  	v9 =	vmul.f32 v3, v5  }
.Ltmp9:
0x3c2: {  	v3 =	vbroadcast v4, $0x2;
	v10 =	vmul.f32 v6, v1;
	(pc) =	sbr.rel @p0 .LBB2_20-.Ltmp9, $4  }
0x3c3: {  	v4 =	vmul.f32 v7, v5;
	v7 =	vmul.f32 v6, v2  }
0x3c4: {  	v6 =	vmul.f32 v6, v3;
	v9 =	vadd.f32 v9, v10;
	v8 =	vmul.f32 v8, v5  }
0x3c5: {  	v5 =	vadd.f32 v4, v7  }
0x3c6: {  	s16 =	sadd.s32 $0x40, s16;
	s17 =	sadd.s32 $0xC0, s17;
	[tilespmem:s0+$0xFFFFFFA0] =	vst v9;
	v4 =	vadd.f32 v8, v6  }
0x3c7: {  	[tilespmem:s0+$0xFFFFFFC0] =	vst v5  }
0x3c8: {  	v55 =	vld [tilespmem:s0+$0xFFFFFFD0];
	[tilespmem:s0+$0xFFFFFFE0] =	vst v4  }
0x3c9: {  	v4 =	vld [tilespmem:s2+$0xFFFFFFF0]  }
0x3ca: {  	v6 =	vld [tilespmem:s3+$0xFFFFFFF0]  }
0x3cb: {  	v7 =	vld [tilespmem:s0+$0xFFFFFFF0]  }
0x3cc: {  	v8 =	vld [tilespmem:s0+$0xFFFFFFB0];
	_ =	sdelay $0x2  }
0x3cd: {  	v5 =	vmul.f32 v55, v4;
	v2 =	vmul.f32 v6, v2  }
0x3ce: {  	v7 =	vmul.f32 v7, v4;
	v3 =	vmul.f32 v6, v3  }
0x3cf: {  	v4 =	vmul.f32 v8, v4;
	v1 =	vmul.f32 v6, v1;
	v2 =	vadd.f32 v5, v2  }
0x3d0: {  	v3 =	vadd.f32 v7, v3  }
0x3d1: {  	v1 =	vadd.f32 v4, v1;
	[tilespmem:s0+$0xFFFFFFD0] =	vst v2  }
0x3d2: {  	[tilespmem:s0+$0xFFFFFFF0] =	vst v3  }
0x3d3: {  	[tilespmem:s0+$0xFFFFFFB0] =	vst v1;
	v1 =	vld [tilespmem:s0+$0x0]  }
0x3d4: {  	v2 =	vld [tilespmem:s14+$0x0]  }
0x3d5: {  	v3 =	vld [tilespmem:s2+$0x0]  }
0x3d6: {  	v56 =	vld [tilespmem:s3+$0x0]  }
0x3d7: {  	v57 =	vld [tilespmem:s0+$0x40]  }
0x3d8: {  	v58 =	vld [tilespmem:s0+$0x20]  }
0x3d9: {  	v59 =	vbroadcast v2, $0x0  }
0x3da: {  	v60 =	vbroadcast v2, $0x1;
	v2 =	vbroadcast v2, $0x2  }
0x3db: {  	v1 =	vmul.f32 v1, v3;
	v9 =	vmul.f32 v56, v59  }
0x3dc: {  	v5 =	vmul.f32 v57, v3;
	v10 =	vmul.f32 v56, v2  }
0x3dd: {  	v3 =	vmul.f32 v58, v3;
	v4 =	vmul.f32 v56, v60;
	v1 =	vadd.f32 v1, v9  }
0x3de: {  	v5 =	vadd.f32 v5, v10  }
0x3df: {  	[tilespmem:s0+$0x0] =	vst v1;
	v1 =	vadd.f32 v3, v4  }
0x3e0: {  	[tilespmem:s0+$0x40] =	vst v5  }
0x3e1: {  	v3 =	vld [tilespmem:s0+$0x10];
	[tilespmem:s0+$0x20] =	vst v1  }
0x3e2: {  	v1 =	vld [tilespmem:s2+$0x10]  }
0x3e3: {  	v61 =	vld [tilespmem:s3+$0x10]  }
0x3e4: {  	v62 =	vld [tilespmem:s0+$0x50]  }
0x3e5: {  	v63 =	vld [tilespmem:s0+$0x30];
	_ =	sdelay $0x2  }
0x3e6: {  	v3 =	vmul.f32 v3, v1;
	v7 =	vmul.f32 v61, v59  }
0x3e7: {  	v5 =	vmul.f32 v62, v1;
	v2 =	vmul.f32 v61, v2  }
0x3e8: {  	v1 =	vmul.f32 v63, v1;
	v4 =	vmul.f32 v61, v60;
	v3 =	vadd.f32 v3, v7  }
0x3e9: {  	v2 =	vadd.f32 v5, v2  }
0x3ea: {  	v1 =	vadd.f32 v1, v4;
	[tilespmem:s0+$0x10] =	vst v3  }
0x3eb: {  	[tilespmem:s0+$0x50] =	vst v2  }
0x3ec: {  	s3 =	simm.s32 $0x0;
	[tilespmem:s0+$0x30] =	vst v1  }
0x3ed: {  	[spmem:s5] =	stream.indirect.scatter.add.f32 [tilespmem:s12], [sflag:$0xB], $0x60, s3, s20, $0xb8;
	[tilespmem:$0x187E0] =	vst v63  }
0x3ee: {  	_ =	swait.ge [sflag:s31], $0x1E00  }
0x3ef: {  	[sflag:s31] =	ssyncset.done $0x0  }
0x3f0: {  	[sflag:s31] =	ssyncadd.s32 $0xFFFFE200  }
0x3f1: {  	[bflag:$0x0] =	sbarrier.arrive $0xFFFF  }
0x3f2: {  	s4 =	rddreg [dreg:$0xc]  }
0x3f3: {  	[tilespmem:s3], [sflag:$0x1] =	stream.linear.gather [hbm4b:s4+s3], $0x50, $0x38;
	[tilespmem:$0x187E0] =	vst v63  }
0x3f4: {  	s13 =	rddreg [dreg:$0xd]  }
0x3f5: {  	[tilespmem:s20], [sflag:$0x2] =	stream.linear.gather [hbm4b:s13+s3], $0x50, $0x38;
	[tilespmem:$0x187E0] =	vst v63  }
0x3f6: {  	_ =	swait.ge [sflag:s29], $0x50  }
0x3f7: {  	[sflag:s29] =	ssyncset.done $0x0  }
0x3f8: {  	[sflag:s29] =	ssyncadd.s32 $0xFFFFFFB0  }
0x3f9: {  	[tilespmem:s12], [sflag:$0xB] =	stream.indirect.gather [spmem:s5], $0x60, s3, s20, $0xb8;
	[tilespmem:$0x187E0] =	vst v63  }
0x3fa: {  	_ =	swait.ge [sflag:s31], $0x1E00  }
0x3fb: {  	[sflag:s31] =	ssyncset.done $0x0  }
0x3fc: {  	s14 =	rddreg [dreg:$0x19];
	[sflag:s31] =	ssyncadd.s32 $0xFFFFE200  }
0x3fd: {  	[hbm4b:s14+s1] =	stream.strided.scatter [tilespmem:s12], [sflag:$0x3], $0x1E00, s6, s1, $0x38;
	[tilespmem:$0x187E0] =	vst v63  }
0x3fe: {  	s15 =	rddreg [dreg:$0xe]  }
0x3ff: {  	[tilespmem:s3], [sflag:$0x1] =	stream.linear.gather [hbm4b:s15+s3], $0x50, $0x38;
	[tilespmem:$0x187E0] =	vst v63  }
0x400: {  	_ =	swait.ge [sflag:s26], $0x50  }
0x401: {  	[sflag:s26] =	ssyncset.done $0x0  }
0x402: {  	[sflag:s26] =	ssyncadd.s32 $0xFFFFFFB0  }
0x403: {  	[tilespmem:s19], [sflag:$0xB] =	stream.indirect.gather [spmem:s5], $0x60, s20, s20, $0xb8;
	[tilespmem:$0x187E0] =	vst v63  }
0x404: {  	_ =	swait.ge [sflag:s31], $0x1E00  }
0x405: {  	[sflag:s31] =	ssyncset.done $0x0;
	s16 =	rddreg [dreg:$0x1a]  }
0x406: {  	s17 =	sld [smem:$0x7F9];
	[sflag:s31] =	ssyncadd.s32 $0xFFFFE200  }
0x407: {  	[hbm4b:s16+s1] =	stream.strided.scatter [tilespmem:s19], [sflag:$0x4], $0x1E00, s6, s1, $0x38;
	[tilespmem:$0x187E0] =	vst v63  }
0x408: {  	_ = 	snop  }
0x409: {  	[tilespmem:s20], [sflag:$0x2] =	stream.linear.gather [hbm4b:s17+s7], $0x50, $0x38;
	[tilespmem:$0x187E0] =	vst v63  }
0x40a: {  	_ =	swait.ge [sflag:s29], $0x50  }
0x40b: {  	[sflag:s29] =	ssyncset.done $0x0  }
0x40c: {  	[sflag:s29] =	ssyncadd.s32 $0xFFFFFFB0  }
0x40d: {  	_ =	swait.ge [sflag:s11], $0x1E00  }
0x40e: {  	[sflag:s11] =	ssyncset.done $0x0  }
0x40f: {  	[sflag:s11] =	ssyncadd.s32 $0xFFFFE200  }
0x410: {  	[tilespmem:s12], [sflag:$0xB] =	stream.indirect.gather [spmem:s5], $0x60, s7, s20, $0xb8;
	[tilespmem:$0x187E0] =	vst v63  }
0x411: {  	_ =	swait.ge [sflag:s31], $0x1E00  }
0x412: {  	[sflag:s31] =	ssyncset.done $0x0  }
0x413: {  	s18 =	sadd.s32 $0x0, s22;
	[sflag:s31] =	ssyncadd.s32 $0xFFFFE200  }
0x414: {  	[hbm4b:s18+s1] =	stream.strided.scatter [tilespmem:s12], [sflag:$0x3], $0x1E00, s6, s1, $0x38;
	[tilespmem:$0x187E0] =	vst v63  }
0x415: {  	s25 =	rddreg [dreg:$0x1d]  }
0x416: {  	[tilespmem:s7], [sflag:$0x1] =	stream.linear.gather [hbm4b:s25+s7], $0x50, $0x38;
	[tilespmem:$0x187E0] =	vst v63  }
0x417: {  	_ =	swait.ge [sflag:s26], $0x50  }
0x418: {  	[sflag:s26] =	ssyncset.done $0x0  }
0x419: {  	[sflag:s26] =	ssyncadd.s32 $0xFFFFFFB0  }
0x41a: {  	_ =	swait.ge [sflag:s28], $0x1E00  }
0x41b: {  	[sflag:s28] =	ssyncset.done $0x0  }
0x41c: {  	[sflag:s28] =	ssyncadd.s32 $0xFFFFE200  }
0x41d: {  	[tilespmem:s19], [sflag:$0xB] =	stream.indirect.gather [spmem:s5], $0x60, s20, s20, $0xb8;
	[tilespmem:$0x187E0] =	vst v63  }
0x41e: {  	_ =	swait.ge [sflag:s31], $0x1E00  }
0x41f: {  	s0 =	simm.s32 $0x1E00;
	[sflag:s31] =	ssyncset.done $0x0  }
0x420: {  	s3 =	sadd.s32 $0x0, s24;
	s2 =	sadd.s32 $0x14, s25;
	[sflag:s31] =	ssyncadd.s32 $0xFFFFE200  }
.LBB2_22:
0x421: {  	[hbm4b:s3+s1] =	stream.strided.scatter [tilespmem:s19], [sflag:$0x4], $0x1E00, s6, s1, $0x38;
	[tilespmem:$0x187E0] =	vst v63  }
0x422: {  	s3 =	smov.u32 s0  }
0x423: {  	s4 =	sadd.s32 $0xFFFFFFF6, s2;
	p0 =	sne.s32 s0, $0x70800;
	s0 =	sadd.s32 $0x1E00, s0  }
0x424: {  	[tilespmem:s20], [sflag:$0x2] =	stream.linear.gather [hbm4b:s4+s7], $0x50, $0x38;
	[tilespmem:$0x187E0] =	vst v63  }
0x425: {  	_ =	swait.ge [sflag:s29], $0x50  }
0x426: {  	[sflag:s29] =	ssyncset.done $0x0  }
0x427: {  	[sflag:s29] =	ssyncadd.s32 $0xFFFFFFB0  }
0x428: {  	_ =	swait.ge [sflag:s11], $0x1E00  }
0x429: {  	[sflag:s11] =	ssyncset.done $0x0  }
0x42a: {  	[sflag:s11] =	ssyncadd.s32 $0xFFFFE200  }
0x42b: {  	[tilespmem:s12], [sflag:$0xB] =	stream.indirect.gather [spmem:s5], $0x60, s7, s20, $0xb8;
	[tilespmem:$0x187E0] =	vst v63  }
0x42c: {  	_ =	swait.ge [sflag:s31], $0x1E00  }
0x42d: {  	[sflag:s31] =	ssyncset.done $0x0  }
0x42e: {  	s4 =	sadd.s32 s3, s22;
	[sflag:s31] =	ssyncadd.s32 $0xFFFFE200  }
0x42f: {  	[hbm4b:s4+s1] =	stream.strided.scatter [tilespmem:s12], [sflag:$0x3], $0x1E00, s6, s1, $0x38;
	[tilespmem:$0x187E0] =	vst v63  }
0x430: {  	_ = 	snop  }
0x431: {  	[tilespmem:s7], [sflag:$0x1] =	stream.linear.gather [hbm4b:s2+s7], $0x50, $0x38;
	[tilespmem:$0x187E0] =	vst v63  }
0x432: {  	_ =	swait.ge [sflag:s26], $0x50  }
0x433: {  	[sflag:s26] =	ssyncset.done $0x0  }
0x434: {  	[sflag:s26] =	ssyncadd.s32 $0xFFFFFFB0  }
0x435: {  	_ =	swait.ge [sflag:s28], $0x1E00  }
0x436: {  	[sflag:s28] =	ssyncset.done $0x0  }
.Ltmp10:
0x437: {  	[sflag:s28] =	ssyncadd.s32 $0xFFFFE200;
	(pc) =	sbr.rel @p0 .LBB2_22-.Ltmp10, $4  }
0x438: {  	[tilespmem:s19], [sflag:$0xB] =	stream.indirect.gather [spmem:s5], $0x60, s20, s20, $0xb8;
	[tilespmem:$0x187E0] =	vst v63  }
0x439: {  	_ =	swait.ge [sflag:s31], $0x1E00  }
0x43a: {  	[sflag:s31] =	ssyncset.done $0x0  }
0x43b: {  	s3 =	sadd.s32 s3, s24;
	s2 =	sadd.s32 $0x14, s2;
	[sflag:s31] =	ssyncadd.s32 $0xFFFFE200  }
0x43c: {  	[hbm4b:s3+s1] =	stream.strided.scatter [tilespmem:s19], [sflag:$0x4], $0x1E00, s6, s1, $0x38;
	[tilespmem:$0x187E0] =	vst v63  }
0x43d: {  	_ =	swait.ge [sflag:s29], $0x50  }
0x43e: {  	[sflag:s29] =	ssyncset.done $0x0  }
0x43f: {  	[sflag:s29] =	ssyncadd.s32 $0xFFFFFFB0  }
0x440: {  	_ =	swait.ge [sflag:s11], $0x1E00  }
0x441: {  	[sflag:s11] =	ssyncset.done $0x0  }
0x442: {  	[sflag:s11] =	ssyncadd.s32 $0xFFFFE200  }
0x443: {  	[tilespmem:s12], [sflag:$0xB] =	stream.indirect.gather [spmem:s5], $0x60, s7, s20, $0xb8;
	[tilespmem:$0x187E0] =	vst v63  }
0x444: {  	_ =	swait.ge [sflag:s31], $0x1E00  }
0x445: {  	[sflag:s31] =	ssyncset.done $0x0  }
0x446: {  	s0 =	rddreg [dreg:$0x1b];
	[sflag:s31] =	ssyncadd.s32 $0xFFFFE200  }
0x447: {  	[hbm4b:s0+s1] =	stream.strided.scatter [tilespmem:s12], [sflag:$0x3], $0x1E00, s6, s1, $0x38;
	[tilespmem:$0x187E0] =	vst v63  }
0x448: {  	_ =	swait.ge [sflag:s28], $0x1E00  }
0x449: {  	[sflag:s28] =	ssyncset.done $0x0  }
0x44a: {  	[sflag:s28] =	ssyncadd.s32 $0xFFFFE200  }
0x44b: {  	_ =	swait.ge [sflag:s11], $0x1E00  }
0x44c: {  	s2 =	sld [smem:$0x7FA];
	_ =	sdelay $0x2  }
0x44d: {  	s25 =	rddreg [dreg:$0x1c];
	s2 =	sadd.s32 $0x1, s2  }
0x44e: {  	p0 =	sne.s32 s2, s25  }
.Ltmp11:
0x44f: {  	_ = 	snop;
	(pc) =	sbr.rel @p0 .LBB2_1-.Ltmp11, $3  }
0x450: {  	[sflag:s11] =	ssyncset.done $0x0  }
0x451: {  	[sflag:s11] =	ssyncadd.s32 $0xFFFFE200  }
0x452: {  	[bflag:$0x0] =	sbarrier.arrive $0xFFFF;
	_ =	sdelay $0x1  }
0x453: {  	_ =	sfence.sel $0x180000  }
0x454: {  	[bflag:$0x0] =	sbarrier.arrive $0xFFFF  }
0x455: {  	_ =	strace $0x90000047  }
0x456: {  	s0 =	stileid.u32;
	[bflag:$0x2] =	sbarrier.arrive $0xFFFF  }
0x457: {  	p0 =	sne.s32 s0, $0x0;
	s0 =	rddreg [dreg:$0x7]  }
0x458: {  	s0 =	sadd.s32 @!p0 $0x100000, s0  }
0x459: {  	[sflag:s0] =	ssyncadd.tile.s32 @!p0 $0x1;
	_ =	shalt  }
.Lfunc_end2:
_tile_overlayer_lowered:
.L_overlay_start_2:
0x45a: {  	(tag) =	ssettag $0x2  }
0x45b: {  	s0 =	rddreg [dreg:$0x0];
	s2 =	stileid.u32  }
0x45c: {  	s1 =	rddreg [dreg:$0x1];
	p0 =	sne.s32 s2, $0x0  }
0x45d: {  	s3 =	rddreg [dreg:$0x2];
	[bflag:$0x3] =	sbarrier.arrive $0xFFFF;
	s2 =	simm.s32 @!p0 $0x1C0B  }
0x45e: {  	[timem:s3], [sflag:s2] =	dma.local @!p0 [hbm:s0], s1  }
0x45f: {  	s0 =	simm.s32 @!p0 $0xB  }
0x460: {  	_ =	swait.ge @!p0 [sflag:s0], s1  }
0x461: {  	s1 =	ssub.s32 @!p0 $0x0, s1;
	[sflag:s0] =	ssyncset.done @!p0 $0x0  }
0x462: {  	[sflag:s0] =	ssyncadd.s32 @!p0 s1  }
0x463: {  	[bflag:$0x3] =	sbarrier.arrive $0xFFFF  }
0x464: {  	_ =	shalt  }

// kernel: sparse-core-data-format-call.cloned.1.call-start
scs
called_computation_lowered:
.L_overlay_start_0:
0x0: {  	s2 =	sld [smem:$0x3FD9]  }
0x1: {  	s3 =	sld [smem:$0x3FFE];
	_ =	sdelay $0x1  }
0x2: {  	s1 =	srdreg.scid  }
0x3: {  	s0 =	sand.u32 $0x1, s1  }
0x4: {  	s18 =	sshll.u32 s0, $0xA;
	s2 =	sadd.s32 s3, s2  }
0x5: {  	s2 =	sadd.s32 s2, s18  }
0x6: {  	[smem:$0x3FC2] =	sst s2  }
0x7: {  	_ = 	snop  }
0x8: {  	s2 =	sld [smem:$0x3FD0];
	(tm) =	ssettm $0x1  }
0x9: {  	s19 =	sld [smem:$0x3FFB];
	_ =	sdelay $0x3  }
0xa: {  	_ =	strace s19  }
0xb: {  	s3 =	sld [smem:$0x3FFC];
	_ =	sdelay $0x3  }
0xc: {  	_ =	strace s3  }
0xd: {  	s3 =	sld [smem:$0x3FFD];
	_ =	sdelay $0x3  }
0xe: {  	_ =	strace s3  }
0xf: {  	_ =	strace $0x8FFFFFFF  }
0x10: {  	s20 =	sld [smem:$0x3FDB];
	_ =	sdelay $0x1  }
0x11: {  	s4 =	simm.s32 $_scs_section_size  }
0x12: {  	s5 =	simm.s32 $_size__tile_overlayer_lowered;
	s6 =	simm.s32 $_tile_overlayer_lowered  }
0x13: {  	s23 =	simm.s32 $0x1BFF;
	s22 =	sshll.u32 s6, $0x1;
	s3 =	sadd.s32 s4, s20  }
0x14: {  	s7 =	simm.s32 $0x0;
	s21 =	sshll.u32 s5, $0x1;
	s5 =	sadd.s32 s22, s3  }
0x15: {  	[timem:s7], [sflag:s23] =	dma.local [hbm:s5], s21  }
0x16: {  	_ =	swait.ge [sflag:s23], s21  }
0x17: {  	s4 =	ssub.s32 $0x0, s21;
	[sflag:s23] =	ssyncset.done $0x0  }
0x18: {  	[sflag:s23] =	ssyncadd.s32 s4;
	_ =	sdelay $0x1  }
0x19: {  	s24 =	simm.s32 $0x1B8B  }
0x1a: {  	_ =	swait.ge [sflag:s24], $0x1  }
0x1b: {  	[sflag:s24] =	ssyncset.done $0x0  }
0x1c: {  	s26 =	simm.s32 $0x1B8E;
	s25 =	sld [smem:$0x3FFE];
	[sflag:s24] =	ssyncadd.s32 $0xFFFFFFFF  }
0x1d: {  	s27 =	simm.s32 $execute0_lowered;
	[smem:$0x3FD2] =	sst s26  }
0x1e: {  	s5 =	sshll.u32 s27, $0x1;
	_ =	strace $0x80000049;
	[dreg:$0x1] =	wrdreg $0xFFFFFFFF  }
0x1f: {  	s28 =	simm.s32 $_size_execute0_lowered;
	s3 =	sadd.s32 s3, s5;
	[dreg:$0x0] =	wrdreg $0x0  }
0x20: {  	s5 =	sshll.u32 s28, $0x1;
	[dreg:$0x2] =	wrdreg s3  }
0x21: {  	[dreg:$0x3] =	wrdreg s5  }
0x22: {  	[dreg:$0x4] =	wrdreg $0xC0  }
0x23: {  	_ =	task [dreg:s7], $0x5FFFF  }
0x24: {  	[dreg:$0x1] =	wrdreg $0xFFFFFFFF  }
0x25: {  	[dreg:$0x0] =	wrdreg $0x60  }
0x26: {  	[dreg:$0x2] =	wrdreg s25  }
0x27: {  	[dreg:$0x3] =	wrdreg s2  }
0x28: {  	[dreg:$0x4] =	wrdreg $0x9  }
0x29: {  	_ =	task.clear_ibuf [dreg:s7], $0x5FFFF;
	_ =	strace $0x90000049  }
0x2a: {  	s29 =	simm.s32 $0x9;
	_ =	strace $0x8000004B  }
0x2b: {  	_ =	swait.ge [sflag:s29], $0x1  }
0x2c: {  	[sflag:s29] =	ssyncadd.s32 $0xFFFFFFFF  }
0x2d: {  	_ =	strace $0x9000004B  }
0x2e: {  	_ =	sfence  }
0x2f: {  	s30 =	sld [smem:$0x0];
	_ =	sdelay $0x2  }
0x30: {  	s31 =	sshll.u32 s1, $0xD;
	s1 =	sshrl.u32 s1, $0x2  }
0x31: {  	s3 =	sand.u32 $0x4000, s31;
	s1 =	sadd.s32 s1, s30  }
0x32: {  	s0 =	sor.u32 s3, s0;
	s1 =	sshll.u32 s1, $0x11  }
0x33: {  	s0 =	sor.u32 s1, s0  }
0x34: {  	s0 =	sadd.s32 $0x8F2B, s0  }
0x35: {  	[sflag:s0] =	ssyncadd.remote.s32 $0x1  }
0x36: {  	_ =	sfence.sel $0xFFFF  }
0x37: {  	[dreg:$0x0] =	wrdreg $0xFFFFFFFF;
	(pc) =	sbr.abs _section_cstart, $3  }
0x38: {  	[dreg:$0x1] =	wrdreg $0xFFFFFFFF  }
0x39: {  	_ =	task.clear_ibuf [dreg:s7], $0x2FFFF;
	_ =	strace $0x9FFFFFFF  }
0x3a: {  	(tm) =	ssettm $0x7FFFFFFF  }
0x3b: {  	_ =	shalt  }
tec
execute0_lowered:
.L_overlay_start_1:
0x0: {  	(tag) =	ssettag $0x1  }
0x1: {  	s0 =	srdreg.scid  }
0x2: {  	s1 =	sshll.u32 s0, $0x4  }
0x3: {  	s0 =	stileid.u32;
	s1 =	sand.u32 $0x10, s1  }
0x4: {  	s1 =	sor.u32 s0, s1  }
0x5: {  	s6 =	rddreg [dreg:$0x0];
	s4 =	simm.s32 $0x1;
	s2 =	sshll.u32 s1, $0x7  }
0x6: {  	s7 =	simm.s32 $0x2;
	s8 =	simm.s32 $0x0;
	s1 =	ssub.s32 $0x27100, s2  }
0x7: {  	s9 =	simm.s32 $0x0;
	s13 =	simm.s32 $0x0;
	s3 =	sand.u32 $0xF80, s1  }
0x8: {  	s14 =	simm.s32 $0x0;
	s5 =	sshrl.u32 s1, $0xC;
	p0 =	sne.s32 s3, $0x0  }
.Ltmp0:
0x9: {  	s1 =	rddreg [dreg:$0x2];
	s4 =	simm.s32 @!p0 $0x0;
	(pc) =	sbr.rel .LBB1_1-.Ltmp0, $4  }
0xa: {  	s10 =	simm.s32 $0x0;
	s3 =	rddreg [dreg:$0x1];
	s5 =	sadd.s32 s4, s5  }
0xb: {  	_ =	strace $0x8000004A;
	s4 =	simm.s32 $0x1;
	s5 =	smul.u32 $0x3, s5  }
0xc: {  	s12 =	simm.s32 $0x0;
	s6 =	sadd.s32 $0xA12C00, s6;
	[sflag:s4] =	ssyncpa.u1 $0x0  }
0xd: {  	s11 =	smov.u32 s2;
	[sflag:s7] =	ssyncpa.u1 $0x0;
	s7 =	sadd.s32 $0x1, s5  }
.LBB1_4:
0xe: {  	_ =	sdelay $0x3  }
0xf: {  	[tilespmem:v0+s17+$0xFFFFFFD0 ss:$0x1] =	vst.idx.msk $0xffff, v6  }
0x10: {  	v56 =	vld.idx.msk [tilespmem:v1+s16+$0x0 ss:$0x1], $0xffff;
	[tilespmem:v0+s17+$0xFFFFFFE0 ss:$0x1] =	vst.idx.msk $0xffff, v4  }
0x11: {  	v57 =	vld.idx.msk [tilespmem:v1+s16+$0xFFFFFF90 ss:$0x1], $0xffff;
	[tilespmem:v0+s17+$0xFFFFFFF0 ss:$0x1] =	vst.idx.msk $0xffff, v2  }
0x12: {  	v58 =	vld.idx.msk [tilespmem:v1+s16+$0xFFFFFFA0 ss:$0x1], $0xffff;
	[tilespmem:v0+s17+$0x0 ss:$0x1] =	vst.idx.msk $0xffff, v3  }
0x13: {  	v59 =	vld.idx.msk [tilespmem:v1+s16+$0xFFFFFFB0 ss:$0x1], $0xffff;
	[tilespmem:v0+s17+$0x10 ss:$0x1] =	vst.idx.msk $0xffff, v5  }
0x14: {  	v60 =	vld.idx.msk [tilespmem:v1+s16+$0xFFFFFFC0 ss:$0x1], $0xffff;
	[tilespmem:v0+s17+$0x20 ss:$0x1] =	vst.idx.msk $0xffff, v7;
	s14 =	sand.u32 $0x1FFFFFF, s14  }
0x15: {  	v61 =	vld.idx.msk [tilespmem:v1+s16+$0xFFFFFFD0 ss:$0x1], $0xffff;
	s31 =	smulhi.u32 $0x1A36E2F, s14;
	[tilespmem:v0+s16+$0x30 ss:$0x1] =	vst.idx.msk $0xffff, v56  }
0x16: {  	v62 =	vld.idx.msk [tilespmem:v1+s16+$0xFFFFFFE0 ss:$0x1], $0xffff;
	[tilespmem:v0+s16+$0xFFFFFFC0 ss:$0x1] =	vst.idx.msk $0xffff, v57  }
0x17: {  	v63 =	vld.idx.msk [tilespmem:v1+s16+$0xFFFFFFF0 ss:$0x1], $0xffff;
	s17 =	sshrl.u32 s31, $0xA;
	[tilespmem:v0+s16+$0xFFFFFFD0 ss:$0x1] =	vst.idx.msk $0xffff, v58  }
0x18: {  	s17 =	smul.u32 $0x27100, s17;
	[tilespmem:v0+s16+$0xFFFFFFE0 ss:$0x1] =	vst.idx.msk $0xffff, v59  }
0x19: {  	s13 =	smul.u32 $0x271000, s13;
	[tilespmem:v0+s16+$0xFFFFFFF0 ss:$0x1] =	vst.idx.msk $0xffff, v60  }
0x1a: {  	[tilespmem:v0+s16+$0x0 ss:$0x1] =	vst.idx.msk $0xffff, v61;
	s14 =	ssub.s32 s14, s17  }
0x1b: {  	s13 =	sadd.s32 s3, s13;
	[tilespmem:v0+s16+$0x10 ss:$0x1] =	vst.idx.msk $0xffff, v62;
	s14 =	sshll.u32 s14, $0x4  }
0x1c: {  	[tilespmem:v0+s16+$0x20 ss:$0x1] =	vst.idx.msk $0xffff, v63;
	s13 =	sadd.s32 s14, s13  }
0x1d: {  	[hbm4b:s13+s8] =	stream.linear.scatter [tilespmem:s15], [sflag:$0x2], $0x4000, $0x38;
	[tilespmem:$0x10000] =	vst v63  }
.LBB1_5:
0x1e: {  	s15 =	sadd.s32 $0x1, s10  }
0x1f: {  	s13 =	sadd.s32 $0x1000, s11;
	s17 =	smov.u32 s11;
	p1 =	sgt.s32 s15, $0x2  }
0x20: {  	s17 =	smov.u32 @p1 s13  }
0x21: {  	s15 =	simm.s32 @p1 $0x0;
	p1 =	sgt.s32 s17, $0x270FF  }
0x22: {  	s17 =	smov.u32 @p1 s2;
	p1 =	sne.s32 s12, s7  }
.Ltmp1:
0x23: {  	p0 =	slt.u32 s12, $0x2;
	(pc) =	sbr.rel @!p1 .LBB1_6-.Ltmp1, $4  }
0x24: {  	s16 =	simm.s32 @!p0 $0x2  }
0x25: {  	s14 =	smov.u32 s11;
	s9 =	sadd.s32 $0x4000, s9;
	_ =	swait.ge @!p0 [sflag:s16], $0x4000  }
0x26: {  	s13 =	smov.u32 s10;
	[sflag:s16] =	ssyncset.done @!p0 $0x0;
	s10 =	smov.u32 s15  }
0x27: {  	s12 =	sadd.s32 $0x1, s12;
	[sflag:s16] =	ssyncadd.s32 @!p0 $0xFFFFC000;
	s11 =	smov.u32 s17  }
.LBB1_1:
0x28: {  	p0 =	sge.u32 s12, s5  }
0x29: {  	s31 =	sadd.s32 $0xFFFFFFFF, s12;
	s15 =	sxor.u32 @!p0 $0xFFFFFFFF, s12  }
0x2a: {  	s16 =	sshll.u32 @!p0 s11, $0x6;
	s17 =	sshll.u32 @!p0 s10, $0x4;
	s18 =	simm.s32 @!p0 $0x200  }
0x2b: {  	s15 =	sshll.u32 @!p0 s15, $0xE;
	s17 =	sand.u32 @!p0 $0x30, s17;
	s16 =	sadd.s32 @!p0 s6, s16  }
0x2c: {  	s15 =	sand.u32 @!p0 $0x4000, s15;
	s16 =	sadd.s32 @!p0 s17, s16;
	s17 =	simm.s32 @!p0 $0x80  }
0x2d: {  	[tilespmem:s15], [sflag:$0x1] =	stream.strided.gather @!p0 [hbm4b:s16+s17], $0x4000, s18, s17, $0x38;
	[tilespmem:$0x10000] =	vst v63  }
0x2e: {  	p0 =	sge.u32 s31, s5  }
.Ltmp2:
0x2f: {  	_ = 	snop;
	(pc) =	sbr.rel @p0 .LBB1_5-.Ltmp2, $1  }
0x30: {  	_ =	sdelay $0x3  }
0x31: {  	s15 =	sand.u32 $0x4000, s9  }
0x32: {  	s16 =	sor.u32 $0x70, s15  }
0x33: {  	v1 =	vmov s16;
	_ =	sdelay $0x1  }
0x34: {  	_ =	swait.ge [sflag:s4], $0x4000  }
0x35: {  	[sflag:s4] =	ssyncset.done $0x0  }
0x36: {  	s17 =	simm.s32 $0x0;
	[sflag:s4] =	ssyncadd.s32 $0xFFFFC000  }
0x37: {  	s15 =	sor.u32 $0x8040, s15;
	v7 =	vld.idx.msk [tilespmem:v1+s17+$0x0 ss:$0x1], $0xffff  }
0x38: {  	v0 =	vmov s15;
	v8 =	vld.idx.msk [tilespmem:v1+s17+$0xFFFFFF90 ss:$0x1], $0xffff  }
0x39: {  	v6 =	vld.idx.msk [tilespmem:v1+s17+$0xFFFFFFA0 ss:$0x1], $0xffff  }
0x3a: {  	v4 =	vld.idx.msk [tilespmem:v1+s17+$0xFFFFFFB0 ss:$0x1], $0xffff  }
0x3b: {  	v2 =	vld.idx.msk [tilespmem:v1+s17+$0xFFFFFFC0 ss:$0x1], $0xffff  }
0x3c: {  	s31 =	sshll.u32 s12, $0xE;
	v3 =	vld.idx.msk [tilespmem:v1+s17+$0xFFFFFFD0 ss:$0x1], $0xffff  }
0x3d: {  	s15 =	sand.u32 $0x4000, s31;
	v5 =	vld.idx.msk [tilespmem:v1+s17+$0xFFFFFFE0 ss:$0x1], $0xffff;
	[tilespmem:v0+s17+$0x30 ss:$0x1] =	vst.idx.msk $0xffff, v7  }
0x3e: {  	s18 =	simm.s32 $0x400;
	s16 =	simm.s32 $0x80;
	s15 =	sor.u32 $0x8000, s15;
	[tilespmem:v0+s17+$0xFFFFFFC0 ss:$0x1] =	vst.idx.msk $0xffff, v8;
	v7 =	vld.idx.msk [tilespmem:v1+s17+$0xFFFFFFF0 ss:$0x1], $0xffff  }
.LBB1_3:
0x3f: {  	p0 =	sne.s32 s18, $0xFE00;
	v8 =	vld.idx.msk [tilespmem:v1+s16+$0x0 ss:$0x1], $0xffff;
	[tilespmem:v0+s17+$0xFFFFFFD0 ss:$0x1] =	vst.idx.msk $0xffff, v6  }
0x40: {  	v9 =	vld.idx.msk [tilespmem:v1+s16+$0xFFFFFF90 ss:$0x1], $0xffff;
	[tilespmem:v0+s17+$0xFFFFFFE0 ss:$0x1] =	vst.idx.msk $0xffff, v4  }
0x41: {  	v6 =	vld.idx.msk [tilespmem:v1+s16+$0xFFFFFFA0 ss:$0x1], $0xffff;
	[tilespmem:v0+s17+$0xFFFFFFF0 ss:$0x1] =	vst.idx.msk $0xffff, v2  }
.Ltmp3:
0x42: {  	v4 =	vld.idx.msk [tilespmem:v1+s16+$0xFFFFFFB0 ss:$0x1], $0xffff;
	[tilespmem:v0+s17+$0x0 ss:$0x1] =	vst.idx.msk $0xffff, v3;
	(pc) =	sbr.rel @p0 .LBB1_3-.Ltmp3, $4  }
0x43: {  	v2 =	vld.idx.msk [tilespmem:v1+s16+$0xFFFFFFC0 ss:$0x1], $0xffff;
	[tilespmem:v0+s17+$0x10 ss:$0x1] =	vst.idx.msk $0xffff, v5  }
0x44: {  	v3 =	vld.idx.msk [tilespmem:v1+s16+$0xFFFFFFD0 ss:$0x1], $0xffff;
	[tilespmem:v0+s17+$0x20 ss:$0x1] =	vst.idx.msk $0xffff, v7;
	s17 =	smov.u32 s16  }
0x45: {  	v5 =	vld.idx.msk [tilespmem:v1+s17+$0xFFFFFFE0 ss:$0x1], $0xffff;
	[tilespmem:v0+s17+$0x30 ss:$0x1] =	vst.idx.msk $0xffff, v8  }
0x46: {  	s16 =	sshra.s32 s18, $0x2;
	s18 =	sadd.s32 $0x200, s18;
	[tilespmem:v0+s17+$0xFFFFFFC0 ss:$0x1] =	vst.idx.msk $0xffff, v9;
	v7 =	vld.idx.msk [tilespmem:v1+s17+$0xFFFFFFF0 ss:$0x1], $0xffff  }
.Ltmp4:
0x47: {  	_ = 	snop;
	(pc) =	sbr.rel .LBB1_4-.Ltmp4, $1  }
0x48: {  	_ =	sdelay $0x3  }
.LBB1_6:
0x49: {  	_ =	sfence.sel $0x180000  }
0x4a: {  	s2 =	simm.s32 $0x1;
	[bflag:$0x0] =	sbarrier.arrive $0xFFFF  }
0x4b: {  	s31 =	simm.s32 $0x2;
	[sflag:s2] =	ssyncpa.u1 $0x1  }
0x4c: {  	[sflag:s31] =	ssyncpa.u1 $0x1  }
0x4d: {  	p0 =	sne.s32 s0, $0x0;
	_ =	strace $0x9000004A  }
0x4e: {  	s0 =	sadd.s32 @!p0 $0x100000, s1;
	[bflag:$0x2] =	sbarrier.arrive $0xFFFF  }
0x4f: {  	[sflag:s0] =	ssyncadd.tile.s32 @!p0 $0x1;
	_ =	shalt  }
.Lfunc_end1:
_tile_overlayer_lowered:
.L_overlay_start_2:
0x50: {  	(tag) =	ssettag $0x2  }
0x51: {  	s0 =	rddreg [dreg:$0x0];
	s2 =	stileid.u32  }
0x52: {  	s1 =	rddreg [dreg:$0x1];
	p0 =	sne.s32 s2, $0x0  }
0x53: {  	s3 =	rddreg [dreg:$0x2];
	[bflag:$0x3] =	sbarrier.arrive $0xFFFF;
	s2 =	simm.s32 @!p0 $0x1C01  }
0x54: {  	[timem:s3], [sflag:s2] =	dma.local @!p0 [hbm:s0], s1  }
0x55: {  	s0 =	simm.s32 @!p0 $0x1  }
0x56: {  	_ =	swait.ge @!p0 [sflag:s0], s1  }
0x57: {  	s1 =	ssub.s32 @!p0 $0x0, s1;
	[sflag:s0] =	ssyncset.done @!p0 $0x0  }
0x58: {  	[sflag:s0] =	ssyncadd.s32 @!p0 s1  }
0x59: {  	[bflag:$0x3] =	sbarrier.arrive $0xFFFF  }
0x5a: {  	_ =	shalt  }

</sc_bundles>
